<compile_context>
chip_gen: v7x
topology: tpu7x:2x2x1
jax: 0.10.2.dev20260603
libtpu: 0.0.44.dev20260713+nightly
codegen_flags: <defaults>
</compile_context>

<pallas_src>
import jax
import jax.numpy as jnp
from jax import lax
from jax.experimental import pallas as pl
from jax.experimental.pallas import tpu as pltpu, tpu_sc as plsc

EMB = 64
NC, NS = 2, 16
NW = NC * NS
BW = 128
NG = 8
NT = 4


def _build(n_batch, seq):
    n_bt = n_batch // BW
    bt_per_w = n_bt // NW
    n_blocks = seq * bt_per_w
    n_groups = n_blocks // NG
    mesh = plsc.VectorSubcoreMesh(core_axis_name="c", subcore_axis_name="s")

    def body(x_hbm, table_hbm, out_hbm, xv, *bufs):
        gbuf = bufs[:NG]
        tbuf = bufs[NG:NG + NT]
        sem_g = bufs[NG + NT:2 * NG + NT]
        sem_o = bufs[2 * NG + NT:]
        wid = lax.axis_index("s") * NC + lax.axis_index("c")
        bt0 = wid * bt_per_w

        pltpu.sync_copy(x_hbm.at[:, pl.ds(bt0, bt_per_w)], xv)

        def lj(g, q):
            return ((NG // bt_per_w) * g + q // bt_per_w, q % bt_per_w)

        def gather_copy(l, j, q):
            return pltpu.make_async_copy(
                table_hbm.at[xv.at[l, j]], gbuf[q], sem_g[q]
            )

        def store_copy(l, j, q):
            return pltpu.make_async_copy(
                tbuf[q % NT], out_hbm.at[l, :, bt0 + j], sem_o[q % NT]
            )

        rows = [lax.iota(jnp.int32, 16) + k * 16 for k in range(BW // 16)]

        def transpose(q):
            @plsc.parallel_loop(0, EMB, unroll=4)
            def _(e):
                cols = jnp.full((16,), e, jnp.int32)
                et = e // 8
                ei = e % 8
                for k in range(BW // 16):
                    vec = plsc.load_gather(gbuf[q], [rows[k], cols])
                    tbuf[q % NT][et, ei, pl.ds(k * 16, 16)] = vec

        for q in range(NG):
            l, j = lj(0, q)
            gather_copy(l, j, q).start()

        def group(g, carry):
            for q in range(NG):
                l, j = lj(g, q)
                gather_copy(l, j, q).wait()

                if q >= NT:
                    store_copy(*lj(g, q - NT), q - NT).wait()
                else:

                    @pl.when(g > 0)
                    def _():
                        store_copy(*lj(g - 1, q + NT), q + NT).wait()

                transpose(q)

                @pl.when(g < n_groups - 1)
                def _():
                    ln, jn = lj(g + 1, q)
                    gather_copy(ln, jn, q).start()

                store_copy(l, j, q).start()
            return carry

        lax.fori_loop(0, n_groups, group, 0)

        for q in range(NG - NT, NG):
            store_copy(*lj(n_groups - 1, q), q).wait()

    return pl.kernel(
        body,
        out_type=jax.ShapeDtypeStruct(
            (seq, EMB // 8, n_bt, 8, BW), jnp.float32
        ),
        mesh=mesh,
        scratch_types=[pltpu.VMEM((seq, bt_per_w, BW), jnp.int32)]
        + [pltpu.VMEM((BW, EMB), jnp.float32)] * NG
        + [pltpu.VMEM((EMB // 8, 8, BW), jnp.float32)] * NT
        + [pltpu.SemaphoreType.DMA] * NG
        + [pltpu.SemaphoreType.DMA] * NT,
        compiler_params=pltpu.CompilerParams(
            use_tc_tiling_on_sc=False, needs_layout_passes=False
        ),
    )


def kernel(x, table):
    B, L = x.shape
    x3 = jnp.transpose(x).reshape(L, B // BW, BW).astype(jnp.int32)
    out5 = _build(B, L)(x3, table)
    return out5.transpose(2, 4, 0, 1, 3).reshape(B, L, EMB)

# --- scband reference (transcript-rebuilt; emitter-appended) ---
"""Pipeline reference for scband-token-embeddings-48146583388549 (READ-ONLY COPY).

The authoritative reference and input builder live on the scoring server;
editing this copy changes nothing except your own understanding.
"""

import jax, jax.numpy as jnp
import numpy as np

VOCAB = 1000000
EMB = 64
B = 16384
L = 50

def setup_inputs(seed: int = 0) -> dict:
    key = jax.random.key(seed)
    k1, k2 = jax.random.split(key)
    x = jax.random.randint(k1, (B, L), 0, VOCAB, dtype=jnp.int64 if jax.config.read('jax_enable_x64') else jnp.int32)
    table = jax.random.normal(k2, (VOCAB, EMB), dtype=jnp.float32)
    return {"x": x, "table": table}

def reference(x, table):
    # nn.Embedding forward: row gather from the embedding table
    return jnp.take(table, x, axis=0)

if __name__ == "__main__":
    import jax
    _d = setup_inputs()
    print(jax.jit(kernel)(*tuple(_d.values())))

</pallas_src>

<mosaic_0001>
#map = affine_map<(d0, d1) -> (0, 0, 0)>
#map1 = affine_map<(d0, d1) -> (0, 0)>
#map2 = affine_map<(d0, d1) -> (0, 0, 0, 0, 0)>
module attributes {stable_mosaic.version = 14 : i64} {
  func.func @body(%arg0: i32, %arg1: i32, %arg2: memref<50x128x128xi32, #tpu.memory_space<hbm>>, %arg3: memref<1000000x64xf32, #tpu.memory_space<hbm>>, %arg4: memref<50x8x128x8x128xf32, #tpu.memory_space<hbm>>, %arg5: memref<50x4x128xi32, #tpu.memory_space<vmem>>, %arg6: memref<128x64xf32, #tpu.memory_space<vmem>>, %arg7: memref<128x64xf32, #tpu.memory_space<vmem>>, %arg8: memref<128x64xf32, #tpu.memory_space<vmem>>, %arg9: memref<128x64xf32, #tpu.memory_space<vmem>>, %arg10: memref<128x64xf32, #tpu.memory_space<vmem>>, %arg11: memref<128x64xf32, #tpu.memory_space<vmem>>, %arg12: memref<128x64xf32, #tpu.memory_space<vmem>>, %arg13: memref<128x64xf32, #tpu.memory_space<vmem>>, %arg14: memref<8x8x128xf32, #tpu.memory_space<vmem>>, %arg15: memref<8x8x128xf32, #tpu.memory_space<vmem>>, %arg16: memref<8x8x128xf32, #tpu.memory_space<vmem>>, %arg17: memref<8x8x128xf32, #tpu.memory_space<vmem>>, %arg18: memref<!tpu.dma_semaphore, #tpu.memory_space<semaphore_mem>>, %arg19: memref<!tpu.dma_semaphore, #tpu.memory_space<semaphore_mem>>, %arg20: memref<!tpu.dma_semaphore, #tpu.memory_space<semaphore_mem>>, %arg21: memref<!tpu.dma_semaphore, #tpu.memory_space<semaphore_mem>>, %arg22: memref<!tpu.dma_semaphore, #tpu.memory_space<semaphore_mem>>, %arg23: memref<!tpu.dma_semaphore, #tpu.memory_space<semaphore_mem>>, %arg24: memref<!tpu.dma_semaphore, #tpu.memory_space<semaphore_mem>>, %arg25: memref<!tpu.dma_semaphore, #tpu.memory_space<semaphore_mem>>, %arg26: memref<!tpu.dma_semaphore, #tpu.memory_space<semaphore_mem>>, %arg27: memref<!tpu.dma_semaphore, #tpu.memory_space<semaphore_mem>>, %arg28: memref<!tpu.dma_semaphore, #tpu.memory_space<semaphore_mem>>, %arg29: memref<!tpu.dma_semaphore, #tpu.memory_space<semaphore_mem>>) attributes {dimension_semantics = [#tpu.dimension_semantics<core_parallel>, #tpu.dimension_semantics<subcore_parallel>], iteration_bounds = array<i64: 2, 16>, scalar_prefetch = 0 : i64, scratch_operands = 25 : i64, tpu.core_type = #tpu.core_type<sc_vector_subcore>, window_params = [{transform_indices = #map}, {transform_indices = #map1}, {transform_indices = #map2}]} {
    %mul3A = arith.constant 2 : i32
    %mul3A_0 = arith.muli %arg1, %mul3A : i32
    %add3A = arith.addi %mul3A_0, %arg0 : i32
    %mul3A_1 = arith.constant 4 : i32
    %mul3A_2 = arith.muli %add3A, %mul3A_1 : i32
    "tpu.region"() ({
      %run_scoped3A = tpu.sem_alloc : memref<!tpu.dma_semaphore, #tpu.memory_space<semaphore_mem>>
      %dma_start3A_153 = arith.constant 0 : i32
      %dma_start3A_154 = arith.constant 0 : i32
      %dma_start3A_155 = tpu.memref_slice %arg2[%dma_start3A_153, %mul3A_2, %dma_start3A_154] : memref<50x128x128xi32, #tpu.memory_space<hbm>> -> memref<50x4x128xi32, #tpu.memory_space<hbm>>
      %dma_start3A_156 = arith.constant 0 : i32
      %dma_start3A_157 = arith.constant 0 : i32
      %dma_start3A_158 = tpu.memref_slice %arg2[%dma_start3A_156, %mul3A_2, %dma_start3A_157] : memref<50x128x128xi32, #tpu.memory_space<hbm>> -> memref<50x4x128xi32, #tpu.memory_space<hbm>>
      tpu.enqueue_dma source(%dma_start3A_158 : memref<50x4x128xi32, #tpu.memory_space<hbm>>) target(%arg5 : memref<50x4x128xi32, #tpu.memory_space<vmem>>) target_semaphore(%run_scoped3A : memref<!tpu.dma_semaphore, #tpu.memory_space<semaphore_mem>>)
      %dma_wait3A_159 = arith.constant 0 : i32
      %dma_wait3A_160 = arith.constant 0 : i32
      %dma_wait3A_161 = tpu.memref_slice %arg2[%dma_wait3A_159, %mul3A_2, %dma_wait3A_160] : memref<50x128x128xi32, #tpu.memory_space<hbm>> -> memref<50x4x128xi32, #tpu.memory_space<hbm>>
      %dma_wait3A_162 = arith.constant 0 : i32
      %dma_wait3A_163 = arith.constant 0 : i32
      %dma_wait3A_164 = tpu.memref_slice %arg2[%dma_wait3A_162, %mul3A_2, %dma_wait3A_163] : memref<50x128x128xi32, #tpu.memory_space<hbm>> -> memref<50x4x128xi32, #tpu.memory_space<hbm>>
      tpu.wait_dma2 semaphore(%run_scoped3A : memref<!tpu.dma_semaphore, #tpu.memory_space<semaphore_mem>>) src(%dma_wait3A_164 : memref<50x4x128xi32, #tpu.memory_space<hbm>>) dst(%arg5 : memref<50x4x128xi32, #tpu.memory_space<vmem>>)
      tpu.yield
    }) : () -> ()
    %iota3A = tpu.iota {dimensions = array<i32: 0>} : vector<16xi32>
    %add3A_3 = arith.constant 0 : i32
    %add3A_4 = vector.broadcast %add3A_3 : i32 to vector<16xi32>
    %add3A_5 = arith.addi %iota3A, %add3A_4 : vector<16xi32>
    %iota3A_6 = tpu.iota {dimensions = array<i32: 0>} : vector<16xi32>
    %add3A_7 = arith.constant 16 : i32
    %add3A_8 = vector.broadcast %add3A_7 : i32 to vector<16xi32>
    %add3A_9 = arith.addi %iota3A_6, %add3A_8 : vector<16xi32>
    %iota3A_10 = tpu.iota {dimensions = array<i32: 0>} : vector<16xi32>
    %add3A_11 = arith.constant 32 : i32
    %add3A_12 = vector.broadcast %add3A_11 : i32 to vector<16xi32>
    %add3A_13 = arith.addi %iota3A_10, %add3A_12 : vector<16xi32>
    %iota3A_14 = tpu.iota {dimensions = array<i32: 0>} : vector<16xi32>
    %add3A_15 = arith.constant 48 : i32
    %add3A_16 = vector.broadcast %add3A_15 : i32 to vector<16xi32>
    %add3A_17 = arith.addi %iota3A_14, %add3A_16 : vector<16xi32>
    %iota3A_18 = tpu.iota {dimensions = array<i32: 0>} : vector<16xi32>
    %add3A_19 = arith.constant 64 : i32
    %add3A_20 = vector.broadcast %add3A_19 : i32 to vector<16xi32>
    %add3A_21 = arith.addi %iota3A_18, %add3A_20 : vector<16xi32>
    %iota3A_22 = tpu.iota {dimensions = array<i32: 0>} : vector<16xi32>
    %add3A_23 = arith.constant 80 : i32
    %add3A_24 = vector.broadcast %add3A_23 : i32 to vector<16xi32>
    %add3A_25 = arith.addi %iota3A_22, %add3A_24 : vector<16xi32>
    %iota3A_26 = tpu.iota {dimensions = array<i32: 0>} : vector<16xi32>
    %add3A_27 = arith.constant 96 : i32
    %add3A_28 = vector.broadcast %add3A_27 : i32 to vector<16xi32>
    %add3A_29 = arith.addi %iota3A_26, %add3A_28 : vector<16xi32>
    %iota3A_30 = tpu.iota {dimensions = array<i32: 0>} : vector<16xi32>
    %add3A_31 = arith.constant 112 : i32
    %add3A_32 = vector.broadcast %add3A_31 : i32 to vector<16xi32>
    %add3A_33 = arith.addi %iota3A_30, %add3A_32 : vector<16xi32>
    %dma_start3A = arith.constant 0 : i32
    %dma_start3A_34 = arith.constant 0 : i32
    %dma_start3A_35 = arith.constant 0 : i32
    %dma_start3A_36 = tpu.memref_slice %arg5[%dma_start3A, %dma_start3A_34, %dma_start3A_35] : memref<50x4x128xi32, #tpu.memory_space<vmem>> -> memref<1x1x128xi32, #tpu.memory_space<vmem>>
    %dma_start3A_37 = tpu.memref_squeeze %dma_start3A_36 : memref<1x1x128xi32, #tpu.memory_space<vmem>> -> memref<128xi32, #tpu.memory_space<vmem>>
    %dma_start3A_38 = arith.constant 0 : i32
    %dma_start3A_39 = arith.constant 0 : i32
    %dma_start3A_40 = tpu.memref_slice %arg3[%dma_start3A_38, %dma_start3A_39] : memref<1000000x64xf32, #tpu.memory_space<hbm>> -> memref<1000000x64xf32, #tpu.memory_space<hbm>>
    tpu.enqueue_indirect_dma source(%dma_start3A_40 : memref<1000000x64xf32, #tpu.memory_space<hbm>>) target(%arg6 : memref<128x64xf32, #tpu.memory_space<vmem>>) offsets(%dma_start3A_37 : memref<128xi32, #tpu.memory_space<vmem>>) semaphore(%arg18 : memref<!tpu.dma_semaphore, #tpu.memory_space<semaphore_mem>>)
    %dma_start3A_41 = arith.constant 0 : i32
    %dma_start3A_42 = arith.constant 1 : i32
    %dma_start3A_43 = arith.constant 0 : i32
    %dma_start3A_44 = tpu.memref_slice %arg5[%dma_start3A_41, %dma_start3A_42, %dma_start3A_43] : memref<50x4x128xi32, #tpu.memory_space<vmem>> -> memref<1x1x128xi32, #tpu.memory_space<vmem>>
    %dma_start3A_45 = tpu.memref_squeeze %dma_start3A_44 : memref<1x1x128xi32, #tpu.memory_space<vmem>> -> memref<128xi32, #tpu.memory_space<vmem>>
    %dma_start3A_46 = arith.constant 0 : i32
    %dma_start3A_47 = arith.constant 0 : i32
    %dma_start3A_48 = tpu.memref_slice %arg3[%dma_start3A_46, %dma_start3A_47] : memref<1000000x64xf32, #tpu.memory_space<hbm>> -> memref<1000000x64xf32, #tpu.memory_space<hbm>>
    tpu.enqueue_indirect_dma source(%dma_start3A_48 : memref<1000000x64xf32, #tpu.memory_space<hbm>>) target(%arg7 : memref<128x64xf32, #tpu.memory_space<vmem>>) offsets(%dma_start3A_45 : memref<128xi32, #tpu.memory_space<vmem>>) semaphore(%arg19 : memref<!tpu.dma_semaphore, #tpu.memory_space<semaphore_mem>>)
    %dma_start3A_49 = arith.constant 0 : i32
    %dma_start3A_50 = arith.constant 2 : i32
    %dma_start3A_51 = arith.constant 0 : i32
    %dma_start3A_52 = tpu.memref_slice %arg5[%dma_start3A_49, %dma_start3A_50, %dma_start3A_51] : memref<50x4x128xi32, #tpu.memory_space<vmem>> -> memref<1x1x128xi32, #tpu.memory_space<vmem>>
    %dma_start3A_53 = tpu.memref_squeeze %dma_start3A_52 : memref<1x1x128xi32, #tpu.memory_space<vmem>> -> memref<128xi32, #tpu.memory_space<vmem>>
    %dma_start3A_54 = arith.constant 0 : i32
    %dma_start3A_55 = arith.constant 0 : i32
    %dma_start3A_56 = tpu.memref_slice %arg3[%dma_start3A_54, %dma_start3A_55] : memref<1000000x64xf32, #tpu.memory_space<hbm>> -> memref<1000000x64xf32, #tpu.memory_space<hbm>>
    tpu.enqueue_indirect_dma source(%dma_start3A_56 : memref<1000000x64xf32, #tpu.memory_space<hbm>>) target(%arg8 : memref<128x64xf32, #tpu.memory_space<vmem>>) offsets(%dma_start3A_53 : memref<128xi32, #tpu.memory_space<vmem>>) semaphore(%arg20 : memref<!tpu.dma_semaphore, #tpu.memory_space<semaphore_mem>>)
    %dma_start3A_57 = arith.constant 0 : i32
    %dma_start3A_58 = arith.constant 3 : i32
    %dma_start3A_59 = arith.constant 0 : i32
    %dma_start3A_60 = tpu.memref_slice %arg5[%dma_start3A_57, %dma_start3A_58, %dma_start3A_59] : memref<50x4x128xi32, #tpu.memory_space<vmem>> -> memref<1x1x128xi32, #tpu.memory_space<vmem>>
    %dma_start3A_61 = tpu.memref_squeeze %dma_start3A_60 : memref<1x1x128xi32, #tpu.memory_space<vmem>> -> memref<128xi32, #tpu.memory_space<vmem>>
    %dma_start3A_62 = arith.constant 0 : i32
    %dma_start3A_63 = arith.constant 0 : i32
    %dma_start3A_64 = tpu.memref_slice %arg3[%dma_start3A_62, %dma_start3A_63] : memref<1000000x64xf32, #tpu.memory_space<hbm>> -> memref<1000000x64xf32, #tpu.memory_space<hbm>>
    tpu.enqueue_indirect_dma source(%dma_start3A_64 : memref<1000000x64xf32, #tpu.memory_space<hbm>>) target(%arg9 : memref<128x64xf32, #tpu.memory_space<vmem>>) offsets(%dma_start3A_61 : memref<128xi32, #tpu.memory_space<vmem>>) semaphore(%arg21 : memref<!tpu.dma_semaphore, #tpu.memory_space<semaphore_mem>>)
    %dma_start3A_65 = arith.constant 1 : i32
    %dma_start3A_66 = arith.constant 0 : i32
    %dma_start3A_67 = arith.constant 0 : i32
    %dma_start3A_68 = tpu.memref_slice %arg5[%dma_start3A_65, %dma_start3A_66, %dma_start3A_67] : memref<50x4x128xi32, #tpu.memory_space<vmem>> -> memref<1x1x128xi32, #tpu.memory_space<vmem>>
    %dma_start3A_69 = tpu.memref_squeeze %dma_start3A_68 : memref<1x1x128xi32, #tpu.memory_space<vmem>> -> memref<128xi32, #tpu.memory_space<vmem>>
    %dma_start3A_70 = arith.constant 0 : i32
    %dma_start3A_71 = arith.constant 0 : i32
    %dma_start3A_72 = tpu.memref_slice %arg3[%dma_start3A_70, %dma_start3A_71] : memref<1000000x64xf32, #tpu.memory_space<hbm>> -> memref<1000000x64xf32, #tpu.memory_space<hbm>>
    tpu.enqueue_indirect_dma source(%dma_start3A_72 : memref<1000000x64xf32, #tpu.memory_space<hbm>>) target(%arg10 : memref<128x64xf32, #tpu.memory_space<vmem>>) offsets(%dma_start3A_69 : memref<128xi32, #tpu.memory_space<vmem>>) semaphore(%arg22 : memref<!tpu.dma_semaphore, #tpu.memory_space<semaphore_mem>>)
    %dma_start3A_73 = arith.constant 1 : i32
    %dma_start3A_74 = arith.constant 1 : i32
    %dma_start3A_75 = arith.constant 0 : i32
    %dma_start3A_76 = tpu.memref_slice %arg5[%dma_start3A_73, %dma_start3A_74, %dma_start3A_75] : memref<50x4x128xi32, #tpu.memory_space<vmem>> -> memref<1x1x128xi32, #tpu.memory_space<vmem>>
    %dma_start3A_77 = tpu.memref_squeeze %dma_start3A_76 : memref<1x1x128xi32, #tpu.memory_space<vmem>> -> memref<128xi32, #tpu.memory_space<vmem>>
    %dma_start3A_78 = arith.constant 0 : i32
    %dma_start3A_79 = arith.constant 0 : i32
    %dma_start3A_80 = tpu.memref_slice %arg3[%dma_start3A_78, %dma_start3A_79] : memref<1000000x64xf32, #tpu.memory_space<hbm>> -> memref<1000000x64xf32, #tpu.memory_space<hbm>>
    tpu.enqueue_indirect_dma source(%dma_start3A_80 : memref<1000000x64xf32, #tpu.memory_space<hbm>>) target(%arg11 : memref<128x64xf32, #tpu.memory_space<vmem>>) offsets(%dma_start3A_77 : memref<128xi32, #tpu.memory_space<vmem>>) semaphore(%arg23 : memref<!tpu.dma_semaphore, #tpu.memory_space<semaphore_mem>>)
    %dma_start3A_81 = arith.constant 1 : i32
    %dma_start3A_82 = arith.constant 2 : i32
    %dma_start3A_83 = arith.constant 0 : i32
    %dma_start3A_84 = tpu.memref_slice %arg5[%dma_start3A_81, %dma_start3A_82, %dma_start3A_83] : memref<50x4x128xi32, #tpu.memory_space<vmem>> -> memref<1x1x128xi32, #tpu.memory_space<vmem>>
    %dma_start3A_85 = tpu.memref_squeeze %dma_start3A_84 : memref<1x1x128xi32, #tpu.memory_space<vmem>> -> memref<128xi32, #tpu.memory_space<vmem>>
    %dma_start3A_86 = arith.constant 0 : i32
    %dma_start3A_87 = arith.constant 0 : i32
    %dma_start3A_88 = tpu.memref_slice %arg3[%dma_start3A_86, %dma_start3A_87] : memref<1000000x64xf32, #tpu.memory_space<hbm>> -> memref<1000000x64xf32, #tpu.memory_space<hbm>>
    tpu.enqueue_indirect_dma source(%dma_start3A_88 : memref<1000000x64xf32, #tpu.memory_space<hbm>>) target(%arg12 : memref<128x64xf32, #tpu.memory_space<vmem>>) offsets(%dma_start3A_85 : memref<128xi32, #tpu.memory_space<vmem>>) semaphore(%arg24 : memref<!tpu.dma_semaphore, #tpu.memory_space<semaphore_mem>>)
    %dma_start3A_89 = arith.constant 1 : i32
    %dma_start3A_90 = arith.constant 3 : i32
    %dma_start3A_91 = arith.constant 0 : i32
    %dma_start3A_92 = tpu.memref_slice %arg5[%dma_start3A_89, %dma_start3A_90, %dma_start3A_91] : memref<50x4x128xi32, #tpu.memory_space<vmem>> -> memref<1x1x128xi32, #tpu.memory_space<vmem>>
    %dma_start3A_93 = tpu.memref_squeeze %dma_start3A_92 : memref<1x1x128xi32, #tpu.memory_space<vmem>> -> memref<128xi32, #tpu.memory_space<vmem>>
    %dma_start3A_94 = arith.constant 0 : i32
    %dma_start3A_95 = arith.constant 0 : i32
    %dma_start3A_96 = tpu.memref_slice %arg3[%dma_start3A_94, %dma_start3A_95] : memref<1000000x64xf32, #tpu.memory_space<hbm>> -> memref<1000000x64xf32, #tpu.memory_space<hbm>>
    tpu.enqueue_indirect_dma source(%dma_start3A_96 : memref<1000000x64xf32, #tpu.memory_space<hbm>>) target(%arg13 : memref<128x64xf32, #tpu.memory_space<vmem>>) offsets(%dma_start3A_93 : memref<128xi32, #tpu.memory_space<vmem>>) semaphore(%arg25 : memref<!tpu.dma_semaphore, #tpu.memory_space<semaphore_mem>>)
    %scan3A = arith.constant 0 : i32
    %scan3A_97 = arith.constant 0 : i32
    %scan3A_98 = arith.constant 25 : i32
    %scan3A_99 = arith.addi %scan3A_97, %scan3A_98 : i32
    %scan3A_100 = arith.constant 1 : i32
    scf.for %scan3A_153 = %scan3A_97 to %scan3A_99 step %scan3A_100  : i32 {
      %mul3A_154 = arith.constant 2 : i32
      %mul3A_155 = arith.muli %mul3A_154, %scan3A_153 : i32
      %add3A_156 = arith.constant 0 : i32
      %add3A_157 = arith.addi %mul3A_155, %add3A_156 : i32
      %dma_wait3A_158 = arith.constant 0 : i32
      %dma_wait3A_159 = arith.constant 0 : i32
      %dma_wait3A_160 = tpu.memref_slice %arg5[%add3A_157, %dma_wait3A_158, %dma_wait3A_159] : memref<50x4x128xi32, #tpu.memory_space<vmem>> -> memref<1x1x128xi32, #tpu.memory_space<vmem>>
      %dma_wait3A_161 = tpu.memref_squeeze %dma_wait3A_160 : memref<1x1x128xi32, #tpu.memory_space<vmem>> -> memref<128xi32, #tpu.memory_space<vmem>>
      %dma_wait3A_162 = arith.constant 0 : i32
      %dma_wait3A_163 = arith.constant 0 : i32
      %dma_wait3A_164 = tpu.memref_slice %arg3[%dma_wait3A_162, %dma_wait3A_163] : memref<1000000x64xf32, #tpu.memory_space<hbm>> -> memref<1000000x64xf32, #tpu.memory_space<hbm>>
      tpu.wait_indirect_dma semaphore(%arg18 : memref<!tpu.dma_semaphore, #tpu.memory_space<semaphore_mem>>) src(%dma_wait3A_164 : memref<1000000x64xf32, #tpu.memory_space<hbm>>) dst(%arg6 : memref<128x64xf32, #tpu.memory_space<vmem>>)
      %gt3A = arith.constant 0 : i32
      %gt3A_165 = arith.cmpi sgt, %scan3A_153, %gt3A : i32
      %convert_element_type3A = arith.extui %gt3A_165 : i1 to i32
      %cond3A = arith.constant 0 : i32
      %cond3A_166 = arith.cmpi ne, %convert_element_type3A, %cond3A : i32
      scf.if %cond3A_166 {
        %sub3A = arith.constant 1 : i32
        %sub3A_481 = arith.subi %scan3A_153, %sub3A : i32
        %mul3A_482 = arith.constant 2 : i32
        %mul3A_483 = arith.muli %mul3A_482, %sub3A_481 : i32
        %add3A_484 = arith.constant 1 : i32
        %add3A_485 = arith.addi %mul3A_483, %add3A_484 : i32
        %add3A_486 = arith.constant 0 : i32
        %add3A_487 = arith.addi %mul3A_2, %add3A_486 : i32
        %dma_wait3A_488 = arith.constant 0 : i32
        %dma_wait3A_489 = arith.constant 0 : i32
        %dma_wait3A_490 = arith.constant 0 : i32
        %dma_wait3A_491 = tpu.memref_slice %arg4[%add3A_485, %dma_wait3A_488, %add3A_487, %dma_wait3A_489, %dma_wait3A_490] : memref<50x8x128x8x128xf32, #tpu.memory_space<hbm>> -> memref<1x8x1x8x128xf32, #tpu.memory_space<hbm>>
        %dma_wait3A_492 = tpu.memref_squeeze %dma_wait3A_491 : memref<1x8x1x8x128xf32, #tpu.memory_space<hbm>> -> memref<8x8x128xf32, #tpu.memory_space<hbm>>
        %dma_wait3A_493 = arith.constant 0 : i32
        %dma_wait3A_494 = arith.constant 0 : i32
        %dma_wait3A_495 = arith.constant 0 : i32
        %dma_wait3A_496 = tpu.memref_slice %arg4[%add3A_485, %dma_wait3A_493, %add3A_487, %dma_wait3A_494, %dma_wait3A_495] : memref<50x8x128x8x128xf32, #tpu.memory_space<hbm>> -> memref<1x8x1x8x128xf32, #tpu.memory_space<hbm>>
        %dma_wait3A_497 = tpu.memref_squeeze %dma_wait3A_496 : memref<1x8x1x8x128xf32, #tpu.memory_space<hbm>> -> memref<8x8x128xf32, #tpu.memory_space<hbm>>
        tpu.wait_dma2 semaphore(%arg26 : memref<!tpu.dma_semaphore, #tpu.memory_space<semaphore_mem>>) src(%arg14 : memref<8x8x128xf32, #tpu.memory_space<vmem>>) dst(%dma_wait3A_497 : memref<8x8x128xf32, #tpu.memory_space<hbm>>)
      } else {
      }
      %parallel_loop3A = arith.constant 0 : i32
      %parallel_loop3A_167 = arith.constant 64 : i32
      %parallel_loop3A_168 = arith.constant 1 : i32
      scf.for %parallel_loop3A_481 = %parallel_loop3A to %parallel_loop3A_167 step %parallel_loop3A_168  : i32 {
        %parallel_loop3A_482 = vector.broadcast %parallel_loop3A_481 : i32 to vector<16xi32>
        %parallel_loop3A_483 = arith.constant 8 : i32
        %parallel_loop3A_484 = arith.divsi %parallel_loop3A_481, %parallel_loop3A_483 : i32
        %parallel_loop3A_485 = arith.constant 0 : i32
        %parallel_loop3A_486 = arith.cmpi sgt, %parallel_loop3A_481, %parallel_loop3A_485 : i32
        %parallel_loop3A_487 = arith.extui %parallel_loop3A_486 : i1 to i32
        %parallel_loop3A_488 = arith.constant 0 : i32
        %parallel_loop3A_489 = arith.cmpi slt, %parallel_loop3A_481, %parallel_loop3A_488 : i32
        %parallel_loop3A_490 = arith.extui %parallel_loop3A_489 : i1 to i32
        %parallel_loop3A_491 = arith.subi %parallel_loop3A_487, %parallel_loop3A_490 : i32
        %parallel_loop3A_492 = arith.constant 0 : i32
        %parallel_loop3A_493 = arith.cmpi sgt, %parallel_loop3A_483, %parallel_loop3A_492 : i32
        %parallel_loop3A_494 = arith.extui %parallel_loop3A_493 : i1 to i32
        %parallel_loop3A_495 = arith.constant 0 : i32
        %parallel_loop3A_496 = arith.cmpi slt, %parallel_loop3A_483, %parallel_loop3A_495 : i32
        %parallel_loop3A_497 = arith.extui %parallel_loop3A_496 : i1 to i32
        %parallel_loop3A_498 = arith.subi %parallel_loop3A_494, %parallel_loop3A_497 : i32
        %parallel_loop3A_499 = arith.cmpi ne, %parallel_loop3A_491, %parallel_loop3A_498 : i32
        %parallel_loop3A_500 = arith.remsi %parallel_loop3A_481, %parallel_loop3A_483 : i32
        %parallel_loop3A_501 = arith.constant 0 : i32
        %parallel_loop3A_502 = arith.cmpi ne, %parallel_loop3A_500, %parallel_loop3A_501 : i32
        %parallel_loop3A_503 = arith.andi %parallel_loop3A_499, %parallel_loop3A_502 : i1
        %parallel_loop3A_504 = arith.constant 1 : i32
        %parallel_loop3A_505 = arith.subi %parallel_loop3A_484, %parallel_loop3A_504 : i32
        %parallel_loop3A_506 = arith.select %parallel_loop3A_503, %parallel_loop3A_505, %parallel_loop3A_484 : i32
        %parallel_loop3A_507 = arith.constant 8 : i32
        %parallel_loop3A_508 = arith.constant 0 : i32
        %parallel_loop3A_509 = arith.cmpi eq, %parallel_loop3A_507, %parallel_loop3A_508 : i32
        %parallel_loop3A_510 = arith.constant 1 : i32
        %parallel_loop3A_511 = arith.select %parallel_loop3A_509, %parallel_loop3A_510, %parallel_loop3A_507 : i32
        %parallel_loop3A_512 = arith.remsi %parallel_loop3A_481, %parallel_loop3A_511 : i32
        %parallel_loop3A_513 = arith.constant 0 : i32
        %parallel_loop3A_514 = arith.cmpi ne, %parallel_loop3A_512, %parallel_loop3A_513 : i32
        %parallel_loop3A_515 = arith.constant 0 : i32
        %parallel_loop3A_516 = arith.cmpi slt, %parallel_loop3A_512, %parallel_loop3A_515 : i32
        %parallel_loop3A_517 = arith.constant 0 : i32
        %parallel_loop3A_518 = arith.cmpi slt, %parallel_loop3A_511, %parallel_loop3A_517 : i32
        %parallel_loop3A_519 = arith.xori %parallel_loop3A_516, %parallel_loop3A_518 : i1
        %parallel_loop3A_520 = arith.andi %parallel_loop3A_519, %parallel_loop3A_514 : i1
        %parallel_loop3A_521 = arith.addi %parallel_loop3A_512, %parallel_loop3A_511 : i32
        %parallel_loop3A_522 = arith.select %parallel_loop3A_520, %parallel_loop3A_521, %parallel_loop3A_512 : i32
        %parallel_loop3A_523 = tpu.vector_load_idx %arg6[%add3A_5, %parallel_loop3A_482] : memref<128x64xf32, #tpu.memory_space<vmem>>[vector<16xi32>, vector<16xi32>], vector<16xf32>,
        %parallel_loop3A_524 = arith.index_cast %parallel_loop3A_506 : i32 to index
        %parallel_loop3A_525 = arith.index_cast %parallel_loop3A_522 : i32 to index
        %parallel_loop3A_526 = arith.constant 0 : index
        %parallel_loop3A_527 = tpu.vector_load %arg14[%parallel_loop3A_524, %parallel_loop3A_525, %parallel_loop3A_526] {strides = array<i32>} : memref<8x8x128xf32, #tpu.memory_space<vmem>>, vector<16xf32>,
        tpu.vector_store %arg14[%parallel_loop3A_524, %parallel_loop3A_525, %parallel_loop3A_526], %parallel_loop3A_523 {strides = array<i32>} : memref<8x8x128xf32, #tpu.memory_space<vmem>>, vector<16xf32>,
        %parallel_loop3A_528 = tpu.vector_load_idx %arg6[%add3A_9, %parallel_loop3A_482] : memref<128x64xf32, #tpu.memory_space<vmem>>[vector<16xi32>, vector<16xi32>], vector<16xf32>,
        %parallel_loop3A_529 = arith.index_cast %parallel_loop3A_506 : i32 to index
        %parallel_loop3A_530 = arith.index_cast %parallel_loop3A_522 : i32 to index
        %parallel_loop3A_531 = arith.constant 16 : index
        %parallel_loop3A_532 = tpu.vector_load %arg14[%parallel_loop3A_529, %parallel_loop3A_530, %parallel_loop3A_531] {strides = array<i32>} : memref<8x8x128xf32, #tpu.memory_space<vmem>>, vector<16xf32>,
        tpu.vector_store %arg14[%parallel_loop3A_529, %parallel_loop3A_530, %parallel_loop3A_531], %parallel_loop3A_528 {strides = array<i32>} : memref<8x8x128xf32, #tpu.memory_space<vmem>>, vector<16xf32>,
        %parallel_loop3A_533 = tpu.vector_load_idx %arg6[%add3A_13, %parallel_loop3A_482] : memref<128x64xf32, #tpu.memory_space<vmem>>[vector<16xi32>, vector<16xi32>], vector<16xf32>,
        %parallel_loop3A_534 = arith.index_cast %parallel_loop3A_506 : i32 to index
        %parallel_loop3A_535 = arith.index_cast %parallel_loop3A_522 : i32 to index
        %parallel_loop3A_536 = arith.constant 32 : index
        %parallel_loop3A_537 = tpu.vector_load %arg14[%parallel_loop3A_534, %parallel_loop3A_535, %parallel_loop3A_536] {strides = array<i32>} : memref<8x8x128xf32, #tpu.memory_space<vmem>>, vector<16xf32>,
        tpu.vector_store %arg14[%parallel_loop3A_534, %parallel_loop3A_535, %parallel_loop3A_536], %parallel_loop3A_533 {strides = array<i32>} : memref<8x8x128xf32, #tpu.memory_space<vmem>>, vector<16xf32>,
        %parallel_loop3A_538 = tpu.vector_load_idx %arg6[%add3A_17, %parallel_loop3A_482] : memref<128x64xf32, #tpu.memory_space<vmem>>[vector<16xi32>, vector<16xi32>], vector<16xf32>,
        %parallel_loop3A_539 = arith.index_cast %parallel_loop3A_506 : i32 to index
        %parallel_loop3A_540 = arith.index_cast %parallel_loop3A_522 : i32 to index
        %parallel_loop3A_541 = arith.constant 48 : index
        %parallel_loop3A_542 = tpu.vector_load %arg14[%parallel_loop3A_539, %parallel_loop3A_540, %parallel_loop3A_541] {strides = array<i32>} : memref<8x8x128xf32, #tpu.memory_space<vmem>>, vector<16xf32>,
        tpu.vector_store %arg14[%parallel_loop3A_539, %parallel_loop3A_540, %parallel_loop3A_541], %parallel_loop3A_538 {strides = array<i32>} : memref<8x8x128xf32, #tpu.memory_space<vmem>>, vector<16xf32>,
        %parallel_loop3A_543 = tpu.vector_load_idx %arg6[%add3A_21, %parallel_loop3A_482] : memref<128x64xf32, #tpu.memory_space<vmem>>[vector<16xi32>, vector<16xi32>], vector<16xf32>,
        %parallel_loop3A_544 = arith.index_cast %parallel_loop3A_506 : i32 to index
        %parallel_loop3A_545 = arith.index_cast %parallel_loop3A_522 : i32 to index
        %parallel_loop3A_546 = arith.constant 64 : index
        %parallel_loop3A_547 = tpu.vector_load %arg14[%parallel_loop3A_544, %parallel_loop3A_545, %parallel_loop3A_546] {strides = array<i32>} : memref<8x8x128xf32, #tpu.memory_space<vmem>>, vector<16xf32>,
        tpu.vector_store %arg14[%parallel_loop3A_544, %parallel_loop3A_545, %parallel_loop3A_546], %parallel_loop3A_543 {strides = array<i32>} : memref<8x8x128xf32, #tpu.memory_space<vmem>>, vector<16xf32>,
        %parallel_loop3A_548 = tpu.vector_load_idx %arg6[%add3A_25, %parallel_loop3A_482] : memref<128x64xf32, #tpu.memory_space<vmem>>[vector<16xi32>, vector<16xi32>], vector<16xf32>,
        %parallel_loop3A_549 = arith.index_cast %parallel_loop3A_506 : i32 to index
        %parallel_loop3A_550 = arith.index_cast %parallel_loop3A_522 : i32 to index
        %parallel_loop3A_551 = arith.constant 80 : index
        %parallel_loop3A_552 = tpu.vector_load %arg14[%parallel_loop3A_549, %parallel_loop3A_550, %parallel_loop3A_551] {strides = array<i32>} : memref<8x8x128xf32, #tpu.memory_space<vmem>>, vector<16xf32>,
        tpu.vector_store %arg14[%parallel_loop3A_549, %parallel_loop3A_550, %parallel_loop3A_551], %parallel_loop3A_548 {strides = array<i32>} : memref<8x8x128xf32, #tpu.memory_space<vmem>>, vector<16xf32>,
        %parallel_loop3A_553 = tpu.vector_load_idx %arg6[%add3A_29, %parallel_loop3A_482] : memref<128x64xf32, #tpu.memory_space<vmem>>[vector<16xi32>, vector<16xi32>], vector<16xf32>,
        %parallel_loop3A_554 = arith.index_cast %parallel_loop3A_506 : i32 to index
        %parallel_loop3A_555 = arith.index_cast %parallel_loop3A_522 : i32 to index
        %parallel_loop3A_556 = arith.constant 96 : index
        %parallel_loop3A_557 = tpu.vector_load %arg14[%parallel_loop3A_554, %parallel_loop3A_555, %parallel_loop3A_556] {strides = array<i32>} : memref<8x8x128xf32, #tpu.memory_space<vmem>>, vector<16xf32>,
        tpu.vector_store %arg14[%parallel_loop3A_554, %parallel_loop3A_555, %parallel_loop3A_556], %parallel_loop3A_553 {strides = array<i32>} : memref<8x8x128xf32, #tpu.memory_space<vmem>>, vector<16xf32>,
        %parallel_loop3A_558 = tpu.vector_load_idx %arg6[%add3A_33, %parallel_loop3A_482] : memref<128x64xf32, #tpu.memory_space<vmem>>[vector<16xi32>, vector<16xi32>], vector<16xf32>,
        %parallel_loop3A_559 = arith.index_cast %parallel_loop3A_506 : i32 to index
        %parallel_loop3A_560 = arith.index_cast %parallel_loop3A_522 : i32 to index
        %parallel_loop3A_561 = arith.constant 112 : index
        %parallel_loop3A_562 = tpu.vector_load %arg14[%parallel_loop3A_559, %parallel_loop3A_560, %parallel_loop3A_561] {strides = array<i32>} : memref<8x8x128xf32, #tpu.memory_space<vmem>>, vector<16xf32>,
        tpu.vector_store %arg14[%parallel_loop3A_559, %parallel_loop3A_560, %parallel_loop3A_561], %parallel_loop3A_558 {strides = array<i32>} : memref<8x8x128xf32, #tpu.memory_space<vmem>>, vector<16xf32>,
      } {sc.loop_unroll_factor = 4 : i64, sc.parallel_access}
      %lt3A = arith.constant 24 : i32
      %lt3A_169 = arith.cmpi slt, %scan3A_153, %lt3A : i32
      %convert_element_type3A_170 = arith.extui %lt3A_169 : i1 to i32
      %cond3A_171 = arith.constant 0 : i32
      %cond3A_172 = arith.cmpi ne, %convert_element_type3A_170, %cond3A_171 : i32
      scf.if %cond3A_172 {
        %add3A_481 = arith.constant 1 : i32
        %add3A_482 = arith.addi %scan3A_153, %add3A_481 : i32
        %mul3A_483 = arith.constant 2 : i32
        %mul3A_484 = arith.muli %mul3A_483, %add3A_482 : i32
        %add3A_485 = arith.constant 0 : i32
        %add3A_486 = arith.addi %mul3A_484, %add3A_485 : i32
        %dma_start3A_487 = arith.constant 0 : i32
        %dma_start3A_488 = arith.constant 0 : i32
        %dma_start3A_489 = tpu.memref_slice %arg5[%add3A_486, %dma_start3A_487, %dma_start3A_488] : memref<50x4x128xi32, #tpu.memory_space<vmem>> -> memref<1x1x128xi32, #tpu.memory_space<vmem>>
        %dma_start3A_490 = tpu.memref_squeeze %dma_start3A_489 : memref<1x1x128xi32, #tpu.memory_space<vmem>> -> memref<128xi32, #tpu.memory_space<vmem>>
        %dma_start3A_491 = arith.constant 0 : i32
        %dma_start3A_492 = arith.constant 0 : i32
        %dma_start3A_493 = tpu.memref_slice %arg3[%dma_start3A_491, %dma_start3A_492] : memref<1000000x64xf32, #tpu.memory_space<hbm>> -> memref<1000000x64xf32, #tpu.memory_space<hbm>>
        tpu.enqueue_indirect_dma source(%dma_start3A_493 : memref<1000000x64xf32, #tpu.memory_space<hbm>>) target(%arg6 : memref<128x64xf32, #tpu.memory_space<vmem>>) offsets(%dma_start3A_490 : memref<128xi32, #tpu.memory_space<vmem>>) semaphore(%arg18 : memref<!tpu.dma_semaphore, #tpu.memory_space<semaphore_mem>>)
      } else {
      }
      %add3A_173 = arith.constant 0 : i32
      %add3A_174 = arith.addi %mul3A_2, %add3A_173 : i32
      %dma_start3A_175 = arith.constant 0 : i32
      %dma_start3A_176 = arith.constant 0 : i32
      %dma_start3A_177 = arith.constant 0 : i32
      %dma_start3A_178 = tpu.memref_slice %arg4[%add3A_157, %dma_start3A_175, %add3A_174, %dma_start3A_176, %dma_start3A_177] : memref<50x8x128x8x128xf32, #tpu.memory_space<hbm>> -> memref<1x8x1x8x128xf32, #tpu.memory_space<hbm>>
      %dma_start3A_179 = tpu.memref_squeeze %dma_start3A_178 : memref<1x8x1x8x128xf32, #tpu.memory_space<hbm>> -> memref<8x8x128xf32, #tpu.memory_space<hbm>>
      %dma_start3A_180 = arith.constant 0 : i32
      %dma_start3A_181 = arith.constant 0 : i32
      %dma_start3A_182 = arith.constant 0 : i32
      %dma_start3A_183 = tpu.memref_slice %arg4[%add3A_157, %dma_start3A_180, %add3A_174, %dma_start3A_181, %dma_start3A_182] : memref<50x8x128x8x128xf32, #tpu.memory_space<hbm>> -> memref<1x8x1x8x128xf32, #tpu.memory_space<hbm>>
      %dma_start3A_184 = tpu.memref_squeeze %dma_start3A_183 : memref<1x8x1x8x128xf32, #tpu.memory_space<hbm>> -> memref<8x8x128xf32, #tpu.memory_space<hbm>>
      tpu.enqueue_dma source(%arg14 : memref<8x8x128xf32, #tpu.memory_space<vmem>>) target(%dma_start3A_184 : memref<8x8x128xf32, #tpu.memory_space<hbm>>) target_semaphore(%arg26 : memref<!tpu.dma_semaphore, #tpu.memory_space<semaphore_mem>>)
      %mul3A_185 = arith.constant 2 : i32
      %mul3A_186 = arith.muli %mul3A_185, %scan3A_153 : i32
      %add3A_187 = arith.constant 0 : i32
      %add3A_188 = arith.addi %mul3A_186, %add3A_187 : i32
      %dma_wait3A_189 = arith.constant 1 : i32
      %dma_wait3A_190 = arith.constant 0 : i32
      %dma_wait3A_191 = tpu.memref_slice %arg5[%add3A_188, %dma_wait3A_189, %dma_wait3A_190] : memref<50x4x128xi32, #tpu.memory_space<vmem>> -> memref<1x1x128xi32, #tpu.memory_space<vmem>>
      %dma_wait3A_192 = tpu.memref_squeeze %dma_wait3A_191 : memref<1x1x128xi32, #tpu.memory_space<vmem>> -> memref<128xi32, #tpu.memory_space<vmem>>
      %dma_wait3A_193 = arith.constant 0 : i32
      %dma_wait3A_194 = arith.constant 0 : i32
      %dma_wait3A_195 = tpu.memref_slice %arg3[%dma_wait3A_193, %dma_wait3A_194] : memref<1000000x64xf32, #tpu.memory_space<hbm>> -> memref<1000000x64xf32, #tpu.memory_space<hbm>>
      tpu.wait_indirect_dma semaphore(%arg19 : memref<!tpu.dma_semaphore, #tpu.memory_space<semaphore_mem>>) src(%dma_wait3A_195 : memref<1000000x64xf32, #tpu.memory_space<hbm>>) dst(%arg7 : memref<128x64xf32, #tpu.memory_space<vmem>>)
      %gt3A_196 = arith.constant 0 : i32
      %gt3A_197 = arith.cmpi sgt, %scan3A_153, %gt3A_196 : i32
      %convert_element_type3A_198 = arith.extui %gt3A_197 : i1 to i32
      %cond3A_199 = arith.constant 0 : i32
      %cond3A_200 = arith.cmpi ne, %convert_element_type3A_198, %cond3A_199 : i32
      scf.if %cond3A_200 {
        %sub3A = arith.constant 1 : i32
        %sub3A_481 = arith.subi %scan3A_153, %sub3A : i32
        %mul3A_482 = arith.constant 2 : i32
        %mul3A_483 = arith.muli %mul3A_482, %sub3A_481 : i32
        %add3A_484 = arith.constant 1 : i32
        %add3A_485 = arith.addi %mul3A_483, %add3A_484 : i32
        %add3A_486 = arith.constant 1 : i32
        %add3A_487 = arith.addi %mul3A_2, %add3A_486 : i32
        %dma_wait3A_488 = arith.constant 0 : i32
        %dma_wait3A_489 = arith.constant 0 : i32
        %dma_wait3A_490 = arith.constant 0 : i32
        %dma_wait3A_491 = tpu.memref_slice %arg4[%add3A_485, %dma_wait3A_488, %add3A_487, %dma_wait3A_489, %dma_wait3A_490] : memref<50x8x128x8x128xf32, #tpu.memory_space<hbm>> -> memref<1x8x1x8x128xf32, #tpu.memory_space<hbm>>
        %dma_wait3A_492 = tpu.memref_squeeze %dma_wait3A_491 : memref<1x8x1x8x128xf32, #tpu.memory_space<hbm>> -> memref<8x8x128xf32, #tpu.memory_space<hbm>>
        %dma_wait3A_493 = arith.constant 0 : i32
        %dma_wait3A_494 = arith.constant 0 : i32
        %dma_wait3A_495 = arith.constant 0 : i32
        %dma_wait3A_496 = tpu.memref_slice %arg4[%add3A_485, %dma_wait3A_493, %add3A_487, %dma_wait3A_494, %dma_wait3A_495] : memref<50x8x128x8x128xf32, #tpu.memory_space<hbm>> -> memref<1x8x1x8x128xf32, #tpu.memory_space<hbm>>
        %dma_wait3A_497 = tpu.memref_squeeze %dma_wait3A_496 : memref<1x8x1x8x128xf32, #tpu.memory_space<hbm>> -> memref<8x8x128xf32, #tpu.memory_space<hbm>>
        tpu.wait_dma2 semaphore(%arg27 : memref<!tpu.dma_semaphore, #tpu.memory_space<semaphore_mem>>) src(%arg15 : memref<8x8x128xf32, #tpu.memory_space<vmem>>) dst(%dma_wait3A_497 : memref<8x8x128xf32, #tpu.memory_space<hbm>>)
      } else {
      }
      %parallel_loop3A_201 = arith.constant 0 : i32
      %parallel_loop3A_202 = arith.constant 64 : i32
      %parallel_loop3A_203 = arith.constant 1 : i32
      scf.for %parallel_loop3A_481 = %parallel_loop3A_201 to %parallel_loop3A_202 step %parallel_loop3A_203  : i32 {
        %parallel_loop3A_482 = vector.broadcast %parallel_loop3A_481 : i32 to vector<16xi32>
        %parallel_loop3A_483 = arith.constant 8 : i32
        %parallel_loop3A_484 = arith.divsi %parallel_loop3A_481, %parallel_loop3A_483 : i32
        %parallel_loop3A_485 = arith.constant 0 : i32
        %parallel_loop3A_486 = arith.cmpi sgt, %parallel_loop3A_481, %parallel_loop3A_485 : i32
        %parallel_loop3A_487 = arith.extui %parallel_loop3A_486 : i1 to i32
        %parallel_loop3A_488 = arith.constant 0 : i32
        %parallel_loop3A_489 = arith.cmpi slt, %parallel_loop3A_481, %parallel_loop3A_488 : i32
        %parallel_loop3A_490 = arith.extui %parallel_loop3A_489 : i1 to i32
        %parallel_loop3A_491 = arith.subi %parallel_loop3A_487, %parallel_loop3A_490 : i32
        %parallel_loop3A_492 = arith.constant 0 : i32
        %parallel_loop3A_493 = arith.cmpi sgt, %parallel_loop3A_483, %parallel_loop3A_492 : i32
        %parallel_loop3A_494 = arith.extui %parallel_loop3A_493 : i1 to i32
        %parallel_loop3A_495 = arith.constant 0 : i32
        %parallel_loop3A_496 = arith.cmpi slt, %parallel_loop3A_483, %parallel_loop3A_495 : i32
        %parallel_loop3A_497 = arith.extui %parallel_loop3A_496 : i1 to i32
        %parallel_loop3A_498 = arith.subi %parallel_loop3A_494, %parallel_loop3A_497 : i32
        %parallel_loop3A_499 = arith.cmpi ne, %parallel_loop3A_491, %parallel_loop3A_498 : i32
        %parallel_loop3A_500 = arith.remsi %parallel_loop3A_481, %parallel_loop3A_483 : i32
        %parallel_loop3A_501 = arith.constant 0 : i32
        %parallel_loop3A_502 = arith.cmpi ne, %parallel_loop3A_500, %parallel_loop3A_501 : i32
        %parallel_loop3A_503 = arith.andi %parallel_loop3A_499, %parallel_loop3A_502 : i1
        %parallel_loop3A_504 = arith.constant 1 : i32
        %parallel_loop3A_505 = arith.subi %parallel_loop3A_484, %parallel_loop3A_504 : i32
        %parallel_loop3A_506 = arith.select %parallel_loop3A_503, %parallel_loop3A_505, %parallel_loop3A_484 : i32
        %parallel_loop3A_507 = arith.constant 8 : i32
        %parallel_loop3A_508 = arith.constant 0 : i32
        %parallel_loop3A_509 = arith.cmpi eq, %parallel_loop3A_507, %parallel_loop3A_508 : i32
        %parallel_loop3A_510 = arith.constant 1 : i32
        %parallel_loop3A_511 = arith.select %parallel_loop3A_509, %parallel_loop3A_510, %parallel_loop3A_507 : i32
        %parallel_loop3A_512 = arith.remsi %parallel_loop3A_481, %parallel_loop3A_511 : i32
        %parallel_loop3A_513 = arith.constant 0 : i32
        %parallel_loop3A_514 = arith.cmpi ne, %parallel_loop3A_512, %parallel_loop3A_513 : i32
        %parallel_loop3A_515 = arith.constant 0 : i32
        %parallel_loop3A_516 = arith.cmpi slt, %parallel_loop3A_512, %parallel_loop3A_515 : i32
        %parallel_loop3A_517 = arith.constant 0 : i32
        %parallel_loop3A_518 = arith.cmpi slt, %parallel_loop3A_511, %parallel_loop3A_517 : i32
        %parallel_loop3A_519 = arith.xori %parallel_loop3A_516, %parallel_loop3A_518 : i1
        %parallel_loop3A_520 = arith.andi %parallel_loop3A_519, %parallel_loop3A_514 : i1
        %parallel_loop3A_521 = arith.addi %parallel_loop3A_512, %parallel_loop3A_511 : i32
        %parallel_loop3A_522 = arith.select %parallel_loop3A_520, %parallel_loop3A_521, %parallel_loop3A_512 : i32
        %parallel_loop3A_523 = tpu.vector_load_idx %arg7[%add3A_5, %parallel_loop3A_482] : memref<128x64xf32, #tpu.memory_space<vmem>>[vector<16xi32>, vector<16xi32>], vector<16xf32>,
        %parallel_loop3A_524 = arith.index_cast %parallel_loop3A_506 : i32 to index
        %parallel_loop3A_525 = arith.index_cast %parallel_loop3A_522 : i32 to index
        %parallel_loop3A_526 = arith.constant 0 : index
        %parallel_loop3A_527 = tpu.vector_load %arg15[%parallel_loop3A_524, %parallel_loop3A_525, %parallel_loop3A_526] {strides = array<i32>} : memref<8x8x128xf32, #tpu.memory_space<vmem>>, vector<16xf32>,
        tpu.vector_store %arg15[%parallel_loop3A_524, %parallel_loop3A_525, %parallel_loop3A_526], %parallel_loop3A_523 {strides = array<i32>} : memref<8x8x128xf32, #tpu.memory_space<vmem>>, vector<16xf32>,
        %parallel_loop3A_528 = tpu.vector_load_idx %arg7[%add3A_9, %parallel_loop3A_482] : memref<128x64xf32, #tpu.memory_space<vmem>>[vector<16xi32>, vector<16xi32>], vector<16xf32>,
        %parallel_loop3A_529 = arith.index_cast %parallel_loop3A_506 : i32 to index
        %parallel_loop3A_530 = arith.index_cast %parallel_loop3A_522 : i32 to index
        %parallel_loop3A_531 = arith.constant 16 : index
        %parallel_loop3A_532 = tpu.vector_load %arg15[%parallel_loop3A_529, %parallel_loop3A_530, %parallel_loop3A_531] {strides = array<i32>} : memref<8x8x128xf32, #tpu.memory_space<vmem>>, vector<16xf32>,
        tpu.vector_store %arg15[%parallel_loop3A_529, %parallel_loop3A_530, %parallel_loop3A_531], %parallel_loop3A_528 {strides = array<i32>} : memref<8x8x128xf32, #tpu.memory_space<vmem>>, vector<16xf32>,
        %parallel_loop3A_533 = tpu.vector_load_idx %arg7[%add3A_13, %parallel_loop3A_482] : memref<128x64xf32, #tpu.memory_space<vmem>>[vector<16xi32>, vector<16xi32>], vector<16xf32>,
        %parallel_loop3A_534 = arith.index_cast %parallel_loop3A_506 : i32 to index
        %parallel_loop3A_535 = arith.index_cast %parallel_loop3A_522 : i32 to index
        %parallel_loop3A_536 = arith.constant 32 : index
        %parallel_loop3A_537 = tpu.vector_load %arg15[%parallel_loop3A_534, %parallel_loop3A_535, %parallel_loop3A_536] {strides = array<i32>} : memref<8x8x128xf32, #tpu.memory_space<vmem>>, vector<16xf32>,
        tpu.vector_store %arg15[%parallel_loop3A_534, %parallel_loop3A_535, %parallel_loop3A_536], %parallel_loop3A_533 {strides = array<i32>} : memref<8x8x128xf32, #tpu.memory_space<vmem>>, vector<16xf32>,
        %parallel_loop3A_538 = tpu.vector_load_idx %arg7[%add3A_17, %parallel_loop3A_482] : memref<128x64xf32, #tpu.memory_space<vmem>>[vector<16xi32>, vector<16xi32>], vector<16xf32>,
        %parallel_loop3A_539 = arith.index_cast %parallel_loop3A_506 : i32 to index
        %parallel_loop3A_540 = arith.index_cast %parallel_loop3A_522 : i32 to index
        %parallel_loop3A_541 = arith.constant 48 : index
        %parallel_loop3A_542 = tpu.vector_load %arg15[%parallel_loop3A_539, %parallel_loop3A_540, %parallel_loop3A_541] {strides = array<i32>} : memref<8x8x128xf32, #tpu.memory_space<vmem>>, vector<16xf32>,
        tpu.vector_store %arg15[%parallel_loop3A_539, %parallel_loop3A_540, %parallel_loop3A_541], %parallel_loop3A_538 {strides = array<i32>} : memref<8x8x128xf32, #tpu.memory_space<vmem>>, vector<16xf32>,
        %parallel_loop3A_543 = tpu.vector_load_idx %arg7[%add3A_21, %parallel_loop3A_482] : memref<128x64xf32, #tpu.memory_space<vmem>>[vector<16xi32>, vector<16xi32>], vector<16xf32>,
        %parallel_loop3A_544 = arith.index_cast %parallel_loop3A_506 : i32 to index
        %parallel_loop3A_545 = arith.index_cast %parallel_loop3A_522 : i32 to index
        %parallel_loop3A_546 = arith.constant 64 : index
        %parallel_loop3A_547 = tpu.vector_load %arg15[%parallel_loop3A_544, %parallel_loop3A_545, %parallel_loop3A_546] {strides = array<i32>} : memref<8x8x128xf32, #tpu.memory_space<vmem>>, vector<16xf32>,
        tpu.vector_store %arg15[%parallel_loop3A_544, %parallel_loop3A_545, %parallel_loop3A_546], %parallel_loop3A_543 {strides = array<i32>} : memref<8x8x128xf32, #tpu.memory_space<vmem>>, vector<16xf32>,
        %parallel_loop3A_548 = tpu.vector_load_idx %arg7[%add3A_25, %parallel_loop3A_482] : memref<128x64xf32, #tpu.memory_space<vmem>>[vector<16xi32>, vector<16xi32>], vector<16xf32>,
        %parallel_loop3A_549 = arith.index_cast %parallel_loop3A_506 : i32 to index
        %parallel_loop3A_550 = arith.index_cast %parallel_loop3A_522 : i32 to index
        %parallel_loop3A_551 = arith.constant 80 : index
        %parallel_loop3A_552 = tpu.vector_load %arg15[%parallel_loop3A_549, %parallel_loop3A_550, %parallel_loop3A_551] {strides = array<i32>} : memref<8x8x128xf32, #tpu.memory_space<vmem>>, vector<16xf32>,
        tpu.vector_store %arg15[%parallel_loop3A_549, %parallel_loop3A_550, %parallel_loop3A_551], %parallel_loop3A_548 {strides = array<i32>} : memref<8x8x128xf32, #tpu.memory_space<vmem>>, vector<16xf32>,
        %parallel_loop3A_553 = tpu.vector_load_idx %arg7[%add3A_29, %parallel_loop3A_482] : memref<128x64xf32, #tpu.memory_space<vmem>>[vector<16xi32>, vector<16xi32>], vector<16xf32>,
        %parallel_loop3A_554 = arith.index_cast %parallel_loop3A_506 : i32 to index
        %parallel_loop3A_555 = arith.index_cast %parallel_loop3A_522 : i32 to index
        %parallel_loop3A_556 = arith.constant 96 : index
        %parallel_loop3A_557 = tpu.vector_load %arg15[%parallel_loop3A_554, %parallel_loop3A_555, %parallel_loop3A_556] {strides = array<i32>} : memref<8x8x128xf32, #tpu.memory_space<vmem>>, vector<16xf32>,
        tpu.vector_store %arg15[%parallel_loop3A_554, %parallel_loop3A_555, %parallel_loop3A_556], %parallel_loop3A_553 {strides = array<i32>} : memref<8x8x128xf32, #tpu.memory_space<vmem>>, vector<16xf32>,
        %parallel_loop3A_558 = tpu.vector_load_idx %arg7[%add3A_33, %parallel_loop3A_482] : memref<128x64xf32, #tpu.memory_space<vmem>>[vector<16xi32>, vector<16xi32>], vector<16xf32>,
        %parallel_loop3A_559 = arith.index_cast %parallel_loop3A_506 : i32 to index
        %parallel_loop3A_560 = arith.index_cast %parallel_loop3A_522 : i32 to index
        %parallel_loop3A_561 = arith.constant 112 : index
        %parallel_loop3A_562 = tpu.vector_load %arg15[%parallel_loop3A_559, %parallel_loop3A_560, %parallel_loop3A_561] {strides = array<i32>} : memref<8x8x128xf32, #tpu.memory_space<vmem>>, vector<16xf32>,
        tpu.vector_store %arg15[%parallel_loop3A_559, %parallel_loop3A_560, %parallel_loop3A_561], %parallel_loop3A_558 {strides = array<i32>} : memref<8x8x128xf32, #tpu.memory_space<vmem>>, vector<16xf32>,
      } {sc.loop_unroll_factor = 4 : i64, sc.parallel_access}
      %lt3A_204 = arith.constant 24 : i32
      %lt3A_205 = arith.cmpi slt, %scan3A_153, %lt3A_204 : i32
      %convert_element_type3A_206 = arith.extui %lt3A_205 : i1 to i32
      %cond3A_207 = arith.constant 0 : i32
      %cond3A_208 = arith.cmpi ne, %convert_element_type3A_206, %cond3A_207 : i32
      scf.if %cond3A_208 {
        %add3A_481 = arith.constant 1 : i32
        %add3A_482 = arith.addi %scan3A_153, %add3A_481 : i32
        %mul3A_483 = arith.constant 2 : i32
        %mul3A_484 = arith.muli %mul3A_483, %add3A_482 : i32
        %add3A_485 = arith.constant 0 : i32
        %add3A_486 = arith.addi %mul3A_484, %add3A_485 : i32
        %dma_start3A_487 = arith.constant 1 : i32
        %dma_start3A_488 = arith.constant 0 : i32
        %dma_start3A_489 = tpu.memref_slice %arg5[%add3A_486, %dma_start3A_487, %dma_start3A_488] : memref<50x4x128xi32, #tpu.memory_space<vmem>> -> memref<1x1x128xi32, #tpu.memory_space<vmem>>
        %dma_start3A_490 = tpu.memref_squeeze %dma_start3A_489 : memref<1x1x128xi32, #tpu.memory_space<vmem>> -> memref<128xi32, #tpu.memory_space<vmem>>
        %dma_start3A_491 = arith.constant 0 : i32
        %dma_start3A_492 = arith.constant 0 : i32
        %dma_start3A_493 = tpu.memref_slice %arg3[%dma_start3A_491, %dma_start3A_492] : memref<1000000x64xf32, #tpu.memory_space<hbm>> -> memref<1000000x64xf32, #tpu.memory_space<hbm>>
        tpu.enqueue_indirect_dma source(%dma_start3A_493 : memref<1000000x64xf32, #tpu.memory_space<hbm>>) target(%arg7 : memref<128x64xf32, #tpu.memory_space<vmem>>) offsets(%dma_start3A_490 : memref<128xi32, #tpu.memory_space<vmem>>) semaphore(%arg19 : memref<!tpu.dma_semaphore, #tpu.memory_space<semaphore_mem>>)
      } else {
      }
      %add3A_209 = arith.constant 1 : i32
      %add3A_210 = arith.addi %mul3A_2, %add3A_209 : i32
      %dma_start3A_211 = arith.constant 0 : i32
      %dma_start3A_212 = arith.constant 0 : i32
      %dma_start3A_213 = arith.constant 0 : i32
      %dma_start3A_214 = tpu.memref_slice %arg4[%add3A_188, %dma_start3A_211, %add3A_210, %dma_start3A_212, %dma_start3A_213] : memref<50x8x128x8x128xf32, #tpu.memory_space<hbm>> -> memref<1x8x1x8x128xf32, #tpu.memory_space<hbm>>
      %dma_start3A_215 = tpu.memref_squeeze %dma_start3A_214 : memref<1x8x1x8x128xf32, #tpu.memory_space<hbm>> -> memref<8x8x128xf32, #tpu.memory_space<hbm>>
      %dma_start3A_216 = arith.constant 0 : i32
      %dma_start3A_217 = arith.constant 0 : i32
      %dma_start3A_218 = arith.constant 0 : i32
      %dma_start3A_219 = tpu.memref_slice %arg4[%add3A_188, %dma_start3A_216, %add3A_210, %dma_start3A_217, %dma_start3A_218] : memref<50x8x128x8x128xf32, #tpu.memory_space<hbm>> -> memref<1x8x1x8x128xf32, #tpu.memory_space<hbm>>
      %dma_start3A_220 = tpu.memref_squeeze %dma_start3A_219 : memref<1x8x1x8x128xf32, #tpu.memory_space<hbm>> -> memref<8x8x128xf32, #tpu.memory_space<hbm>>
      tpu.enqueue_dma source(%arg15 : memref<8x8x128xf32, #tpu.memory_space<vmem>>) target(%dma_start3A_220 : memref<8x8x128xf32, #tpu.memory_space<hbm>>) target_semaphore(%arg27 : memref<!tpu.dma_semaphore, #tpu.memory_space<semaphore_mem>>)
      %mul3A_221 = arith.constant 2 : i32
      %mul3A_222 = arith.muli %mul3A_221, %scan3A_153 : i32
      %add3A_223 = arith.constant 0 : i32
      %add3A_224 = arith.addi %mul3A_222, %add3A_223 : i32
      %dma_wait3A_225 = arith.constant 2 : i32
      %dma_wait3A_226 = arith.constant 0 : i32
      %dma_wait3A_227 = tpu.memref_slice %arg5[%add3A_224, %dma_wait3A_225, %dma_wait3A_226] : memref<50x4x128xi32, #tpu.memory_space<vmem>> -> memref<1x1x128xi32, #tpu.memory_space<vmem>>
      %dma_wait3A_228 = tpu.memref_squeeze %dma_wait3A_227 : memref<1x1x128xi32, #tpu.memory_space<vmem>> -> memref<128xi32, #tpu.memory_space<vmem>>
      %dma_wait3A_229 = arith.constant 0 : i32
      %dma_wait3A_230 = arith.constant 0 : i32
      %dma_wait3A_231 = tpu.memref_slice %arg3[%dma_wait3A_229, %dma_wait3A_230] : memref<1000000x64xf32, #tpu.memory_space<hbm>> -> memref<1000000x64xf32, #tpu.memory_space<hbm>>
      tpu.wait_indirect_dma semaphore(%arg20 : memref<!tpu.dma_semaphore, #tpu.memory_space<semaphore_mem>>) src(%dma_wait3A_231 : memref<1000000x64xf32, #tpu.memory_space<hbm>>) dst(%arg8 : memref<128x64xf32, #tpu.memory_space<vmem>>)
      %gt3A_232 = arith.constant 0 : i32
      %gt3A_233 = arith.cmpi sgt, %scan3A_153, %gt3A_232 : i32
      %convert_element_type3A_234 = arith.extui %gt3A_233 : i1 to i32
      %cond3A_235 = arith.constant 0 : i32
      %cond3A_236 = arith.cmpi ne, %convert_element_type3A_234, %cond3A_235 : i32
      scf.if %cond3A_236 {
        %sub3A = arith.constant 1 : i32
        %sub3A_481 = arith.subi %scan3A_153, %sub3A : i32
        %mul3A_482 = arith.constant 2 : i32
        %mul3A_483 = arith.muli %mul3A_482, %sub3A_481 : i32
        %add3A_484 = arith.constant 1 : i32
        %add3A_485 = arith.addi %mul3A_483, %add3A_484 : i32
        %add3A_486 = arith.constant 2 : i32
        %add3A_487 = arith.addi %mul3A_2, %add3A_486 : i32
        %dma_wait3A_488 = arith.constant 0 : i32
        %dma_wait3A_489 = arith.constant 0 : i32
        %dma_wait3A_490 = arith.constant 0 : i32
        %dma_wait3A_491 = tpu.memref_slice %arg4[%add3A_485, %dma_wait3A_488, %add3A_487, %dma_wait3A_489, %dma_wait3A_490] : memref<50x8x128x8x128xf32, #tpu.memory_space<hbm>> -> memref<1x8x1x8x128xf32, #tpu.memory_space<hbm>>
        %dma_wait3A_492 = tpu.memref_squeeze %dma_wait3A_491 : memref<1x8x1x8x128xf32, #tpu.memory_space<hbm>> -> memref<8x8x128xf32, #tpu.memory_space<hbm>>
        %dma_wait3A_493 = arith.constant 0 : i32
        %dma_wait3A_494 = arith.constant 0 : i32
        %dma_wait3A_495 = arith.constant 0 : i32
        %dma_wait3A_496 = tpu.memref_slice %arg4[%add3A_485, %dma_wait3A_493, %add3A_487, %dma_wait3A_494, %dma_wait3A_495] : memref<50x8x128x8x128xf32, #tpu.memory_space<hbm>> -> memref<1x8x1x8x128xf32, #tpu.memory_space<hbm>>
        %dma_wait3A_497 = tpu.memref_squeeze %dma_wait3A_496 : memref<1x8x1x8x128xf32, #tpu.memory_space<hbm>> -> memref<8x8x128xf32, #tpu.memory_space<hbm>>
        tpu.wait_dma2 semaphore(%arg28 : memref<!tpu.dma_semaphore, #tpu.memory_space<semaphore_mem>>) src(%arg16 : memref<8x8x128xf32, #tpu.memory_space<vmem>>) dst(%dma_wait3A_497 : memref<8x8x128xf32, #tpu.memory_space<hbm>>)
      } else {
      }
      %parallel_loop3A_237 = arith.constant 0 : i32
      %parallel_loop3A_238 = arith.constant 64 : i32
      %parallel_loop3A_239 = arith.constant 1 : i32
      scf.for %parallel_loop3A_481 = %parallel_loop3A_237 to %parallel_loop3A_238 step %parallel_loop3A_239  : i32 {
        %parallel_loop3A_482 = vector.broadcast %parallel_loop3A_481 : i32 to vector<16xi32>
        %parallel_loop3A_483 = arith.constant 8 : i32
        %parallel_loop3A_484 = arith.divsi %parallel_loop3A_481, %parallel_loop3A_483 : i32
        %parallel_loop3A_485 = arith.constant 0 : i32
        %parallel_loop3A_486 = arith.cmpi sgt, %parallel_loop3A_481, %parallel_loop3A_485 : i32
        %parallel_loop3A_487 = arith.extui %parallel_loop3A_486 : i1 to i32
        %parallel_loop3A_488 = arith.constant 0 : i32
        %parallel_loop3A_489 = arith.cmpi slt, %parallel_loop3A_481, %parallel_loop3A_488 : i32
        %parallel_loop3A_490 = arith.extui %parallel_loop3A_489 : i1 to i32
        %parallel_loop3A_491 = arith.subi %parallel_loop3A_487, %parallel_loop3A_490 : i32
        %parallel_loop3A_492 = arith.constant 0 : i32
        %parallel_loop3A_493 = arith.cmpi sgt, %parallel_loop3A_483, %parallel_loop3A_492 : i32
        %parallel_loop3A_494 = arith.extui %parallel_loop3A_493 : i1 to i32
        %parallel_loop3A_495 = arith.constant 0 : i32
        %parallel_loop3A_496 = arith.cmpi slt, %parallel_loop3A_483, %parallel_loop3A_495 : i32
        %parallel_loop3A_497 = arith.extui %parallel_loop3A_496 : i1 to i32
        %parallel_loop3A_498 = arith.subi %parallel_loop3A_494, %parallel_loop3A_497 : i32
        %parallel_loop3A_499 = arith.cmpi ne, %parallel_loop3A_491, %parallel_loop3A_498 : i32
        %parallel_loop3A_500 = arith.remsi %parallel_loop3A_481, %parallel_loop3A_483 : i32
        %parallel_loop3A_501 = arith.constant 0 : i32
        %parallel_loop3A_502 = arith.cmpi ne, %parallel_loop3A_500, %parallel_loop3A_501 : i32
        %parallel_loop3A_503 = arith.andi %parallel_loop3A_499, %parallel_loop3A_502 : i1
        %parallel_loop3A_504 = arith.constant 1 : i32
        %parallel_loop3A_505 = arith.subi %parallel_loop3A_484, %parallel_loop3A_504 : i32
        %parallel_loop3A_506 = arith.select %parallel_loop3A_503, %parallel_loop3A_505, %parallel_loop3A_484 : i32
        %parallel_loop3A_507 = arith.constant 8 : i32
        %parallel_loop3A_508 = arith.constant 0 : i32
        %parallel_loop3A_509 = arith.cmpi eq, %parallel_loop3A_507, %parallel_loop3A_508 : i32
        %parallel_loop3A_510 = arith.constant 1 : i32
        %parallel_loop3A_511 = arith.select %parallel_loop3A_509, %parallel_loop3A_510, %parallel_loop3A_507 : i32
        %parallel_loop3A_512 = arith.remsi %parallel_loop3A_481, %parallel_loop3A_511 : i32
        %parallel_loop3A_513 = arith.constant 0 : i32
        %parallel_loop3A_514 = arith.cmpi ne, %parallel_loop3A_512, %parallel_loop3A_513 : i32
        %parallel_loop3A_515 = arith.constant 0 : i32
        %parallel_loop3A_516 = arith.cmpi slt, %parallel_loop3A_512, %parallel_loop3A_515 : i32
        %parallel_loop3A_517 = arith.constant 0 : i32
        %parallel_loop3A_518 = arith.cmpi slt, %parallel_loop3A_511, %parallel_loop3A_517 : i32
        %parallel_loop3A_519 = arith.xori %parallel_loop3A_516, %parallel_loop3A_518 : i1
        %parallel_loop3A_520 = arith.andi %parallel_loop3A_519, %parallel_loop3A_514 : i1
        %parallel_loop3A_521 = arith.addi %parallel_loop3A_512, %parallel_loop3A_511 : i32
        %parallel_loop3A_522 = arith.select %parallel_loop3A_520, %parallel_loop3A_521, %parallel_loop3A_512 : i32
        %parallel_loop3A_523 = tpu.vector_load_idx %arg8[%add3A_5, %parallel_loop3A_482] : memref<128x64xf32, #tpu.memory_space<vmem>>[vector<16xi32>, vector<16xi32>], vector<16xf32>,
        %parallel_loop3A_524 = arith.index_cast %parallel_loop3A_506 : i32 to index
        %parallel_loop3A_525 = arith.index_cast %parallel_loop3A_522 : i32 to index
        %parallel_loop3A_526 = arith.constant 0 : index
        %parallel_loop3A_527 = tpu.vector_load %arg16[%parallel_loop3A_524, %parallel_loop3A_525, %parallel_loop3A_526] {strides = array<i32>} : memref<8x8x128xf32, #tpu.memory_space<vmem>>, vector<16xf32>,
        tpu.vector_store %arg16[%parallel_loop3A_524, %parallel_loop3A_525, %parallel_loop3A_526], %parallel_loop3A_523 {strides = array<i32>} : memref<8x8x128xf32, #tpu.memory_space<vmem>>, vector<16xf32>,
        %parallel_loop3A_528 = tpu.vector_load_idx %arg8[%add3A_9, %parallel_loop3A_482] : memref<128x64xf32, #tpu.memory_space<vmem>>[vector<16xi32>, vector<16xi32>], vector<16xf32>,
        %parallel_loop3A_529 = arith.index_cast %parallel_loop3A_506 : i32 to index
        %parallel_loop3A_530 = arith.index_cast %parallel_loop3A_522 : i32 to index
        %parallel_loop3A_531 = arith.constant 16 : index
        %parallel_loop3A_532 = tpu.vector_load %arg16[%parallel_loop3A_529, %parallel_loop3A_530, %parallel_loop3A_531] {strides = array<i32>} : memref<8x8x128xf32, #tpu.memory_space<vmem>>, vector<16xf32>,
        tpu.vector_store %arg16[%parallel_loop3A_529, %parallel_loop3A_530, %parallel_loop3A_531], %parallel_loop3A_528 {strides = array<i32>} : memref<8x8x128xf32, #tpu.memory_space<vmem>>, vector<16xf32>,
        %parallel_loop3A_533 = tpu.vector_load_idx %arg8[%add3A_13, %parallel_loop3A_482] : memref<128x64xf32, #tpu.memory_space<vmem>>[vector<16xi32>, vector<16xi32>], vector<16xf32>,
        %parallel_loop3A_534 = arith.index_cast %parallel_loop3A_506 : i32 to index
        %parallel_loop3A_535 = arith.index_cast %parallel_loop3A_522 : i32 to index
        %parallel_loop3A_536 = arith.constant 32 : index
        %parallel_loop3A_537 = tpu.vector_load %arg16[%parallel_loop3A_534, %parallel_loop3A_535, %parallel_loop3A_536] {strides = array<i32>} : memref<8x8x128xf32, #tpu.memory_space<vmem>>, vector<16xf32>,
        tpu.vector_store %arg16[%parallel_loop3A_534, %parallel_loop3A_535, %parallel_loop3A_536], %parallel_loop3A_533 {strides = array<i32>} : memref<8x8x128xf32, #tpu.memory_space<vmem>>, vector<16xf32>,
        %parallel_loop3A_538 = tpu.vector_load_idx %arg8[%add3A_17, %parallel_loop3A_482] : memref<128x64xf32, #tpu.memory_space<vmem>>[vector<16xi32>, vector<16xi32>], vector<16xf32>,
        %parallel_loop3A_539 = arith.index_cast %parallel_loop3A_506 : i32 to index
        %parallel_loop3A_540 = arith.index_cast %parallel_loop3A_522 : i32 to index
        %parallel_loop3A_541 = arith.constant 48 : index
        %parallel_loop3A_542 = tpu.vector_load %arg16[%parallel_loop3A_539, %parallel_loop3A_540, %parallel_loop3A_541] {strides = array<i32>} : memref<8x8x128xf32, #tpu.memory_space<vmem>>, vector<16xf32>,
        tpu.vector_store %arg16[%parallel_loop3A_539, %parallel_loop3A_540, %parallel_loop3A_541], %parallel_loop3A_538 {strides = array<i32>} : memref<8x8x128xf32, #tpu.memory_space<vmem>>, vector<16xf32>,
        %parallel_loop3A_543 = tpu.vector_load_idx %arg8[%add3A_21, %parallel_loop3A_482] : memref<128x64xf32, #tpu.memory_space<vmem>>[vector<16xi32>, vector<16xi32>], vector<16xf32>,
        %parallel_loop3A_544 = arith.index_cast %parallel_loop3A_506 : i32 to index
        %parallel_loop3A_545 = arith.index_cast %parallel_loop3A_522 : i32 to index
        %parallel_loop3A_546 = arith.constant 64 : index
        %parallel_loop3A_547 = tpu.vector_load %arg16[%parallel_loop3A_544, %parallel_loop3A_545, %parallel_loop3A_546] {strides = array<i32>} : memref<8x8x128xf32, #tpu.memory_space<vmem>>, vector<16xf32>,
        tpu.vector_store %arg16[%parallel_loop3A_544, %parallel_loop3A_545, %parallel_loop3A_546], %parallel_loop3A_543 {strides = array<i32>} : memref<8x8x128xf32, #tpu.memory_space<vmem>>, vector<16xf32>,
        %parallel_loop3A_548 = tpu.vector_load_idx %arg8[%add3A_25, %parallel_loop3A_482] : memref<128x64xf32, #tpu.memory_space<vmem>>[vector<16xi32>, vector<16xi32>], vector<16xf32>,
        %parallel_loop3A_549 = arith.index_cast %parallel_loop3A_506 : i32 to index
        %parallel_loop3A_550 = arith.index_cast %parallel_loop3A_522 : i32 to index
        %parallel_loop3A_551 = arith.constant 80 : index
        %parallel_loop3A_552 = tpu.vector_load %arg16[%parallel_loop3A_549, %parallel_loop3A_550, %parallel_loop3A_551] {strides = array<i32>} : memref<8x8x128xf32, #tpu.memory_space<vmem>>, vector<16xf32>,
        tpu.vector_store %arg16[%parallel_loop3A_549, %parallel_loop3A_550, %parallel_loop3A_551], %parallel_loop3A_548 {strides = array<i32>} : memref<8x8x128xf32, #tpu.memory_space<vmem>>, vector<16xf32>,
        %parallel_loop3A_553 = tpu.vector_load_idx %arg8[%add3A_29, %parallel_loop3A_482] : memref<128x64xf32, #tpu.memory_space<vmem>>[vector<16xi32>, vector<16xi32>], vector<16xf32>,
        %parallel_loop3A_554 = arith.index_cast %parallel_loop3A_506 : i32 to index
        %parallel_loop3A_555 = arith.index_cast %parallel_loop3A_522 : i32 to index
        %parallel_loop3A_556 = arith.constant 96 : index
        %parallel_loop3A_557 = tpu.vector_load %arg16[%parallel_loop3A_554, %parallel_loop3A_555, %parallel_loop3A_556] {strides = array<i32>} : memref<8x8x128xf32, #tpu.memory_space<vmem>>, vector<16xf32>,
        tpu.vector_store %arg16[%parallel_loop3A_554, %parallel_loop3A_555, %parallel_loop3A_556], %parallel_loop3A_553 {strides = array<i32>} : memref<8x8x128xf32, #tpu.memory_space<vmem>>, vector<16xf32>,
        %parallel_loop3A_558 = tpu.vector_load_idx %arg8[%add3A_33, %parallel_loop3A_482] : memref<128x64xf32, #tpu.memory_space<vmem>>[vector<16xi32>, vector<16xi32>], vector<16xf32>,
        %parallel_loop3A_559 = arith.index_cast %parallel_loop3A_506 : i32 to index
        %parallel_loop3A_560 = arith.index_cast %parallel_loop3A_522 : i32 to index
        %parallel_loop3A_561 = arith.constant 112 : index
        %parallel_loop3A_562 = tpu.vector_load %arg16[%parallel_loop3A_559, %parallel_loop3A_560, %parallel_loop3A_561] {strides = array<i32>} : memref<8x8x128xf32, #tpu.memory_space<vmem>>, vector<16xf32>,
        tpu.vector_store %arg16[%parallel_loop3A_559, %parallel_loop3A_560, %parallel_loop3A_561], %parallel_loop3A_558 {strides = array<i32>} : memref<8x8x128xf32, #tpu.memory_space<vmem>>, vector<16xf32>,
      } {sc.loop_unroll_factor = 4 : i64, sc.parallel_access}
      %lt3A_240 = arith.constant 24 : i32
      %lt3A_241 = arith.cmpi slt, %scan3A_153, %lt3A_240 : i32
      %convert_element_type3A_242 = arith.extui %lt3A_241 : i1 to i32
      %cond3A_243 = arith.constant 0 : i32
      %cond3A_244 = arith.cmpi ne, %convert_element_type3A_242, %cond3A_243 : i32
      scf.if %cond3A_244 {
        %add3A_481 = arith.constant 1 : i32
        %add3A_482 = arith.addi %scan3A_153, %add3A_481 : i32
        %mul3A_483 = arith.constant 2 : i32
        %mul3A_484 = arith.muli %mul3A_483, %add3A_482 : i32
        %add3A_485 = arith.constant 0 : i32
        %add3A_486 = arith.addi %mul3A_484, %add3A_485 : i32
        %dma_start3A_487 = arith.constant 2 : i32
        %dma_start3A_488 = arith.constant 0 : i32
        %dma_start3A_489 = tpu.memref_slice %arg5[%add3A_486, %dma_start3A_487, %dma_start3A_488] : memref<50x4x128xi32, #tpu.memory_space<vmem>> -> memref<1x1x128xi32, #tpu.memory_space<vmem>>
        %dma_start3A_490 = tpu.memref_squeeze %dma_start3A_489 : memref<1x1x128xi32, #tpu.memory_space<vmem>> -> memref<128xi32, #tpu.memory_space<vmem>>
        %dma_start3A_491 = arith.constant 0 : i32
        %dma_start3A_492 = arith.constant 0 : i32
        %dma_start3A_493 = tpu.memref_slice %arg3[%dma_start3A_491, %dma_start3A_492] : memref<1000000x64xf32, #tpu.memory_space<hbm>> -> memref<1000000x64xf32, #tpu.memory_space<hbm>>
        tpu.enqueue_indirect_dma source(%dma_start3A_493 : memref<1000000x64xf32, #tpu.memory_space<hbm>>) target(%arg8 : memref<128x64xf32, #tpu.memory_space<vmem>>) offsets(%dma_start3A_490 : memref<128xi32, #tpu.memory_space<vmem>>) semaphore(%arg20 : memref<!tpu.dma_semaphore, #tpu.memory_space<semaphore_mem>>)
      } else {
      }
      %add3A_245 = arith.constant 2 : i32
      %add3A_246 = arith.addi %mul3A_2, %add3A_245 : i32
      %dma_start3A_247 = arith.constant 0 : i32
      %dma_start3A_248 = arith.constant 0 : i32
      %dma_start3A_249 = arith.constant 0 : i32
      %dma_start3A_250 = tpu.memref_slice %arg4[%add3A_224, %dma_start3A_247, %add3A_246, %dma_start3A_248, %dma_start3A_249] : memref<50x8x128x8x128xf32, #tpu.memory_space<hbm>> -> memref<1x8x1x8x128xf32, #tpu.memory_space<hbm>>
      %dma_start3A_251 = tpu.memref_squeeze %dma_start3A_250 : memref<1x8x1x8x128xf32, #tpu.memory_space<hbm>> -> memref<8x8x128xf32, #tpu.memory_space<hbm>>
      %dma_start3A_252 = arith.constant 0 : i32
      %dma_start3A_253 = arith.constant 0 : i32
      %dma_start3A_254 = arith.constant 0 : i32
      %dma_start3A_255 = tpu.memref_slice %arg4[%add3A_224, %dma_start3A_252, %add3A_246, %dma_start3A_253, %dma_start3A_254] : memref<50x8x128x8x128xf32, #tpu.memory_space<hbm>> -> memref<1x8x1x8x128xf32, #tpu.memory_space<hbm>>
      %dma_start3A_256 = tpu.memref_squeeze %dma_start3A_255 : memref<1x8x1x8x128xf32, #tpu.memory_space<hbm>> -> memref<8x8x128xf32, #tpu.memory_space<hbm>>
      tpu.enqueue_dma source(%arg16 : memref<8x8x128xf32, #tpu.memory_space<vmem>>) target(%dma_start3A_256 : memref<8x8x128xf32, #tpu.memory_space<hbm>>) target_semaphore(%arg28 : memref<!tpu.dma_semaphore, #tpu.memory_space<semaphore_mem>>)
      %mul3A_257 = arith.constant 2 : i32
      %mul3A_258 = arith.muli %mul3A_257, %scan3A_153 : i32
      %add3A_259 = arith.constant 0 : i32
      %add3A_260 = arith.addi %mul3A_258, %add3A_259 : i32
      %dma_wait3A_261 = arith.constant 3 : i32
      %dma_wait3A_262 = arith.constant 0 : i32
      %dma_wait3A_263 = tpu.memref_slice %arg5[%add3A_260, %dma_wait3A_261, %dma_wait3A_262] : memref<50x4x128xi32, #tpu.memory_space<vmem>> -> memref<1x1x128xi32, #tpu.memory_space<vmem>>
      %dma_wait3A_264 = tpu.memref_squeeze %dma_wait3A_263 : memref<1x1x128xi32, #tpu.memory_space<vmem>> -> memref<128xi32, #tpu.memory_space<vmem>>
      %dma_wait3A_265 = arith.constant 0 : i32
      %dma_wait3A_266 = arith.constant 0 : i32
      %dma_wait3A_267 = tpu.memref_slice %arg3[%dma_wait3A_265, %dma_wait3A_266] : memref<1000000x64xf32, #tpu.memory_space<hbm>> -> memref<1000000x64xf32, #tpu.memory_space<hbm>>
      tpu.wait_indirect_dma semaphore(%arg21 : memref<!tpu.dma_semaphore, #tpu.memory_space<semaphore_mem>>) src(%dma_wait3A_267 : memref<1000000x64xf32, #tpu.memory_space<hbm>>) dst(%arg9 : memref<128x64xf32, #tpu.memory_space<vmem>>)
      %gt3A_268 = arith.constant 0 : i32
      %gt3A_269 = arith.cmpi sgt, %scan3A_153, %gt3A_268 : i32
      %convert_element_type3A_270 = arith.extui %gt3A_269 : i1 to i32
      %cond3A_271 = arith.constant 0 : i32
      %cond3A_272 = arith.cmpi ne, %convert_element_type3A_270, %cond3A_271 : i32
      scf.if %cond3A_272 {
        %sub3A = arith.constant 1 : i32
        %sub3A_481 = arith.subi %scan3A_153, %sub3A : i32
        %mul3A_482 = arith.constant 2 : i32
        %mul3A_483 = arith.muli %mul3A_482, %sub3A_481 : i32
        %add3A_484 = arith.constant 1 : i32
        %add3A_485 = arith.addi %mul3A_483, %add3A_484 : i32
        %add3A_486 = arith.constant 3 : i32
        %add3A_487 = arith.addi %mul3A_2, %add3A_486 : i32
        %dma_wait3A_488 = arith.constant 0 : i32
        %dma_wait3A_489 = arith.constant 0 : i32
        %dma_wait3A_490 = arith.constant 0 : i32
        %dma_wait3A_491 = tpu.memref_slice %arg4[%add3A_485, %dma_wait3A_488, %add3A_487, %dma_wait3A_489, %dma_wait3A_490] : memref<50x8x128x8x128xf32, #tpu.memory_space<hbm>> -> memref<1x8x1x8x128xf32, #tpu.memory_space<hbm>>
        %dma_wait3A_492 = tpu.memref_squeeze %dma_wait3A_491 : memref<1x8x1x8x128xf32, #tpu.memory_space<hbm>> -> memref<8x8x128xf32, #tpu.memory_space<hbm>>
        %dma_wait3A_493 = arith.constant 0 : i32
        %dma_wait3A_494 = arith.constant 0 : i32
        %dma_wait3A_495 = arith.constant 0 : i32
        %dma_wait3A_496 = tpu.memref_slice %arg4[%add3A_485, %dma_wait3A_493, %add3A_487, %dma_wait3A_494, %dma_wait3A_495] : memref<50x8x128x8x128xf32, #tpu.memory_space<hbm>> -> memref<1x8x1x8x128xf32, #tpu.memory_space<hbm>>
        %dma_wait3A_497 = tpu.memref_squeeze %dma_wait3A_496 : memref<1x8x1x8x128xf32, #tpu.memory_space<hbm>> -> memref<8x8x128xf32, #tpu.memory_space<hbm>>
        tpu.wait_dma2 semaphore(%arg29 : memref<!tpu.dma_semaphore, #tpu.memory_space<semaphore_mem>>) src(%arg17 : memref<8x8x128xf32, #tpu.memory_space<vmem>>) dst(%dma_wait3A_497 : memref<8x8x128xf32, #tpu.memory_space<hbm>>)
      } else {
      }
      %parallel_loop3A_273 = arith.constant 0 : i32
      %parallel_loop3A_274 = arith.constant 64 : i32
      %parallel_loop3A_275 = arith.constant 1 : i32
      scf.for %parallel_loop3A_481 = %parallel_loop3A_273 to %parallel_loop3A_274 step %parallel_loop3A_275  : i32 {
        %parallel_loop3A_482 = vector.broadcast %parallel_loop3A_481 : i32 to vector<16xi32>
        %parallel_loop3A_483 = arith.constant 8 : i32
        %parallel_loop3A_484 = arith.divsi %parallel_loop3A_481, %parallel_loop3A_483 : i32
        %parallel_loop3A_485 = arith.constant 0 : i32
        %parallel_loop3A_486 = arith.cmpi sgt, %parallel_loop3A_481, %parallel_loop3A_485 : i32
        %parallel_loop3A_487 = arith.extui %parallel_loop3A_486 : i1 to i32
        %parallel_loop3A_488 = arith.constant 0 : i32
        %parallel_loop3A_489 = arith.cmpi slt, %parallel_loop3A_481, %parallel_loop3A_488 : i32
        %parallel_loop3A_490 = arith.extui %parallel_loop3A_489 : i1 to i32
        %parallel_loop3A_491 = arith.subi %parallel_loop3A_487, %parallel_loop3A_490 : i32
        %parallel_loop3A_492 = arith.constant 0 : i32
        %parallel_loop3A_493 = arith.cmpi sgt, %parallel_loop3A_483, %parallel_loop3A_492 : i32
        %parallel_loop3A_494 = arith.extui %parallel_loop3A_493 : i1 to i32
        %parallel_loop3A_495 = arith.constant 0 : i32
        %parallel_loop3A_496 = arith.cmpi slt, %parallel_loop3A_483, %parallel_loop3A_495 : i32
        %parallel_loop3A_497 = arith.extui %parallel_loop3A_496 : i1 to i32
        %parallel_loop3A_498 = arith.subi %parallel_loop3A_494, %parallel_loop3A_497 : i32
        %parallel_loop3A_499 = arith.cmpi ne, %parallel_loop3A_491, %parallel_loop3A_498 : i32
        %parallel_loop3A_500 = arith.remsi %parallel_loop3A_481, %parallel_loop3A_483 : i32
        %parallel_loop3A_501 = arith.constant 0 : i32
        %parallel_loop3A_502 = arith.cmpi ne, %parallel_loop3A_500, %parallel_loop3A_501 : i32
        %parallel_loop3A_503 = arith.andi %parallel_loop3A_499, %parallel_loop3A_502 : i1
        %parallel_loop3A_504 = arith.constant 1 : i32
        %parallel_loop3A_505 = arith.subi %parallel_loop3A_484, %parallel_loop3A_504 : i32
        %parallel_loop3A_506 = arith.select %parallel_loop3A_503, %parallel_loop3A_505, %parallel_loop3A_484 : i32
        %parallel_loop3A_507 = arith.constant 8 : i32
        %parallel_loop3A_508 = arith.constant 0 : i32
        %parallel_loop3A_509 = arith.cmpi eq, %parallel_loop3A_507, %parallel_loop3A_508 : i32
        %parallel_loop3A_510 = arith.constant 1 : i32
        %parallel_loop3A_511 = arith.select %parallel_loop3A_509, %parallel_loop3A_510, %parallel_loop3A_507 : i32
        %parallel_loop3A_512 = arith.remsi %parallel_loop3A_481, %parallel_loop3A_511 : i32
        %parallel_loop3A_513 = arith.constant 0 : i32
        %parallel_loop3A_514 = arith.cmpi ne, %parallel_loop3A_512, %parallel_loop3A_513 : i32
        %parallel_loop3A_515 = arith.constant 0 : i32
        %parallel_loop3A_516 = arith.cmpi slt, %parallel_loop3A_512, %parallel_loop3A_515 : i32
        %parallel_loop3A_517 = arith.constant 0 : i32
        %parallel_loop3A_518 = arith.cmpi slt, %parallel_loop3A_511, %parallel_loop3A_517 : i32
        %parallel_loop3A_519 = arith.xori %parallel_loop3A_516, %parallel_loop3A_518 : i1
        %parallel_loop3A_520 = arith.andi %parallel_loop3A_519, %parallel_loop3A_514 : i1
        %parallel_loop3A_521 = arith.addi %parallel_loop3A_512, %parallel_loop3A_511 : i32
        %parallel_loop3A_522 = arith.select %parallel_loop3A_520, %parallel_loop3A_521, %parallel_loop3A_512 : i32
        %parallel_loop3A_523 = tpu.vector_load_idx %arg9[%add3A_5, %parallel_loop3A_482] : memref<128x64xf32, #tpu.memory_space<vmem>>[vector<16xi32>, vector<16xi32>], vector<16xf32>,
        %parallel_loop3A_524 = arith.index_cast %parallel_loop3A_506 : i32 to index
        %parallel_loop3A_525 = arith.index_cast %parallel_loop3A_522 : i32 to index
        %parallel_loop3A_526 = arith.constant 0 : index
        %parallel_loop3A_527 = tpu.vector_load %arg17[%parallel_loop3A_524, %parallel_loop3A_525, %parallel_loop3A_526] {strides = array<i32>} : memref<8x8x128xf32, #tpu.memory_space<vmem>>, vector<16xf32>,
        tpu.vector_store %arg17[%parallel_loop3A_524, %parallel_loop3A_525, %parallel_loop3A_526], %parallel_loop3A_523 {strides = array<i32>} : memref<8x8x128xf32, #tpu.memory_space<vmem>>, vector<16xf32>,
        %parallel_loop3A_528 = tpu.vector_load_idx %arg9[%add3A_9, %parallel_loop3A_482] : memref<128x64xf32, #tpu.memory_space<vmem>>[vector<16xi32>, vector<16xi32>], vector<16xf32>,
        %parallel_loop3A_529 = arith.index_cast %parallel_loop3A_506 : i32 to index
        %parallel_loop3A_530 = arith.index_cast %parallel_loop3A_522 : i32 to index
        %parallel_loop3A_531 = arith.constant 16 : index
        %parallel_loop3A_532 = tpu.vector_load %arg17[%parallel_loop3A_529, %parallel_loop3A_530, %parallel_loop3A_531] {strides = array<i32>} : memref<8x8x128xf32, #tpu.memory_space<vmem>>, vector<16xf32>,
        tpu.vector_store %arg17[%parallel_loop3A_529, %parallel_loop3A_530, %parallel_loop3A_531], %parallel_loop3A_528 {strides = array<i32>} : memref<8x8x128xf32, #tpu.memory_space<vmem>>, vector<16xf32>,
        %parallel_loop3A_533 = tpu.vector_load_idx %arg9[%add3A_13, %parallel_loop3A_482] : memref<128x64xf32, #tpu.memory_space<vmem>>[vector<16xi32>, vector<16xi32>], vector<16xf32>,
        %parallel_loop3A_534 = arith.index_cast %parallel_loop3A_506 : i32 to index
        %parallel_loop3A_535 = arith.index_cast %parallel_loop3A_522 : i32 to index
        %parallel_loop3A_536 = arith.constant 32 : index
        %parallel_loop3A_537 = tpu.vector_load %arg17[%parallel_loop3A_534, %parallel_loop3A_535, %parallel_loop3A_536] {strides = array<i32>} : memref<8x8x128xf32, #tpu.memory_space<vmem>>, vector<16xf32>,
        tpu.vector_store %arg17[%parallel_loop3A_534, %parallel_loop3A_535, %parallel_loop3A_536], %parallel_loop3A_533 {strides = array<i32>} : memref<8x8x128xf32, #tpu.memory_space<vmem>>, vector<16xf32>,
        %parallel_loop3A_538 = tpu.vector_load_idx %arg9[%add3A_17, %parallel_loop3A_482] : memref<128x64xf32, #tpu.memory_space<vmem>>[vector<16xi32>, vector<16xi32>], vector<16xf32>,
        %parallel_loop3A_539 = arith.index_cast %parallel_loop3A_506 : i32 to index
        %parallel_loop3A_540 = arith.index_cast %parallel_loop3A_522 : i32 to index
        %parallel_loop3A_541 = arith.constant 48 : index
        %parallel_loop3A_542 = tpu.vector_load %arg17[%parallel_loop3A_539, %parallel_loop3A_540, %parallel_loop3A_541] {strides = array<i32>} : memref<8x8x128xf32, #tpu.memory_space<vmem>>, vector<16xf32>,
        tpu.vector_store %arg17[%parallel_loop3A_539, %parallel_loop3A_540, %parallel_loop3A_541], %parallel_loop3A_538 {strides = array<i32>} : memref<8x8x128xf32, #tpu.memory_space<vmem>>, vector<16xf32>,
        %parallel_loop3A_543 = tpu.vector_load_idx %arg9[%add3A_21, %parallel_loop3A_482] : memref<128x64xf32, #tpu.memory_space<vmem>>[vector<16xi32>, vector<16xi32>], vector<16xf32>,
        %parallel_loop3A_544 = arith.index_cast %parallel_loop3A_506 : i32 to index
        %parallel_loop3A_545 = arith.index_cast %parallel_loop3A_522 : i32 to index
        %parallel_loop3A_546 = arith.constant 64 : index
        %parallel_loop3A_547 = tpu.vector_load %arg17[%parallel_loop3A_544, %parallel_loop3A_545, %parallel_loop3A_546] {strides = array<i32>} : memref<8x8x128xf32, #tpu.memory_space<vmem>>, vector<16xf32>,
        tpu.vector_store %arg17[%parallel_loop3A_544, %parallel_loop3A_545, %parallel_loop3A_546], %parallel_loop3A_543 {strides = array<i32>} : memref<8x8x128xf32, #tpu.memory_space<vmem>>, vector<16xf32>,
        %parallel_loop3A_548 = tpu.vector_load_idx %arg9[%add3A_25, %parallel_loop3A_482] : memref<128x64xf32, #tpu.memory_space<vmem>>[vector<16xi32>, vector<16xi32>], vector<16xf32>,
        %parallel_loop3A_549 = arith.index_cast %parallel_loop3A_506 : i32 to index
        %parallel_loop3A_550 = arith.index_cast %parallel_loop3A_522 : i32 to index
        %parallel_loop3A_551 = arith.constant 80 : index
        %parallel_loop3A_552 = tpu.vector_load %arg17[%parallel_loop3A_549, %parallel_loop3A_550, %parallel_loop3A_551] {strides = array<i32>} : memref<8x8x128xf32, #tpu.memory_space<vmem>>, vector<16xf32>,
        tpu.vector_store %arg17[%parallel_loop3A_549, %parallel_loop3A_550, %parallel_loop3A_551], %parallel_loop3A_548 {strides = array<i32>} : memref<8x8x128xf32, #tpu.memory_space<vmem>>, vector<16xf32>,
        %parallel_loop3A_553 = tpu.vector_load_idx %arg9[%add3A_29, %parallel_loop3A_482] : memref<128x64xf32, #tpu.memory_space<vmem>>[vector<16xi32>, vector<16xi32>], vector<16xf32>,
        %parallel_loop3A_554 = arith.index_cast %parallel_loop3A_506 : i32 to index
        %parallel_loop3A_555 = arith.index_cast %parallel_loop3A_522 : i32 to index
        %parallel_loop3A_556 = arith.constant 96 : index
        %parallel_loop3A_557 = tpu.vector_load %arg17[%parallel_loop3A_554, %parallel_loop3A_555, %parallel_loop3A_556] {strides = array<i32>} : memref<8x8x128xf32, #tpu.memory_space<vmem>>, vector<16xf32>,
        tpu.vector_store %arg17[%parallel_loop3A_554, %parallel_loop3A_555, %parallel_loop3A_556], %parallel_loop3A_553 {strides = array<i32>} : memref<8x8x128xf32, #tpu.memory_space<vmem>>, vector<16xf32>,
        %parallel_loop3A_558 = tpu.vector_load_idx %arg9[%add3A_33, %parallel_loop3A_482] : memref<128x64xf32, #tpu.memory_space<vmem>>[vector<16xi32>, vector<16xi32>], vector<16xf32>,
        %parallel_loop3A_559 = arith.index_cast %parallel_loop3A_506 : i32 to index
        %parallel_loop3A_560 = arith.index_cast %parallel_loop3A_522 : i32 to index
        %parallel_loop3A_561 = arith.constant 112 : index
        %parallel_loop3A_562 = tpu.vector_load %arg17[%parallel_loop3A_559, %parallel_loop3A_560, %parallel_loop3A_561] {strides = array<i32>} : memref<8x8x128xf32, #tpu.memory_space<vmem>>, vector<16xf32>,
        tpu.vector_store %arg17[%parallel_loop3A_559, %parallel_loop3A_560, %parallel_loop3A_561], %parallel_loop3A_558 {strides = array<i32>} : memref<8x8x128xf32, #tpu.memory_space<vmem>>, vector<16xf32>,
      } {sc.loop_unroll_factor = 4 : i64, sc.parallel_access}
      %lt3A_276 = arith.constant 24 : i32
      %lt3A_277 = arith.cmpi slt, %scan3A_153, %lt3A_276 : i32
      %convert_element_type3A_278 = arith.extui %lt3A_277 : i1 to i32
      %cond3A_279 = arith.constant 0 : i32
      %cond3A_280 = arith.cmpi ne, %convert_element_type3A_278, %cond3A_279 : i32
      scf.if %cond3A_280 {
        %add3A_481 = arith.constant 1 : i32
        %add3A_482 = arith.addi %scan3A_153, %add3A_481 : i32
        %mul3A_483 = arith.constant 2 : i32
        %mul3A_484 = arith.muli %mul3A_483, %add3A_482 : i32
        %add3A_485 = arith.constant 0 : i32
        %add3A_486 = arith.addi %mul3A_484, %add3A_485 : i32
        %dma_start3A_487 = arith.constant 3 : i32
        %dma_start3A_488 = arith.constant 0 : i32
        %dma_start3A_489 = tpu.memref_slice %arg5[%add3A_486, %dma_start3A_487, %dma_start3A_488] : memref<50x4x128xi32, #tpu.memory_space<vmem>> -> memref<1x1x128xi32, #tpu.memory_space<vmem>>
        %dma_start3A_490 = tpu.memref_squeeze %dma_start3A_489 : memref<1x1x128xi32, #tpu.memory_space<vmem>> -> memref<128xi32, #tpu.memory_space<vmem>>
        %dma_start3A_491 = arith.constant 0 : i32
        %dma_start3A_492 = arith.constant 0 : i32
        %dma_start3A_493 = tpu.memref_slice %arg3[%dma_start3A_491, %dma_start3A_492] : memref<1000000x64xf32, #tpu.memory_space<hbm>> -> memref<1000000x64xf32, #tpu.memory_space<hbm>>
        tpu.enqueue_indirect_dma source(%dma_start3A_493 : memref<1000000x64xf32, #tpu.memory_space<hbm>>) target(%arg9 : memref<128x64xf32, #tpu.memory_space<vmem>>) offsets(%dma_start3A_490 : memref<128xi32, #tpu.memory_space<vmem>>) semaphore(%arg21 : memref<!tpu.dma_semaphore, #tpu.memory_space<semaphore_mem>>)
      } else {
      }
      %add3A_281 = arith.constant 3 : i32
      %add3A_282 = arith.addi %mul3A_2, %add3A_281 : i32
      %dma_start3A_283 = arith.constant 0 : i32
      %dma_start3A_284 = arith.constant 0 : i32
      %dma_start3A_285 = arith.constant 0 : i32
      %dma_start3A_286 = tpu.memref_slice %arg4[%add3A_260, %dma_start3A_283, %add3A_282, %dma_start3A_284, %dma_start3A_285] : memref<50x8x128x8x128xf32, #tpu.memory_space<hbm>> -> memref<1x8x1x8x128xf32, #tpu.memory_space<hbm>>
      %dma_start3A_287 = tpu.memref_squeeze %dma_start3A_286 : memref<1x8x1x8x128xf32, #tpu.memory_space<hbm>> -> memref<8x8x128xf32, #tpu.memory_space<hbm>>
      %dma_start3A_288 = arith.constant 0 : i32
      %dma_start3A_289 = arith.constant 0 : i32
      %dma_start3A_290 = arith.constant 0 : i32
      %dma_start3A_291 = tpu.memref_slice %arg4[%add3A_260, %dma_start3A_288, %add3A_282, %dma_start3A_289, %dma_start3A_290] : memref<50x8x128x8x128xf32, #tpu.memory_space<hbm>> -> memref<1x8x1x8x128xf32, #tpu.memory_space<hbm>>
      %dma_start3A_292 = tpu.memref_squeeze %dma_start3A_291 : memref<1x8x1x8x128xf32, #tpu.memory_space<hbm>> -> memref<8x8x128xf32, #tpu.memory_space<hbm>>
      tpu.enqueue_dma source(%arg17 : memref<8x8x128xf32, #tpu.memory_space<vmem>>) target(%dma_start3A_292 : memref<8x8x128xf32, #tpu.memory_space<hbm>>) target_semaphore(%arg29 : memref<!tpu.dma_semaphore, #tpu.memory_space<semaphore_mem>>)
      %mul3A_293 = arith.constant 2 : i32
      %mul3A_294 = arith.muli %mul3A_293, %scan3A_153 : i32
      %add3A_295 = arith.constant 1 : i32
      %add3A_296 = arith.addi %mul3A_294, %add3A_295 : i32
      %dma_wait3A_297 = arith.constant 0 : i32
      %dma_wait3A_298 = arith.constant 0 : i32
      %dma_wait3A_299 = tpu.memref_slice %arg5[%add3A_296, %dma_wait3A_297, %dma_wait3A_298] : memref<50x4x128xi32, #tpu.memory_space<vmem>> -> memref<1x1x128xi32, #tpu.memory_space<vmem>>
      %dma_wait3A_300 = tpu.memref_squeeze %dma_wait3A_299 : memref<1x1x128xi32, #tpu.memory_space<vmem>> -> memref<128xi32, #tpu.memory_space<vmem>>
      %dma_wait3A_301 = arith.constant 0 : i32
      %dma_wait3A_302 = arith.constant 0 : i32
      %dma_wait3A_303 = tpu.memref_slice %arg3[%dma_wait3A_301, %dma_wait3A_302] : memref<1000000x64xf32, #tpu.memory_space<hbm>> -> memref<1000000x64xf32, #tpu.memory_space<hbm>>
      tpu.wait_indirect_dma semaphore(%arg22 : memref<!tpu.dma_semaphore, #tpu.memory_space<semaphore_mem>>) src(%dma_wait3A_303 : memref<1000000x64xf32, #tpu.memory_space<hbm>>) dst(%arg10 : memref<128x64xf32, #tpu.memory_space<vmem>>)
      %mul3A_304 = arith.constant 2 : i32
      %mul3A_305 = arith.muli %mul3A_304, %scan3A_153 : i32
      %add3A_306 = arith.constant 0 : i32
      %add3A_307 = arith.addi %mul3A_305, %add3A_306 : i32
      %add3A_308 = arith.constant 0 : i32
      %add3A_309 = arith.addi %mul3A_2, %add3A_308 : i32
      %dma_wait3A_310 = arith.constant 0 : i32
      %dma_wait3A_311 = arith.constant 0 : i32
      %dma_wait3A_312 = arith.constant 0 : i32
      %dma_wait3A_313 = tpu.memref_slice %arg4[%add3A_307, %dma_wait3A_310, %add3A_309, %dma_wait3A_311, %dma_wait3A_312] : memref<50x8x128x8x128xf32, #tpu.memory_space<hbm>> -> memref<1x8x1x8x128xf32, #tpu.memory_space<hbm>>
      %dma_wait3A_314 = tpu.memref_squeeze %dma_wait3A_313 : memref<1x8x1x8x128xf32, #tpu.memory_space<hbm>> -> memref<8x8x128xf32, #tpu.memory_space<hbm>>
      %dma_wait3A_315 = arith.constant 0 : i32
      %dma_wait3A_316 = arith.constant 0 : i32
      %dma_wait3A_317 = arith.constant 0 : i32
      %dma_wait3A_318 = tpu.memref_slice %arg4[%add3A_307, %dma_wait3A_315, %add3A_309, %dma_wait3A_316, %dma_wait3A_317] : memref<50x8x128x8x128xf32, #tpu.memory_space<hbm>> -> memref<1x8x1x8x128xf32, #tpu.memory_space<hbm>>
      %dma_wait3A_319 = tpu.memref_squeeze %dma_wait3A_318 : memref<1x8x1x8x128xf32, #tpu.memory_space<hbm>> -> memref<8x8x128xf32, #tpu.memory_space<hbm>>
      tpu.wait_dma2 semaphore(%arg26 : memref<!tpu.dma_semaphore, #tpu.memory_space<semaphore_mem>>) src(%arg14 : memref<8x8x128xf32, #tpu.memory_space<vmem>>) dst(%dma_wait3A_319 : memref<8x8x128xf32, #tpu.memory_space<hbm>>)
      %parallel_loop3A_320 = arith.constant 0 : i32
      %parallel_loop3A_321 = arith.constant 64 : i32
      %parallel_loop3A_322 = arith.constant 1 : i32
      scf.for %parallel_loop3A_481 = %parallel_loop3A_320 to %parallel_loop3A_321 step %parallel_loop3A_322  : i32 {
        %parallel_loop3A_482 = vector.broadcast %parallel_loop3A_481 : i32 to vector<16xi32>
        %parallel_loop3A_483 = arith.constant 8 : i32
        %parallel_loop3A_484 = arith.divsi %parallel_loop3A_481, %parallel_loop3A_483 : i32
        %parallel_loop3A_485 = arith.constant 0 : i32
        %parallel_loop3A_486 = arith.cmpi sgt, %parallel_loop3A_481, %parallel_loop3A_485 : i32
        %parallel_loop3A_487 = arith.extui %parallel_loop3A_486 : i1 to i32
        %parallel_loop3A_488 = arith.constant 0 : i32
        %parallel_loop3A_489 = arith.cmpi slt, %parallel_loop3A_481, %parallel_loop3A_488 : i32
        %parallel_loop3A_490 = arith.extui %parallel_loop3A_489 : i1 to i32
        %parallel_loop3A_491 = arith.subi %parallel_loop3A_487, %parallel_loop3A_490 : i32
        %parallel_loop3A_492 = arith.constant 0 : i32
        %parallel_loop3A_493 = arith.cmpi sgt, %parallel_loop3A_483, %parallel_loop3A_492 : i32
        %parallel_loop3A_494 = arith.extui %parallel_loop3A_493 : i1 to i32
        %parallel_loop3A_495 = arith.constant 0 : i32
        %parallel_loop3A_496 = arith.cmpi slt, %parallel_loop3A_483, %parallel_loop3A_495 : i32
        %parallel_loop3A_497 = arith.extui %parallel_loop3A_496 : i1 to i32
        %parallel_loop3A_498 = arith.subi %parallel_loop3A_494, %parallel_loop3A_497 : i32
        %parallel_loop3A_499 = arith.cmpi ne, %parallel_loop3A_491, %parallel_loop3A_498 : i32
        %parallel_loop3A_500 = arith.remsi %parallel_loop3A_481, %parallel_loop3A_483 : i32
        %parallel_loop3A_501 = arith.constant 0 : i32
        %parallel_loop3A_502 = arith.cmpi ne, %parallel_loop3A_500, %parallel_loop3A_501 : i32
        %parallel_loop3A_503 = arith.andi %parallel_loop3A_499, %parallel_loop3A_502 : i1
        %parallel_loop3A_504 = arith.constant 1 : i32
        %parallel_loop3A_505 = arith.subi %parallel_loop3A_484, %parallel_loop3A_504 : i32
        %parallel_loop3A_506 = arith.select %parallel_loop3A_503, %parallel_loop3A_505, %parallel_loop3A_484 : i32
        %parallel_loop3A_507 = arith.constant 8 : i32
        %parallel_loop3A_508 = arith.constant 0 : i32
        %parallel_loop3A_509 = arith.cmpi eq, %parallel_loop3A_507, %parallel_loop3A_508 : i32
        %parallel_loop3A_510 = arith.constant 1 : i32
        %parallel_loop3A_511 = arith.select %parallel_loop3A_509, %parallel_loop3A_510, %parallel_loop3A_507 : i32
        %parallel_loop3A_512 = arith.remsi %parallel_loop3A_481, %parallel_loop3A_511 : i32
        %parallel_loop3A_513 = arith.constant 0 : i32
        %parallel_loop3A_514 = arith.cmpi ne, %parallel_loop3A_512, %parallel_loop3A_513 : i32
        %parallel_loop3A_515 = arith.constant 0 : i32
        %parallel_loop3A_516 = arith.cmpi slt, %parallel_loop3A_512, %parallel_loop3A_515 : i32
        %parallel_loop3A_517 = arith.constant 0 : i32
        %parallel_loop3A_518 = arith.cmpi slt, %parallel_loop3A_511, %parallel_loop3A_517 : i32
        %parallel_loop3A_519 = arith.xori %parallel_loop3A_516, %parallel_loop3A_518 : i1
        %parallel_loop3A_520 = arith.andi %parallel_loop3A_519, %parallel_loop3A_514 : i1
        %parallel_loop3A_521 = arith.addi %parallel_loop3A_512, %parallel_loop3A_511 : i32
        %parallel_loop3A_522 = arith.select %parallel_loop3A_520, %parallel_loop3A_521, %parallel_loop3A_512 : i32
        %parallel_loop3A_523 = tpu.vector_load_idx %arg10[%add3A_5, %parallel_loop3A_482] : memref<128x64xf32, #tpu.memory_space<vmem>>[vector<16xi32>, vector<16xi32>], vector<16xf32>,
        %parallel_loop3A_524 = arith.index_cast %parallel_loop3A_506 : i32 to index
        %parallel_loop3A_525 = arith.index_cast %parallel_loop3A_522 : i32 to index
        %parallel_loop3A_526 = arith.constant 0 : index
        %parallel_loop3A_527 = tpu.vector_load %arg14[%parallel_loop3A_524, %parallel_loop3A_525, %parallel_loop3A_526] {strides = array<i32>} : memref<8x8x128xf32, #tpu.memory_space<vmem>>, vector<16xf32>,
        tpu.vector_store %arg14[%parallel_loop3A_524, %parallel_loop3A_525, %parallel_loop3A_526], %parallel_loop3A_523 {strides = array<i32>} : memref<8x8x128xf32, #tpu.memory_space<vmem>>, vector<16xf32>,
        %parallel_loop3A_528 = tpu.vector_load_idx %arg10[%add3A_9, %parallel_loop3A_482] : memref<128x64xf32, #tpu.memory_space<vmem>>[vector<16xi32>, vector<16xi32>], vector<16xf32>,
        %parallel_loop3A_529 = arith.index_cast %parallel_loop3A_506 : i32 to index
        %parallel_loop3A_530 = arith.index_cast %parallel_loop3A_522 : i32 to index
        %parallel_loop3A_531 = arith.constant 16 : index
        %parallel_loop3A_532 = tpu.vector_load %arg14[%parallel_loop3A_529, %parallel_loop3A_530, %parallel_loop3A_531] {strides = array<i32>} : memref<8x8x128xf32, #tpu.memory_space<vmem>>, vector<16xf32>,
        tpu.vector_store %arg14[%parallel_loop3A_529, %parallel_loop3A_530, %parallel_loop3A_531], %parallel_loop3A_528 {strides = array<i32>} : memref<8x8x128xf32, #tpu.memory_space<vmem>>, vector<16xf32>,
        %parallel_loop3A_533 = tpu.vector_load_idx %arg10[%add3A_13, %parallel_loop3A_482] : memref<128x64xf32, #tpu.memory_space<vmem>>[vector<16xi32>, vector<16xi32>], vector<16xf32>,
        %parallel_loop3A_534 = arith.index_cast %parallel_loop3A_506 : i32 to index
        %parallel_loop3A_535 = arith.index_cast %parallel_loop3A_522 : i32 to index
        %parallel_loop3A_536 = arith.constant 32 : index
        %parallel_loop3A_537 = tpu.vector_load %arg14[%parallel_loop3A_534, %parallel_loop3A_535, %parallel_loop3A_536] {strides = array<i32>} : memref<8x8x128xf32, #tpu.memory_space<vmem>>, vector<16xf32>,
        tpu.vector_store %arg14[%parallel_loop3A_534, %parallel_loop3A_535, %parallel_loop3A_536], %parallel_loop3A_533 {strides = array<i32>} : memref<8x8x128xf32, #tpu.memory_space<vmem>>, vector<16xf32>,
        %parallel_loop3A_538 = tpu.vector_load_idx %arg10[%add3A_17, %parallel_loop3A_482] : memref<128x64xf32, #tpu.memory_space<vmem>>[vector<16xi32>, vector<16xi32>], vector<16xf32>,
        %parallel_loop3A_539 = arith.index_cast %parallel_loop3A_506 : i32 to index
        %parallel_loop3A_540 = arith.index_cast %parallel_loop3A_522 : i32 to index
        %parallel_loop3A_541 = arith.constant 48 : index
        %parallel_loop3A_542 = tpu.vector_load %arg14[%parallel_loop3A_539, %parallel_loop3A_540, %parallel_loop3A_541] {strides = array<i32>} : memref<8x8x128xf32, #tpu.memory_space<vmem>>, vector<16xf32>,
        tpu.vector_store %arg14[%parallel_loop3A_539, %parallel_loop3A_540, %parallel_loop3A_541], %parallel_loop3A_538 {strides = array<i32>} : memref<8x8x128xf32, #tpu.memory_space<vmem>>, vector<16xf32>,
        %parallel_loop3A_543 = tpu.vector_load_idx %arg10[%add3A_21, %parallel_loop3A_482] : memref<128x64xf32, #tpu.memory_space<vmem>>[vector<16xi32>, vector<16xi32>], vector<16xf32>,
        %parallel_loop3A_544 = arith.index_cast %parallel_loop3A_506 : i32 to index
        %parallel_loop3A_545 = arith.index_cast %parallel_loop3A_522 : i32 to index
        %parallel_loop3A_546 = arith.constant 64 : index
        %parallel_loop3A_547 = tpu.vector_load %arg14[%parallel_loop3A_544, %parallel_loop3A_545, %parallel_loop3A_546] {strides = array<i32>} : memref<8x8x128xf32, #tpu.memory_space<vmem>>, vector<16xf32>,
        tpu.vector_store %arg14[%parallel_loop3A_544, %parallel_loop3A_545, %parallel_loop3A_546], %parallel_loop3A_543 {strides = array<i32>} : memref<8x8x128xf32, #tpu.memory_space<vmem>>, vector<16xf32>,
        %parallel_loop3A_548 = tpu.vector_load_idx %arg10[%add3A_25, %parallel_loop3A_482] : memref<128x64xf32, #tpu.memory_space<vmem>>[vector<16xi32>, vector<16xi32>], vector<16xf32>,
        %parallel_loop3A_549 = arith.index_cast %parallel_loop3A_506 : i32 to index
        %parallel_loop3A_550 = arith.index_cast %parallel_loop3A_522 : i32 to index
        %parallel_loop3A_551 = arith.constant 80 : index
        %parallel_loop3A_552 = tpu.vector_load %arg14[%parallel_loop3A_549, %parallel_loop3A_550, %parallel_loop3A_551] {strides = array<i32>} : memref<8x8x128xf32, #tpu.memory_space<vmem>>, vector<16xf32>,
        tpu.vector_store %arg14[%parallel_loop3A_549, %parallel_loop3A_550, %parallel_loop3A_551], %parallel_loop3A_548 {strides = array<i32>} : memref<8x8x128xf32, #tpu.memory_space<vmem>>, vector<16xf32>,
        %parallel_loop3A_553 = tpu.vector_load_idx %arg10[%add3A_29, %parallel_loop3A_482] : memref<128x64xf32, #tpu.memory_space<vmem>>[vector<16xi32>, vector<16xi32>], vector<16xf32>,
        %parallel_loop3A_554 = arith.index_cast %parallel_loop3A_506 : i32 to index
        %parallel_loop3A_555 = arith.index_cast %parallel_loop3A_522 : i32 to index
        %parallel_loop3A_556 = arith.constant 96 : index
        %parallel_loop3A_557 = tpu.vector_load %arg14[%parallel_loop3A_554, %parallel_loop3A_555, %parallel_loop3A_556] {strides = array<i32>} : memref<8x8x128xf32, #tpu.memory_space<vmem>>, vector<16xf32>,
        tpu.vector_store %arg14[%parallel_loop3A_554, %parallel_loop3A_555, %parallel_loop3A_556], %parallel_loop3A_553 {strides = array<i32>} : memref<8x8x128xf32, #tpu.memory_space<vmem>>, vector<16xf32>,
        %parallel_loop3A_558 = tpu.vector_load_idx %arg10[%add3A_33, %parallel_loop3A_482] : memref<128x64xf32, #tpu.memory_space<vmem>>[vector<16xi32>, vector<16xi32>], vector<16xf32>,
        %parallel_loop3A_559 = arith.index_cast %parallel_loop3A_506 : i32 to index
        %parallel_loop3A_560 = arith.index_cast %parallel_loop3A_522 : i32 to index
        %parallel_loop3A_561 = arith.constant 112 : index
        %parallel_loop3A_562 = tpu.vector_load %arg14[%parallel_loop3A_559, %parallel_loop3A_560, %parallel_loop3A_561] {strides = array<i32>} : memref<8x8x128xf32, #tpu.memory_space<vmem>>, vector<16xf32>,
        tpu.vector_store %arg14[%parallel_loop3A_559, %parallel_loop3A_560, %parallel_loop3A_561], %parallel_loop3A_558 {strides = array<i32>} : memref<8x8x128xf32, #tpu.memory_space<vmem>>, vector<16xf32>,
      } {sc.loop_unroll_factor = 4 : i64, sc.parallel_access}
      %lt3A_323 = arith.constant 24 : i32
      %lt3A_324 = arith.cmpi slt, %scan3A_153, %lt3A_323 : i32
      %convert_element_type3A_325 = arith.extui %lt3A_324 : i1 to i32
      %cond3A_326 = arith.constant 0 : i32
      %cond3A_327 = arith.cmpi ne, %convert_element_type3A_325, %cond3A_326 : i32
      scf.if %cond3A_327 {
        %add3A_481 = arith.constant 1 : i32
        %add3A_482 = arith.addi %scan3A_153, %add3A_481 : i32
        %mul3A_483 = arith.constant 2 : i32
        %mul3A_484 = arith.muli %mul3A_483, %add3A_482 : i32
        %add3A_485 = arith.constant 1 : i32
        %add3A_486 = arith.addi %mul3A_484, %add3A_485 : i32
        %dma_start3A_487 = arith.constant 0 : i32
        %dma_start3A_488 = arith.constant 0 : i32
        %dma_start3A_489 = tpu.memref_slice %arg5[%add3A_486, %dma_start3A_487, %dma_start3A_488] : memref<50x4x128xi32, #tpu.memory_space<vmem>> -> memref<1x1x128xi32, #tpu.memory_space<vmem>>
        %dma_start3A_490 = tpu.memref_squeeze %dma_start3A_489 : memref<1x1x128xi32, #tpu.memory_space<vmem>> -> memref<128xi32, #tpu.memory_space<vmem>>
        %dma_start3A_491 = arith.constant 0 : i32
        %dma_start3A_492 = arith.constant 0 : i32
        %dma_start3A_493 = tpu.memref_slice %arg3[%dma_start3A_491, %dma_start3A_492] : memref<1000000x64xf32, #tpu.memory_space<hbm>> -> memref<1000000x64xf32, #tpu.memory_space<hbm>>
        tpu.enqueue_indirect_dma source(%dma_start3A_493 : memref<1000000x64xf32, #tpu.memory_space<hbm>>) target(%arg10 : memref<128x64xf32, #tpu.memory_space<vmem>>) offsets(%dma_start3A_490 : memref<128xi32, #tpu.memory_space<vmem>>) semaphore(%arg22 : memref<!tpu.dma_semaphore, #tpu.memory_space<semaphore_mem>>)
      } else {
      }
      %add3A_328 = arith.constant 0 : i32
      %add3A_329 = arith.addi %mul3A_2, %add3A_328 : i32
      %dma_start3A_330 = arith.constant 0 : i32
      %dma_start3A_331 = arith.constant 0 : i32
      %dma_start3A_332 = arith.constant 0 : i32
      %dma_start3A_333 = tpu.memref_slice %arg4[%add3A_296, %dma_start3A_330, %add3A_329, %dma_start3A_331, %dma_start3A_332] : memref<50x8x128x8x128xf32, #tpu.memory_space<hbm>> -> memref<1x8x1x8x128xf32, #tpu.memory_space<hbm>>
      %dma_start3A_334 = tpu.memref_squeeze %dma_start3A_333 : memref<1x8x1x8x128xf32, #tpu.memory_space<hbm>> -> memref<8x8x128xf32, #tpu.memory_space<hbm>>
      %dma_start3A_335 = arith.constant 0 : i32
      %dma_start3A_336 = arith.constant 0 : i32
      %dma_start3A_337 = arith.constant 0 : i32
      %dma_start3A_338 = tpu.memref_slice %arg4[%add3A_296, %dma_start3A_335, %add3A_329, %dma_start3A_336, %dma_start3A_337] : memref<50x8x128x8x128xf32, #tpu.memory_space<hbm>> -> memref<1x8x1x8x128xf32, #tpu.memory_space<hbm>>
      %dma_start3A_339 = tpu.memref_squeeze %dma_start3A_338 : memref<1x8x1x8x128xf32, #tpu.memory_space<hbm>> -> memref<8x8x128xf32, #tpu.memory_space<hbm>>
      tpu.enqueue_dma source(%arg14 : memref<8x8x128xf32, #tpu.memory_space<vmem>>) target(%dma_start3A_339 : memref<8x8x128xf32, #tpu.memory_space<hbm>>) target_semaphore(%arg26 : memref<!tpu.dma_semaphore, #tpu.memory_space<semaphore_mem>>)
      %mul3A_340 = arith.constant 2 : i32
      %mul3A_341 = arith.muli %mul3A_340, %scan3A_153 : i32
      %add3A_342 = arith.constant 1 : i32
      %add3A_343 = arith.addi %mul3A_341, %add3A_342 : i32
      %dma_wait3A_344 = arith.constant 1 : i32
      %dma_wait3A_345 = arith.constant 0 : i32
      %dma_wait3A_346 = tpu.memref_slice %arg5[%add3A_343, %dma_wait3A_344, %dma_wait3A_345] : memref<50x4x128xi32, #tpu.memory_space<vmem>> -> memref<1x1x128xi32, #tpu.memory_space<vmem>>
      %dma_wait3A_347 = tpu.memref_squeeze %dma_wait3A_346 : memref<1x1x128xi32, #tpu.memory_space<vmem>> -> memref<128xi32, #tpu.memory_space<vmem>>
      %dma_wait3A_348 = arith.constant 0 : i32
      %dma_wait3A_349 = arith.constant 0 : i32
      %dma_wait3A_350 = tpu.memref_slice %arg3[%dma_wait3A_348, %dma_wait3A_349] : memref<1000000x64xf32, #tpu.memory_space<hbm>> -> memref<1000000x64xf32, #tpu.memory_space<hbm>>
      tpu.wait_indirect_dma semaphore(%arg23 : memref<!tpu.dma_semaphore, #tpu.memory_space<semaphore_mem>>) src(%dma_wait3A_350 : memref<1000000x64xf32, #tpu.memory_space<hbm>>) dst(%arg11 : memref<128x64xf32, #tpu.memory_space<vmem>>)
      %mul3A_351 = arith.constant 2 : i32
      %mul3A_352 = arith.muli %mul3A_351, %scan3A_153 : i32
      %add3A_353 = arith.constant 0 : i32
      %add3A_354 = arith.addi %mul3A_352, %add3A_353 : i32
      %add3A_355 = arith.constant 1 : i32
      %add3A_356 = arith.addi %mul3A_2, %add3A_355 : i32
      %dma_wait3A_357 = arith.constant 0 : i32
      %dma_wait3A_358 = arith.constant 0 : i32
      %dma_wait3A_359 = arith.constant 0 : i32
      %dma_wait3A_360 = tpu.memref_slice %arg4[%add3A_354, %dma_wait3A_357, %add3A_356, %dma_wait3A_358, %dma_wait3A_359] : memref<50x8x128x8x128xf32, #tpu.memory_space<hbm>> -> memref<1x8x1x8x128xf32, #tpu.memory_space<hbm>>
      %dma_wait3A_361 = tpu.memref_squeeze %dma_wait3A_360 : memref<1x8x1x8x128xf32, #tpu.memory_space<hbm>> -> memref<8x8x128xf32, #tpu.memory_space<hbm>>
      %dma_wait3A_362 = arith.constant 0 : i32
      %dma_wait3A_363 = arith.constant 0 : i32
      %dma_wait3A_364 = arith.constant 0 : i32
      %dma_wait3A_365 = tpu.memref_slice %arg4[%add3A_354, %dma_wait3A_362, %add3A_356, %dma_wait3A_363, %dma_wait3A_364] : memref<50x8x128x8x128xf32, #tpu.memory_space<hbm>> -> memref<1x8x1x8x128xf32, #tpu.memory_space<hbm>>
      %dma_wait3A_366 = tpu.memref_squeeze %dma_wait3A_365 : memref<1x8x1x8x128xf32, #tpu.memory_space<hbm>> -> memref<8x8x128xf32, #tpu.memory_space<hbm>>
      tpu.wait_dma2 semaphore(%arg27 : memref<!tpu.dma_semaphore, #tpu.memory_space<semaphore_mem>>) src(%arg15 : memref<8x8x128xf32, #tpu.memory_space<vmem>>) dst(%dma_wait3A_366 : memref<8x8x128xf32, #tpu.memory_space<hbm>>)
      %parallel_loop3A_367 = arith.constant 0 : i32
      %parallel_loop3A_368 = arith.constant 64 : i32
      %parallel_loop3A_369 = arith.constant 1 : i32
      scf.for %parallel_loop3A_481 = %parallel_loop3A_367 to %parallel_loop3A_368 step %parallel_loop3A_369  : i32 {
        %parallel_loop3A_482 = vector.broadcast %parallel_loop3A_481 : i32 to vector<16xi32>
        %parallel_loop3A_483 = arith.constant 8 : i32
        %parallel_loop3A_484 = arith.divsi %parallel_loop3A_481, %parallel_loop3A_483 : i32
        %parallel_loop3A_485 = arith.constant 0 : i32
        %parallel_loop3A_486 = arith.cmpi sgt, %parallel_loop3A_481, %parallel_loop3A_485 : i32
        %parallel_loop3A_487 = arith.extui %parallel_loop3A_486 : i1 to i32
        %parallel_loop3A_488 = arith.constant 0 : i32
        %parallel_loop3A_489 = arith.cmpi slt, %parallel_loop3A_481, %parallel_loop3A_488 : i32
        %parallel_loop3A_490 = arith.extui %parallel_loop3A_489 : i1 to i32
        %parallel_loop3A_491 = arith.subi %parallel_loop3A_487, %parallel_loop3A_490 : i32
        %parallel_loop3A_492 = arith.constant 0 : i32
        %parallel_loop3A_493 = arith.cmpi sgt, %parallel_loop3A_483, %parallel_loop3A_492 : i32
        %parallel_loop3A_494 = arith.extui %parallel_loop3A_493 : i1 to i32
        %parallel_loop3A_495 = arith.constant 0 : i32
        %parallel_loop3A_496 = arith.cmpi slt, %parallel_loop3A_483, %parallel_loop3A_495 : i32
        %parallel_loop3A_497 = arith.extui %parallel_loop3A_496 : i1 to i32
        %parallel_loop3A_498 = arith.subi %parallel_loop3A_494, %parallel_loop3A_497 : i32
        %parallel_loop3A_499 = arith.cmpi ne, %parallel_loop3A_491, %parallel_loop3A_498 : i32
        %parallel_loop3A_500 = arith.remsi %parallel_loop3A_481, %parallel_loop3A_483 : i32
        %parallel_loop3A_501 = arith.constant 0 : i32
        %parallel_loop3A_502 = arith.cmpi ne, %parallel_loop3A_500, %parallel_loop3A_501 : i32
        %parallel_loop3A_503 = arith.andi %parallel_loop3A_499, %parallel_loop3A_502 : i1
        %parallel_loop3A_504 = arith.constant 1 : i32
        %parallel_loop3A_505 = arith.subi %parallel_loop3A_484, %parallel_loop3A_504 : i32
        %parallel_loop3A_506 = arith.select %parallel_loop3A_503, %parallel_loop3A_505, %parallel_loop3A_484 : i32
        %parallel_loop3A_507 = arith.constant 8 : i32
        %parallel_loop3A_508 = arith.constant 0 : i32
        %parallel_loop3A_509 = arith.cmpi eq, %parallel_loop3A_507, %parallel_loop3A_508 : i32
        %parallel_loop3A_510 = arith.constant 1 : i32
        %parallel_loop3A_511 = arith.select %parallel_loop3A_509, %parallel_loop3A_510, %parallel_loop3A_507 : i32
        %parallel_loop3A_512 = arith.remsi %parallel_loop3A_481, %parallel_loop3A_511 : i32
        %parallel_loop3A_513 = arith.constant 0 : i32
        %parallel_loop3A_514 = arith.cmpi ne, %parallel_loop3A_512, %parallel_loop3A_513 : i32
        %parallel_loop3A_515 = arith.constant 0 : i32
        %parallel_loop3A_516 = arith.cmpi slt, %parallel_loop3A_512, %parallel_loop3A_515 : i32
        %parallel_loop3A_517 = arith.constant 0 : i32
        %parallel_loop3A_518 = arith.cmpi slt, %parallel_loop3A_511, %parallel_loop3A_517 : i32
        %parallel_loop3A_519 = arith.xori %parallel_loop3A_516, %parallel_loop3A_518 : i1
        %parallel_loop3A_520 = arith.andi %parallel_loop3A_519, %parallel_loop3A_514 : i1
        %parallel_loop3A_521 = arith.addi %parallel_loop3A_512, %parallel_loop3A_511 : i32
        %parallel_loop3A_522 = arith.select %parallel_loop3A_520, %parallel_loop3A_521, %parallel_loop3A_512 : i32
        %parallel_loop3A_523 = tpu.vector_load_idx %arg11[%add3A_5, %parallel_loop3A_482] : memref<128x64xf32, #tpu.memory_space<vmem>>[vector<16xi32>, vector<16xi32>], vector<16xf32>,
        %parallel_loop3A_524 = arith.index_cast %parallel_loop3A_506 : i32 to index
        %parallel_loop3A_525 = arith.index_cast %parallel_loop3A_522 : i32 to index
        %parallel_loop3A_526 = arith.constant 0 : index
        %parallel_loop3A_527 = tpu.vector_load %arg15[%parallel_loop3A_524, %parallel_loop3A_525, %parallel_loop3A_526] {strides = array<i32>} : memref<8x8x128xf32, #tpu.memory_space<vmem>>, vector<16xf32>,
        tpu.vector_store %arg15[%parallel_loop3A_524, %parallel_loop3A_525, %parallel_loop3A_526], %parallel_loop3A_523 {strides = array<i32>} : memref<8x8x128xf32, #tpu.memory_space<vmem>>, vector<16xf32>,
        %parallel_loop3A_528 = tpu.vector_load_idx %arg11[%add3A_9, %parallel_loop3A_482] : memref<128x64xf32, #tpu.memory_space<vmem>>[vector<16xi32>, vector<16xi32>], vector<16xf32>,
        %parallel_loop3A_529 = arith.index_cast %parallel_loop3A_506 : i32 to index
        %parallel_loop3A_530 = arith.index_cast %parallel_loop3A_522 : i32 to index
        %parallel_loop3A_531 = arith.constant 16 : index
        %parallel_loop3A_532 = tpu.vector_load %arg15[%parallel_loop3A_529, %parallel_loop3A_530, %parallel_loop3A_531] {strides = array<i32>} : memref<8x8x128xf32, #tpu.memory_space<vmem>>, vector<16xf32>,
        tpu.vector_store %arg15[%parallel_loop3A_529, %parallel_loop3A_530, %parallel_loop3A_531], %parallel_loop3A_528 {strides = array<i32>} : memref<8x8x128xf32, #tpu.memory_space<vmem>>, vector<16xf32>,
        %parallel_loop3A_533 = tpu.vector_load_idx %arg11[%add3A_13, %parallel_loop3A_482] : memref<128x64xf32, #tpu.memory_space<vmem>>[vector<16xi32>, vector<16xi32>], vector<16xf32>,
        %parallel_loop3A_534 = arith.index_cast %parallel_loop3A_506 : i32 to index
        %parallel_loop3A_535 = arith.index_cast %parallel_loop3A_522 : i32 to index
        %parallel_loop3A_536 = arith.constant 32 : index
        %parallel_loop3A_537 = tpu.vector_load %arg15[%parallel_loop3A_534, %parallel_loop3A_535, %parallel_loop3A_536] {strides = array<i32>} : memref<8x8x128xf32, #tpu.memory_space<vmem>>, vector<16xf32>,
        tpu.vector_store %arg15[%parallel_loop3A_534, %parallel_loop3A_535, %parallel_loop3A_536], %parallel_loop3A_533 {strides = array<i32>} : memref<8x8x128xf32, #tpu.memory_space<vmem>>, vector<16xf32>,
        %parallel_loop3A_538 = tpu.vector_load_idx %arg11[%add3A_17, %parallel_loop3A_482] : memref<128x64xf32, #tpu.memory_space<vmem>>[vector<16xi32>, vector<16xi32>], vector<16xf32>,
        %parallel_loop3A_539 = arith.index_cast %parallel_loop3A_506 : i32 to index
        %parallel_loop3A_540 = arith.index_cast %parallel_loop3A_522 : i32 to index
        %parallel_loop3A_541 = arith.constant 48 : index
        %parallel_loop3A_542 = tpu.vector_load %arg15[%parallel_loop3A_539, %parallel_loop3A_540, %parallel_loop3A_541] {strides = array<i32>} : memref<8x8x128xf32, #tpu.memory_space<vmem>>, vector<16xf32>,
        tpu.vector_store %arg15[%parallel_loop3A_539, %parallel_loop3A_540, %parallel_loop3A_541], %parallel_loop3A_538 {strides = array<i32>} : memref<8x8x128xf32, #tpu.memory_space<vmem>>, vector<16xf32>,
        %parallel_loop3A_543 = tpu.vector_load_idx %arg11[%add3A_21, %parallel_loop3A_482] : memref<128x64xf32, #tpu.memory_space<vmem>>[vector<16xi32>, vector<16xi32>], vector<16xf32>,
        %parallel_loop3A_544 = arith.index_cast %parallel_loop3A_506 : i32 to index
        %parallel_loop3A_545 = arith.index_cast %parallel_loop3A_522 : i32 to index
        %parallel_loop3A_546 = arith.constant 64 : index
        %parallel_loop3A_547 = tpu.vector_load %arg15[%parallel_loop3A_544, %parallel_loop3A_545, %parallel_loop3A_546] {strides = array<i32>} : memref<8x8x128xf32, #tpu.memory_space<vmem>>, vector<16xf32>,
        tpu.vector_store %arg15[%parallel_loop3A_544, %parallel_loop3A_545, %parallel_loop3A_546], %parallel_loop3A_543 {strides = array<i32>} : memref<8x8x128xf32, #tpu.memory_space<vmem>>, vector<16xf32>,
        %parallel_loop3A_548 = tpu.vector_load_idx %arg11[%add3A_25, %parallel_loop3A_482] : memref<128x64xf32, #tpu.memory_space<vmem>>[vector<16xi32>, vector<16xi32>], vector<16xf32>,
        %parallel_loop3A_549 = arith.index_cast %parallel_loop3A_506 : i32 to index
        %parallel_loop3A_550 = arith.index_cast %parallel_loop3A_522 : i32 to index
        %parallel_loop3A_551 = arith.constant 80 : index
        %parallel_loop3A_552 = tpu.vector_load %arg15[%parallel_loop3A_549, %parallel_loop3A_550, %parallel_loop3A_551] {strides = array<i32>} : memref<8x8x128xf32, #tpu.memory_space<vmem>>, vector<16xf32>,
        tpu.vector_store %arg15[%parallel_loop3A_549, %parallel_loop3A_550, %parallel_loop3A_551], %parallel_loop3A_548 {strides = array<i32>} : memref<8x8x128xf32, #tpu.memory_space<vmem>>, vector<16xf32>,
        %parallel_loop3A_553 = tpu.vector_load_idx %arg11[%add3A_29, %parallel_loop3A_482] : memref<128x64xf32, #tpu.memory_space<vmem>>[vector<16xi32>, vector<16xi32>], vector<16xf32>,
        %parallel_loop3A_554 = arith.index_cast %parallel_loop3A_506 : i32 to index
        %parallel_loop3A_555 = arith.index_cast %parallel_loop3A_522 : i32 to index
        %parallel_loop3A_556 = arith.constant 96 : index
        %parallel_loop3A_557 = tpu.vector_load %arg15[%parallel_loop3A_554, %parallel_loop3A_555, %parallel_loop3A_556] {strides = array<i32>} : memref<8x8x128xf32, #tpu.memory_space<vmem>>, vector<16xf32>,
        tpu.vector_store %arg15[%parallel_loop3A_554, %parallel_loop3A_555, %parallel_loop3A_556], %parallel_loop3A_553 {strides = array<i32>} : memref<8x8x128xf32, #tpu.memory_space<vmem>>, vector<16xf32>,
        %parallel_loop3A_558 = tpu.vector_load_idx %arg11[%add3A_33, %parallel_loop3A_482] : memref<128x64xf32, #tpu.memory_space<vmem>>[vector<16xi32>, vector<16xi32>], vector<16xf32>,
        %parallel_loop3A_559 = arith.index_cast %parallel_loop3A_506 : i32 to index
        %parallel_loop3A_560 = arith.index_cast %parallel_loop3A_522 : i32 to index
        %parallel_loop3A_561 = arith.constant 112 : index
        %parallel_loop3A_562 = tpu.vector_load %arg15[%parallel_loop3A_559, %parallel_loop3A_560, %parallel_loop3A_561] {strides = array<i32>} : memref<8x8x128xf32, #tpu.memory_space<vmem>>, vector<16xf32>,
        tpu.vector_store %arg15[%parallel_loop3A_559, %parallel_loop3A_560, %parallel_loop3A_561], %parallel_loop3A_558 {strides = array<i32>} : memref<8x8x128xf32, #tpu.memory_space<vmem>>, vector<16xf32>,
      } {sc.loop_unroll_factor = 4 : i64, sc.parallel_access}
      %lt3A_370 = arith.constant 24 : i32
      %lt3A_371 = arith.cmpi slt, %scan3A_153, %lt3A_370 : i32
      %convert_element_type3A_372 = arith.extui %lt3A_371 : i1 to i32
      %cond3A_373 = arith.constant 0 : i32
      %cond3A_374 = arith.cmpi ne, %convert_element_type3A_372, %cond3A_373 : i32
      scf.if %cond3A_374 {
        %add3A_481 = arith.constant 1 : i32
        %add3A_482 = arith.addi %scan3A_153, %add3A_481 : i32
        %mul3A_483 = arith.constant 2 : i32
        %mul3A_484 = arith.muli %mul3A_483, %add3A_482 : i32
        %add3A_485 = arith.constant 1 : i32
        %add3A_486 = arith.addi %mul3A_484, %add3A_485 : i32
        %dma_start3A_487 = arith.constant 1 : i32
        %dma_start3A_488 = arith.constant 0 : i32
        %dma_start3A_489 = tpu.memref_slice %arg5[%add3A_486, %dma_start3A_487, %dma_start3A_488] : memref<50x4x128xi32, #tpu.memory_space<vmem>> -> memref<1x1x128xi32, #tpu.memory_space<vmem>>
        %dma_start3A_490 = tpu.memref_squeeze %dma_start3A_489 : memref<1x1x128xi32, #tpu.memory_space<vmem>> -> memref<128xi32, #tpu.memory_space<vmem>>
        %dma_start3A_491 = arith.constant 0 : i32
        %dma_start3A_492 = arith.constant 0 : i32
        %dma_start3A_493 = tpu.memref_slice %arg3[%dma_start3A_491, %dma_start3A_492] : memref<1000000x64xf32, #tpu.memory_space<hbm>> -> memref<1000000x64xf32, #tpu.memory_space<hbm>>
        tpu.enqueue_indirect_dma source(%dma_start3A_493 : memref<1000000x64xf32, #tpu.memory_space<hbm>>) target(%arg11 : memref<128x64xf32, #tpu.memory_space<vmem>>) offsets(%dma_start3A_490 : memref<128xi32, #tpu.memory_space<vmem>>) semaphore(%arg23 : memref<!tpu.dma_semaphore, #tpu.memory_space<semaphore_mem>>)
      } else {
      }
      %add3A_375 = arith.constant 1 : i32
      %add3A_376 = arith.addi %mul3A_2, %add3A_375 : i32
      %dma_start3A_377 = arith.constant 0 : i32
      %dma_start3A_378 = arith.constant 0 : i32
      %dma_start3A_379 = arith.constant 0 : i32
      %dma_start3A_380 = tpu.memref_slice %arg4[%add3A_343, %dma_start3A_377, %add3A_376, %dma_start3A_378, %dma_start3A_379] : memref<50x8x128x8x128xf32, #tpu.memory_space<hbm>> -> memref<1x8x1x8x128xf32, #tpu.memory_space<hbm>>
      %dma_start3A_381 = tpu.memref_squeeze %dma_start3A_380 : memref<1x8x1x8x128xf32, #tpu.memory_space<hbm>> -> memref<8x8x128xf32, #tpu.memory_space<hbm>>
      %dma_start3A_382 = arith.constant 0 : i32
      %dma_start3A_383 = arith.constant 0 : i32
      %dma_start3A_384 = arith.constant 0 : i32
      %dma_start3A_385 = tpu.memref_slice %arg4[%add3A_343, %dma_start3A_382, %add3A_376, %dma_start3A_383, %dma_start3A_384] : memref<50x8x128x8x128xf32, #tpu.memory_space<hbm>> -> memref<1x8x1x8x128xf32, #tpu.memory_space<hbm>>
      %dma_start3A_386 = tpu.memref_squeeze %dma_start3A_385 : memref<1x8x1x8x128xf32, #tpu.memory_space<hbm>> -> memref<8x8x128xf32, #tpu.memory_space<hbm>>
      tpu.enqueue_dma source(%arg15 : memref<8x8x128xf32, #tpu.memory_space<vmem>>) target(%dma_start3A_386 : memref<8x8x128xf32, #tpu.memory_space<hbm>>) target_semaphore(%arg27 : memref<!tpu.dma_semaphore, #tpu.memory_space<semaphore_mem>>)
      %mul3A_387 = arith.constant 2 : i32
      %mul3A_388 = arith.muli %mul3A_387, %scan3A_153 : i32
      %add3A_389 = arith.constant 1 : i32
      %add3A_390 = arith.addi %mul3A_388, %add3A_389 : i32
      %dma_wait3A_391 = arith.constant 2 : i32
      %dma_wait3A_392 = arith.constant 0 : i32
      %dma_wait3A_393 = tpu.memref_slice %arg5[%add3A_390, %dma_wait3A_391, %dma_wait3A_392] : memref<50x4x128xi32, #tpu.memory_space<vmem>> -> memref<1x1x128xi32, #tpu.memory_space<vmem>>
      %dma_wait3A_394 = tpu.memref_squeeze %dma_wait3A_393 : memref<1x1x128xi32, #tpu.memory_space<vmem>> -> memref<128xi32, #tpu.memory_space<vmem>>
      %dma_wait3A_395 = arith.constant 0 : i32
      %dma_wait3A_396 = arith.constant 0 : i32
      %dma_wait3A_397 = tpu.memref_slice %arg3[%dma_wait3A_395, %dma_wait3A_396] : memref<1000000x64xf32, #tpu.memory_space<hbm>> -> memref<1000000x64xf32, #tpu.memory_space<hbm>>
      tpu.wait_indirect_dma semaphore(%arg24 : memref<!tpu.dma_semaphore, #tpu.memory_space<semaphore_mem>>) src(%dma_wait3A_397 : memref<1000000x64xf32, #tpu.memory_space<hbm>>) dst(%arg12 : memref<128x64xf32, #tpu.memory_space<vmem>>)
      %mul3A_398 = arith.constant 2 : i32
      %mul3A_399 = arith.muli %mul3A_398, %scan3A_153 : i32
      %add3A_400 = arith.constant 0 : i32
      %add3A_401 = arith.addi %mul3A_399, %add3A_400 : i32
      %add3A_402 = arith.constant 2 : i32
      %add3A_403 = arith.addi %mul3A_2, %add3A_402 : i32
      %dma_wait3A_404 = arith.constant 0 : i32
      %dma_wait3A_405 = arith.constant 0 : i32
      %dma_wait3A_406 = arith.constant 0 : i32
      %dma_wait3A_407 = tpu.memref_slice %arg4[%add3A_401, %dma_wait3A_404, %add3A_403, %dma_wait3A_405, %dma_wait3A_406] : memref<50x8x128x8x128xf32, #tpu.memory_space<hbm>> -> memref<1x8x1x8x128xf32, #tpu.memory_space<hbm>>
      %dma_wait3A_408 = tpu.memref_squeeze %dma_wait3A_407 : memref<1x8x1x8x128xf32, #tpu.memory_space<hbm>> -> memref<8x8x128xf32, #tpu.memory_space<hbm>>
      %dma_wait3A_409 = arith.constant 0 : i32
      %dma_wait3A_410 = arith.constant 0 : i32
      %dma_wait3A_411 = arith.constant 0 : i32
      %dma_wait3A_412 = tpu.memref_slice %arg4[%add3A_401, %dma_wait3A_409, %add3A_403, %dma_wait3A_410, %dma_wait3A_411] : memref<50x8x128x8x128xf32, #tpu.memory_space<hbm>> -> memref<1x8x1x8x128xf32, #tpu.memory_space<hbm>>
      %dma_wait3A_413 = tpu.memref_squeeze %dma_wait3A_412 : memref<1x8x1x8x128xf32, #tpu.memory_space<hbm>> -> memref<8x8x128xf32, #tpu.memory_space<hbm>>
      tpu.wait_dma2 semaphore(%arg28 : memref<!tpu.dma_semaphore, #tpu.memory_space<semaphore_mem>>) src(%arg16 : memref<8x8x128xf32, #tpu.memory_space<vmem>>) dst(%dma_wait3A_413 : memref<8x8x128xf32, #tpu.memory_space<hbm>>)
      %parallel_loop3A_414 = arith.constant 0 : i32
      %parallel_loop3A_415 = arith.constant 64 : i32
      %parallel_loop3A_416 = arith.constant 1 : i32
      scf.for %parallel_loop3A_481 = %parallel_loop3A_414 to %parallel_loop3A_415 step %parallel_loop3A_416  : i32 {
        %parallel_loop3A_482 = vector.broadcast %parallel_loop3A_481 : i32 to vector<16xi32>
        %parallel_loop3A_483 = arith.constant 8 : i32
        %parallel_loop3A_484 = arith.divsi %parallel_loop3A_481, %parallel_loop3A_483 : i32
        %parallel_loop3A_485 = arith.constant 0 : i32
        %parallel_loop3A_486 = arith.cmpi sgt, %parallel_loop3A_481, %parallel_loop3A_485 : i32
        %parallel_loop3A_487 = arith.extui %parallel_loop3A_486 : i1 to i32
        %parallel_loop3A_488 = arith.constant 0 : i32
        %parallel_loop3A_489 = arith.cmpi slt, %parallel_loop3A_481, %parallel_loop3A_488 : i32
        %parallel_loop3A_490 = arith.extui %parallel_loop3A_489 : i1 to i32
        %parallel_loop3A_491 = arith.subi %parallel_loop3A_487, %parallel_loop3A_490 : i32
        %parallel_loop3A_492 = arith.constant 0 : i32
        %parallel_loop3A_493 = arith.cmpi sgt, %parallel_loop3A_483, %parallel_loop3A_492 : i32
        %parallel_loop3A_494 = arith.extui %parallel_loop3A_493 : i1 to i32
        %parallel_loop3A_495 = arith.constant 0 : i32
        %parallel_loop3A_496 = arith.cmpi slt, %parallel_loop3A_483, %parallel_loop3A_495 : i32
        %parallel_loop3A_497 = arith.extui %parallel_loop3A_496 : i1 to i32
        %parallel_loop3A_498 = arith.subi %parallel_loop3A_494, %parallel_loop3A_497 : i32
        %parallel_loop3A_499 = arith.cmpi ne, %parallel_loop3A_491, %parallel_loop3A_498 : i32
        %parallel_loop3A_500 = arith.remsi %parallel_loop3A_481, %parallel_loop3A_483 : i32
        %parallel_loop3A_501 = arith.constant 0 : i32
        %parallel_loop3A_502 = arith.cmpi ne, %parallel_loop3A_500, %parallel_loop3A_501 : i32
        %parallel_loop3A_503 = arith.andi %parallel_loop3A_499, %parallel_loop3A_502 : i1
        %parallel_loop3A_504 = arith.constant 1 : i32
        %parallel_loop3A_505 = arith.subi %parallel_loop3A_484, %parallel_loop3A_504 : i32
        %parallel_loop3A_506 = arith.select %parallel_loop3A_503, %parallel_loop3A_505, %parallel_loop3A_484 : i32
        %parallel_loop3A_507 = arith.constant 8 : i32
        %parallel_loop3A_508 = arith.constant 0 : i32
        %parallel_loop3A_509 = arith.cmpi eq, %parallel_loop3A_507, %parallel_loop3A_508 : i32
        %parallel_loop3A_510 = arith.constant 1 : i32
        %parallel_loop3A_511 = arith.select %parallel_loop3A_509, %parallel_loop3A_510, %parallel_loop3A_507 : i32
        %parallel_loop3A_512 = arith.remsi %parallel_loop3A_481, %parallel_loop3A_511 : i32
        %parallel_loop3A_513 = arith.constant 0 : i32
        %parallel_loop3A_514 = arith.cmpi ne, %parallel_loop3A_512, %parallel_loop3A_513 : i32
        %parallel_loop3A_515 = arith.constant 0 : i32
        %parallel_loop3A_516 = arith.cmpi slt, %parallel_loop3A_512, %parallel_loop3A_515 : i32
        %parallel_loop3A_517 = arith.constant 0 : i32
        %parallel_loop3A_518 = arith.cmpi slt, %parallel_loop3A_511, %parallel_loop3A_517 : i32
        %parallel_loop3A_519 = arith.xori %parallel_loop3A_516, %parallel_loop3A_518 : i1
        %parallel_loop3A_520 = arith.andi %parallel_loop3A_519, %parallel_loop3A_514 : i1
        %parallel_loop3A_521 = arith.addi %parallel_loop3A_512, %parallel_loop3A_511 : i32
        %parallel_loop3A_522 = arith.select %parallel_loop3A_520, %parallel_loop3A_521, %parallel_loop3A_512 : i32
        %parallel_loop3A_523 = tpu.vector_load_idx %arg12[%add3A_5, %parallel_loop3A_482] : memref<128x64xf32, #tpu.memory_space<vmem>>[vector<16xi32>, vector<16xi32>], vector<16xf32>,
        %parallel_loop3A_524 = arith.index_cast %parallel_loop3A_506 : i32 to index
        %parallel_loop3A_525 = arith.index_cast %parallel_loop3A_522 : i32 to index
        %parallel_loop3A_526 = arith.constant 0 : index
        %parallel_loop3A_527 = tpu.vector_load %arg16[%parallel_loop3A_524, %parallel_loop3A_525, %parallel_loop3A_526] {strides = array<i32>} : memref<8x8x128xf32, #tpu.memory_space<vmem>>, vector<16xf32>,
        tpu.vector_store %arg16[%parallel_loop3A_524, %parallel_loop3A_525, %parallel_loop3A_526], %parallel_loop3A_523 {strides = array<i32>} : memref<8x8x128xf32, #tpu.memory_space<vmem>>, vector<16xf32>,
        %parallel_loop3A_528 = tpu.vector_load_idx %arg12[%add3A_9, %parallel_loop3A_482] : memref<128x64xf32, #tpu.memory_space<vmem>>[vector<16xi32>, vector<16xi32>], vector<16xf32>,
        %parallel_loop3A_529 = arith.index_cast %parallel_loop3A_506 : i32 to index
        %parallel_loop3A_530 = arith.index_cast %parallel_loop3A_522 : i32 to index
        %parallel_loop3A_531 = arith.constant 16 : index
        %parallel_loop3A_532 = tpu.vector_load %arg16[%parallel_loop3A_529, %parallel_loop3A_530, %parallel_loop3A_531] {strides = array<i32>} : memref<8x8x128xf32, #tpu.memory_space<vmem>>, vector<16xf32>,
        tpu.vector_store %arg16[%parallel_loop3A_529, %parallel_loop3A_530, %parallel_loop3A_531], %parallel_loop3A_528 {strides = array<i32>} : memref<8x8x128xf32, #tpu.memory_space<vmem>>, vector<16xf32>,
        %parallel_loop3A_533 = tpu.vector_load_idx %arg12[%add3A_13, %parallel_loop3A_482] : memref<128x64xf32, #tpu.memory_space<vmem>>[vector<16xi32>, vector<16xi32>], vector<16xf32>,
        %parallel_loop3A_534 = arith.index_cast %parallel_loop3A_506 : i32 to index
        %parallel_loop3A_535 = arith.index_cast %parallel_loop3A_522 : i32 to index
        %parallel_loop3A_536 = arith.constant 32 : index
        %parallel_loop3A_537 = tpu.vector_load %arg16[%parallel_loop3A_534, %parallel_loop3A_535, %parallel_loop3A_536] {strides = array<i32>} : memref<8x8x128xf32, #tpu.memory_space<vmem>>, vector<16xf32>,
        tpu.vector_store %arg16[%parallel_loop3A_534, %parallel_loop3A_535, %parallel_loop3A_536], %parallel_loop3A_533 {strides = array<i32>} : memref<8x8x128xf32, #tpu.memory_space<vmem>>, vector<16xf32>,
        %parallel_loop3A_538 = tpu.vector_load_idx %arg12[%add3A_17, %parallel_loop3A_482] : memref<128x64xf32, #tpu.memory_space<vmem>>[vector<16xi32>, vector<16xi32>], vector<16xf32>,
        %parallel_loop3A_539 = arith.index_cast %parallel_loop3A_506 : i32 to index
        %parallel_loop3A_540 = arith.index_cast %parallel_loop3A_522 : i32 to index
        %parallel_loop3A_541 = arith.constant 48 : index
        %parallel_loop3A_542 = tpu.vector_load %arg16[%parallel_loop3A_539, %parallel_loop3A_540, %parallel_loop3A_541] {strides = array<i32>} : memref<8x8x128xf32, #tpu.memory_space<vmem>>, vector<16xf32>,
        tpu.vector_store %arg16[%parallel_loop3A_539, %parallel_loop3A_540, %parallel_loop3A_541], %parallel_loop3A_538 {strides = array<i32>} : memref<8x8x128xf32, #tpu.memory_space<vmem>>, vector<16xf32>,
        %parallel_loop3A_543 = tpu.vector_load_idx %arg12[%add3A_21, %parallel_loop3A_482] : memref<128x64xf32, #tpu.memory_space<vmem>>[vector<16xi32>, vector<16xi32>], vector<16xf32>,
        %parallel_loop3A_544 = arith.index_cast %parallel_loop3A_506 : i32 to index
        %parallel_loop3A_545 = arith.index_cast %parallel_loop3A_522 : i32 to index
        %parallel_loop3A_546 = arith.constant 64 : index
        %parallel_loop3A_547 = tpu.vector_load %arg16[%parallel_loop3A_544, %parallel_loop3A_545, %parallel_loop3A_546] {strides = array<i32>} : memref<8x8x128xf32, #tpu.memory_space<vmem>>, vector<16xf32>,
        tpu.vector_store %arg16[%parallel_loop3A_544, %parallel_loop3A_545, %parallel_loop3A_546], %parallel_loop3A_543 {strides = array<i32>} : memref<8x8x128xf32, #tpu.memory_space<vmem>>, vector<16xf32>,
        %parallel_loop3A_548 = tpu.vector_load_idx %arg12[%add3A_25, %parallel_loop3A_482] : memref<128x64xf32, #tpu.memory_space<vmem>>[vector<16xi32>, vector<16xi32>], vector<16xf32>,
        %parallel_loop3A_549 = arith.index_cast %parallel_loop3A_506 : i32 to index
        %parallel_loop3A_550 = arith.index_cast %parallel_loop3A_522 : i32 to index
        %parallel_loop3A_551 = arith.constant 80 : index
        %parallel_loop3A_552 = tpu.vector_load %arg16[%parallel_loop3A_549, %parallel_loop3A_550, %parallel_loop3A_551] {strides = array<i32>} : memref<8x8x128xf32, #tpu.memory_space<vmem>>, vector<16xf32>,
        tpu.vector_store %arg16[%parallel_loop3A_549, %parallel_loop3A_550, %parallel_loop3A_551], %parallel_loop3A_548 {strides = array<i32>} : memref<8x8x128xf32, #tpu.memory_space<vmem>>, vector<16xf32>,
        %parallel_loop3A_553 = tpu.vector_load_idx %arg12[%add3A_29, %parallel_loop3A_482] : memref<128x64xf32, #tpu.memory_space<vmem>>[vector<16xi32>, vector<16xi32>], vector<16xf32>,
        %parallel_loop3A_554 = arith.index_cast %parallel_loop3A_506 : i32 to index
        %parallel_loop3A_555 = arith.index_cast %parallel_loop3A_522 : i32 to index
        %parallel_loop3A_556 = arith.constant 96 : index
        %parallel_loop3A_557 = tpu.vector_load %arg16[%parallel_loop3A_554, %parallel_loop3A_555, %parallel_loop3A_556] {strides = array<i32>} : memref<8x8x128xf32, #tpu.memory_space<vmem>>, vector<16xf32>,
        tpu.vector_store %arg16[%parallel_loop3A_554, %parallel_loop3A_555, %parallel_loop3A_556], %parallel_loop3A_553 {strides = array<i32>} : memref<8x8x128xf32, #tpu.memory_space<vmem>>, vector<16xf32>,
        %parallel_loop3A_558 = tpu.vector_load_idx %arg12[%add3A_33, %parallel_loop3A_482] : memref<128x64xf32, #tpu.memory_space<vmem>>[vector<16xi32>, vector<16xi32>], vector<16xf32>,
        %parallel_loop3A_559 = arith.index_cast %parallel_loop3A_506 : i32 to index
        %parallel_loop3A_560 = arith.index_cast %parallel_loop3A_522 : i32 to index
        %parallel_loop3A_561 = arith.constant 112 : index
        %parallel_loop3A_562 = tpu.vector_load %arg16[%parallel_loop3A_559, %parallel_loop3A_560, %parallel_loop3A_561] {strides = array<i32>} : memref<8x8x128xf32, #tpu.memory_space<vmem>>, vector<16xf32>,
        tpu.vector_store %arg16[%parallel_loop3A_559, %parallel_loop3A_560, %parallel_loop3A_561], %parallel_loop3A_558 {strides = array<i32>} : memref<8x8x128xf32, #tpu.memory_space<vmem>>, vector<16xf32>,
      } {sc.loop_unroll_factor = 4 : i64, sc.parallel_access}
      %lt3A_417 = arith.constant 24 : i32
      %lt3A_418 = arith.cmpi slt, %scan3A_153, %lt3A_417 : i32
      %convert_element_type3A_419 = arith.extui %lt3A_418 : i1 to i32
      %cond3A_420 = arith.constant 0 : i32
      %cond3A_421 = arith.cmpi ne, %convert_element_type3A_419, %cond3A_420 : i32
      scf.if %cond3A_421 {
        %add3A_481 = arith.constant 1 : i32
        %add3A_482 = arith.addi %scan3A_153, %add3A_481 : i32
        %mul3A_483 = arith.constant 2 : i32
        %mul3A_484 = arith.muli %mul3A_483, %add3A_482 : i32
        %add3A_485 = arith.constant 1 : i32
        %add3A_486 = arith.addi %mul3A_484, %add3A_485 : i32
        %dma_start3A_487 = arith.constant 2 : i32
        %dma_start3A_488 = arith.constant 0 : i32
        %dma_start3A_489 = tpu.memref_slice %arg5[%add3A_486, %dma_start3A_487, %dma_start3A_488] : memref<50x4x128xi32, #tpu.memory_space<vmem>> -> memref<1x1x128xi32, #tpu.memory_space<vmem>>
        %dma_start3A_490 = tpu.memref_squeeze %dma_start3A_489 : memref<1x1x128xi32, #tpu.memory_space<vmem>> -> memref<128xi32, #tpu.memory_space<vmem>>
        %dma_start3A_491 = arith.constant 0 : i32
        %dma_start3A_492 = arith.constant 0 : i32
        %dma_start3A_493 = tpu.memref_slice %arg3[%dma_start3A_491, %dma_start3A_492] : memref<1000000x64xf32, #tpu.memory_space<hbm>> -> memref<1000000x64xf32, #tpu.memory_space<hbm>>
        tpu.enqueue_indirect_dma source(%dma_start3A_493 : memref<1000000x64xf32, #tpu.memory_space<hbm>>) target(%arg12 : memref<128x64xf32, #tpu.memory_space<vmem>>) offsets(%dma_start3A_490 : memref<128xi32, #tpu.memory_space<vmem>>) semaphore(%arg24 : memref<!tpu.dma_semaphore, #tpu.memory_space<semaphore_mem>>)
      } else {
      }
      %add3A_422 = arith.constant 2 : i32
      %add3A_423 = arith.addi %mul3A_2, %add3A_422 : i32
      %dma_start3A_424 = arith.constant 0 : i32
      %dma_start3A_425 = arith.constant 0 : i32
      %dma_start3A_426 = arith.constant 0 : i32
      %dma_start3A_427 = tpu.memref_slice %arg4[%add3A_390, %dma_start3A_424, %add3A_423, %dma_start3A_425, %dma_start3A_426] : memref<50x8x128x8x128xf32, #tpu.memory_space<hbm>> -> memref<1x8x1x8x128xf32, #tpu.memory_space<hbm>>
      %dma_start3A_428 = tpu.memref_squeeze %dma_start3A_427 : memref<1x8x1x8x128xf32, #tpu.memory_space<hbm>> -> memref<8x8x128xf32, #tpu.memory_space<hbm>>
      %dma_start3A_429 = arith.constant 0 : i32
      %dma_start3A_430 = arith.constant 0 : i32
      %dma_start3A_431 = arith.constant 0 : i32
      %dma_start3A_432 = tpu.memref_slice %arg4[%add3A_390, %dma_start3A_429, %add3A_423, %dma_start3A_430, %dma_start3A_431] : memref<50x8x128x8x128xf32, #tpu.memory_space<hbm>> -> memref<1x8x1x8x128xf32, #tpu.memory_space<hbm>>
      %dma_start3A_433 = tpu.memref_squeeze %dma_start3A_432 : memref<1x8x1x8x128xf32, #tpu.memory_space<hbm>> -> memref<8x8x128xf32, #tpu.memory_space<hbm>>
      tpu.enqueue_dma source(%arg16 : memref<8x8x128xf32, #tpu.memory_space<vmem>>) target(%dma_start3A_433 : memref<8x8x128xf32, #tpu.memory_space<hbm>>) target_semaphore(%arg28 : memref<!tpu.dma_semaphore, #tpu.memory_space<semaphore_mem>>)
      %mul3A_434 = arith.constant 2 : i32
      %mul3A_435 = arith.muli %mul3A_434, %scan3A_153 : i32
      %add3A_436 = arith.constant 1 : i32
      %add3A_437 = arith.addi %mul3A_435, %add3A_436 : i32
      %dma_wait3A_438 = arith.constant 3 : i32
      %dma_wait3A_439 = arith.constant 0 : i32
      %dma_wait3A_440 = tpu.memref_slice %arg5[%add3A_437, %dma_wait3A_438, %dma_wait3A_439] : memref<50x4x128xi32, #tpu.memory_space<vmem>> -> memref<1x1x128xi32, #tpu.memory_space<vmem>>
      %dma_wait3A_441 = tpu.memref_squeeze %dma_wait3A_440 : memref<1x1x128xi32, #tpu.memory_space<vmem>> -> memref<128xi32, #tpu.memory_space<vmem>>
      %dma_wait3A_442 = arith.constant 0 : i32
      %dma_wait3A_443 = arith.constant 0 : i32
      %dma_wait3A_444 = tpu.memref_slice %arg3[%dma_wait3A_442, %dma_wait3A_443] : memref<1000000x64xf32, #tpu.memory_space<hbm>> -> memref<1000000x64xf32, #tpu.memory_space<hbm>>
      tpu.wait_indirect_dma semaphore(%arg25 : memref<!tpu.dma_semaphore, #tpu.memory_space<semaphore_mem>>) src(%dma_wait3A_444 : memref<1000000x64xf32, #tpu.memory_space<hbm>>) dst(%arg13 : memref<128x64xf32, #tpu.memory_space<vmem>>)
      %mul3A_445 = arith.constant 2 : i32
      %mul3A_446 = arith.muli %mul3A_445, %scan3A_153 : i32
      %add3A_447 = arith.constant 0 : i32
      %add3A_448 = arith.addi %mul3A_446, %add3A_447 : i32
      %add3A_449 = arith.constant 3 : i32
      %add3A_450 = arith.addi %mul3A_2, %add3A_449 : i32
      %dma_wait3A_451 = arith.constant 0 : i32
      %dma_wait3A_452 = arith.constant 0 : i32
      %dma_wait3A_453 = arith.constant 0 : i32
      %dma_wait3A_454 = tpu.memref_slice %arg4[%add3A_448, %dma_wait3A_451, %add3A_450, %dma_wait3A_452, %dma_wait3A_453] : memref<50x8x128x8x128xf32, #tpu.memory_space<hbm>> -> memref<1x8x1x8x128xf32, #tpu.memory_space<hbm>>
      %dma_wait3A_455 = tpu.memref_squeeze %dma_wait3A_454 : memref<1x8x1x8x128xf32, #tpu.memory_space<hbm>> -> memref<8x8x128xf32, #tpu.memory_space<hbm>>
      %dma_wait3A_456 = arith.constant 0 : i32
      %dma_wait3A_457 = arith.constant 0 : i32
      %dma_wait3A_458 = arith.constant 0 : i32
      %dma_wait3A_459 = tpu.memref_slice %arg4[%add3A_448, %dma_wait3A_456, %add3A_450, %dma_wait3A_457, %dma_wait3A_458] : memref<50x8x128x8x128xf32, #tpu.memory_space<hbm>> -> memref<1x8x1x8x128xf32, #tpu.memory_space<hbm>>
      %dma_wait3A_460 = tpu.memref_squeeze %dma_wait3A_459 : memref<1x8x1x8x128xf32, #tpu.memory_space<hbm>> -> memref<8x8x128xf32, #tpu.memory_space<hbm>>
      tpu.wait_dma2 semaphore(%arg29 : memref<!tpu.dma_semaphore, #tpu.memory_space<semaphore_mem>>) src(%arg17 : memref<8x8x128xf32, #tpu.memory_space<vmem>>) dst(%dma_wait3A_460 : memref<8x8x128xf32, #tpu.memory_space<hbm>>)
      %parallel_loop3A_461 = arith.constant 0 : i32
      %parallel_loop3A_462 = arith.constant 64 : i32
      %parallel_loop3A_463 = arith.constant 1 : i32
      scf.for %parallel_loop3A_481 = %parallel_loop3A_461 to %parallel_loop3A_462 step %parallel_loop3A_463  : i32 {
        %parallel_loop3A_482 = vector.broadcast %parallel_loop3A_481 : i32 to vector<16xi32>
        %parallel_loop3A_483 = arith.constant 8 : i32
        %parallel_loop3A_484 = arith.divsi %parallel_loop3A_481, %parallel_loop3A_483 : i32
        %parallel_loop3A_485 = arith.constant 0 : i32
        %parallel_loop3A_486 = arith.cmpi sgt, %parallel_loop3A_481, %parallel_loop3A_485 : i32
        %parallel_loop3A_487 = arith.extui %parallel_loop3A_486 : i1 to i32
        %parallel_loop3A_488 = arith.constant 0 : i32
        %parallel_loop3A_489 = arith.cmpi slt, %parallel_loop3A_481, %parallel_loop3A_488 : i32
        %parallel_loop3A_490 = arith.extui %parallel_loop3A_489 : i1 to i32
        %parallel_loop3A_491 = arith.subi %parallel_loop3A_487, %parallel_loop3A_490 : i32
        %parallel_loop3A_492 = arith.constant 0 : i32
        %parallel_loop3A_493 = arith.cmpi sgt, %parallel_loop3A_483, %parallel_loop3A_492 : i32
        %parallel_loop3A_494 = arith.extui %parallel_loop3A_493 : i1 to i32
        %parallel_loop3A_495 = arith.constant 0 : i32
        %parallel_loop3A_496 = arith.cmpi slt, %parallel_loop3A_483, %parallel_loop3A_495 : i32
        %parallel_loop3A_497 = arith.extui %parallel_loop3A_496 : i1 to i32
        %parallel_loop3A_498 = arith.subi %parallel_loop3A_494, %parallel_loop3A_497 : i32
        %parallel_loop3A_499 = arith.cmpi ne, %parallel_loop3A_491, %parallel_loop3A_498 : i32
        %parallel_loop3A_500 = arith.remsi %parallel_loop3A_481, %parallel_loop3A_483 : i32
        %parallel_loop3A_501 = arith.constant 0 : i32
        %parallel_loop3A_502 = arith.cmpi ne, %parallel_loop3A_500, %parallel_loop3A_501 : i32
        %parallel_loop3A_503 = arith.andi %parallel_loop3A_499, %parallel_loop3A_502 : i1
        %parallel_loop3A_504 = arith.constant 1 : i32
        %parallel_loop3A_505 = arith.subi %parallel_loop3A_484, %parallel_loop3A_504 : i32
        %parallel_loop3A_506 = arith.select %parallel_loop3A_503, %parallel_loop3A_505, %parallel_loop3A_484 : i32
        %parallel_loop3A_507 = arith.constant 8 : i32
        %parallel_loop3A_508 = arith.constant 0 : i32
        %parallel_loop3A_509 = arith.cmpi eq, %parallel_loop3A_507, %parallel_loop3A_508 : i32
        %parallel_loop3A_510 = arith.constant 1 : i32
        %parallel_loop3A_511 = arith.select %parallel_loop3A_509, %parallel_loop3A_510, %parallel_loop3A_507 : i32
        %parallel_loop3A_512 = arith.remsi %parallel_loop3A_481, %parallel_loop3A_511 : i32
        %parallel_loop3A_513 = arith.constant 0 : i32
        %parallel_loop3A_514 = arith.cmpi ne, %parallel_loop3A_512, %parallel_loop3A_513 : i32
        %parallel_loop3A_515 = arith.constant 0 : i32
        %parallel_loop3A_516 = arith.cmpi slt, %parallel_loop3A_512, %parallel_loop3A_515 : i32
        %parallel_loop3A_517 = arith.constant 0 : i32
        %parallel_loop3A_518 = arith.cmpi slt, %parallel_loop3A_511, %parallel_loop3A_517 : i32
        %parallel_loop3A_519 = arith.xori %parallel_loop3A_516, %parallel_loop3A_518 : i1
        %parallel_loop3A_520 = arith.andi %parallel_loop3A_519, %parallel_loop3A_514 : i1
        %parallel_loop3A_521 = arith.addi %parallel_loop3A_512, %parallel_loop3A_511 : i32
        %parallel_loop3A_522 = arith.select %parallel_loop3A_520, %parallel_loop3A_521, %parallel_loop3A_512 : i32
        %parallel_loop3A_523 = tpu.vector_load_idx %arg13[%add3A_5, %parallel_loop3A_482] : memref<128x64xf32, #tpu.memory_space<vmem>>[vector<16xi32>, vector<16xi32>], vector<16xf32>,
        %parallel_loop3A_524 = arith.index_cast %parallel_loop3A_506 : i32 to index
        %parallel_loop3A_525 = arith.index_cast %parallel_loop3A_522 : i32 to index
        %parallel_loop3A_526 = arith.constant 0 : index
        %parallel_loop3A_527 = tpu.vector_load %arg17[%parallel_loop3A_524, %parallel_loop3A_525, %parallel_loop3A_526] {strides = array<i32>} : memref<8x8x128xf32, #tpu.memory_space<vmem>>, vector<16xf32>,
        tpu.vector_store %arg17[%parallel_loop3A_524, %parallel_loop3A_525, %parallel_loop3A_526], %parallel_loop3A_523 {strides = array<i32>} : memref<8x8x128xf32, #tpu.memory_space<vmem>>, vector<16xf32>,
        %parallel_loop3A_528 = tpu.vector_load_idx %arg13[%add3A_9, %parallel_loop3A_482] : memref<128x64xf32, #tpu.memory_space<vmem>>[vector<16xi32>, vector<16xi32>], vector<16xf32>,
        %parallel_loop3A_529 = arith.index_cast %parallel_loop3A_506 : i32 to index
        %parallel_loop3A_530 = arith.index_cast %parallel_loop3A_522 : i32 to index
        %parallel_loop3A_531 = arith.constant 16 : index
        %parallel_loop3A_532 = tpu.vector_load %arg17[%parallel_loop3A_529, %parallel_loop3A_530, %parallel_loop3A_531] {strides = array<i32>} : memref<8x8x128xf32, #tpu.memory_space<vmem>>, vector<16xf32>,
        tpu.vector_store %arg17[%parallel_loop3A_529, %parallel_loop3A_530, %parallel_loop3A_531], %parallel_loop3A_528 {strides = array<i32>} : memref<8x8x128xf32, #tpu.memory_space<vmem>>, vector<16xf32>,
        %parallel_loop3A_533 = tpu.vector_load_idx %arg13[%add3A_13, %parallel_loop3A_482] : memref<128x64xf32, #tpu.memory_space<vmem>>[vector<16xi32>, vector<16xi32>], vector<16xf32>,
        %parallel_loop3A_534 = arith.index_cast %parallel_loop3A_506 : i32 to index
        %parallel_loop3A_535 = arith.index_cast %parallel_loop3A_522 : i32 to index
        %parallel_loop3A_536 = arith.constant 32 : index
        %parallel_loop3A_537 = tpu.vector_load %arg17[%parallel_loop3A_534, %parallel_loop3A_535, %parallel_loop3A_536] {strides = array<i32>} : memref<8x8x128xf32, #tpu.memory_space<vmem>>, vector<16xf32>,
        tpu.vector_store %arg17[%parallel_loop3A_534, %parallel_loop3A_535, %parallel_loop3A_536], %parallel_loop3A_533 {strides = array<i32>} : memref<8x8x128xf32, #tpu.memory_space<vmem>>, vector<16xf32>,
        %parallel_loop3A_538 = tpu.vector_load_idx %arg13[%add3A_17, %parallel_loop3A_482] : memref<128x64xf32, #tpu.memory_space<vmem>>[vector<16xi32>, vector<16xi32>], vector<16xf32>,
        %parallel_loop3A_539 = arith.index_cast %parallel_loop3A_506 : i32 to index
        %parallel_loop3A_540 = arith.index_cast %parallel_loop3A_522 : i32 to index
        %parallel_loop3A_541 = arith.constant 48 : index
        %parallel_loop3A_542 = tpu.vector_load %arg17[%parallel_loop3A_539, %parallel_loop3A_540, %parallel_loop3A_541] {strides = array<i32>} : memref<8x8x128xf32, #tpu.memory_space<vmem>>, vector<16xf32>,
        tpu.vector_store %arg17[%parallel_loop3A_539, %parallel_loop3A_540, %parallel_loop3A_541], %parallel_loop3A_538 {strides = array<i32>} : memref<8x8x128xf32, #tpu.memory_space<vmem>>, vector<16xf32>,
        %parallel_loop3A_543 = tpu.vector_load_idx %arg13[%add3A_21, %parallel_loop3A_482] : memref<128x64xf32, #tpu.memory_space<vmem>>[vector<16xi32>, vector<16xi32>], vector<16xf32>,
        %parallel_loop3A_544 = arith.index_cast %parallel_loop3A_506 : i32 to index
        %parallel_loop3A_545 = arith.index_cast %parallel_loop3A_522 : i32 to index
        %parallel_loop3A_546 = arith.constant 64 : index
        %parallel_loop3A_547 = tpu.vector_load %arg17[%parallel_loop3A_544, %parallel_loop3A_545, %parallel_loop3A_546] {strides = array<i32>} : memref<8x8x128xf32, #tpu.memory_space<vmem>>, vector<16xf32>,
        tpu.vector_store %arg17[%parallel_loop3A_544, %parallel_loop3A_545, %parallel_loop3A_546], %parallel_loop3A_543 {strides = array<i32>} : memref<8x8x128xf32, #tpu.memory_space<vmem>>, vector<16xf32>,
        %parallel_loop3A_548 = tpu.vector_load_idx %arg13[%add3A_25, %parallel_loop3A_482] : memref<128x64xf32, #tpu.memory_space<vmem>>[vector<16xi32>, vector<16xi32>], vector<16xf32>,
        %parallel_loop3A_549 = arith.index_cast %parallel_loop3A_506 : i32 to index
        %parallel_loop3A_550 = arith.index_cast %parallel_loop3A_522 : i32 to index
        %parallel_loop3A_551 = arith.constant 80 : index
        %parallel_loop3A_552 = tpu.vector_load %arg17[%parallel_loop3A_549, %parallel_loop3A_550, %parallel_loop3A_551] {strides = array<i32>} : memref<8x8x128xf32, #tpu.memory_space<vmem>>, vector<16xf32>,
        tpu.vector_store %arg17[%parallel_loop3A_549, %parallel_loop3A_550, %parallel_loop3A_551], %parallel_loop3A_548 {strides = array<i32>} : memref<8x8x128xf32, #tpu.memory_space<vmem>>, vector<16xf32>,
        %parallel_loop3A_553 = tpu.vector_load_idx %arg13[%add3A_29, %parallel_loop3A_482] : memref<128x64xf32, #tpu.memory_space<vmem>>[vector<16xi32>, vector<16xi32>], vector<16xf32>,
        %parallel_loop3A_554 = arith.index_cast %parallel_loop3A_506 : i32 to index
        %parallel_loop3A_555 = arith.index_cast %parallel_loop3A_522 : i32 to index
        %parallel_loop3A_556 = arith.constant 96 : index
        %parallel_loop3A_557 = tpu.vector_load %arg17[%parallel_loop3A_554, %parallel_loop3A_555, %parallel_loop3A_556] {strides = array<i32>} : memref<8x8x128xf32, #tpu.memory_space<vmem>>, vector<16xf32>,
        tpu.vector_store %arg17[%parallel_loop3A_554, %parallel_loop3A_555, %parallel_loop3A_556], %parallel_loop3A_553 {strides = array<i32>} : memref<8x8x128xf32, #tpu.memory_space<vmem>>, vector<16xf32>,
        %parallel_loop3A_558 = tpu.vector_load_idx %arg13[%add3A_33, %parallel_loop3A_482] : memref<128x64xf32, #tpu.memory_space<vmem>>[vector<16xi32>, vector<16xi32>], vector<16xf32>,
        %parallel_loop3A_559 = arith.index_cast %parallel_loop3A_506 : i32 to index
        %parallel_loop3A_560 = arith.index_cast %parallel_loop3A_522 : i32 to index
        %parallel_loop3A_561 = arith.constant 112 : index
        %parallel_loop3A_562 = tpu.vector_load %arg17[%parallel_loop3A_559, %parallel_loop3A_560, %parallel_loop3A_561] {strides = array<i32>} : memref<8x8x128xf32, #tpu.memory_space<vmem>>, vector<16xf32>,
        tpu.vector_store %arg17[%parallel_loop3A_559, %parallel_loop3A_560, %parallel_loop3A_561], %parallel_loop3A_558 {strides = array<i32>} : memref<8x8x128xf32, #tpu.memory_space<vmem>>, vector<16xf32>,
      } {sc.loop_unroll_factor = 4 : i64, sc.parallel_access}
      %lt3A_464 = arith.constant 24 : i32
      %lt3A_465 = arith.cmpi slt, %scan3A_153, %lt3A_464 : i32
      %convert_element_type3A_466 = arith.extui %lt3A_465 : i1 to i32
      %cond3A_467 = arith.constant 0 : i32
      %cond3A_468 = arith.cmpi ne, %convert_element_type3A_466, %cond3A_467 : i32
      scf.if %cond3A_468 {
        %add3A_481 = arith.constant 1 : i32
        %add3A_482 = arith.addi %scan3A_153, %add3A_481 : i32
        %mul3A_483 = arith.constant 2 : i32
        %mul3A_484 = arith.muli %mul3A_483, %add3A_482 : i32
        %add3A_485 = arith.constant 1 : i32
        %add3A_486 = arith.addi %mul3A_484, %add3A_485 : i32
        %dma_start3A_487 = arith.constant 3 : i32
        %dma_start3A_488 = arith.constant 0 : i32
        %dma_start3A_489 = tpu.memref_slice %arg5[%add3A_486, %dma_start3A_487, %dma_start3A_488] : memref<50x4x128xi32, #tpu.memory_space<vmem>> -> memref<1x1x128xi32, #tpu.memory_space<vmem>>
        %dma_start3A_490 = tpu.memref_squeeze %dma_start3A_489 : memref<1x1x128xi32, #tpu.memory_space<vmem>> -> memref<128xi32, #tpu.memory_space<vmem>>
        %dma_start3A_491 = arith.constant 0 : i32
        %dma_start3A_492 = arith.constant 0 : i32
        %dma_start3A_493 = tpu.memref_slice %arg3[%dma_start3A_491, %dma_start3A_492] : memref<1000000x64xf32, #tpu.memory_space<hbm>> -> memref<1000000x64xf32, #tpu.memory_space<hbm>>
        tpu.enqueue_indirect_dma source(%dma_start3A_493 : memref<1000000x64xf32, #tpu.memory_space<hbm>>) target(%arg13 : memref<128x64xf32, #tpu.memory_space<vmem>>) offsets(%dma_start3A_490 : memref<128xi32, #tpu.memory_space<vmem>>) semaphore(%arg25 : memref<!tpu.dma_semaphore, #tpu.memory_space<semaphore_mem>>)
      } else {
      }
      %add3A_469 = arith.constant 3 : i32
      %add3A_470 = arith.addi %mul3A_2, %add3A_469 : i32
      %dma_start3A_471 = arith.constant 0 : i32
      %dma_start3A_472 = arith.constant 0 : i32
      %dma_start3A_473 = arith.constant 0 : i32
      %dma_start3A_474 = tpu.memref_slice %arg4[%add3A_437, %dma_start3A_471, %add3A_470, %dma_start3A_472, %dma_start3A_473] : memref<50x8x128x8x128xf32, #tpu.memory_space<hbm>> -> memref<1x8x1x8x128xf32, #tpu.memory_space<hbm>>
      %dma_start3A_475 = tpu.memref_squeeze %dma_start3A_474 : memref<1x8x1x8x128xf32, #tpu.memory_space<hbm>> -> memref<8x8x128xf32, #tpu.memory_space<hbm>>
      %dma_start3A_476 = arith.constant 0 : i32
      %dma_start3A_477 = arith.constant 0 : i32
      %dma_start3A_478 = arith.constant 0 : i32
      %dma_start3A_479 = tpu.memref_slice %arg4[%add3A_437, %dma_start3A_476, %add3A_470, %dma_start3A_477, %dma_start3A_478] : memref<50x8x128x8x128xf32, #tpu.memory_space<hbm>> -> memref<1x8x1x8x128xf32, #tpu.memory_space<hbm>>
      %dma_start3A_480 = tpu.memref_squeeze %dma_start3A_479 : memref<1x8x1x8x128xf32, #tpu.memory_space<hbm>> -> memref<8x8x128xf32, #tpu.memory_space<hbm>>
      tpu.enqueue_dma source(%arg17 : memref<8x8x128xf32, #tpu.memory_space<vmem>>) target(%dma_start3A_480 : memref<8x8x128xf32, #tpu.memory_space<hbm>>) target_semaphore(%arg29 : memref<!tpu.dma_semaphore, #tpu.memory_space<semaphore_mem>>)
    }
    %scan3A_101 = arith.constant 25 : i32
    %add3A_102 = arith.constant 0 : i32
    %add3A_103 = arith.addi %mul3A_2, %add3A_102 : i32
    %dma_wait3A = arith.constant 49 : i32
    %dma_wait3A_104 = arith.constant 0 : i32
    %dma_wait3A_105 = arith.constant 0 : i32
    %dma_wait3A_106 = arith.constant 0 : i32
    %dma_wait3A_107 = tpu.memref_slice %arg4[%dma_wait3A, %dma_wait3A_104, %add3A_103, %dma_wait3A_105, %dma_wait3A_106] : memref<50x8x128x8x128xf32, #tpu.memory_space<hbm>> -> memref<1x8x1x8x128xf32, #tpu.memory_space<hbm>>
    %dma_wait3A_108 = tpu.memref_squeeze %dma_wait3A_107 : memref<1x8x1x8x128xf32, #tpu.memory_space<hbm>> -> memref<8x8x128xf32, #tpu.memory_space<hbm>>
    %dma_wait3A_109 = arith.constant 0 : i32
    %dma_wait3A_110 = arith.constant 0 : i32
    %dma_wait3A_111 = arith.constant 0 : i32
    %dma_wait3A_112 = tpu.memref_slice %arg4[%dma_wait3A, %dma_wait3A_109, %add3A_103, %dma_wait3A_110, %dma_wait3A_111] : memref<50x8x128x8x128xf32, #tpu.memory_space<hbm>> -> memref<1x8x1x8x128xf32, #tpu.memory_space<hbm>>
    %dma_wait3A_113 = tpu.memref_squeeze %dma_wait3A_112 : memref<1x8x1x8x128xf32, #tpu.memory_space<hbm>> -> memref<8x8x128xf32, #tpu.memory_space<hbm>>
    tpu.wait_dma2 semaphore(%arg26 : memref<!tpu.dma_semaphore, #tpu.memory_space<semaphore_mem>>) src(%arg14 : memref<8x8x128xf32, #tpu.memory_space<vmem>>) dst(%dma_wait3A_113 : memref<8x8x128xf32, #tpu.memory_space<hbm>>)
    %add3A_114 = arith.constant 1 : i32
    %add3A_115 = arith.addi %mul3A_2, %add3A_114 : i32
    %dma_wait3A_116 = arith.constant 49 : i32
    %dma_wait3A_117 = arith.constant 0 : i32
    %dma_wait3A_118 = arith.constant 0 : i32
    %dma_wait3A_119 = arith.constant 0 : i32
    %dma_wait3A_120 = tpu.memref_slice %arg4[%dma_wait3A_116, %dma_wait3A_117, %add3A_115, %dma_wait3A_118, %dma_wait3A_119] : memref<50x8x128x8x128xf32, #tpu.memory_space<hbm>> -> memref<1x8x1x8x128xf32, #tpu.memory_space<hbm>>
    %dma_wait3A_121 = tpu.memref_squeeze %dma_wait3A_120 : memref<1x8x1x8x128xf32, #tpu.memory_space<hbm>> -> memref<8x8x128xf32, #tpu.memory_space<hbm>>
    %dma_wait3A_122 = arith.constant 0 : i32
    %dma_wait3A_123 = arith.constant 0 : i32
    %dma_wait3A_124 = arith.constant 0 : i32
    %dma_wait3A_125 = tpu.memref_slice %arg4[%dma_wait3A_116, %dma_wait3A_122, %add3A_115, %dma_wait3A_123, %dma_wait3A_124] : memref<50x8x128x8x128xf32, #tpu.memory_space<hbm>> -> memref<1x8x1x8x128xf32, #tpu.memory_space<hbm>>
    %dma_wait3A_126 = tpu.memref_squeeze %dma_wait3A_125 : memref<1x8x1x8x128xf32, #tpu.memory_space<hbm>> -> memref<8x8x128xf32, #tpu.memory_space<hbm>>
    tpu.wait_dma2 semaphore(%arg27 : memref<!tpu.dma_semaphore, #tpu.memory_space<semaphore_mem>>) src(%arg15 : memref<8x8x128xf32, #tpu.memory_space<vmem>>) dst(%dma_wait3A_126 : memref<8x8x128xf32, #tpu.memory_space<hbm>>)
    %add3A_127 = arith.constant 2 : i32
    %add3A_128 = arith.addi %mul3A_2, %add3A_127 : i32
    %dma_wait3A_129 = arith.constant 49 : i32
    %dma_wait3A_130 = arith.constant 0 : i32
    %dma_wait3A_131 = arith.constant 0 : i32
    %dma_wait3A_132 = arith.constant 0 : i32
    %dma_wait3A_133 = tpu.memref_slice %arg4[%dma_wait3A_129, %dma_wait3A_130, %add3A_128, %dma_wait3A_131, %dma_wait3A_132] : memref<50x8x128x8x128xf32, #tpu.memory_space<hbm>> -> memref<1x8x1x8x128xf32, #tpu.memory_space<hbm>>
    %dma_wait3A_134 = tpu.memref_squeeze %dma_wait3A_133 : memref<1x8x1x8x128xf32, #tpu.memory_space<hbm>> -> memref<8x8x128xf32, #tpu.memory_space<hbm>>
    %dma_wait3A_135 = arith.constant 0 : i32
    %dma_wait3A_136 = arith.constant 0 : i32
    %dma_wait3A_137 = arith.constant 0 : i32
    %dma_wait3A_138 = tpu.memref_slice %arg4[%dma_wait3A_129, %dma_wait3A_135, %add3A_128, %dma_wait3A_136, %dma_wait3A_137] : memref<50x8x128x8x128xf32, #tpu.memory_space<hbm>> -> memref<1x8x1x8x128xf32, #tpu.memory_space<hbm>>
    %dma_wait3A_139 = tpu.memref_squeeze %dma_wait3A_138 : memref<1x8x1x8x128xf32, #tpu.memory_space<hbm>> -> memref<8x8x128xf32, #tpu.memory_space<hbm>>
    tpu.wait_dma2 semaphore(%arg28 : memref<!tpu.dma_semaphore, #tpu.memory_space<semaphore_mem>>) src(%arg16 : memref<8x8x128xf32, #tpu.memory_space<vmem>>) dst(%dma_wait3A_139 : memref<8x8x128xf32, #tpu.memory_space<hbm>>)
    %add3A_140 = arith.constant 3 : i32
    %add3A_141 = arith.addi %mul3A_2, %add3A_140 : i32
    %dma_wait3A_142 = arith.constant 49 : i32
    %dma_wait3A_143 = arith.constant 0 : i32
    %dma_wait3A_144 = arith.constant 0 : i32
    %dma_wait3A_145 = arith.constant 0 : i32
    %dma_wait3A_146 = tpu.memref_slice %arg4[%dma_wait3A_142, %dma_wait3A_143, %add3A_141, %dma_wait3A_144, %dma_wait3A_145] : memref<50x8x128x8x128xf32, #tpu.memory_space<hbm>> -> memref<1x8x1x8x128xf32, #tpu.memory_space<hbm>>
    %dma_wait3A_147 = tpu.memref_squeeze %dma_wait3A_146 : memref<1x8x1x8x128xf32, #tpu.memory_space<hbm>> -> memref<8x8x128xf32, #tpu.memory_space<hbm>>
    %dma_wait3A_148 = arith.constant 0 : i32
    %dma_wait3A_149 = arith.constant 0 : i32
    %dma_wait3A_150 = arith.constant 0 : i32
    %dma_wait3A_151 = tpu.memref_slice %arg4[%dma_wait3A_142, %dma_wait3A_148, %add3A_141, %dma_wait3A_149, %dma_wait3A_150] : memref<50x8x128x8x128xf32, #tpu.memory_space<hbm>> -> memref<1x8x1x8x128xf32, #tpu.memory_space<hbm>>
    %dma_wait3A_152 = tpu.memref_squeeze %dma_wait3A_151 : memref<1x8x1x8x128xf32, #tpu.memory_space<hbm>> -> memref<8x8x128xf32, #tpu.memory_space<hbm>>
    tpu.wait_dma2 semaphore(%arg29 : memref<!tpu.dma_semaphore, #tpu.memory_space<semaphore_mem>>) src(%arg17 : memref<8x8x128xf32, #tpu.memory_space<vmem>>) dst(%dma_wait3A_152 : memref<8x8x128xf32, #tpu.memory_space<hbm>>)
    return
  }
}

</mosaic_0001>

<sc_bundles>
// kernel: kernel.3.cloned.1.call-start
scs
__scs_entry_jumppad:
0x0: {  	(pc) =	sbr.rel $0x88, $3  }
0x1: {  	(tag) =	ssettag $0x0;
	lr =	simm.s32 $0x1  }
0x2: {  	[smem:$0x3F9F] =	sst lr;
	_ =	strace $0xD0000000  }
0x3: {  	_ = 	snop  }
0x4: {  	_ = 	snop  }
0x5: {  	_ = 	snop  }
0x6: {  	_ = 	snop  }
0x7: {  	_ = 	snop  }
__scs_overlays_trampoline_lowered:
0x8: {  	[smem:$0x3FAE] =	sst s0  }
0x9: {  	[smem:$0x3FAF] =	sst s1  }
0xa: {  	[smem:$0x3FB0] =	sst s2  }
0xb: {  	[smem:$0x3FB1] =	sst s3  }
0xc: {  	[smem:$0x3FB2] =	sst s4  }
0xd: {  	[smem:$0x3FB3] =	sst s5  }
0xe: {  	[smem:$0x3FB4] =	sst s6  }
0xf: {  	[smem:$0x3FB5] =	sst s7  }
0x10: {  	[smem:$0x3FB6] =	sst s8  }
0x11: {  	[smem:$0x3FB7] =	sst s9;
	s0 =	simm.s32 @!p0 $0x0  }
0x12: {  	s1 =	sld [smem:$0x3F9D];
	s0 =	simm.s32 @p0 $0x1  }
0x13: {  	[smem:$0x3FB8] =	sst s0;
	s0 =	simm.s32 @!p1 $0x0  }
0x14: {  	s2 =	sld [smem:$0x3F9C];
	s0 =	simm.s32 @p1 $0x1  }
0x15: {  	[smem:$0x3FB9] =	sst s0;
	s0 =	simm.s32 @!p2 $0x0  }
0x16: {  	s3 =	sld [smem:$0x3FDB];
	s0 =	simm.s32 @p2 $0x1  }
0x17: {  	s4 =	simm.s32 $0x1BF5;
	[smem:$0x3FBB] =	sst s0  }
0x18: {  	s0 =	sld [smem:$0x3F9E];
	_ =	swait.ge [sflag:s4], $0x0  }
0x19: {  	s7 =	sld [smem:$0x3F9F]  }
0x1a: {  	s8 =	sadd.s32 $0xFFFFE003, lr  }
0x1b: {  	s9 =	sadd.s32 $0xFFFFFEF7, lr;
	s5 =	simm.s32 $0xFFFFFFFF;
	p2 =	slt.u32 s8, $0xFFFFF086  }
0x1c: {  	p1 =	slt.u32 s9, $0xF7A;
	s5 =	simm.s32 @!p2 $0x0  }
0x1d: {  	s5 =	simm.s32 @p1 $0x1;
	p0 =	seq.s32 s7, s2  }
0x1e: {  	s7 =	smul.u32 @!p0 $0xF7A, s2;
	p2 =	seq.s32 @!p0 s5, $0x0  }
0x1f: {  	s9 =	smul.u32 $0xF7A, s1;
	s8 =	simm.s32 @!p0 $0x1BF5;
	p2 =	por !p2, p0  }
0x20: {  	[sflag:s8] =	ssyncset.s32 @!p0 $0xFFFFF086;
	s6 =	sadd.s32 @!p0 s3, s7;
	s7 =	simm.s32 @!p0 $0x108  }
0x21: {  	s3 =	sadd.s32 s3, s9;
	s6 =	sadd.s32 @!p0 $0x88, s6;
	s7 =	simm.s32 @p2 $0x1082  }
0x22: {  	[simem:s7], [sflag:s8] =	dma.local @!p0 [hbm:s6], $0xF7A  }
0x23: {  	s9 =	sor.u32 $0xD0000000, s2;
	s6 =	simm.s32 $0x108;
	_ =	swait.ge @!p0 [sflag:s8], $0x0  }
0x24: {  	s3 =	sadd.s32 $0x88, s3;
	s6 =	simm.s32 @!p1 $0x1082;
	[sflag:s4] =	ssyncset.s32 $0xFFFFF086  }
0x25: {  	[simem:s6], [sflag:s4] =	dma.local [hbm:s3], $0xF7A  }
0x26: {  	[smem:$0x3F9F] =	sst s1;
	(tag) =	ssettag s2;
	_ =	strace s9  }
0x27: {  	s1 =	sld [smem:$0x3FAF]  }
0x28: {  	s2 =	sld [smem:$0x3FB0]  }
0x29: {  	s4 =	sld [smem:$0x3FB2]  }
0x2a: {  	p0 =	seq.s32 s5, $0x0;
	s5 =	sld [smem:$0x3FB3]  }
0x2b: {  	s6 =	sld [smem:$0x3FB4]  }
0x2c: {  	s7 =	sld [smem:$0x3FB5]  }
0x2d: {  	s3 =	simm.s32 $0x108;
	s8 =	sld [smem:$0x3FB6]  }
0x2e: {  	s3 =	simm.s32 @!p0 $0x1082;
	s9 =	sld [smem:$0x3FB7]  }
0x2f: {  	lr =	sadd.s32 s0, s3;
	s0 =	sld [smem:$0x3FAE]  }
0x30: {  	s3 =	sld [smem:$0x3FB1]  }
0x31: {  	[smem:$0x3FBA] =	sst s10  }
0x32: {  	s10 =	sld [smem:$0x3FB8];
	_ =	sdelay $0x3  }
0x33: {  	p0 =	seq.s32 s10, $0x1;
	s10 =	sld [smem:$0x3FBA];
	_ =	sdelay $0x3  }
0x34: {  	[smem:$0x3FBA] =	sst s10  }
0x35: {  	s10 =	sld [smem:$0x3FB9];
	_ =	sdelay $0x3  }
0x36: {  	p1 =	seq.s32 s10, $0x1;
	s10 =	sld [smem:$0x3FBA];
	_ =	sdelay $0x3  }
0x37: {  	[smem:$0x3FBA] =	sst s10  }
0x38: {  	s10 =	sld [smem:$0x3FBB]  }
0x39: {  	_ = 	snop;
	(pc) =	sbr.ind lr, $3  }
0x3a: {  	_ = 	snop  }
0x3b: {  	_ = 	snop  }
0x3c: {  	p2 =	seq.s32 s10, $0x1;
	s10 =	sld [smem:$0x3FBA]  }
0x3d: {  	_ =	shalt  }
0x3e: {  	_ =	shalt  }
0x3f: {  	_ =	shalt  }
0x40: {  	_ =	shalt  }
0x41: {  	_ =	shalt  }
0x42: {  	_ =	shalt  }
0x43: {  	_ =	shalt  }
0x44: {  	_ =	shalt  }
0x45: {  	_ =	shalt  }
0x46: {  	_ =	shalt  }
0x47: {  	_ =	shalt  }
0x48: {  	_ =	shalt  }
0x49: {  	_ =	shalt  }
0x4a: {  	_ =	shalt  }
0x4b: {  	_ =	shalt  }
0x4c: {  	_ =	shalt  }
0x4d: {  	_ =	shalt  }
0x4e: {  	_ =	shalt  }
0x4f: {  	_ =	shalt  }
0x50: {  	_ =	shalt  }
0x51: {  	_ =	shalt  }
0x52: {  	_ =	shalt  }
0x53: {  	_ =	shalt  }
0x54: {  	_ =	shalt  }
0x55: {  	_ =	shalt  }
0x56: {  	_ =	shalt  }
0x57: {  	_ =	shalt  }
0x58: {  	_ =	shalt  }
0x59: {  	_ =	shalt  }
0x5a: {  	_ =	shalt  }
0x5b: {  	_ =	shalt  }
0x5c: {  	_ =	shalt  }
0x5d: {  	_ =	shalt  }
0x5e: {  	_ =	shalt  }
0x5f: {  	_ =	shalt  }
0x60: {  	_ =	shalt  }
0x61: {  	_ =	shalt  }
0x62: {  	_ =	shalt  }
0x63: {  	_ =	shalt  }
0x64: {  	_ =	shalt  }
0x65: {  	_ =	shalt  }
0x66: {  	_ =	shalt  }
0x67: {  	_ =	shalt  }
0x68: {  	_ =	shalt  }
0x69: {  	_ =	shalt  }
0x6a: {  	_ =	shalt  }
0x6b: {  	_ =	shalt  }
0x6c: {  	_ =	shalt  }
0x6d: {  	_ =	shalt  }
0x6e: {  	_ =	shalt  }
0x6f: {  	_ =	shalt  }
0x70: {  	_ =	shalt  }
0x71: {  	_ =	shalt  }
0x72: {  	_ =	shalt  }
0x73: {  	_ =	shalt  }
0x74: {  	_ =	shalt  }
0x75: {  	_ =	shalt  }
0x76: {  	_ =	shalt  }
0x77: {  	_ =	shalt  }
0x78: {  	_ =	shalt  }
0x79: {  	_ =	shalt  }
0x7a: {  	_ =	shalt  }
0x7b: {  	_ =	shalt  }
0x7c: {  	_ =	shalt  }
0x7d: {  	_ =	shalt  }
0x7e: {  	_ =	shalt  }
0x7f: {  	_ =	shalt  }
0x80: {  	_ =	shalt  }
0x81: {  	_ =	shalt  }
0x82: {  	_ =	shalt  }
0x83: {  	_ =	shalt  }
0x84: {  	_ =	shalt  }
0x85: {  	_ =	shalt  }
0x86: {  	_ =	shalt  }
0x87: {  	_ =	shalt  }
.Lfunc_end0:
.L_simem_size_0:
called_computation_lowered:
.L_overlay_start_0:
0x88: {  	s2 =	sld [smem:$0x3FD9]  }
0x89: {  	s3 =	sld [smem:$0x3FFE];
	_ =	sdelay $0x1  }
0x8a: {  	s1 =	srdreg.scid  }
0x8b: {  	s0 =	sand.u32 $0x1, s1  }
0x8c: {  	s17 =	sshll.u32 s0, $0xA;
	s2 =	sadd.s32 s3, s2  }
0x8d: {  	s2 =	sadd.s32 s2, s17  }
0x8e: {  	[smem:$0x3FC6] =	sst s2  }
0x8f: {  	_ = 	snop  }
0x90: {  	s2 =	sld [smem:$0x3FD0];
	(tm) =	ssettm $0x1  }
0x91: {  	s18 =	sld [smem:$0x3FFB];
	_ =	sdelay $0x3  }
0x92: {  	_ =	strace s18  }
0x93: {  	s3 =	sld [smem:$0x3FFC];
	_ =	sdelay $0x3  }
0x94: {  	_ =	strace s3  }
0x95: {  	s3 =	sld [smem:$0x3FFD];
	_ =	sdelay $0x3  }
0x96: {  	_ =	strace s3  }
0x97: {  	_ =	strace $0x8FFFFFFF  }
0x98: {  	s19 =	sld [smem:$0x3FDB];
	_ =	sdelay $0x1  }
0x99: {  	s4 =	simm.s32 $_scs_section_size  }
0x9a: {  	s5 =	simm.s32 $_size__tile_overlayer_lowered;
	s6 =	simm.s32 $_tile_overlayer_lowered  }
0x9b: {  	s22 =	simm.s32 $0x1BFF;
	s21 =	sshll.u32 s6, $0x1;
	s3 =	sadd.s32 s4, s19  }
0x9c: {  	s7 =	simm.s32 $0x0;
	s20 =	sshll.u32 s5, $0x1;
	s5 =	sadd.s32 s21, s3  }
0x9d: {  	[timem:s7], [sflag:s22] =	dma.local [hbm:s5], s20  }
0x9e: {  	_ =	swait.ge [sflag:s22], s20  }
0x9f: {  	s4 =	ssub.s32 $0x0, s20;
	[sflag:s22] =	ssyncset.done $0x0  }
0xa0: {  	[sflag:s22] =	ssyncadd.s32 s4;
	_ =	sdelay $0x1  }
0xa1: {  	s23 =	simm.s32 $0x1B8B  }
0xa2: {  	_ =	swait.ge [sflag:s23], $0x1  }
0xa3: {  	[sflag:s23] =	ssyncset.done $0x0  }
0xa4: {  	s25 =	simm.s32 $0x1B8E;
	s24 =	sld [smem:$0x3FFE];
	[sflag:s23] =	ssyncadd.s32 $0xFFFFFFFF  }
0xa5: {  	s26 =	simm.s32 $execute0_lowered;
	[smem:$0x3FD2] =	sst s25  }
0xa6: {  	s5 =	sshll.u32 s26, $0x1;
	_ =	strace $0x80000046;
	[dreg:$0x1] =	wrdreg $0xFFFFFFFF  }
0xa7: {  	s28 =	simm.s32 $_size_execute0_lowered;
	s3 =	sadd.s32 s3, s5;
	[dreg:$0x0] =	wrdreg $0x0  }
0xa8: {  	s5 =	sshll.u32 s28, $0x1;
	[dreg:$0x2] =	wrdreg s3  }
0xa9: {  	[dreg:$0x3] =	wrdreg s5  }
0xaa: {  	[dreg:$0x4] =	wrdreg $0xC0  }
0xab: {  	_ =	task [dreg:s7], $0x5FFFF  }
0xac: {  	[dreg:$0x1] =	wrdreg $0xFFFFFFFF  }
0xad: {  	[dreg:$0x0] =	wrdreg $0x60  }
0xae: {  	[dreg:$0x2] =	wrdreg s24  }
0xaf: {  	[dreg:$0x3] =	wrdreg s2  }
0xb0: {  	[dreg:$0x4] =	wrdreg $0x9  }
0xb1: {  	_ =	task.clear_ibuf [dreg:s7], $0x5FFFF;
	_ =	strace $0x90000046  }
0xb2: {  	s29 =	simm.s32 $0x9;
	_ =	strace $0x80000048  }
0xb3: {  	_ =	swait.ge [sflag:s29], $0x1  }
0xb4: {  	[sflag:s29] =	ssyncadd.s32 $0xFFFFFFFF  }
0xb5: {  	_ =	strace $0x90000048  }
0xb6: {  	_ =	sfence  }
0xb7: {  	s30 =	sld [smem:$0x0];
	_ =	sdelay $0x2  }
0xb8: {  	s31 =	sshll.u32 s1, $0xD;
	s1 =	sshrl.u32 s1, $0x2  }
0xb9: {  	s3 =	sand.u32 $0x4000, s31;
	s1 =	sadd.s32 s1, s30  }
0xba: {  	s0 =	sor.u32 s3, s0;
	s1 =	sshll.u32 s1, $0x11  }
0xbb: {  	s0 =	sor.u32 s1, s0  }
0xbc: {  	s0 =	sadd.s32 $0x8F2B, s0  }
0xbd: {  	[sflag:s0] =	ssyncadd.remote.s32 $0x1  }
0xbe: {  	_ =	sfence.sel $0xFFFF  }
0xbf: {  	[dreg:$0x0] =	wrdreg $0xFFFFFFFF;
	(pc) =	sbr.abs _section_cstart, $3  }
0xc0: {  	[dreg:$0x1] =	wrdreg $0xFFFFFFFF  }
0xc1: {  	_ =	task.clear_ibuf [dreg:s7], $0x2FFFF;
	_ =	strace $0x9FFFFFFF  }
0xc2: {  	(tm) =	ssettm $0x7FFFFFFF  }
0xc3: {  	_ =	shalt  }
tec
execute0_lowered:
.L_overlay_start_1:
0x0: {  	(tag) =	ssettag $0x1  }
0x1: {  	s0 =	srdreg.scid  }
0x2: {  	s1 =	rddreg [dreg:$0x0];
	s3 =	stileid.u32  }
0x3: {  	s2 =	rddreg [dreg:$0x1];
	s5 =	simm.s32 $0x0;
	s15 =	simm.s32 $0x6400  }
0x4: {  	s16 =	simm.s32 $0x8400;
	s18 =	simm.s32 $0xA400;
	s20 =	simm.s32 $0xC400  }
0x5: {  	s21 =	simm.s32 $0xE400;
	s28 =	simm.s32 $0x14400;
	s0 =	sand.u32 $0x1, s0  }
0x6: {  	s30 =	simm.s32 $0x400;
	s3 =	sshll.u32 s3, $0x3;
	s4 =	sshll.u32 s0, $0x2  }
0x7: {  	s31 =	simm.s32 $0x20000;
	[smem:$0x7FF] =	sst s5;
	s3 =	sor.u32 s4, s3  }
0x8: {  	_ =	strace $0x80000047;
	s0 =	ssub.s32 $0x2, s0;
	s5 =	sshll.u32 s3, $0xA  }
0x9: {  	v0 =	vlaneseq.u32;
	s23 =	sshrl.u32 s0, $0x1;
	s4 =	sshll.u32 s3, $0x4;
	s25 =	sor.u32 $0x400, s5  }
0xa: {  	v0 =	vmul.u32 $0x40, v0;
	s0 =	ssub.s32 s0, s23;
	s26 =	sor.u32 $0x800, s5;
	[dreg:$0x4] =	wrdreg s25  }
0xb: {  	s23 =	simm.s32 $0x10400;
	s29 =	sor.u32 $0xC00, s5;
	[dreg:$0x5] =	wrdreg s26  }
0xc: {  	v1 =	vor.u32 $0x400, v0;
	s6 =	sadd.s32 s4, s1;
	s0 =	smax.u32 s0, $0x1;
	[dreg:$0x6] =	wrdreg s29  }
0xd: {  	v2 =	vor.u32 $0x800, v0;
	v3 =	vor.u32 $0xC00, v0;
	v4 =	vor.u32 $0x1000, v0;
	s3 =	simm.s32 $0x0;
	s24 =	sadd.s32 $0x600, s6;
	[dreg:$0x7] =	wrdreg s0  }
0xe: {  	v5 =	vor.u32 $0x1400, v0;
	v6 =	vor.u32 $0x1800, v0;
	v7 =	vor.u32 $0x1C00, v0;
	s4 =	sadd.s32 $0xF42A00, s1;
	s25 =	simm.s32 $0x12400;
	[dreg:$0x3] =	wrdreg s24  }
.LBB2_1:
0xf: {  	[dreg:$0x8] =	wrdreg s3  }
0x10: {  	s0 =	simm.s32 $0x0;
	s1 =	rddreg [dreg:$0x3]  }
0x11: {  	s13 =	simm.s32 $0x200;
	s6 =	simm.s32 $0x4000;
	s14 =	simm.s32 $0xD  }
0x12: {  	[tilespmem:s0], [sflag:$0xD] =	stream.strided.gather [hbm4b:s1+s13], $0x6400, s6, s13, $0x38;
	[tilespmem:$0x1E400] =	vst v63  }
0x13: {  	_ =	swait.ge [sflag:s14], $0x6400  }
0x14: {  	[sflag:s14] =	ssyncset.done $0x0  }
0x15: {  	s17 =	simm.s32 $0x80;
	[sflag:s14] =	ssyncadd.s32 $0xFFFF9C00  }
0x16: {  	[tilespmem:s15], [sflag:$0x1] =	stream.indirect.gather [hbm4b:s4+s17], $0x40, s0, s17, $0xb8;
	[tilespmem:$0x1E400] =	vst v63  }
0x17: {  	_ = 	snop  }
0x18: {  	[tilespmem:s16], [sflag:$0x2] =	stream.indirect.gather [hbm4b:s4+s17], $0x40, s17, s17, $0xb8;
	[tilespmem:$0x1E400] =	vst v63  }
0x19: {  	s19 =	simm.s32 $0x100  }
0x1a: {  	[tilespmem:s18], [sflag:$0x3] =	stream.indirect.gather [hbm4b:s4+s17], $0x40, s19, s17, $0xb8;
	[tilespmem:$0x1E400] =	vst v63  }
0x1b: {  	s22 =	simm.s32 $0x180  }
0x1c: {  	[tilespmem:s20], [sflag:$0x4] =	stream.indirect.gather [hbm4b:s4+s17], $0x40, s22, s17, $0xb8;
	[tilespmem:$0x1E400] =	vst v63  }
0x1d: {  	_ = 	snop  }
0x1e: {  	[tilespmem:s21], [sflag:$0x5] =	stream.indirect.gather [hbm4b:s4+s17], $0x40, s13, s17, $0xb8;
	[tilespmem:$0x1E400] =	vst v63  }
0x1f: {  	s24 =	simm.s32 $0x280  }
0x20: {  	[tilespmem:s23], [sflag:$0x6] =	stream.indirect.gather [hbm4b:s4+s17], $0x40, s24, s17, $0xb8;
	[tilespmem:$0x1E400] =	vst v63  }
0x21: {  	s26 =	simm.s32 $0x300  }
0x22: {  	[tilespmem:s25], [sflag:$0x7] =	stream.indirect.gather [hbm4b:s4+s17], $0x40, s26, s17, $0xb8;
	[tilespmem:$0x1E400] =	vst v63  }
0x23: {  	s29 =	simm.s32 $0x380;
	s12 =	simm.s32 $0x0  }
0x24: {  	[tilespmem:s28], [sflag:$0x8] =	stream.indirect.gather [hbm4b:s4+s17], $0x40, s29, s17, $0xb8;
	[tilespmem:$0x1E400] =	vst v63  }
.LBB2_2:
0x25: {  	s0 =	simm.s32 $0x0  }
0x26: {  	s13 =	simm.s32 $0x1;
	v8 =	vmov s0  }
0x27: {  	v9 =	vmov s13;
	v8 =	vand.u32 $0x3C, v8  }
0x28: {  	s14 =	simm.s32 $0x1;
	v15 =	vbroadcast v8, $0x0;
	v8 =	vand.u32 $0x3D, v9  }
0x29: {  	_ =	swait.ge [sflag:s14], $0x2000;
	v17 =	vbroadcast v8, $0x0  }
0x2a: {  	p1 =	seq.s32 s12, $0x0;
	[sflag:s14] =	ssyncset.done $0x0;
	v8 =	vor.u32 v0, v15  }
0x2b: {  	s0 =	simm.s32 @!p1 $0x9;
	[sflag:s14] =	ssyncadd.s32 $0xFFFFE000;
	v9 =	vor.u32 v0, v17  }
0x2c: {  	_ =	swait.ge @!p1 [sflag:s0], $0x2000  }
0x2d: {  	[sflag:s0] =	ssyncset.done @!p1 $0x0  }
0x2e: {  	[sflag:s0] =	ssyncadd.s32 @!p1 $0xFFFFE000  }
0x2f: {  	v8 =	vld.idx.msk [tilespmem:v8+s15+$0x0], $0xffff  }
0x30: {  	s17 =	simm.s32 $0x2;
	v10 =	vor.u32 v1, v15;
	v9 =	vld.idx.msk [tilespmem:v9+s15+$0x0], $0xffff  }
0x31: {  	s19 =	simm.s32 $0x0;
	v11 =	vmov s17;
	v12 =	vor.u32 v1, v17  }
0x32: {  	s1 =	simm.s32 $0x80;
	v11 =	vand.u32 $0x3E, v11;
	s0 =	sand.u32 $0x1C00, s19  }
0x33: {  	s29 =	simm.s32 $0x16440;
	s1 =	sand.u32 $0x280, s1;
	v16 =	vbroadcast v11, $0x0;
	s0 =	sadd.s32 $0x16400, s0  }
0x34: {  	s22 =	simm.s32 $0x3;
	s11 =	sor.u32 s1, s0;
	[tilespmem:s29+$0xFFFFFFC0] =	vst v8  }
0x35: {  	v8 =	vor.u32 v0, v16;
	[tilespmem:s11+$0x0] =	vst v9;
	v9 =	vld.idx.msk [tilespmem:v10+s15+$0x0], $0xffff;
	v10 =	vmov s22  }
0x36: {  	v11 =	vld.idx.msk [tilespmem:v12+s15+$0x0], $0xffff;
	v12 =	vor.u32 v2, v15;
	v10 =	vand.u32 $0x3F, v10  }
0x37: {  	v13 =	vor.u32 v2, v17;
	v18 =	vbroadcast v10, $0x0;
	_ =	sdelay $0x1  }
0x38: {  	s24 =	simm.s32 $0x4;
	v14 =	vor.u32 v0, v18  }
0x39: {  	v19 =	vld.idx.msk [tilespmem:v8+s15+$0x0], $0xffff;
	v8 =	vmov s24;
	[tilespmem:s29+$0xFFFFFFD0] =	vst v9  }
0x3a: {  	s26 =	simm.s32 $0x5;
	v20 =	vor.u32 v1, v16;
	v8 =	vand.u32 $0x3C, v8;
	[tilespmem:s11+$0x10] =	vst v11;
	v11 =	vld.idx.msk [tilespmem:v12+s15+$0x0], $0xffff  }
0x3b: {  	s3 =	simm.s32 $0x100;
	s6 =	simm.s32 $0x6;
	v9 =	vmov s26;
	v8 =	vbroadcast v8, $0x0;
	v12 =	vld.idx.msk [tilespmem:v13+s15+$0x0], $0xffff;
	v13 =	vor.u32 v3, v15  }
0x3c: {  	s3 =	sand.u32 $0x300, s3;
	v22 =	vmov s6;
	v21 =	vor.u32 v3, v17;
	v9 =	vand.u32 $0x3D, v9  }
0x3d: {  	s26 =	sor.u32 s3, s0;
	v10 =	vbroadcast v9, $0x0;
	v9 =	vand.u32 $0x3E, v22;
	v22 =	vor.u32 v0, v8;
	v14 =	vld.idx.msk [tilespmem:v14+s15+$0x0], $0xffff  }
0x3e: {  	v9 =	vbroadcast v9, $0x0;
	[tilespmem:s26+$0x0] =	vst v19;
	v19 =	vor.u32 v1, v18  }
0x3f: {  	s7 =	simm.s32 $0x180;
	v23 =	vor.u32 v0, v10;
	v20 =	vld.idx.msk [tilespmem:v20+s15+$0x0], $0xffff;
	[tilespmem:s29+$0xFFFFFFE0] =	vst v11  }
0x40: {  	s1 =	sand.u32 $0x380, s7;
	v11 =	vor.u32 v0, v9;
	[tilespmem:s11+$0x20] =	vst v12;
	v12 =	vld.idx.msk [tilespmem:v13+s15+$0x0], $0xffff  }
0x41: {  	s22 =	sor.u32 s1, s0;
	v13 =	vld.idx.msk [tilespmem:v21+s15+$0x0], $0xffff;
	v21 =	vor.u32 v4, v15  }
0x42: {  	v24 =	vor.u32 v4, v17;
	v22 =	vld.idx.msk [tilespmem:v22+s15+$0x0], $0xffff;
	[tilespmem:s22+$0x0] =	vst v14  }
0x43: {  	v14 =	vor.u32 v2, v16;
	v19 =	vld.idx.msk [tilespmem:v19+s15+$0x0], $0xffff  }
0x44: {  	v25 =	vor.u32 v2, v18;
	v23 =	vld.idx.msk [tilespmem:v23+s15+$0x0], $0xffff  }
0x45: {  	v26 =	vor.u32 v1, v8;
	v11 =	vld.idx.msk [tilespmem:v11+s15+$0x0], $0xffff;
	[tilespmem:s29+$0xFFFFFFF0] =	vst v12  }
0x46: {  	s8 =	simm.s32 $0x200;
	v12 =	vor.u32 v1, v10;
	[tilespmem:s11+$0x30] =	vst v13;
	v13 =	vld.idx.msk [tilespmem:v21+s15+$0x0], $0xffff  }
0x47: {  	s9 =	simm.s32 $0x280;
	s0 =	sand.u32 $0x1C00, s8;
	[tilespmem:s26+$0x10] =	vst v20;
	v21 =	vor.u32 v5, v15;
	v20 =	vld.idx.msk [tilespmem:v24+s15+$0x0], $0xffff  }
0x48: {  	s10 =	sand.u32 $0x280, s9;
	s19 =	simm.s32 $0x16640;
	s13 =	sadd.s32 $0x16400, s0;
	v24 =	vor.u32 v1, v9;
	v14 =	vld.idx.msk [tilespmem:v14+s15+$0x0], $0xffff;
	[tilespmem:s22+$0x10] =	vst v19  }
0x49: {  	s14 =	simm.s32 $0x300;
	s17 =	sor.u32 s10, s13;
	[tilespmem:s19+$0xFFFFFFC0] =	vst v22;
	v19 =	vor.u32 v3, v16;
	v22 =	vld.idx.msk [tilespmem:v25+s15+$0x0], $0xffff  }
0x4a: {  	s0 =	sand.u32 $0x300, s14;
	[tilespmem:s17+$0x0] =	vst v23;
	v23 =	vld.idx.msk [tilespmem:v26+s15+$0x0], $0xffff;
	v25 =	vor.u32 v3, v18  }
0x4b: {  	s24 =	simm.s32 $0x7;
	s0 =	sor.u32 s0, s13;
	v12 =	vld.idx.msk [tilespmem:v12+s15+$0x0], $0xffff;
	[tilespmem:s29+$0x0] =	vst v13;
	v13 =	vor.u32 v5, v17  }
0x4c: {  	v27 =	vor.u32 v2, v10;
	v26 =	vmov s24;
	[tilespmem:s0+$0x0] =	vst v11;
	v21 =	vld.idx.msk [tilespmem:v21+s15+$0x0], $0xffff  }
0x4d: {  	v11 =	vand.u32 $0x3F, v26;
	v24 =	vld.idx.msk [tilespmem:v24+s15+$0x0], $0xffff;
	[tilespmem:s26+$0x20] =	vst v14;
	v14 =	vor.u32 v2, v8  }
0x4e: {  	v11 =	vbroadcast v11, $0x0;
	v19 =	vld.idx.msk [tilespmem:v19+s15+$0x0], $0xffff;
	[tilespmem:s22+$0x20] =	vst v22;
	v22 =	vor.u32 v6, v15  }
0x4f: {  	v28 =	vor.u32 v4, v16;
	[tilespmem:s11+$0x40] =	vst v20;
	v20 =	vld.idx.msk [tilespmem:v25+s15+$0x0], $0xffff  }
0x50: {  	s6 =	simm.s32 $0x8;
	v25 =	vor.u32 v0, v11;
	[tilespmem:s17+$0x10] =	vst v12;
	v26 =	vld.idx.msk [tilespmem:v13+s15+$0x0], $0xffff  }
0x51: {  	s7 =	simm.s32 $0x9;
	v29 =	vor.u32 v4, v18;
	[tilespmem:s19+$0xFFFFFFD0] =	vst v23;
	v12 =	vmov s6;
	v23 =	vld.idx.msk [tilespmem:v27+s15+$0x0], $0xffff  }
0x52: {  	v12 =	vand.u32 $0x3C, v12;
	v13 =	vmov s7;
	v27 =	vor.u32 v3, v10;
	[tilespmem:s29+$0x10] =	vst v21;
	v21 =	vld.idx.msk [tilespmem:v14+s15+$0x0], $0xffff  }
0x53: {  	v30 =	vor.u32 v6, v17;
	s8 =	simm.s32 $0xA;
	v12 =	vbroadcast v12, $0x0;
	v13 =	vand.u32 $0x3D, v13;
	[tilespmem:s26+$0x30] =	vst v19;
	v22 =	vld.idx.msk [tilespmem:v22+s15+$0x0], $0xffff  }
0x54: {  	v14 =	vmov s8;
	v13 =	vbroadcast v13, $0x0;
	v19 =	vor.u32 v3, v8;
	v28 =	vld.idx.msk [tilespmem:v28+s15+$0x0], $0xffff  }
0x55: {  	v14 =	vand.u32 $0x3E, v14;
	v25 =	vld.idx.msk [tilespmem:v25+s15+$0x0], $0xffff;
	[tilespmem:s22+$0x30] =	vst v20;
	v20 =	vor.u32 v0, v12  }
0x56: {  	v14 =	vbroadcast v14, $0x0;
	v31 =	vor.u32 v0, v13;
	[tilespmem:s17+$0x20] =	vst v23;
	v23 =	vld.idx.msk [tilespmem:v29+s15+$0x0], $0xffff  }
0x57: {  	v29 =	vor.u32 v1, v11;
	[tilespmem:s11+$0x50] =	vst v26;
	v27 =	vld.idx.msk [tilespmem:v27+s15+$0x0], $0xffff  }
0x58: {  	s9 =	simm.s32 $0x380;
	v26 =	vor.u32 v0, v14;
	[tilespmem:s19+$0xFFFFFFE0] =	vst v21;
	v21 =	vld.idx.msk [tilespmem:v30+s15+$0x0], $0xffff  }
0x59: {  	s3 =	sand.u32 $0x380, s9;
	[tilespmem:s0+$0x10] =	vst v24;
	v24 =	vor.u32 v4, v10;
	v19 =	vld.idx.msk [tilespmem:v19+s15+$0x0], $0xffff  }
0x5a: {  	s3 =	sor.u32 s3, s13;
	v17 =	vor.u32 v7, v17;
	[tilespmem:s26+$0x40] =	vst v28;
	v20 =	vld.idx.msk [tilespmem:v20+s15+$0x0], $0xffff  }
0x5b: {  	v28 =	vor.u32 v5, v16;
	[tilespmem:s3+$0x0] =	vst v25;
	v25 =	vld.idx.msk [tilespmem:v31+s15+$0x0], $0xffff  }
0x5c: {  	v30 =	vor.u32 v5, v18;
	v29 =	vld.idx.msk [tilespmem:v29+s15+$0x0], $0xffff;
	[tilespmem:s22+$0x40] =	vst v23  }
0x5d: {  	v23 =	vld.idx.msk [tilespmem:v26+s15+$0x0], $0xffff;
	v26 =	vor.u32 v4, v8;
	[tilespmem:s17+$0x30] =	vst v27  }
0x5e: {  	s10 =	simm.s32 $0x400;
	v27 =	vor.u32 v1, v12;
	[tilespmem:s11+$0x60] =	vst v21;
	v24 =	vld.idx.msk [tilespmem:v24+s15+$0x0], $0xffff  }
0x5f: {  	s1 =	sand.u32 $0x1C00, s10;
	s10 =	simm.s32 $0x16840;
	s6 =	simm.s32 $0x480;
	v21 =	vor.u32 v2, v9;
	[tilespmem:s19+$0xFFFFFFF0] =	vst v19;
	v17 =	vld.idx.msk [tilespmem:v17+s15+$0x0], $0xffff  }
0x60: {  	s7 =	sand.u32 $0x280, s6;
	s6 =	sadd.s32 $0x16400, s1;
	v19 =	vor.u32 v1, v13;
	[tilespmem:s10+$0xFFFFFFC0] =	vst v20;
	v20 =	vld.idx.msk [tilespmem:v28+s15+$0x0], $0xffff  }
0x61: {  	v15 =	vor.u32 v7, v15;
	s14 =	sor.u32 s7, s6;
	[tilespmem:s29+$0x20] =	vst v22;
	v28 =	vld.idx.msk [tilespmem:v30+s15+$0x0], $0xffff  }
0x62: {  	[tilespmem:s14+$0x0] =	vst v25;
	v25 =	vor.u32 v2, v11;
	v26 =	vld.idx.msk [tilespmem:v26+s15+$0x0], $0xffff  }
0x63: {  	s13 =	simm.s32 $0x500;
	v22 =	vor.u32 v6, v16;
	[tilespmem:s3+$0x10] =	vst v29;
	v30 =	vld.idx.msk [tilespmem:v27+s15+$0x0], $0xffff  }
0x64: {  	s1 =	sand.u32 $0x300, s13;
	v27 =	vor.u32 v5, v8;
	v21 =	vld.idx.msk [tilespmem:v21+s15+$0x0], $0xffff;
	[tilespmem:s17+$0x40] =	vst v24  }
0x65: {  	v32 =	vor.u32 v5, v10;
	v29 =	vld.idx.msk [tilespmem:v19+s15+$0x0], $0xffff;
	[tilespmem:s11+$0x70] =	vst v17;
	s11 =	sor.u32 s1, s6  }
0x66: {  	v24 =	vor.u32 v1, v14;
	v19 =	vld.idx.msk [tilespmem:v15+s15+$0x0], $0xffff;
	[tilespmem:s11+$0x0] =	vst v23  }
0x67: {  	v17 =	vor.u32 v3, v9;
	v25 =	vld.idx.msk [tilespmem:v25+s15+$0x0], $0xffff;
	[tilespmem:s26+$0x50] =	vst v20  }
0x68: {  	v20 =	vor.u32 v6, v18;
	v22 =	vld.idx.msk [tilespmem:v22+s15+$0x0], $0xffff;
	[tilespmem:s19+$0x0] =	vst v26  }
0x69: {  	s24 =	simm.s32 $0xB;
	[tilespmem:s22+$0x50] =	vst v28;
	v26 =	vor.u32 v3, v11;
	v23 =	vld.idx.msk [tilespmem:v27+s15+$0x0], $0xffff  }
0x6a: {  	v15 =	vmov s24;
	v28 =	vor.u32 v7, v16;
	[tilespmem:s0+$0x20] =	vst v21;
	v21 =	vld.idx.msk [tilespmem:v32+s15+$0x0], $0xffff  }
0x6b: {  	v33 =	vor.u32 v2, v13;
	v15 =	vand.u32 $0x3F, v15;
	[tilespmem:s10+$0xFFFFFFD0] =	vst v30;
	v31 =	vld.idx.msk [tilespmem:v24+s15+$0x0], $0xffff  }
0x6c: {  	v15 =	vbroadcast v15, $0x0;
	[tilespmem:s14+$0x10] =	vst v29;
	v27 =	vld.idx.msk [tilespmem:v17+s15+$0x0], $0xffff  }
0x6d: {  	v16 =	vor.u32 v4, v11;
	v29 =	vor.u32 v2, v12;
	[tilespmem:s3+$0x20] =	vst v25;
	v25 =	vld.idx.msk [tilespmem:v20+s15+$0x0], $0xffff  }
0x6e: {  	v30 =	vor.u32 v0, v15;
	v20 =	vor.u32 v6, v8;
	v26 =	vld.idx.msk [tilespmem:v26+s15+$0x0], $0xffff;
	[tilespmem:s26+$0x60] =	vst v22  }
0x6f: {  	v17 =	vor.u32 v2, v14;
	v22 =	vor.u32 v7, v18;
	v24 =	vld.idx.msk [tilespmem:v28+s15+$0x0], $0xffff;
	[tilespmem:s19+$0x10] =	vst v23  }
0x70: {  	s13 =	simm.s32 $0x580;
	s24 =	sshll.u32 s12, $0x15;
	s1 =	simm.s32 $0xC;
	v18 =	vor.u32 v4, v15;
	v23 =	vld.idx.msk [tilespmem:v33+s15+$0x0], $0xffff;
	v28 =	vor.u32 v4, v9;
	[tilespmem:s11+$0x10] =	vst v31  }
.LBB2_3:
0x71: {  	s8 =	sadd.s32 $0x1, s1  }
0x72: {  	v31 =	vmov s1;
	p0 =	slt.u32 s1, $0x3C;
	v29 =	vld.idx.msk [tilespmem:v29+s15+$0x0], $0xffff;
	v32 =	vor.u32 v6, v10;
	[tilespmem:s0+$0x30] =	vst v27;
	s7 =	smov.u32 s1;
	s1 =	sadd.s32 $0x4, s1  }
0x73: {  	v33 =	vor.u32 v3, v13;
	v27 =	vand.u32 $0x3C, v31;
	v31 =	vmov s8;
	s8 =	sadd.s32 $0x2, s7;
	v20 =	vld.idx.msk [tilespmem:v20+s15+$0x0], $0xffff;
	[tilespmem:s22+$0x60] =	vst v25  }
0x74: {  	v25 =	vbroadcast v27, $0x0;
	v27 =	vand.u32 $0x3D, v31;
	v31 =	vmov s8;
	[tilespmem:s3+$0x30] =	vst v26;
	v22 =	vld.idx.msk [tilespmem:v22+s15+$0x0], $0xffff  }
0x75: {  	v26 =	vbroadcast v27, $0x0;
	v27 =	vand.u32 $0x3E, v31;
	v31 =	vor.u32 v3, v12;
	v30 =	vld.idx.msk [tilespmem:v30+s15+$0x0], $0xffff;
	[tilespmem:s26+$0x70] =	vst v24;
	s26 =	smov.u32 s0;
	s0 =	smov.u32 s11  }
0x76: {  	v24 =	vor.u32 v0, v25;
	v27 =	vbroadcast v27, $0x0;
	v28 =	vld.idx.msk [tilespmem:v28+s15+$0x0], $0xffff;
	[tilespmem:s29+$0x30] =	vst v19;
	s29 =	smov.u32 s19;
	s19 =	smov.u32 s10  }
0x77: {  	v19 =	vor.u32 v0, v26;
	[tilespmem:s14+$0x20] =	vst v23;
	v23 =	vld.idx.msk [tilespmem:v16+s15+$0x0], $0xffff;
	v16 =	vmov v18  }
0x78: {  	v34 =	vor.u32 v1, v15;
	v18 =	vor.u32 v0, v27;
	v33 =	vld.idx.msk [tilespmem:v33+s15+$0x0], $0xffff;
	[tilespmem:s17+$0x50] =	vst v21  }
0x79: {  	s8 =	sand.u32 $0x380, s13;
	[tilespmem:s10+$0xFFFFFFE0] =	vst v29;
	v21 =	vld.idx.msk [tilespmem:v32+s15+$0x0], $0xffff  }
0x7a: {  	v29 =	vld.idx.msk [tilespmem:v31+s15+$0x0], $0xffff;
	v31 =	vor.u32 v4, v13;
	[tilespmem:s22+$0x70] =	vst v22;
	s22 =	smov.u32 s3;
	s3 =	sor.u32 s8, s6  }
0x7b: {  	v22 =	vld.idx.msk [tilespmem:v24+s15+$0x0], $0xffff;
	[tilespmem:s3+$0x0] =	vst v30;
	v24 =	vor.u32 v7, v10;
	v10 =	vmov v13;
	v13 =	vmov v26  }
0x7c: {  	v26 =	vor.u32 v5, v9;
	v19 =	vld.idx.msk [tilespmem:v19+s15+$0x0], $0xffff;
	[tilespmem:s26+$0x40] =	vst v28;
	v28 =	vor.u32 v5, v11  }
0x7d: {  	s13 =	sadd.s32 $0x200, s13;
	v30 =	vor.u32 v1, v25;
	v32 =	vld.idx.msk [tilespmem:v34+s15+$0x0], $0xffff;
	[tilespmem:s22+$0x40] =	vst v23  }
0x7e: {  	s6 =	sadd.s32 $0xFFFFFE80, s13;
	v23 =	vor.u32 v1, v13;
	v34 =	vor.u32 v4, v12;
	v18 =	vld.idx.msk [tilespmem:v18+s15+$0x0], $0xffff;
	[tilespmem:s14+$0x30] =	vst v33  }
0x7f: {  	s10 =	sadd.s32 $0x200, s10;
	s8 =	sadd.s32 $0xFFFFFF00, s13;
	s6 =	sand.u32 $0x1C00, s6;
	v33 =	vor.u32 v1, v27;
	v31 =	vld.idx.msk [tilespmem:v31+s15+$0x0], $0xffff;
	[tilespmem:s17+$0x60] =	vst v21  }
0x80: {  	s11 =	sadd.s32 $0xFFFFFF80, s13;
	s8 =	sand.u32 $0x280, s8;
	s6 =	sadd.s32 $0x16400, s6;
	[tilespmem:s19+$0xFFFFFFF0] =	vst v29;
	v21 =	vld.idx.msk [tilespmem:v24+s15+$0x0], $0xffff  }
0x81: {  	s11 =	sand.u32 $0x300, s11;
	s8 =	sor.u32 s8, s6;
	[tilespmem:s10+$0xFFFFFFC0] =	vst v22;
	v22 =	vld.idx.msk [tilespmem:v26+s15+$0x0], $0xffff  }
0x82: {  	s11 =	sor.u32 s11, s6;
	[tilespmem:s8+$0x0] =	vst v19;
	v19 =	vor.u32 v2, v15;
	v24 =	vld.idx.msk [tilespmem:v28+s15+$0x0], $0xffff  }
0x83: {  	v26 =	vld.idx.msk [tilespmem:v34+s15+$0x0], $0xffff;
	[tilespmem:s29+$0x20] =	vst v20;
	v20 =	vor.u32 v6, v9  }
0x84: {  	v29 =	vor.u32 v7, v8;
	v8 =	vmov v12;
	v12 =	vmov v25;
	v28 =	vld.idx.msk [tilespmem:v30+s15+$0x0], $0xffff;
	[tilespmem:s3+$0x10] =	vst v32  }
0x85: {  	v25 =	vor.u32 v5, v8;
	v32 =	vor.u32 v2, v13;
	[tilespmem:s14+$0x40] =	vst v31;
	v30 =	vld.idx.msk [tilespmem:v17+s15+$0x0], $0xffff  }
0x86: {  	v17 =	vor.u32 v2, v27;
	v23 =	vld.idx.msk [tilespmem:v23+s15+$0x0], $0xffff;
	[tilespmem:s17+$0x70] =	vst v21;
	s17 =	smov.u32 s14;
	s14 =	smov.u32 s8  }
0x87: {  	v34 =	vor.u32 v6, v11;
	v21 =	vor.u32 v3, v14;
	v31 =	vld.idx.msk [tilespmem:v19+s15+$0x0], $0xffff;
	[tilespmem:s26+$0x50] =	vst v22  }
0x88: {  	v35 =	vld.idx.msk [tilespmem:v20+s15+$0x0], $0xffff;
	[tilespmem:s22+$0x50] =	vst v24  }
0x89: {  	v24 =	vor.u32 v3, v15;
	[tilespmem:s19+$0x0] =	vst v26;
	v19 =	vld.idx.msk [tilespmem:v29+s15+$0x0], $0xffff  }
0x8a: {  	[tilespmem:s11+$0x0] =	vst v18;
	v36 =	vld.idx.msk [tilespmem:v25+s15+$0x0], $0xffff;
	v18 =	vor.u32 v7, v9;
	v9 =	vmov v14;
	v14 =	vmov v27  }
0x8b: {  	s7 =	sadd.s32 $0x3, s7;
	v37 =	vor.u32 v5, v10;
	v33 =	vld.idx.msk [tilespmem:v33+s15+$0x0], $0xffff;
	[tilespmem:s0+$0x20] =	vst v30  }
0x8c: {  	v22 =	vor.u32 v7, v11;
	v11 =	vmov v15;
	v20 =	vmov s7;
	[tilespmem:s14+$0x10] =	vst v23;
	v27 =	vld.idx.msk [tilespmem:v21+s15+$0x0], $0xffff  }
.Ltmp0:
0x8d: {  	v29 =	vor.u32 v2, v12;
	v15 =	vand.u32 $0x3F, v20;
	[tilespmem:s3+$0x20] =	vst v31;
	v25 =	vld.idx.msk [tilespmem:v34+s15+$0x0], $0xffff;
	(pc) =	sbr.rel @p0 .LBB2_3-.Ltmp0, $4  }
0x8e: {  	v20 =	vor.u32 v6, v8;
	v15 =	vbroadcast v15, $0x0;
	v26 =	vld.idx.msk [tilespmem:v24+s15+$0x0], $0xffff;
	[tilespmem:s26+$0x60] =	vst v35  }
0x8f: {  	[tilespmem:s10+$0xFFFFFFD0] =	vst v28;
	v24 =	vld.idx.msk [tilespmem:v18+s15+$0x0], $0xffff  }
0x90: {  	v30 =	vor.u32 v0, v15;
	v18 =	vor.u32 v4, v15;
	[tilespmem:s19+$0x10] =	vst v36;
	v21 =	vld.idx.msk [tilespmem:v37+s15+$0x0], $0xffff  }
0x91: {  	v28 =	vor.u32 v4, v9;
	v23 =	vld.idx.msk [tilespmem:v32+s15+$0x0], $0xffff;
	[tilespmem:s11+$0x10] =	vst v33  }
0x92: {  	_ =	sdelay $0x3  }
0x93: {  	v30 =	vld.idx.msk [tilespmem:v30+s15+$0x0], $0xffff  }
0x94: {  	v31 =	vor.u32 v1, v15;
	_ =	sdelay $0x1  }
0x95: {  	[tilespmem:s0+$0x30] =	vst v27;
	s1 =	sand.u32 $0x380, s13  }
0x96: {  	[tilespmem:s22+$0x60] =	vst v25;
	s1 =	sor.u32 s1, s6  }
0x97: {  	[tilespmem:s1+$0x0] =	vst v30  }
0x98: {  	[tilespmem:s3+$0x30] =	vst v26;
	v25 =	vld.idx.msk [tilespmem:v31+s15+$0x0], $0xffff  }
0x99: {  	v26 =	vld.idx.msk [tilespmem:v29+s15+$0x0], $0xffff;
	[tilespmem:s26+$0x70] =	vst v24;
	v24 =	vor.u32 v2, v15  }
0x9a: {  	[tilespmem:s29+$0x30] =	vst v19;
	v19 =	vor.u32 v6, v10;
	v22 =	vld.idx.msk [tilespmem:v22+s15+$0x0], $0xffff  }
0x9b: {  	v17 =	vld.idx.msk [tilespmem:v17+s15+$0x0], $0xffff;
	[tilespmem:s14+$0x20] =	vst v23;
	v23 =	vor.u32 v3, v12  }
0x9c: {  	v27 =	vor.u32 v3, v13;
	v28 =	vld.idx.msk [tilespmem:v28+s15+$0x0], $0xffff;
	[tilespmem:s17+$0x50] =	vst v21  }
0x9d: {  	v16 =	vld.idx.msk [tilespmem:v16+s15+$0x0], $0xffff;
	v21 =	vor.u32 v3, v14;
	[tilespmem:s1+$0x10] =	vst v25  }
0x9e: {  	[tilespmem:s10+$0xFFFFFFE0] =	vst v26;
	v24 =	vld.idx.msk [tilespmem:v24+s15+$0x0], $0xffff  }
0x9f: {  	v19 =	vld.idx.msk [tilespmem:v19+s15+$0x0], $0xffff;
	[tilespmem:s22+$0x70] =	vst v22;
	v22 =	vor.u32 v3, v15  }
0xa0: {  	v10 =	vor.u32 v7, v10;
	[tilespmem:s11+$0x20] =	vst v17;
	v23 =	vld.idx.msk [tilespmem:v23+s15+$0x0], $0xffff  }
0xa1: {  	[tilespmem:s0+$0x40] =	vst v28;
	v25 =	vld.idx.msk [tilespmem:v27+s15+$0x0], $0xffff;
	v27 =	vor.u32 v5, v9  }
0xa2: {  	v26 =	vor.u32 v4, v13;
	[tilespmem:s3+$0x40] =	vst v16;
	v16 =	vld.idx.msk [tilespmem:v21+s15+$0x0], $0xffff  }
0xa3: {  	v17 =	vld.idx.msk [tilespmem:v20+s15+$0x0], $0xffff;
	v20 =	vor.u32 v4, v14;
	[tilespmem:s1+$0x20] =	vst v24  }
0xa4: {  	v21 =	vor.u32 v4, v12;
	[tilespmem:s17+$0x60] =	vst v19;
	v22 =	vld.idx.msk [tilespmem:v22+s15+$0x0], $0xffff  }
0xa5: {  	v10 =	vld.idx.msk [tilespmem:v10+s15+$0x0], $0xffff;
	[tilespmem:s10+$0xFFFFFFF0] =	vst v23  }
0xa6: {  	v19 =	vor.u32 v5, v11;
	[tilespmem:s14+$0x30] =	vst v25;
	v23 =	vld.idx.msk [tilespmem:v27+s15+$0x0], $0xffff  }
0xa7: {  	[tilespmem:s11+$0x30] =	vst v16;
	v25 =	vor.u32 v6, v9;
	v24 =	vld.idx.msk [tilespmem:v26+s15+$0x0], $0xffff  }
0xa8: {  	[tilespmem:s19+$0x20] =	vst v17;
	v16 =	vor.u32 v5, v13;
	v17 =	vld.idx.msk [tilespmem:v20+s15+$0x0], $0xffff  }
0xa9: {  	v20 =	vld.idx.msk [tilespmem:v21+s15+$0x0], $0xffff;
	v21 =	vor.u32 v5, v14;
	[tilespmem:s1+$0x30] =	vst v22  }
0xaa: {  	[tilespmem:s17+$0x70] =	vst v10;
	v22 =	vor.u32 v5, v12;
	v18 =	vld.idx.msk [tilespmem:v18+s15+$0x0], $0xffff  }
0xab: {  	v19 =	vld.idx.msk [tilespmem:v19+s15+$0x0], $0xffff;
	[tilespmem:s0+$0x50] =	vst v23;
	v23 =	vor.u32 v5, v15  }
0xac: {  	v10 =	vor.u32 v6, v11;
	[tilespmem:s14+$0x40] =	vst v24;
	v24 =	vld.idx.msk [tilespmem:v25+s15+$0x0], $0xffff  }
0xad: {  	v9 =	vor.u32 v7, v9;
	[tilespmem:s11+$0x40] =	vst v17;
	v16 =	vld.idx.msk [tilespmem:v16+s15+$0x0], $0xffff  }
0xae: {  	v17 =	vor.u32 v6, v13;
	[tilespmem:s10+$0x0] =	vst v20;
	v20 =	vld.idx.msk [tilespmem:v21+s15+$0x0], $0xffff  }
0xaf: {  	v21 =	vld.idx.msk [tilespmem:v22+s15+$0x0], $0xffff;
	[tilespmem:s1+$0x40] =	vst v18;
	v18 =	vor.u32 v6, v14  }
0xb0: {  	[tilespmem:s3+$0x50] =	vst v19;
	v19 =	vor.u32 v6, v12;
	v22 =	vld.idx.msk [tilespmem:v23+s15+$0x0], $0xffff  }
0xb1: {  	v10 =	vld.idx.msk [tilespmem:v10+s15+$0x0], $0xffff;
	[tilespmem:s0+$0x60] =	vst v24;
	v23 =	vor.u32 v6, v15  }
0xb2: {  	v8 =	vor.u32 v7, v8;
	v9 =	vld.idx.msk [tilespmem:v9+s15+$0x0], $0xffff;
	[tilespmem:s14+$0x50] =	vst v16  }
0xb3: {  	v11 =	vor.u32 v7, v11;
	[tilespmem:s11+$0x50] =	vst v20;
	v16 =	vld.idx.msk [tilespmem:v17+s15+$0x0], $0xffff  }
0xb4: {  	v13 =	vor.u32 v7, v13;
	[tilespmem:s10+$0x10] =	vst v21;
	v17 =	vld.idx.msk [tilespmem:v18+s15+$0x0], $0xffff  }
0xb5: {  	v14 =	vor.u32 v7, v14;
	v18 =	vld.idx.msk [tilespmem:v19+s15+$0x0], $0xffff;
	[tilespmem:s1+$0x50] =	vst v22  }
0xb6: {  	[tilespmem:s3+$0x60] =	vst v10;
	v10 =	vor.u32 v7, v12;
	v12 =	vld.idx.msk [tilespmem:v23+s15+$0x0], $0xffff  }
0xb7: {  	v8 =	vld.idx.msk [tilespmem:v8+s15+$0x0], $0xffff;
	[tilespmem:s0+$0x70] =	vst v9;
	v9 =	vor.u32 v7, v15  }
0xb8: {  	v11 =	vld.idx.msk [tilespmem:v11+s15+$0x0], $0xffff;
	[tilespmem:s14+$0x60] =	vst v16  }
0xb9: {  	v13 =	vld.idx.msk [tilespmem:v13+s15+$0x0], $0xffff;
	[tilespmem:s11+$0x60] =	vst v17  }
0xba: {  	[tilespmem:s10+$0x20] =	vst v18;
	v14 =	vld.idx.msk [tilespmem:v14+s15+$0x0], $0xffff  }
0xbb: {  	v10 =	vld.idx.msk [tilespmem:v10+s15+$0x0], $0xffff;
	[tilespmem:s1+$0x60] =	vst v12  }
0xbc: {  	[tilespmem:s19+$0x30] =	vst v8;
	v8 =	vld.idx.msk [tilespmem:v9+s15+$0x0], $0xffff  }
0xbd: {  	[tilespmem:s3+$0x70] =	vst v11  }
0xbe: {  	p0 =	seq.s32 s12, $0x18;
	[tilespmem:s14+$0x70] =	vst v13  }
0xbf: {  	s0 =	sshll.u32 @!p0 s12, $0xA;
	[tilespmem:s11+$0x70] =	vst v14  }
0xc0: {  	s19 =	sand.u32 @!p0 $0x3FFFFC00, s0;
	[tilespmem:s10+$0x30] =	vst v10  }
0xc1: {  	s3 =	simm.s32 @!p0 $0x6400;
	s0 =	sadd.s32 @!p0 $0x400, s19;
	[tilespmem:s1+$0x70] =	vst v8;
	s1 =	simm.s32 @!p0 $0x80  }
0xc2: {  	[tilespmem:s3], [sflag:$0x1] =	stream.indirect.gather @!p0 [hbm4b:s4+s1], $0x40, s0, s1, $0xb8;
	[tilespmem:$0x1E400] =	vst v63  }
0xc3: {  	s1 =	sor.u32 s5, s24;
	s3 =	simm.s32 $0x0  }
0xc4: {  	s6 =	simm.s32 $0x1;
	s0 =	sshrl.u32 s1, $0x3;
	v8 =	vmov s3  }
0xc5: {  	s7 =	simm.s32 $0x16400;
	s8 =	simm.s32 $0x2;
	v9 =	vmov s6;
	s0 =	sadd.s32 s2, s0;
	v8 =	vand.u32 $0x3C, v8  }
0xc6: {  	[hbm4b:s0+s30] =	stream.strided.scatter [tilespmem:s7], [sflag:$0x9], $0x2000, s31, s30, $0x38;
	v15 =	vbroadcast v8, $0x0;
	v8 =	vand.u32 $0x3D, v9;
	[tilespmem:$0x1E400] =	vst v63  }
0xc7: {  	_ =	swait.ge [sflag:s8], $0x2000;
	v17 =	vbroadcast v8, $0x0  }
0xc8: {  	[sflag:s8] =	ssyncset.done $0x0;
	v8 =	vor.u32 v0, v15  }
0xc9: {  	s0 =	simm.s32 @!p1 $0xA;
	[sflag:s8] =	ssyncadd.s32 $0xFFFFE000;
	v9 =	vor.u32 v0, v17  }
0xca: {  	_ =	swait.ge @!p1 [sflag:s0], $0x2000  }
0xcb: {  	[sflag:s0] =	ssyncset.done @!p1 $0x0  }
0xcc: {  	[sflag:s0] =	ssyncadd.s32 @!p1 $0xFFFFE000  }
0xcd: {  	v8 =	vld.idx.msk [tilespmem:v8+s16+$0x0], $0xffff  }
0xce: {  	s9 =	simm.s32 $0x2;
	v10 =	vor.u32 v1, v15;
	v9 =	vld.idx.msk [tilespmem:v9+s16+$0x0], $0xffff  }
0xcf: {  	v11 =	vmov s9;
	s10 =	simm.s32 $0x0;
	v12 =	vor.u32 v1, v17  }
0xd0: {  	s13 =	simm.s32 $0x80;
	v11 =	vand.u32 $0x3E, v11;
	s11 =	sand.u32 $0x1C00, s10  }
0xd1: {  	v16 =	vbroadcast v11, $0x0;
	s3 =	sand.u32 $0x280, s13;
	s1 =	sadd.s32 $0x18400, s11;
	s0 =	simm.s32 $0x18440  }
0xd2: {  	s14 =	simm.s32 $0x3;
	s6 =	sor.u32 s3, s1;
	[tilespmem:s0+$0xFFFFFFC0] =	vst v8  }
0xd3: {  	v8 =	vor.u32 v0, v16;
	[tilespmem:s6+$0x0] =	vst v9;
	v9 =	vld.idx.msk [tilespmem:v10+s16+$0x0], $0xffff;
	v10 =	vmov s14  }
0xd4: {  	v11 =	vld.idx.msk [tilespmem:v12+s16+$0x0], $0xffff;
	v12 =	vor.u32 v2, v15;
	v10 =	vand.u32 $0x3F, v10  }
0xd5: {  	v13 =	vor.u32 v2, v17;
	v18 =	vbroadcast v10, $0x0;
	_ =	sdelay $0x1  }
0xd6: {  	s17 =	simm.s32 $0x4;
	v14 =	vor.u32 v0, v18  }
0xd7: {  	v19 =	vld.idx.msk [tilespmem:v8+s16+$0x0], $0xffff;
	v8 =	vmov s17;
	[tilespmem:s0+$0xFFFFFFD0] =	vst v9  }
0xd8: {  	s22 =	simm.s32 $0x5;
	v20 =	vor.u32 v1, v16;
	v8 =	vand.u32 $0x3C, v8;
	[tilespmem:s6+$0x10] =	vst v11;
	v11 =	vld.idx.msk [tilespmem:v12+s16+$0x0], $0xffff  }
0xd9: {  	s26 =	simm.s32 $0x6;
	s7 =	simm.s32 $0x100;
	v9 =	vmov s22;
	v8 =	vbroadcast v8, $0x0;
	v12 =	vld.idx.msk [tilespmem:v13+s16+$0x0], $0xffff;
	v13 =	vor.u32 v3, v15  }
0xda: {  	v22 =	vmov s26;
	s7 =	sand.u32 $0x300, s7;
	v21 =	vor.u32 v3, v17;
	v9 =	vand.u32 $0x3D, v9  }
0xdb: {  	s3 =	sor.u32 s7, s1;
	v10 =	vbroadcast v9, $0x0;
	v9 =	vand.u32 $0x3E, v22;
	v22 =	vor.u32 v0, v8;
	v14 =	vld.idx.msk [tilespmem:v14+s16+$0x0], $0xffff  }
0xdc: {  	v9 =	vbroadcast v9, $0x0;
	[tilespmem:s3+$0x0] =	vst v19;
	v19 =	vor.u32 v1, v18  }
0xdd: {  	s8 =	simm.s32 $0x180;
	v23 =	vor.u32 v0, v10;
	v20 =	vld.idx.msk [tilespmem:v20+s16+$0x0], $0xffff;
	[tilespmem:s0+$0xFFFFFFE0] =	vst v11  }
0xde: {  	s7 =	sand.u32 $0x380, s8;
	v11 =	vor.u32 v0, v9;
	[tilespmem:s6+$0x20] =	vst v12;
	v12 =	vld.idx.msk [tilespmem:v13+s16+$0x0], $0xffff  }
0xdf: {  	s26 =	sor.u32 s7, s1;
	v13 =	vld.idx.msk [tilespmem:v21+s16+$0x0], $0xffff;
	v21 =	vor.u32 v4, v15  }
0xe0: {  	v24 =	vor.u32 v4, v17;
	v22 =	vld.idx.msk [tilespmem:v22+s16+$0x0], $0xffff;
	[tilespmem:s26+$0x0] =	vst v14  }
0xe1: {  	v14 =	vor.u32 v2, v16;
	v19 =	vld.idx.msk [tilespmem:v19+s16+$0x0], $0xffff  }
0xe2: {  	v25 =	vor.u32 v2, v18;
	v23 =	vld.idx.msk [tilespmem:v23+s16+$0x0], $0xffff  }
0xe3: {  	v26 =	vor.u32 v1, v8;
	v11 =	vld.idx.msk [tilespmem:v11+s16+$0x0], $0xffff;
	[tilespmem:s0+$0xFFFFFFF0] =	vst v12  }
0xe4: {  	s9 =	simm.s32 $0x200;
	v12 =	vor.u32 v1, v10;
	[tilespmem:s6+$0x30] =	vst v13;
	v13 =	vld.idx.msk [tilespmem:v21+s16+$0x0], $0xffff  }
0xe5: {  	s10 =	simm.s32 $0x280;
	s1 =	sand.u32 $0x1C00, s9;
	[tilespmem:s3+$0x10] =	vst v20;
	v21 =	vor.u32 v5, v15;
	v20 =	vld.idx.msk [tilespmem:v24+s16+$0x0], $0xffff  }
0xe6: {  	s29 =	simm.s32 $0x18640;
	s7 =	sand.u32 $0x280, s10;
	s1 =	sadd.s32 $0x18400, s1;
	v24 =	vor.u32 v1, v9;
	v14 =	vld.idx.msk [tilespmem:v14+s16+$0x0], $0xffff;
	[tilespmem:s26+$0x10] =	vst v19  }
0xe7: {  	s8 =	simm.s32 $0x300;
	s22 =	sor.u32 s7, s1;
	[tilespmem:s29+$0xFFFFFFC0] =	vst v22;
	v19 =	vor.u32 v3, v16;
	v22 =	vld.idx.msk [tilespmem:v25+s16+$0x0], $0xffff  }
0xe8: {  	s11 =	sand.u32 $0x300, s8;
	[tilespmem:s22+$0x0] =	vst v23;
	v23 =	vld.idx.msk [tilespmem:v26+s16+$0x0], $0xffff;
	v25 =	vor.u32 v3, v18  }
0xe9: {  	s13 =	simm.s32 $0x7;
	s17 =	sor.u32 s11, s1;
	v12 =	vld.idx.msk [tilespmem:v12+s16+$0x0], $0xffff;
	[tilespmem:s0+$0x0] =	vst v13;
	v13 =	vor.u32 v5, v17  }
0xea: {  	v27 =	vor.u32 v2, v10;
	v26 =	vmov s13;
	[tilespmem:s17+$0x0] =	vst v11;
	v21 =	vld.idx.msk [tilespmem:v21+s16+$0x0], $0xffff  }
0xeb: {  	v11 =	vand.u32 $0x3F, v26;
	v24 =	vld.idx.msk [tilespmem:v24+s16+$0x0], $0xffff;
	[tilespmem:s3+$0x20] =	vst v14;
	v14 =	vor.u32 v2, v8  }
0xec: {  	v11 =	vbroadcast v11, $0x0;
	v19 =	vld.idx.msk [tilespmem:v19+s16+$0x0], $0xffff;
	[tilespmem:s26+$0x20] =	vst v22;
	v22 =	vor.u32 v6, v15  }
0xed: {  	v28 =	vor.u32 v4, v16;
	[tilespmem:s6+$0x40] =	vst v20;
	v20 =	vld.idx.msk [tilespmem:v25+s16+$0x0], $0xffff  }
0xee: {  	s14 =	simm.s32 $0x8;
	v25 =	vor.u32 v0, v11;
	[tilespmem:s22+$0x10] =	vst v12;
	v26 =	vld.idx.msk [tilespmem:v13+s16+$0x0], $0xffff  }
0xef: {  	s8 =	simm.s32 $0x9;
	v29 =	vor.u32 v4, v18;
	[tilespmem:s29+$0xFFFFFFD0] =	vst v23;
	v12 =	vmov s14;
	v23 =	vld.idx.msk [tilespmem:v27+s16+$0x0], $0xffff  }
0xf0: {  	v12 =	vand.u32 $0x3C, v12;
	v13 =	vmov s8;
	v27 =	vor.u32 v3, v10;
	[tilespmem:s0+$0x10] =	vst v21;
	v21 =	vld.idx.msk [tilespmem:v14+s16+$0x0], $0xffff  }
0xf1: {  	v30 =	vor.u32 v6, v17;
	s9 =	simm.s32 $0xA;
	v12 =	vbroadcast v12, $0x0;
	v13 =	vand.u32 $0x3D, v13;
	[tilespmem:s3+$0x30] =	vst v19;
	v22 =	vld.idx.msk [tilespmem:v22+s16+$0x0], $0xffff  }
0xf2: {  	v14 =	vmov s9;
	v13 =	vbroadcast v13, $0x0;
	v19 =	vor.u32 v3, v8;
	v28 =	vld.idx.msk [tilespmem:v28+s16+$0x0], $0xffff  }
0xf3: {  	v14 =	vand.u32 $0x3E, v14;
	v25 =	vld.idx.msk [tilespmem:v25+s16+$0x0], $0xffff;
	[tilespmem:s26+$0x30] =	vst v20;
	v20 =	vor.u32 v0, v12  }
0xf4: {  	v14 =	vbroadcast v14, $0x0;
	v31 =	vor.u32 v0, v13;
	[tilespmem:s22+$0x20] =	vst v23;
	v23 =	vld.idx.msk [tilespmem:v29+s16+$0x0], $0xffff  }
0xf5: {  	v29 =	vor.u32 v1, v11;
	[tilespmem:s6+$0x50] =	vst v26;
	v27 =	vld.idx.msk [tilespmem:v27+s16+$0x0], $0xffff  }
0xf6: {  	s10 =	simm.s32 $0x380;
	v26 =	vor.u32 v0, v14;
	[tilespmem:s29+$0xFFFFFFE0] =	vst v21;
	v21 =	vld.idx.msk [tilespmem:v30+s16+$0x0], $0xffff  }
0xf7: {  	s7 =	sand.u32 $0x380, s10;
	[tilespmem:s17+$0x10] =	vst v24;
	v24 =	vor.u32 v4, v10;
	v19 =	vld.idx.msk [tilespmem:v19+s16+$0x0], $0xffff  }
0xf8: {  	s10 =	sor.u32 s7, s1;
	v17 =	vor.u32 v7, v17;
	[tilespmem:s3+$0x40] =	vst v28;
	v20 =	vld.idx.msk [tilespmem:v20+s16+$0x0], $0xffff  }
0xf9: {  	v28 =	vor.u32 v5, v16;
	[tilespmem:s10+$0x0] =	vst v25;
	v25 =	vld.idx.msk [tilespmem:v31+s16+$0x0], $0xffff  }
0xfa: {  	v30 =	vor.u32 v5, v18;
	v29 =	vld.idx.msk [tilespmem:v29+s16+$0x0], $0xffff;
	[tilespmem:s26+$0x40] =	vst v23  }
0xfb: {  	v23 =	vld.idx.msk [tilespmem:v26+s16+$0x0], $0xffff;
	v26 =	vor.u32 v4, v8;
	[tilespmem:s22+$0x30] =	vst v27  }
0xfc: {  	s11 =	simm.s32 $0x400;
	v27 =	vor.u32 v1, v12;
	[tilespmem:s6+$0x60] =	vst v21;
	v24 =	vld.idx.msk [tilespmem:v24+s16+$0x0], $0xffff  }
0xfd: {  	s1 =	sand.u32 $0x1C00, s11;
	s13 =	simm.s32 $0x480;
	s14 =	simm.s32 $0x18840;
	v21 =	vor.u32 v2, v9;
	[tilespmem:s29+$0xFFFFFFF0] =	vst v19;
	v17 =	vld.idx.msk [tilespmem:v17+s16+$0x0], $0xffff  }
0xfe: {  	s7 =	sand.u32 $0x280, s13;
	s13 =	sadd.s32 $0x18400, s1;
	v19 =	vor.u32 v1, v13;
	[tilespmem:s14+$0xFFFFFFC0] =	vst v20;
	v20 =	vld.idx.msk [tilespmem:v28+s16+$0x0], $0xffff  }
0xff: {  	s11 =	sor.u32 s7, s13;
	v15 =	vor.u32 v7, v15;
	[tilespmem:s0+$0x20] =	vst v22;
	v28 =	vld.idx.msk [tilespmem:v30+s16+$0x0], $0xffff  }
0x100: {  	[tilespmem:s11+$0x0] =	vst v25;
	v25 =	vor.u32 v2, v11;
	v26 =	vld.idx.msk [tilespmem:v26+s16+$0x0], $0xffff  }
0x101: {  	s8 =	simm.s32 $0x500;
	v22 =	vor.u32 v6, v16;
	[tilespmem:s10+$0x10] =	vst v29;
	v30 =	vld.idx.msk [tilespmem:v27+s16+$0x0], $0xffff  }
0x102: {  	s1 =	sand.u32 $0x300, s8;
	v27 =	vor.u32 v5, v8;
	v21 =	vld.idx.msk [tilespmem:v21+s16+$0x0], $0xffff;
	[tilespmem:s22+$0x40] =	vst v24  }
0x103: {  	v32 =	vor.u32 v5, v10;
	v29 =	vld.idx.msk [tilespmem:v19+s16+$0x0], $0xffff;
	[tilespmem:s6+$0x70] =	vst v17;
	s6 =	sor.u32 s1, s13  }
0x104: {  	v24 =	vor.u32 v1, v14;
	v19 =	vld.idx.msk [tilespmem:v15+s16+$0x0], $0xffff;
	[tilespmem:s6+$0x0] =	vst v23  }
0x105: {  	v17 =	vor.u32 v3, v9;
	v25 =	vld.idx.msk [tilespmem:v25+s16+$0x0], $0xffff;
	[tilespmem:s3+$0x50] =	vst v20  }
0x106: {  	v20 =	vor.u32 v6, v18;
	v22 =	vld.idx.msk [tilespmem:v22+s16+$0x0], $0xffff;
	[tilespmem:s29+$0x0] =	vst v26  }
0x107: {  	s9 =	simm.s32 $0xB;
	[tilespmem:s26+$0x50] =	vst v28;
	v26 =	vor.u32 v3, v11;
	v23 =	vld.idx.msk [tilespmem:v27+s16+$0x0], $0xffff  }
0x108: {  	v15 =	vmov s9;
	v28 =	vor.u32 v7, v16;
	[tilespmem:s17+$0x20] =	vst v21;
	v21 =	vld.idx.msk [tilespmem:v32+s16+$0x0], $0xffff  }
0x109: {  	v33 =	vor.u32 v2, v13;
	v15 =	vand.u32 $0x3F, v15;
	[tilespmem:s14+$0xFFFFFFD0] =	vst v30;
	v31 =	vld.idx.msk [tilespmem:v24+s16+$0x0], $0xffff  }
0x10a: {  	v15 =	vbroadcast v15, $0x0;
	[tilespmem:s11+$0x10] =	vst v29;
	v27 =	vld.idx.msk [tilespmem:v17+s16+$0x0], $0xffff  }
0x10b: {  	v16 =	vor.u32 v4, v11;
	v29 =	vor.u32 v2, v12;
	[tilespmem:s10+$0x20] =	vst v25;
	v25 =	vld.idx.msk [tilespmem:v20+s16+$0x0], $0xffff  }
0x10c: {  	v30 =	vor.u32 v0, v15;
	v20 =	vor.u32 v6, v8;
	v26 =	vld.idx.msk [tilespmem:v26+s16+$0x0], $0xffff;
	[tilespmem:s3+$0x60] =	vst v22  }
0x10d: {  	v17 =	vor.u32 v2, v14;
	v22 =	vor.u32 v7, v18;
	v24 =	vld.idx.msk [tilespmem:v28+s16+$0x0], $0xffff;
	[tilespmem:s29+$0x10] =	vst v23  }
0x10e: {  	s7 =	simm.s32 $0xC;
	s1 =	simm.s32 $0x580;
	v18 =	vor.u32 v4, v15;
	v23 =	vld.idx.msk [tilespmem:v33+s16+$0x0], $0xffff;
	v28 =	vor.u32 v4, v9;
	[tilespmem:s6+$0x10] =	vst v31  }
.LBB2_5:
0x10f: {  	s9 =	sadd.s32 $0x1, s7  }
0x110: {  	v31 =	vmov s7;
	p2 =	slt.u32 s7, $0x3C;
	v29 =	vld.idx.msk [tilespmem:v29+s16+$0x0], $0xffff;
	v32 =	vor.u32 v6, v10;
	[tilespmem:s17+$0x30] =	vst v27;
	s8 =	smov.u32 s7;
	s7 =	sadd.s32 $0x4, s7  }
0x111: {  	v33 =	vor.u32 v3, v13;
	v27 =	vand.u32 $0x3C, v31;
	v31 =	vmov s9;
	s9 =	sadd.s32 $0x2, s8;
	v20 =	vld.idx.msk [tilespmem:v20+s16+$0x0], $0xffff;
	[tilespmem:s26+$0x60] =	vst v25  }
0x112: {  	v25 =	vbroadcast v27, $0x0;
	v27 =	vand.u32 $0x3D, v31;
	v31 =	vmov s9;
	[tilespmem:s10+$0x30] =	vst v26;
	v22 =	vld.idx.msk [tilespmem:v22+s16+$0x0], $0xffff  }
0x113: {  	v26 =	vbroadcast v27, $0x0;
	v27 =	vand.u32 $0x3E, v31;
	v31 =	vor.u32 v3, v12;
	v30 =	vld.idx.msk [tilespmem:v30+s16+$0x0], $0xffff;
	[tilespmem:s3+$0x70] =	vst v24;
	s3 =	smov.u32 s17;
	s17 =	smov.u32 s6  }
0x114: {  	v24 =	vor.u32 v0, v25;
	v27 =	vbroadcast v27, $0x0;
	v28 =	vld.idx.msk [tilespmem:v28+s16+$0x0], $0xffff;
	[tilespmem:s0+$0x30] =	vst v19;
	s0 =	smov.u32 s29;
	s29 =	smov.u32 s14  }
0x115: {  	v19 =	vor.u32 v0, v26;
	[tilespmem:s11+$0x20] =	vst v23;
	v23 =	vld.idx.msk [tilespmem:v16+s16+$0x0], $0xffff;
	v16 =	vmov v18  }
0x116: {  	v34 =	vor.u32 v1, v15;
	v18 =	vor.u32 v0, v27;
	v33 =	vld.idx.msk [tilespmem:v33+s16+$0x0], $0xffff;
	[tilespmem:s22+$0x50] =	vst v21  }
0x117: {  	s6 =	sand.u32 $0x380, s1;
	[tilespmem:s14+$0xFFFFFFE0] =	vst v29;
	v21 =	vld.idx.msk [tilespmem:v32+s16+$0x0], $0xffff  }
0x118: {  	v29 =	vld.idx.msk [tilespmem:v31+s16+$0x0], $0xffff;
	v31 =	vor.u32 v4, v13;
	[tilespmem:s26+$0x70] =	vst v22;
	s26 =	smov.u32 s10;
	s10 =	sor.u32 s6, s13  }
0x119: {  	v22 =	vld.idx.msk [tilespmem:v24+s16+$0x0], $0xffff;
	[tilespmem:s10+$0x0] =	vst v30;
	v24 =	vor.u32 v7, v10;
	v10 =	vmov v13;
	v13 =	vmov v26  }
0x11a: {  	v26 =	vor.u32 v5, v9;
	v19 =	vld.idx.msk [tilespmem:v19+s16+$0x0], $0xffff;
	[tilespmem:s3+$0x40] =	vst v28;
	v28 =	vor.u32 v5, v11  }
0x11b: {  	s1 =	sadd.s32 $0x200, s1;
	v30 =	vor.u32 v1, v25;
	v32 =	vld.idx.msk [tilespmem:v34+s16+$0x0], $0xffff;
	[tilespmem:s26+$0x40] =	vst v23  }
0x11c: {  	s6 =	sadd.s32 $0xFFFFFE80, s1;
	v23 =	vor.u32 v1, v13;
	v34 =	vor.u32 v4, v12;
	v18 =	vld.idx.msk [tilespmem:v18+s16+$0x0], $0xffff;
	[tilespmem:s11+$0x30] =	vst v33  }
0x11d: {  	s9 =	sadd.s32 $0xFFFFFF00, s1;
	s14 =	sadd.s32 $0x200, s14;
	s6 =	sand.u32 $0x1C00, s6;
	v33 =	vor.u32 v1, v27;
	v31 =	vld.idx.msk [tilespmem:v31+s16+$0x0], $0xffff;
	[tilespmem:s22+$0x60] =	vst v21  }
0x11e: {  	s9 =	sand.u32 $0x280, s9;
	s13 =	sadd.s32 $0x18400, s6;
	s6 =	sadd.s32 $0xFFFFFF80, s1;
	[tilespmem:s29+$0xFFFFFFF0] =	vst v29;
	v21 =	vld.idx.msk [tilespmem:v24+s16+$0x0], $0xffff  }
0x11f: {  	s9 =	sor.u32 s9, s13;
	s6 =	sand.u32 $0x300, s6;
	[tilespmem:s14+$0xFFFFFFC0] =	vst v22;
	v22 =	vld.idx.msk [tilespmem:v26+s16+$0x0], $0xffff  }
0x120: {  	s6 =	sor.u32 s6, s13;
	[tilespmem:s9+$0x0] =	vst v19;
	v19 =	vor.u32 v2, v15;
	v24 =	vld.idx.msk [tilespmem:v28+s16+$0x0], $0xffff  }
0x121: {  	v26 =	vld.idx.msk [tilespmem:v34+s16+$0x0], $0xffff;
	[tilespmem:s0+$0x20] =	vst v20;
	v20 =	vor.u32 v6, v9  }
0x122: {  	v29 =	vor.u32 v7, v8;
	v8 =	vmov v12;
	v12 =	vmov v25;
	v28 =	vld.idx.msk [tilespmem:v30+s16+$0x0], $0xffff;
	[tilespmem:s10+$0x10] =	vst v32  }
0x123: {  	v25 =	vor.u32 v5, v8;
	v32 =	vor.u32 v2, v13;
	[tilespmem:s11+$0x40] =	vst v31;
	v30 =	vld.idx.msk [tilespmem:v17+s16+$0x0], $0xffff  }
0x124: {  	v17 =	vor.u32 v2, v27;
	v23 =	vld.idx.msk [tilespmem:v23+s16+$0x0], $0xffff;
	[tilespmem:s22+$0x70] =	vst v21;
	s22 =	smov.u32 s11;
	s11 =	smov.u32 s9  }
0x125: {  	v34 =	vor.u32 v6, v11;
	v21 =	vor.u32 v3, v14;
	v31 =	vld.idx.msk [tilespmem:v19+s16+$0x0], $0xffff;
	[tilespmem:s3+$0x50] =	vst v22  }
0x126: {  	v35 =	vld.idx.msk [tilespmem:v20+s16+$0x0], $0xffff;
	[tilespmem:s26+$0x50] =	vst v24  }
0x127: {  	v24 =	vor.u32 v3, v15;
	[tilespmem:s29+$0x0] =	vst v26;
	v19 =	vld.idx.msk [tilespmem:v29+s16+$0x0], $0xffff  }
0x128: {  	[tilespmem:s6+$0x0] =	vst v18;
	v36 =	vld.idx.msk [tilespmem:v25+s16+$0x0], $0xffff;
	v18 =	vor.u32 v7, v9;
	v9 =	vmov v14;
	v14 =	vmov v27  }
0x129: {  	s8 =	sadd.s32 $0x3, s8;
	v37 =	vor.u32 v5, v10;
	v33 =	vld.idx.msk [tilespmem:v33+s16+$0x0], $0xffff;
	[tilespmem:s17+$0x20] =	vst v30  }
0x12a: {  	v22 =	vor.u32 v7, v11;
	v11 =	vmov v15;
	v20 =	vmov s8;
	[tilespmem:s11+$0x10] =	vst v23;
	v27 =	vld.idx.msk [tilespmem:v21+s16+$0x0], $0xffff  }
.Ltmp1:
0x12b: {  	v29 =	vor.u32 v2, v12;
	v15 =	vand.u32 $0x3F, v20;
	[tilespmem:s10+$0x20] =	vst v31;
	v25 =	vld.idx.msk [tilespmem:v34+s16+$0x0], $0xffff;
	(pc) =	sbr.rel @p2 .LBB2_5-.Ltmp1, $4  }
0x12c: {  	v20 =	vor.u32 v6, v8;
	v15 =	vbroadcast v15, $0x0;
	v26 =	vld.idx.msk [tilespmem:v24+s16+$0x0], $0xffff;
	[tilespmem:s3+$0x60] =	vst v35  }
0x12d: {  	[tilespmem:s14+$0xFFFFFFD0] =	vst v28;
	v24 =	vld.idx.msk [tilespmem:v18+s16+$0x0], $0xffff  }
0x12e: {  	v30 =	vor.u32 v0, v15;
	v18 =	vor.u32 v4, v15;
	[tilespmem:s29+$0x10] =	vst v36;
	v21 =	vld.idx.msk [tilespmem:v37+s16+$0x0], $0xffff  }
0x12f: {  	v28 =	vor.u32 v4, v9;
	v23 =	vld.idx.msk [tilespmem:v32+s16+$0x0], $0xffff;
	[tilespmem:s6+$0x10] =	vst v33  }
0x130: {  	_ =	sdelay $0x3  }
0x131: {  	v30 =	vld.idx.msk [tilespmem:v30+s16+$0x0], $0xffff  }
0x132: {  	v31 =	vor.u32 v1, v15;
	_ =	sdelay $0x1  }
0x133: {  	[tilespmem:s17+$0x30] =	vst v27;
	s1 =	sand.u32 $0x380, s1  }
0x134: {  	[tilespmem:s26+$0x60] =	vst v25;
	s1 =	sor.u32 s1, s13  }
0x135: {  	[tilespmem:s1+$0x0] =	vst v30  }
0x136: {  	[tilespmem:s10+$0x30] =	vst v26;
	v25 =	vld.idx.msk [tilespmem:v31+s16+$0x0], $0xffff  }
0x137: {  	v26 =	vld.idx.msk [tilespmem:v29+s16+$0x0], $0xffff;
	[tilespmem:s3+$0x70] =	vst v24;
	v24 =	vor.u32 v2, v15  }
0x138: {  	[tilespmem:s0+$0x30] =	vst v19;
	v19 =	vor.u32 v6, v10;
	v22 =	vld.idx.msk [tilespmem:v22+s16+$0x0], $0xffff  }
0x139: {  	v17 =	vld.idx.msk [tilespmem:v17+s16+$0x0], $0xffff;
	[tilespmem:s11+$0x20] =	vst v23;
	v23 =	vor.u32 v3, v12  }
0x13a: {  	v27 =	vor.u32 v3, v13;
	v28 =	vld.idx.msk [tilespmem:v28+s16+$0x0], $0xffff;
	[tilespmem:s22+$0x50] =	vst v21  }
0x13b: {  	v16 =	vld.idx.msk [tilespmem:v16+s16+$0x0], $0xffff;
	v21 =	vor.u32 v3, v14;
	[tilespmem:s1+$0x10] =	vst v25  }
0x13c: {  	[tilespmem:s14+$0xFFFFFFE0] =	vst v26;
	v24 =	vld.idx.msk [tilespmem:v24+s16+$0x0], $0xffff  }
0x13d: {  	v19 =	vld.idx.msk [tilespmem:v19+s16+$0x0], $0xffff;
	[tilespmem:s26+$0x70] =	vst v22;
	v22 =	vor.u32 v3, v15  }
0x13e: {  	v10 =	vor.u32 v7, v10;
	[tilespmem:s6+$0x20] =	vst v17;
	v23 =	vld.idx.msk [tilespmem:v23+s16+$0x0], $0xffff  }
0x13f: {  	[tilespmem:s17+$0x40] =	vst v28;
	v25 =	vld.idx.msk [tilespmem:v27+s16+$0x0], $0xffff;
	v27 =	vor.u32 v5, v9  }
0x140: {  	v26 =	vor.u32 v4, v13;
	[tilespmem:s10+$0x40] =	vst v16;
	v16 =	vld.idx.msk [tilespmem:v21+s16+$0x0], $0xffff  }
0x141: {  	v17 =	vld.idx.msk [tilespmem:v20+s16+$0x0], $0xffff;
	v20 =	vor.u32 v4, v14;
	[tilespmem:s1+$0x20] =	vst v24  }
0x142: {  	v21 =	vor.u32 v4, v12;
	[tilespmem:s22+$0x60] =	vst v19;
	v22 =	vld.idx.msk [tilespmem:v22+s16+$0x0], $0xffff  }
0x143: {  	v10 =	vld.idx.msk [tilespmem:v10+s16+$0x0], $0xffff;
	[tilespmem:s14+$0xFFFFFFF0] =	vst v23  }
0x144: {  	v19 =	vor.u32 v5, v11;
	[tilespmem:s11+$0x30] =	vst v25;
	v23 =	vld.idx.msk [tilespmem:v27+s16+$0x0], $0xffff  }
0x145: {  	[tilespmem:s6+$0x30] =	vst v16;
	v25 =	vor.u32 v6, v9;
	v24 =	vld.idx.msk [tilespmem:v26+s16+$0x0], $0xffff  }
0x146: {  	[tilespmem:s29+$0x20] =	vst v17;
	v16 =	vor.u32 v5, v13;
	v17 =	vld.idx.msk [tilespmem:v20+s16+$0x0], $0xffff  }
0x147: {  	v20 =	vld.idx.msk [tilespmem:v21+s16+$0x0], $0xffff;
	v21 =	vor.u32 v5, v14;
	[tilespmem:s1+$0x30] =	vst v22  }
0x148: {  	[tilespmem:s22+$0x70] =	vst v10;
	v22 =	vor.u32 v5, v12;
	v18 =	vld.idx.msk [tilespmem:v18+s16+$0x0], $0xffff  }
0x149: {  	v19 =	vld.idx.msk [tilespmem:v19+s16+$0x0], $0xffff;
	[tilespmem:s17+$0x50] =	vst v23;
	v23 =	vor.u32 v5, v15  }
0x14a: {  	v10 =	vor.u32 v6, v11;
	[tilespmem:s11+$0x40] =	vst v24;
	v24 =	vld.idx.msk [tilespmem:v25+s16+$0x0], $0xffff  }
0x14b: {  	v9 =	vor.u32 v7, v9;
	[tilespmem:s6+$0x40] =	vst v17;
	v16 =	vld.idx.msk [tilespmem:v16+s16+$0x0], $0xffff  }
0x14c: {  	v17 =	vor.u32 v6, v13;
	[tilespmem:s14+$0x0] =	vst v20;
	v20 =	vld.idx.msk [tilespmem:v21+s16+$0x0], $0xffff  }
0x14d: {  	v21 =	vld.idx.msk [tilespmem:v22+s16+$0x0], $0xffff;
	[tilespmem:s1+$0x40] =	vst v18;
	v18 =	vor.u32 v6, v14  }
0x14e: {  	[tilespmem:s10+$0x50] =	vst v19;
	v19 =	vor.u32 v6, v12;
	v22 =	vld.idx.msk [tilespmem:v23+s16+$0x0], $0xffff  }
0x14f: {  	v10 =	vld.idx.msk [tilespmem:v10+s16+$0x0], $0xffff;
	[tilespmem:s17+$0x60] =	vst v24;
	v23 =	vor.u32 v6, v15  }
0x150: {  	v8 =	vor.u32 v7, v8;
	v9 =	vld.idx.msk [tilespmem:v9+s16+$0x0], $0xffff;
	[tilespmem:s11+$0x50] =	vst v16  }
0x151: {  	v11 =	vor.u32 v7, v11;
	[tilespmem:s6+$0x50] =	vst v20;
	v16 =	vld.idx.msk [tilespmem:v17+s16+$0x0], $0xffff  }
0x152: {  	v13 =	vor.u32 v7, v13;
	[tilespmem:s14+$0x10] =	vst v21;
	v17 =	vld.idx.msk [tilespmem:v18+s16+$0x0], $0xffff  }
0x153: {  	v14 =	vor.u32 v7, v14;
	v18 =	vld.idx.msk [tilespmem:v19+s16+$0x0], $0xffff;
	[tilespmem:s1+$0x50] =	vst v22  }
0x154: {  	[tilespmem:s10+$0x60] =	vst v10;
	v10 =	vor.u32 v7, v12;
	v12 =	vld.idx.msk [tilespmem:v23+s16+$0x0], $0xffff  }
0x155: {  	v8 =	vld.idx.msk [tilespmem:v8+s16+$0x0], $0xffff;
	[tilespmem:s17+$0x70] =	vst v9;
	v9 =	vor.u32 v7, v15  }
0x156: {  	v11 =	vld.idx.msk [tilespmem:v11+s16+$0x0], $0xffff;
	[tilespmem:s11+$0x60] =	vst v16  }
0x157: {  	v13 =	vld.idx.msk [tilespmem:v13+s16+$0x0], $0xffff;
	[tilespmem:s6+$0x60] =	vst v17  }
0x158: {  	[tilespmem:s14+$0x20] =	vst v18;
	v14 =	vld.idx.msk [tilespmem:v14+s16+$0x0], $0xffff  }
0x159: {  	v10 =	vld.idx.msk [tilespmem:v10+s16+$0x0], $0xffff;
	[tilespmem:s1+$0x60] =	vst v12  }
0x15a: {  	[tilespmem:s29+$0x30] =	vst v8;
	v8 =	vld.idx.msk [tilespmem:v9+s16+$0x0], $0xffff  }
0x15b: {  	[tilespmem:s10+$0x70] =	vst v11  }
0x15c: {  	[tilespmem:s11+$0x70] =	vst v13  }
0x15d: {  	[tilespmem:s6+$0x70] =	vst v14  }
0x15e: {  	[tilespmem:s14+$0x30] =	vst v10  }
0x15f: {  	s0 =	sadd.s32 @!p0 $0x480, s19;
	s3 =	simm.s32 @!p0 $0x8400;
	[tilespmem:s1+$0x70] =	vst v8;
	s1 =	simm.s32 @!p0 $0x80  }
0x160: {  	[tilespmem:s3], [sflag:$0x2] =	stream.indirect.gather @!p0 [hbm4b:s4+s1], $0x40, s0, s1, $0xb8;
	[tilespmem:$0x1E400] =	vst v63  }
0x161: {  	s1 =	rddreg [dreg:$0x4]  }
0x162: {  	s3 =	simm.s32 $0x0;
	s0 =	sor.u32 s1, s24  }
0x163: {  	s6 =	simm.s32 $0x1;
	v8 =	vmov s3;
	s0 =	sshrl.u32 s0, $0x3  }
0x164: {  	s7 =	simm.s32 $0x18400;
	s8 =	simm.s32 $0x3;
	v9 =	vmov s6;
	v8 =	vand.u32 $0x3C, v8;
	s0 =	sadd.s32 s2, s0  }
0x165: {  	v15 =	vbroadcast v8, $0x0;
	v8 =	vand.u32 $0x3D, v9;
	[hbm4b:s0+s30] =	stream.strided.scatter [tilespmem:s7], [sflag:$0xA], $0x2000, s31, s30, $0x38;
	[tilespmem:$0x1E400] =	vst v63  }
0x166: {  	v17 =	vbroadcast v8, $0x0;
	_ =	swait.ge [sflag:s8], $0x2000  }
0x167: {  	v8 =	vor.u32 v0, v15;
	[sflag:s8] =	ssyncset.done $0x0  }
0x168: {  	s0 =	simm.s32 @!p1 $0xB;
	v9 =	vor.u32 v0, v17;
	[sflag:s8] =	ssyncadd.s32 $0xFFFFE000  }
0x169: {  	_ =	swait.ge @!p1 [sflag:s0], $0x2000  }
0x16a: {  	[sflag:s0] =	ssyncset.done @!p1 $0x0  }
0x16b: {  	[sflag:s0] =	ssyncadd.s32 @!p1 $0xFFFFE000  }
0x16c: {  	v8 =	vld.idx.msk [tilespmem:v8+s18+$0x0], $0xffff  }
0x16d: {  	s9 =	simm.s32 $0x2;
	v10 =	vor.u32 v1, v15;
	v9 =	vld.idx.msk [tilespmem:v9+s18+$0x0], $0xffff  }
0x16e: {  	v11 =	vmov s9;
	s10 =	simm.s32 $0x0;
	v12 =	vor.u32 v1, v17  }
0x16f: {  	s13 =	simm.s32 $0x80;
	v11 =	vand.u32 $0x3E, v11;
	s11 =	sand.u32 $0x1C00, s10  }
0x170: {  	v16 =	vbroadcast v11, $0x0;
	s3 =	sand.u32 $0x280, s13;
	s1 =	sadd.s32 $0x1A400, s11;
	s0 =	simm.s32 $0x1A440  }
0x171: {  	s14 =	simm.s32 $0x3;
	s6 =	sor.u32 s3, s1;
	[tilespmem:s0+$0xFFFFFFC0] =	vst v8  }
0x172: {  	v8 =	vor.u32 v0, v16;
	[tilespmem:s6+$0x0] =	vst v9;
	v9 =	vld.idx.msk [tilespmem:v10+s18+$0x0], $0xffff;
	v10 =	vmov s14  }
0x173: {  	v11 =	vld.idx.msk [tilespmem:v12+s18+$0x0], $0xffff;
	v12 =	vor.u32 v2, v15;
	v10 =	vand.u32 $0x3F, v10  }
0x174: {  	v13 =	vor.u32 v2, v17;
	v18 =	vbroadcast v10, $0x0;
	_ =	sdelay $0x1  }
0x175: {  	s17 =	simm.s32 $0x4;
	v14 =	vor.u32 v0, v18  }
0x176: {  	v19 =	vld.idx.msk [tilespmem:v8+s18+$0x0], $0xffff;
	v8 =	vmov s17;
	[tilespmem:s0+$0xFFFFFFD0] =	vst v9  }
0x177: {  	s22 =	simm.s32 $0x5;
	v20 =	vor.u32 v1, v16;
	[tilespmem:s6+$0x10] =	vst v11;
	v8 =	vand.u32 $0x3C, v8;
	v11 =	vld.idx.msk [tilespmem:v12+s18+$0x0], $0xffff  }
0x178: {  	s26 =	simm.s32 $0x6;
	s7 =	simm.s32 $0x100;
	v9 =	vmov s22;
	v12 =	vld.idx.msk [tilespmem:v13+s18+$0x0], $0xffff;
	v8 =	vbroadcast v8, $0x0;
	v13 =	vor.u32 v3, v15  }
0x179: {  	v22 =	vmov s26;
	s7 =	sand.u32 $0x300, s7;
	v21 =	vor.u32 v3, v17;
	v9 =	vand.u32 $0x3D, v9  }
0x17a: {  	s26 =	sor.u32 s7, s1;
	v10 =	vbroadcast v9, $0x0;
	v9 =	vand.u32 $0x3E, v22;
	v22 =	vor.u32 v0, v8;
	v14 =	vld.idx.msk [tilespmem:v14+s18+$0x0], $0xffff  }
0x17b: {  	v9 =	vbroadcast v9, $0x0;
	[tilespmem:s26+$0x0] =	vst v19;
	v19 =	vor.u32 v1, v18  }
0x17c: {  	s8 =	simm.s32 $0x180;
	v23 =	vor.u32 v0, v10;
	v20 =	vld.idx.msk [tilespmem:v20+s18+$0x0], $0xffff;
	[tilespmem:s0+$0xFFFFFFE0] =	vst v11  }
0x17d: {  	s3 =	sand.u32 $0x380, s8;
	[tilespmem:s6+$0x20] =	vst v12;
	v11 =	vor.u32 v0, v9;
	v12 =	vld.idx.msk [tilespmem:v13+s18+$0x0], $0xffff  }
0x17e: {  	s3 =	sor.u32 s3, s1;
	v13 =	vld.idx.msk [tilespmem:v21+s18+$0x0], $0xffff;
	v21 =	vor.u32 v4, v15  }
0x17f: {  	v24 =	vor.u32 v4, v17;
	v22 =	vld.idx.msk [tilespmem:v22+s18+$0x0], $0xffff;
	[tilespmem:s3+$0x0] =	vst v14  }
0x180: {  	v14 =	vor.u32 v2, v16;
	v19 =	vld.idx.msk [tilespmem:v19+s18+$0x0], $0xffff  }
0x181: {  	v25 =	vor.u32 v2, v18;
	v23 =	vld.idx.msk [tilespmem:v23+s18+$0x0], $0xffff;
	[tilespmem:s26+$0x10] =	vst v20  }
0x182: {  	s9 =	simm.s32 $0x200;
	v26 =	vor.u32 v1, v8;
	v11 =	vld.idx.msk [tilespmem:v11+s18+$0x0], $0xffff;
	[tilespmem:s0+$0xFFFFFFF0] =	vst v12  }
0x183: {  	s29 =	simm.s32 $0x1A640;
	s10 =	simm.s32 $0x280;
	s1 =	sand.u32 $0x1C00, s9;
	v12 =	vor.u32 v1, v10;
	[tilespmem:s6+$0x30] =	vst v13;
	v13 =	vld.idx.msk [tilespmem:v21+s18+$0x0], $0xffff  }
0x184: {  	s7 =	sand.u32 $0x280, s10;
	s8 =	simm.s32 $0x300;
	s1 =	sadd.s32 $0x1A400, s1;
	v20 =	vld.idx.msk [tilespmem:v24+s18+$0x0], $0xffff;
	v24 =	vor.u32 v1, v9;
	[tilespmem:s29+$0xFFFFFFC0] =	vst v22  }
0x185: {  	s11 =	sand.u32 $0x300, s8;
	s22 =	sor.u32 s7, s1;
	v21 =	vor.u32 v5, v15;
	v14 =	vld.idx.msk [tilespmem:v14+s18+$0x0], $0xffff;
	[tilespmem:s3+$0x10] =	vst v19  }
0x186: {  	s17 =	sor.u32 s11, s1;
	[tilespmem:s22+$0x0] =	vst v23;
	v19 =	vor.u32 v3, v16;
	v22 =	vld.idx.msk [tilespmem:v25+s18+$0x0], $0xffff  }
0x187: {  	v23 =	vld.idx.msk [tilespmem:v26+s18+$0x0], $0xffff;
	v25 =	vor.u32 v3, v18;
	[tilespmem:s17+$0x0] =	vst v11  }
0x188: {  	s13 =	simm.s32 $0x7;
	v12 =	vld.idx.msk [tilespmem:v12+s18+$0x0], $0xffff;
	[tilespmem:s0+$0x0] =	vst v13;
	v13 =	vor.u32 v5, v17  }
0x189: {  	v27 =	vor.u32 v2, v10;
	v26 =	vmov s13;
	v24 =	vld.idx.msk [tilespmem:v24+s18+$0x0], $0xffff  }
0x18a: {  	v11 =	vand.u32 $0x3F, v26;
	v21 =	vld.idx.msk [tilespmem:v21+s18+$0x0], $0xffff;
	[tilespmem:s26+$0x20] =	vst v14;
	v14 =	vor.u32 v2, v8  }
0x18b: {  	v11 =	vbroadcast v11, $0x0;
	v19 =	vld.idx.msk [tilespmem:v19+s18+$0x0], $0xffff;
	[tilespmem:s3+$0x20] =	vst v22;
	v22 =	vor.u32 v6, v15  }
0x18c: {  	v28 =	vor.u32 v4, v16;
	[tilespmem:s6+$0x40] =	vst v20;
	v20 =	vld.idx.msk [tilespmem:v25+s18+$0x0], $0xffff  }
0x18d: {  	s14 =	simm.s32 $0x8;
	v25 =	vor.u32 v0, v11;
	[tilespmem:s22+$0x10] =	vst v12;
	v26 =	vld.idx.msk [tilespmem:v13+s18+$0x0], $0xffff  }
0x18e: {  	s8 =	simm.s32 $0x9;
	v29 =	vor.u32 v4, v18;
	[tilespmem:s29+$0xFFFFFFD0] =	vst v23;
	v12 =	vmov s14;
	v23 =	vld.idx.msk [tilespmem:v27+s18+$0x0], $0xffff  }
0x18f: {  	v12 =	vand.u32 $0x3C, v12;
	v13 =	vmov s8;
	v27 =	vor.u32 v3, v10;
	[tilespmem:s0+$0x10] =	vst v21;
	v21 =	vld.idx.msk [tilespmem:v14+s18+$0x0], $0xffff  }
0x190: {  	v30 =	vor.u32 v6, v17;
	s9 =	simm.s32 $0xA;
	v12 =	vbroadcast v12, $0x0;
	v13 =	vand.u32 $0x3D, v13;
	[tilespmem:s26+$0x30] =	vst v19;
	v22 =	vld.idx.msk [tilespmem:v22+s18+$0x0], $0xffff  }
0x191: {  	v14 =	vmov s9;
	v13 =	vbroadcast v13, $0x0;
	v19 =	vor.u32 v3, v8;
	v28 =	vld.idx.msk [tilespmem:v28+s18+$0x0], $0xffff  }
0x192: {  	v14 =	vand.u32 $0x3E, v14;
	v25 =	vld.idx.msk [tilespmem:v25+s18+$0x0], $0xffff;
	[tilespmem:s3+$0x30] =	vst v20;
	v20 =	vor.u32 v0, v12  }
0x193: {  	v14 =	vbroadcast v14, $0x0;
	v31 =	vor.u32 v0, v13;
	[tilespmem:s22+$0x20] =	vst v23;
	v23 =	vld.idx.msk [tilespmem:v29+s18+$0x0], $0xffff  }
0x194: {  	v29 =	vor.u32 v1, v11;
	[tilespmem:s6+$0x50] =	vst v26;
	v27 =	vld.idx.msk [tilespmem:v27+s18+$0x0], $0xffff  }
0x195: {  	s10 =	simm.s32 $0x380;
	v26 =	vor.u32 v0, v14;
	[tilespmem:s29+$0xFFFFFFE0] =	vst v21;
	v21 =	vld.idx.msk [tilespmem:v30+s18+$0x0], $0xffff  }
0x196: {  	s7 =	sand.u32 $0x380, s10;
	[tilespmem:s17+$0x10] =	vst v24;
	v24 =	vor.u32 v4, v10;
	v19 =	vld.idx.msk [tilespmem:v19+s18+$0x0], $0xffff  }
0x197: {  	s10 =	sor.u32 s7, s1;
	v17 =	vor.u32 v7, v17;
	[tilespmem:s26+$0x40] =	vst v28;
	v20 =	vld.idx.msk [tilespmem:v20+s18+$0x0], $0xffff  }
0x198: {  	v28 =	vor.u32 v5, v16;
	[tilespmem:s10+$0x0] =	vst v25;
	v25 =	vld.idx.msk [tilespmem:v31+s18+$0x0], $0xffff  }
0x199: {  	v30 =	vor.u32 v5, v18;
	v29 =	vld.idx.msk [tilespmem:v29+s18+$0x0], $0xffff;
	[tilespmem:s3+$0x40] =	vst v23  }
0x19a: {  	v23 =	vld.idx.msk [tilespmem:v26+s18+$0x0], $0xffff;
	v26 =	vor.u32 v4, v8;
	[tilespmem:s22+$0x30] =	vst v27  }
0x19b: {  	s11 =	simm.s32 $0x400;
	v27 =	vor.u32 v1, v12;
	[tilespmem:s6+$0x60] =	vst v21;
	v24 =	vld.idx.msk [tilespmem:v24+s18+$0x0], $0xffff  }
0x19c: {  	s1 =	sand.u32 $0x1C00, s11;
	s13 =	simm.s32 $0x480;
	s14 =	simm.s32 $0x1A840;
	v21 =	vor.u32 v2, v9;
	[tilespmem:s29+$0xFFFFFFF0] =	vst v19;
	v17 =	vld.idx.msk [tilespmem:v17+s18+$0x0], $0xffff  }
0x19d: {  	s7 =	sand.u32 $0x280, s13;
	s13 =	sadd.s32 $0x1A400, s1;
	v19 =	vor.u32 v1, v13;
	[tilespmem:s14+$0xFFFFFFC0] =	vst v20;
	v20 =	vld.idx.msk [tilespmem:v28+s18+$0x0], $0xffff  }
0x19e: {  	s11 =	sor.u32 s7, s13;
	v15 =	vor.u32 v7, v15;
	[tilespmem:s0+$0x20] =	vst v22;
	v28 =	vld.idx.msk [tilespmem:v30+s18+$0x0], $0xffff  }
0x19f: {  	[tilespmem:s11+$0x0] =	vst v25;
	v25 =	vor.u32 v2, v11;
	v26 =	vld.idx.msk [tilespmem:v26+s18+$0x0], $0xffff  }
0x1a0: {  	s8 =	simm.s32 $0x500;
	v22 =	vor.u32 v6, v16;
	[tilespmem:s10+$0x10] =	vst v29;
	v30 =	vld.idx.msk [tilespmem:v27+s18+$0x0], $0xffff  }
0x1a1: {  	s1 =	sand.u32 $0x300, s8;
	v27 =	vor.u32 v5, v8;
	v21 =	vld.idx.msk [tilespmem:v21+s18+$0x0], $0xffff;
	[tilespmem:s22+$0x40] =	vst v24  }
0x1a2: {  	v32 =	vor.u32 v5, v10;
	v29 =	vld.idx.msk [tilespmem:v19+s18+$0x0], $0xffff;
	[tilespmem:s6+$0x70] =	vst v17;
	s6 =	sor.u32 s1, s13  }
0x1a3: {  	v24 =	vor.u32 v1, v14;
	v19 =	vld.idx.msk [tilespmem:v15+s18+$0x0], $0xffff;
	[tilespmem:s6+$0x0] =	vst v23  }
0x1a4: {  	v17 =	vor.u32 v3, v9;
	v25 =	vld.idx.msk [tilespmem:v25+s18+$0x0], $0xffff;
	[tilespmem:s26+$0x50] =	vst v20  }
0x1a5: {  	v20 =	vor.u32 v6, v18;
	v22 =	vld.idx.msk [tilespmem:v22+s18+$0x0], $0xffff;
	[tilespmem:s29+$0x0] =	vst v26  }
0x1a6: {  	s9 =	simm.s32 $0xB;
	[tilespmem:s3+$0x50] =	vst v28;
	v26 =	vor.u32 v3, v11;
	v23 =	vld.idx.msk [tilespmem:v27+s18+$0x0], $0xffff  }
0x1a7: {  	v15 =	vmov s9;
	v28 =	vor.u32 v7, v16;
	[tilespmem:s17+$0x20] =	vst v21;
	v21 =	vld.idx.msk [tilespmem:v32+s18+$0x0], $0xffff  }
0x1a8: {  	v33 =	vor.u32 v2, v13;
	v15 =	vand.u32 $0x3F, v15;
	[tilespmem:s14+$0xFFFFFFD0] =	vst v30;
	v31 =	vld.idx.msk [tilespmem:v24+s18+$0x0], $0xffff  }
0x1a9: {  	v15 =	vbroadcast v15, $0x0;
	[tilespmem:s11+$0x10] =	vst v29;
	v27 =	vld.idx.msk [tilespmem:v17+s18+$0x0], $0xffff  }
0x1aa: {  	v16 =	vor.u32 v4, v11;
	v29 =	vor.u32 v2, v12;
	[tilespmem:s10+$0x20] =	vst v25;
	v25 =	vld.idx.msk [tilespmem:v20+s18+$0x0], $0xffff  }
0x1ab: {  	v30 =	vor.u32 v0, v15;
	v20 =	vor.u32 v6, v8;
	v26 =	vld.idx.msk [tilespmem:v26+s18+$0x0], $0xffff;
	[tilespmem:s26+$0x60] =	vst v22  }
0x1ac: {  	v17 =	vor.u32 v2, v14;
	v22 =	vor.u32 v7, v18;
	v24 =	vld.idx.msk [tilespmem:v28+s18+$0x0], $0xffff;
	[tilespmem:s29+$0x10] =	vst v23  }
0x1ad: {  	s7 =	simm.s32 $0xC;
	s1 =	simm.s32 $0x580;
	v18 =	vor.u32 v4, v15;
	v23 =	vld.idx.msk [tilespmem:v33+s18+$0x0], $0xffff;
	v28 =	vor.u32 v4, v9;
	[tilespmem:s6+$0x10] =	vst v31  }
.LBB2_7:
0x1ae: {  	s9 =	sadd.s32 $0x1, s7  }
0x1af: {  	v31 =	vmov s7;
	p2 =	slt.u32 s7, $0x3C;
	v29 =	vld.idx.msk [tilespmem:v29+s18+$0x0], $0xffff;
	v32 =	vor.u32 v6, v10;
	[tilespmem:s17+$0x30] =	vst v27;
	s8 =	smov.u32 s7;
	s7 =	sadd.s32 $0x4, s7  }
0x1b0: {  	v33 =	vor.u32 v3, v13;
	v27 =	vand.u32 $0x3C, v31;
	v31 =	vmov s9;
	s9 =	sadd.s32 $0x2, s8;
	v20 =	vld.idx.msk [tilespmem:v20+s18+$0x0], $0xffff;
	[tilespmem:s3+$0x60] =	vst v25  }
0x1b1: {  	v25 =	vbroadcast v27, $0x0;
	v27 =	vand.u32 $0x3D, v31;
	v31 =	vmov s9;
	[tilespmem:s10+$0x30] =	vst v26;
	v22 =	vld.idx.msk [tilespmem:v22+s18+$0x0], $0xffff  }
0x1b2: {  	v26 =	vbroadcast v27, $0x0;
	v27 =	vand.u32 $0x3E, v31;
	v31 =	vor.u32 v3, v12;
	v30 =	vld.idx.msk [tilespmem:v30+s18+$0x0], $0xffff;
	[tilespmem:s26+$0x70] =	vst v24;
	s26 =	smov.u32 s17;
	s17 =	smov.u32 s6  }
0x1b3: {  	v24 =	vor.u32 v0, v25;
	v27 =	vbroadcast v27, $0x0;
	v28 =	vld.idx.msk [tilespmem:v28+s18+$0x0], $0xffff;
	[tilespmem:s0+$0x30] =	vst v19;
	s0 =	smov.u32 s29;
	s29 =	smov.u32 s14  }
0x1b4: {  	v19 =	vor.u32 v0, v26;
	[tilespmem:s11+$0x20] =	vst v23;
	v23 =	vld.idx.msk [tilespmem:v16+s18+$0x0], $0xffff;
	v16 =	vmov v18  }
0x1b5: {  	v34 =	vor.u32 v1, v15;
	v18 =	vor.u32 v0, v27;
	v33 =	vld.idx.msk [tilespmem:v33+s18+$0x0], $0xffff;
	[tilespmem:s22+$0x50] =	vst v21  }
0x1b6: {  	s6 =	sand.u32 $0x380, s1;
	[tilespmem:s14+$0xFFFFFFE0] =	vst v29;
	v21 =	vld.idx.msk [tilespmem:v32+s18+$0x0], $0xffff  }
0x1b7: {  	v29 =	vld.idx.msk [tilespmem:v31+s18+$0x0], $0xffff;
	v31 =	vor.u32 v4, v13;
	[tilespmem:s3+$0x70] =	vst v22;
	s3 =	smov.u32 s10;
	s10 =	sor.u32 s6, s13  }
0x1b8: {  	v22 =	vld.idx.msk [tilespmem:v24+s18+$0x0], $0xffff;
	[tilespmem:s10+$0x0] =	vst v30;
	v24 =	vor.u32 v7, v10;
	v10 =	vmov v13;
	v13 =	vmov v26  }
0x1b9: {  	v26 =	vor.u32 v5, v9;
	v19 =	vld.idx.msk [tilespmem:v19+s18+$0x0], $0xffff;
	[tilespmem:s26+$0x40] =	vst v28;
	v28 =	vor.u32 v5, v11  }
0x1ba: {  	s1 =	sadd.s32 $0x200, s1;
	v30 =	vor.u32 v1, v25;
	v32 =	vld.idx.msk [tilespmem:v34+s18+$0x0], $0xffff;
	[tilespmem:s3+$0x40] =	vst v23  }
0x1bb: {  	s6 =	sadd.s32 $0xFFFFFE80, s1;
	v23 =	vor.u32 v1, v13;
	v34 =	vor.u32 v4, v12;
	v18 =	vld.idx.msk [tilespmem:v18+s18+$0x0], $0xffff;
	[tilespmem:s11+$0x30] =	vst v33  }
0x1bc: {  	s9 =	sadd.s32 $0xFFFFFF00, s1;
	s14 =	sadd.s32 $0x200, s14;
	s6 =	sand.u32 $0x1C00, s6;
	v33 =	vor.u32 v1, v27;
	v31 =	vld.idx.msk [tilespmem:v31+s18+$0x0], $0xffff;
	[tilespmem:s22+$0x60] =	vst v21  }
0x1bd: {  	s9 =	sand.u32 $0x280, s9;
	s13 =	sadd.s32 $0x1A400, s6;
	s6 =	sadd.s32 $0xFFFFFF80, s1;
	[tilespmem:s29+$0xFFFFFFF0] =	vst v29;
	v21 =	vld.idx.msk [tilespmem:v24+s18+$0x0], $0xffff  }
0x1be: {  	s9 =	sor.u32 s9, s13;
	s6 =	sand.u32 $0x300, s6;
	[tilespmem:s14+$0xFFFFFFC0] =	vst v22;
	v22 =	vld.idx.msk [tilespmem:v26+s18+$0x0], $0xffff  }
0x1bf: {  	s6 =	sor.u32 s6, s13;
	[tilespmem:s9+$0x0] =	vst v19;
	v19 =	vor.u32 v2, v15;
	v24 =	vld.idx.msk [tilespmem:v28+s18+$0x0], $0xffff  }
0x1c0: {  	v26 =	vld.idx.msk [tilespmem:v34+s18+$0x0], $0xffff;
	[tilespmem:s0+$0x20] =	vst v20;
	v20 =	vor.u32 v6, v9  }
0x1c1: {  	v29 =	vor.u32 v7, v8;
	v8 =	vmov v12;
	v12 =	vmov v25;
	v28 =	vld.idx.msk [tilespmem:v30+s18+$0x0], $0xffff;
	[tilespmem:s10+$0x10] =	vst v32  }
0x1c2: {  	v25 =	vor.u32 v5, v8;
	v32 =	vor.u32 v2, v13;
	[tilespmem:s11+$0x40] =	vst v31;
	v30 =	vld.idx.msk [tilespmem:v17+s18+$0x0], $0xffff  }
0x1c3: {  	v17 =	vor.u32 v2, v27;
	v23 =	vld.idx.msk [tilespmem:v23+s18+$0x0], $0xffff;
	[tilespmem:s22+$0x70] =	vst v21;
	s22 =	smov.u32 s11;
	s11 =	smov.u32 s9  }
0x1c4: {  	v34 =	vor.u32 v6, v11;
	v21 =	vor.u32 v3, v14;
	v31 =	vld.idx.msk [tilespmem:v19+s18+$0x0], $0xffff;
	[tilespmem:s26+$0x50] =	vst v22  }
0x1c5: {  	v35 =	vld.idx.msk [tilespmem:v20+s18+$0x0], $0xffff;
	[tilespmem:s3+$0x50] =	vst v24  }
0x1c6: {  	v24 =	vor.u32 v3, v15;
	[tilespmem:s29+$0x0] =	vst v26;
	v19 =	vld.idx.msk [tilespmem:v29+s18+$0x0], $0xffff  }
0x1c7: {  	[tilespmem:s6+$0x0] =	vst v18;
	v36 =	vld.idx.msk [tilespmem:v25+s18+$0x0], $0xffff;
	v18 =	vor.u32 v7, v9;
	v9 =	vmov v14;
	v14 =	vmov v27  }
0x1c8: {  	s8 =	sadd.s32 $0x3, s8;
	v37 =	vor.u32 v5, v10;
	v33 =	vld.idx.msk [tilespmem:v33+s18+$0x0], $0xffff;
	[tilespmem:s17+$0x20] =	vst v30  }
0x1c9: {  	v22 =	vor.u32 v7, v11;
	v11 =	vmov v15;
	v20 =	vmov s8;
	[tilespmem:s11+$0x10] =	vst v23;
	v27 =	vld.idx.msk [tilespmem:v21+s18+$0x0], $0xffff  }
.Ltmp2:
0x1ca: {  	v29 =	vor.u32 v2, v12;
	v15 =	vand.u32 $0x3F, v20;
	[tilespmem:s10+$0x20] =	vst v31;
	v25 =	vld.idx.msk [tilespmem:v34+s18+$0x0], $0xffff;
	(pc) =	sbr.rel @p2 .LBB2_7-.Ltmp2, $4  }
0x1cb: {  	v20 =	vor.u32 v6, v8;
	v15 =	vbroadcast v15, $0x0;
	v26 =	vld.idx.msk [tilespmem:v24+s18+$0x0], $0xffff;
	[tilespmem:s26+$0x60] =	vst v35  }
0x1cc: {  	[tilespmem:s14+$0xFFFFFFD0] =	vst v28;
	v24 =	vld.idx.msk [tilespmem:v18+s18+$0x0], $0xffff  }
0x1cd: {  	v30 =	vor.u32 v0, v15;
	v18 =	vor.u32 v4, v15;
	[tilespmem:s29+$0x10] =	vst v36;
	v21 =	vld.idx.msk [tilespmem:v37+s18+$0x0], $0xffff  }
0x1ce: {  	v28 =	vor.u32 v4, v9;
	v23 =	vld.idx.msk [tilespmem:v32+s18+$0x0], $0xffff;
	[tilespmem:s6+$0x10] =	vst v33  }
0x1cf: {  	_ =	sdelay $0x3  }
0x1d0: {  	v30 =	vld.idx.msk [tilespmem:v30+s18+$0x0], $0xffff  }
0x1d1: {  	v31 =	vor.u32 v1, v15;
	_ =	sdelay $0x1  }
0x1d2: {  	[tilespmem:s17+$0x30] =	vst v27;
	s1 =	sand.u32 $0x380, s1  }
0x1d3: {  	[tilespmem:s3+$0x60] =	vst v25;
	s1 =	sor.u32 s1, s13  }
0x1d4: {  	[tilespmem:s1+$0x0] =	vst v30  }
0x1d5: {  	[tilespmem:s10+$0x30] =	vst v26;
	v25 =	vld.idx.msk [tilespmem:v31+s18+$0x0], $0xffff  }
0x1d6: {  	v26 =	vld.idx.msk [tilespmem:v29+s18+$0x0], $0xffff;
	[tilespmem:s26+$0x70] =	vst v24;
	v24 =	vor.u32 v2, v15  }
0x1d7: {  	[tilespmem:s0+$0x30] =	vst v19;
	v19 =	vor.u32 v6, v10;
	v22 =	vld.idx.msk [tilespmem:v22+s18+$0x0], $0xffff  }
0x1d8: {  	v17 =	vld.idx.msk [tilespmem:v17+s18+$0x0], $0xffff;
	[tilespmem:s11+$0x20] =	vst v23;
	v23 =	vor.u32 v3, v12  }
0x1d9: {  	v27 =	vor.u32 v3, v13;
	v28 =	vld.idx.msk [tilespmem:v28+s18+$0x0], $0xffff;
	[tilespmem:s22+$0x50] =	vst v21  }
0x1da: {  	v16 =	vld.idx.msk [tilespmem:v16+s18+$0x0], $0xffff;
	v21 =	vor.u32 v3, v14;
	[tilespmem:s1+$0x10] =	vst v25  }
0x1db: {  	[tilespmem:s14+$0xFFFFFFE0] =	vst v26;
	v24 =	vld.idx.msk [tilespmem:v24+s18+$0x0], $0xffff  }
0x1dc: {  	v19 =	vld.idx.msk [tilespmem:v19+s18+$0x0], $0xffff;
	[tilespmem:s3+$0x70] =	vst v22;
	v22 =	vor.u32 v3, v15  }
0x1dd: {  	v10 =	vor.u32 v7, v10;
	[tilespmem:s6+$0x20] =	vst v17;
	v23 =	vld.idx.msk [tilespmem:v23+s18+$0x0], $0xffff  }
0x1de: {  	[tilespmem:s17+$0x40] =	vst v28;
	v25 =	vld.idx.msk [tilespmem:v27+s18+$0x0], $0xffff;
	v27 =	vor.u32 v5, v9  }
0x1df: {  	v26 =	vor.u32 v4, v13;
	[tilespmem:s10+$0x40] =	vst v16;
	v16 =	vld.idx.msk [tilespmem:v21+s18+$0x0], $0xffff  }
0x1e0: {  	v17 =	vld.idx.msk [tilespmem:v20+s18+$0x0], $0xffff;
	v20 =	vor.u32 v4, v14;
	[tilespmem:s1+$0x20] =	vst v24  }
0x1e1: {  	v21 =	vor.u32 v4, v12;
	[tilespmem:s22+$0x60] =	vst v19;
	v22 =	vld.idx.msk [tilespmem:v22+s18+$0x0], $0xffff  }
0x1e2: {  	v10 =	vld.idx.msk [tilespmem:v10+s18+$0x0], $0xffff;
	[tilespmem:s14+$0xFFFFFFF0] =	vst v23  }
0x1e3: {  	v19 =	vor.u32 v5, v11;
	[tilespmem:s11+$0x30] =	vst v25;
	v23 =	vld.idx.msk [tilespmem:v27+s18+$0x0], $0xffff  }
0x1e4: {  	[tilespmem:s6+$0x30] =	vst v16;
	v25 =	vor.u32 v6, v9;
	v24 =	vld.idx.msk [tilespmem:v26+s18+$0x0], $0xffff  }
0x1e5: {  	[tilespmem:s29+$0x20] =	vst v17;
	v16 =	vor.u32 v5, v13;
	v17 =	vld.idx.msk [tilespmem:v20+s18+$0x0], $0xffff  }
0x1e6: {  	v20 =	vld.idx.msk [tilespmem:v21+s18+$0x0], $0xffff;
	v21 =	vor.u32 v5, v14;
	[tilespmem:s1+$0x30] =	vst v22  }
0x1e7: {  	[tilespmem:s22+$0x70] =	vst v10;
	v22 =	vor.u32 v5, v12;
	v18 =	vld.idx.msk [tilespmem:v18+s18+$0x0], $0xffff  }
0x1e8: {  	v19 =	vld.idx.msk [tilespmem:v19+s18+$0x0], $0xffff;
	[tilespmem:s17+$0x50] =	vst v23;
	v23 =	vor.u32 v5, v15  }
0x1e9: {  	v10 =	vor.u32 v6, v11;
	[tilespmem:s11+$0x40] =	vst v24;
	v24 =	vld.idx.msk [tilespmem:v25+s18+$0x0], $0xffff  }
0x1ea: {  	v9 =	vor.u32 v7, v9;
	[tilespmem:s6+$0x40] =	vst v17;
	v16 =	vld.idx.msk [tilespmem:v16+s18+$0x0], $0xffff  }
0x1eb: {  	v17 =	vor.u32 v6, v13;
	[tilespmem:s14+$0x0] =	vst v20;
	v20 =	vld.idx.msk [tilespmem:v21+s18+$0x0], $0xffff  }
0x1ec: {  	v21 =	vld.idx.msk [tilespmem:v22+s18+$0x0], $0xffff;
	[tilespmem:s1+$0x40] =	vst v18;
	v18 =	vor.u32 v6, v14  }
0x1ed: {  	[tilespmem:s10+$0x50] =	vst v19;
	v19 =	vor.u32 v6, v12;
	v22 =	vld.idx.msk [tilespmem:v23+s18+$0x0], $0xffff  }
0x1ee: {  	v10 =	vld.idx.msk [tilespmem:v10+s18+$0x0], $0xffff;
	[tilespmem:s17+$0x60] =	vst v24;
	v23 =	vor.u32 v6, v15  }
0x1ef: {  	v8 =	vor.u32 v7, v8;
	v9 =	vld.idx.msk [tilespmem:v9+s18+$0x0], $0xffff;
	[tilespmem:s11+$0x50] =	vst v16  }
0x1f0: {  	v11 =	vor.u32 v7, v11;
	[tilespmem:s6+$0x50] =	vst v20;
	v16 =	vld.idx.msk [tilespmem:v17+s18+$0x0], $0xffff  }
0x1f1: {  	v13 =	vor.u32 v7, v13;
	[tilespmem:s14+$0x10] =	vst v21;
	v17 =	vld.idx.msk [tilespmem:v18+s18+$0x0], $0xffff  }
0x1f2: {  	v14 =	vor.u32 v7, v14;
	v18 =	vld.idx.msk [tilespmem:v19+s18+$0x0], $0xffff;
	[tilespmem:s1+$0x50] =	vst v22  }
0x1f3: {  	[tilespmem:s10+$0x60] =	vst v10;
	v10 =	vor.u32 v7, v12;
	v12 =	vld.idx.msk [tilespmem:v23+s18+$0x0], $0xffff  }
0x1f4: {  	v8 =	vld.idx.msk [tilespmem:v8+s18+$0x0], $0xffff;
	[tilespmem:s17+$0x70] =	vst v9;
	v9 =	vor.u32 v7, v15  }
0x1f5: {  	v11 =	vld.idx.msk [tilespmem:v11+s18+$0x0], $0xffff;
	[tilespmem:s11+$0x60] =	vst v16  }
0x1f6: {  	v13 =	vld.idx.msk [tilespmem:v13+s18+$0x0], $0xffff;
	[tilespmem:s6+$0x60] =	vst v17  }
0x1f7: {  	[tilespmem:s14+$0x20] =	vst v18;
	v14 =	vld.idx.msk [tilespmem:v14+s18+$0x0], $0xffff  }
0x1f8: {  	v10 =	vld.idx.msk [tilespmem:v10+s18+$0x0], $0xffff;
	[tilespmem:s1+$0x60] =	vst v12  }
0x1f9: {  	[tilespmem:s29+$0x30] =	vst v8;
	v8 =	vld.idx.msk [tilespmem:v9+s18+$0x0], $0xffff  }
0x1fa: {  	[tilespmem:s10+$0x70] =	vst v11  }
0x1fb: {  	[tilespmem:s11+$0x70] =	vst v13  }
0x1fc: {  	[tilespmem:s6+$0x70] =	vst v14  }
0x1fd: {  	[tilespmem:s14+$0x30] =	vst v10  }
0x1fe: {  	s0 =	sadd.s32 @!p0 $0x500, s19;
	s3 =	simm.s32 @!p0 $0xA400;
	[tilespmem:s1+$0x70] =	vst v8;
	s1 =	simm.s32 @!p0 $0x80  }
0x1ff: {  	[tilespmem:s3], [sflag:$0x3] =	stream.indirect.gather @!p0 [hbm4b:s4+s1], $0x40, s0, s1, $0xb8;
	[tilespmem:$0x1E400] =	vst v63  }
0x200: {  	s1 =	rddreg [dreg:$0x5]  }
0x201: {  	s3 =	simm.s32 $0x0;
	s0 =	sor.u32 s1, s24  }
0x202: {  	s6 =	simm.s32 $0x1;
	v8 =	vmov s3;
	s0 =	sshrl.u32 s0, $0x3  }
0x203: {  	s7 =	simm.s32 $0x1A400;
	s8 =	simm.s32 $0x4;
	v9 =	vmov s6;
	v8 =	vand.u32 $0x3C, v8;
	s0 =	sadd.s32 s2, s0  }
0x204: {  	v15 =	vbroadcast v8, $0x0;
	v8 =	vand.u32 $0x3D, v9;
	[hbm4b:s0+s30] =	stream.strided.scatter [tilespmem:s7], [sflag:$0xB], $0x2000, s31, s30, $0x38;
	[tilespmem:$0x1E400] =	vst v63  }
0x205: {  	v17 =	vbroadcast v8, $0x0;
	_ =	swait.ge [sflag:s8], $0x2000  }
0x206: {  	v8 =	vor.u32 v0, v15;
	[sflag:s8] =	ssyncset.done $0x0  }
0x207: {  	s0 =	simm.s32 @!p1 $0xC;
	v9 =	vor.u32 v0, v17;
	[sflag:s8] =	ssyncadd.s32 $0xFFFFE000  }
0x208: {  	_ =	swait.ge @!p1 [sflag:s0], $0x2000  }
0x209: {  	[sflag:s0] =	ssyncset.done @!p1 $0x0  }
0x20a: {  	[sflag:s0] =	ssyncadd.s32 @!p1 $0xFFFFE000  }
0x20b: {  	v8 =	vld.idx.msk [tilespmem:v8+s20+$0x0], $0xffff  }
0x20c: {  	s9 =	simm.s32 $0x2;
	v10 =	vor.u32 v1, v15;
	v9 =	vld.idx.msk [tilespmem:v9+s20+$0x0], $0xffff  }
0x20d: {  	v11 =	vmov s9;
	s10 =	simm.s32 $0x0;
	v12 =	vor.u32 v1, v17  }
0x20e: {  	s13 =	simm.s32 $0x80;
	v11 =	vand.u32 $0x3E, v11;
	s11 =	sand.u32 $0x1C00, s10  }
0x20f: {  	v16 =	vbroadcast v11, $0x0;
	s3 =	sand.u32 $0x280, s13;
	s1 =	sadd.s32 $0x1C400, s11;
	s0 =	simm.s32 $0x1C440  }
0x210: {  	s14 =	simm.s32 $0x3;
	s6 =	sor.u32 s3, s1;
	[tilespmem:s0+$0xFFFFFFC0] =	vst v8  }
0x211: {  	v8 =	vor.u32 v0, v16;
	[tilespmem:s6+$0x0] =	vst v9;
	v9 =	vld.idx.msk [tilespmem:v10+s20+$0x0], $0xffff;
	v10 =	vmov s14  }
0x212: {  	v11 =	vld.idx.msk [tilespmem:v12+s20+$0x0], $0xffff;
	v12 =	vor.u32 v2, v15;
	v10 =	vand.u32 $0x3F, v10  }
0x213: {  	v13 =	vor.u32 v2, v17;
	v18 =	vbroadcast v10, $0x0;
	_ =	sdelay $0x1  }
0x214: {  	s17 =	simm.s32 $0x4;
	v14 =	vor.u32 v0, v18  }
0x215: {  	v19 =	vld.idx.msk [tilespmem:v8+s20+$0x0], $0xffff;
	v8 =	vmov s17;
	[tilespmem:s0+$0xFFFFFFD0] =	vst v9  }
0x216: {  	s22 =	simm.s32 $0x5;
	v20 =	vor.u32 v1, v16;
	[tilespmem:s6+$0x10] =	vst v11;
	v8 =	vand.u32 $0x3C, v8;
	v11 =	vld.idx.msk [tilespmem:v12+s20+$0x0], $0xffff  }
0x217: {  	s26 =	simm.s32 $0x6;
	s7 =	simm.s32 $0x100;
	v9 =	vmov s22;
	v12 =	vld.idx.msk [tilespmem:v13+s20+$0x0], $0xffff;
	v8 =	vbroadcast v8, $0x0;
	v13 =	vor.u32 v3, v15  }
0x218: {  	v22 =	vmov s26;
	s7 =	sand.u32 $0x300, s7;
	v21 =	vor.u32 v3, v17;
	v9 =	vand.u32 $0x3D, v9  }
0x219: {  	s26 =	sor.u32 s7, s1;
	v10 =	vbroadcast v9, $0x0;
	v9 =	vand.u32 $0x3E, v22;
	v22 =	vor.u32 v0, v8;
	v14 =	vld.idx.msk [tilespmem:v14+s20+$0x0], $0xffff  }
0x21a: {  	v9 =	vbroadcast v9, $0x0;
	[tilespmem:s26+$0x0] =	vst v19;
	v19 =	vor.u32 v1, v18  }
0x21b: {  	s8 =	simm.s32 $0x180;
	v23 =	vor.u32 v0, v10;
	v20 =	vld.idx.msk [tilespmem:v20+s20+$0x0], $0xffff;
	[tilespmem:s0+$0xFFFFFFE0] =	vst v11  }
0x21c: {  	s3 =	sand.u32 $0x380, s8;
	[tilespmem:s6+$0x20] =	vst v12;
	v11 =	vor.u32 v0, v9;
	v12 =	vld.idx.msk [tilespmem:v13+s20+$0x0], $0xffff  }
0x21d: {  	s3 =	sor.u32 s3, s1;
	v13 =	vld.idx.msk [tilespmem:v21+s20+$0x0], $0xffff;
	v21 =	vor.u32 v4, v15  }
0x21e: {  	v24 =	vor.u32 v4, v17;
	v22 =	vld.idx.msk [tilespmem:v22+s20+$0x0], $0xffff;
	[tilespmem:s3+$0x0] =	vst v14  }
0x21f: {  	v14 =	vor.u32 v2, v16;
	v19 =	vld.idx.msk [tilespmem:v19+s20+$0x0], $0xffff  }
0x220: {  	v25 =	vor.u32 v2, v18;
	v23 =	vld.idx.msk [tilespmem:v23+s20+$0x0], $0xffff;
	[tilespmem:s26+$0x10] =	vst v20  }
0x221: {  	s9 =	simm.s32 $0x200;
	v26 =	vor.u32 v1, v8;
	v11 =	vld.idx.msk [tilespmem:v11+s20+$0x0], $0xffff;
	[tilespmem:s0+$0xFFFFFFF0] =	vst v12  }
0x222: {  	s29 =	simm.s32 $0x1C640;
	s10 =	simm.s32 $0x280;
	s1 =	sand.u32 $0x1C00, s9;
	v12 =	vor.u32 v1, v10;
	[tilespmem:s6+$0x30] =	vst v13;
	v13 =	vld.idx.msk [tilespmem:v21+s20+$0x0], $0xffff  }
0x223: {  	s7 =	sand.u32 $0x280, s10;
	s8 =	simm.s32 $0x300;
	s1 =	sadd.s32 $0x1C400, s1;
	v20 =	vld.idx.msk [tilespmem:v24+s20+$0x0], $0xffff;
	v24 =	vor.u32 v1, v9;
	[tilespmem:s29+$0xFFFFFFC0] =	vst v22  }
0x224: {  	s11 =	sand.u32 $0x300, s8;
	s22 =	sor.u32 s7, s1;
	v21 =	vor.u32 v5, v15;
	v14 =	vld.idx.msk [tilespmem:v14+s20+$0x0], $0xffff;
	[tilespmem:s3+$0x10] =	vst v19  }
0x225: {  	s17 =	sor.u32 s11, s1;
	[tilespmem:s22+$0x0] =	vst v23;
	v19 =	vor.u32 v3, v16;
	v22 =	vld.idx.msk [tilespmem:v25+s20+$0x0], $0xffff  }
0x226: {  	v23 =	vld.idx.msk [tilespmem:v26+s20+$0x0], $0xffff;
	v25 =	vor.u32 v3, v18;
	[tilespmem:s17+$0x0] =	vst v11  }
0x227: {  	s13 =	simm.s32 $0x7;
	v12 =	vld.idx.msk [tilespmem:v12+s20+$0x0], $0xffff;
	[tilespmem:s0+$0x0] =	vst v13;
	v13 =	vor.u32 v5, v17  }
0x228: {  	v27 =	vor.u32 v2, v10;
	v26 =	vmov s13;
	v24 =	vld.idx.msk [tilespmem:v24+s20+$0x0], $0xffff  }
0x229: {  	v11 =	vand.u32 $0x3F, v26;
	v21 =	vld.idx.msk [tilespmem:v21+s20+$0x0], $0xffff;
	[tilespmem:s26+$0x20] =	vst v14;
	v14 =	vor.u32 v2, v8  }
0x22a: {  	v11 =	vbroadcast v11, $0x0;
	v19 =	vld.idx.msk [tilespmem:v19+s20+$0x0], $0xffff;
	[tilespmem:s3+$0x20] =	vst v22;
	v22 =	vor.u32 v6, v15  }
0x22b: {  	v28 =	vor.u32 v4, v16;
	[tilespmem:s6+$0x40] =	vst v20;
	v20 =	vld.idx.msk [tilespmem:v25+s20+$0x0], $0xffff  }
0x22c: {  	s14 =	simm.s32 $0x8;
	v25 =	vor.u32 v0, v11;
	[tilespmem:s22+$0x10] =	vst v12;
	v26 =	vld.idx.msk [tilespmem:v13+s20+$0x0], $0xffff  }
0x22d: {  	s8 =	simm.s32 $0x9;
	v29 =	vor.u32 v4, v18;
	[tilespmem:s29+$0xFFFFFFD0] =	vst v23;
	v12 =	vmov s14;
	v23 =	vld.idx.msk [tilespmem:v27+s20+$0x0], $0xffff  }
0x22e: {  	v12 =	vand.u32 $0x3C, v12;
	v13 =	vmov s8;
	v27 =	vor.u32 v3, v10;
	[tilespmem:s0+$0x10] =	vst v21;
	v21 =	vld.idx.msk [tilespmem:v14+s20+$0x0], $0xffff  }
0x22f: {  	v30 =	vor.u32 v6, v17;
	s9 =	simm.s32 $0xA;
	v12 =	vbroadcast v12, $0x0;
	v13 =	vand.u32 $0x3D, v13;
	[tilespmem:s26+$0x30] =	vst v19;
	v22 =	vld.idx.msk [tilespmem:v22+s20+$0x0], $0xffff  }
0x230: {  	v14 =	vmov s9;
	v13 =	vbroadcast v13, $0x0;
	v19 =	vor.u32 v3, v8;
	v28 =	vld.idx.msk [tilespmem:v28+s20+$0x0], $0xffff  }
0x231: {  	v14 =	vand.u32 $0x3E, v14;
	v25 =	vld.idx.msk [tilespmem:v25+s20+$0x0], $0xffff;
	[tilespmem:s3+$0x30] =	vst v20;
	v20 =	vor.u32 v0, v12  }
0x232: {  	v14 =	vbroadcast v14, $0x0;
	v31 =	vor.u32 v0, v13;
	[tilespmem:s22+$0x20] =	vst v23;
	v23 =	vld.idx.msk [tilespmem:v29+s20+$0x0], $0xffff  }
0x233: {  	v29 =	vor.u32 v1, v11;
	[tilespmem:s6+$0x50] =	vst v26;
	v27 =	vld.idx.msk [tilespmem:v27+s20+$0x0], $0xffff  }
0x234: {  	s10 =	simm.s32 $0x380;
	v26 =	vor.u32 v0, v14;
	[tilespmem:s29+$0xFFFFFFE0] =	vst v21;
	v21 =	vld.idx.msk [tilespmem:v30+s20+$0x0], $0xffff  }
0x235: {  	s7 =	sand.u32 $0x380, s10;
	[tilespmem:s17+$0x10] =	vst v24;
	v24 =	vor.u32 v4, v10;
	v19 =	vld.idx.msk [tilespmem:v19+s20+$0x0], $0xffff  }
0x236: {  	s10 =	sor.u32 s7, s1;
	v17 =	vor.u32 v7, v17;
	[tilespmem:s26+$0x40] =	vst v28;
	v20 =	vld.idx.msk [tilespmem:v20+s20+$0x0], $0xffff  }
0x237: {  	v28 =	vor.u32 v5, v16;
	[tilespmem:s10+$0x0] =	vst v25;
	v25 =	vld.idx.msk [tilespmem:v31+s20+$0x0], $0xffff  }
0x238: {  	v30 =	vor.u32 v5, v18;
	v29 =	vld.idx.msk [tilespmem:v29+s20+$0x0], $0xffff;
	[tilespmem:s3+$0x40] =	vst v23  }
0x239: {  	v23 =	vld.idx.msk [tilespmem:v26+s20+$0x0], $0xffff;
	v26 =	vor.u32 v4, v8;
	[tilespmem:s22+$0x30] =	vst v27  }
0x23a: {  	s11 =	simm.s32 $0x400;
	v27 =	vor.u32 v1, v12;
	[tilespmem:s6+$0x60] =	vst v21;
	v24 =	vld.idx.msk [tilespmem:v24+s20+$0x0], $0xffff  }
0x23b: {  	s1 =	sand.u32 $0x1C00, s11;
	s13 =	simm.s32 $0x480;
	s14 =	simm.s32 $0x1C840;
	v21 =	vor.u32 v2, v9;
	[tilespmem:s29+$0xFFFFFFF0] =	vst v19;
	v17 =	vld.idx.msk [tilespmem:v17+s20+$0x0], $0xffff  }
0x23c: {  	s7 =	sand.u32 $0x280, s13;
	s13 =	sadd.s32 $0x1C400, s1;
	v19 =	vor.u32 v1, v13;
	[tilespmem:s14+$0xFFFFFFC0] =	vst v20;
	v20 =	vld.idx.msk [tilespmem:v28+s20+$0x0], $0xffff  }
0x23d: {  	s11 =	sor.u32 s7, s13;
	v15 =	vor.u32 v7, v15;
	[tilespmem:s0+$0x20] =	vst v22;
	v28 =	vld.idx.msk [tilespmem:v30+s20+$0x0], $0xffff  }
0x23e: {  	[tilespmem:s11+$0x0] =	vst v25;
	v25 =	vor.u32 v2, v11;
	v26 =	vld.idx.msk [tilespmem:v26+s20+$0x0], $0xffff  }
0x23f: {  	s8 =	simm.s32 $0x500;
	v22 =	vor.u32 v6, v16;
	[tilespmem:s10+$0x10] =	vst v29;
	v30 =	vld.idx.msk [tilespmem:v27+s20+$0x0], $0xffff  }
0x240: {  	s1 =	sand.u32 $0x300, s8;
	v27 =	vor.u32 v5, v8;
	v21 =	vld.idx.msk [tilespmem:v21+s20+$0x0], $0xffff;
	[tilespmem:s22+$0x40] =	vst v24  }
0x241: {  	v32 =	vor.u32 v5, v10;
	v29 =	vld.idx.msk [tilespmem:v19+s20+$0x0], $0xffff;
	[tilespmem:s6+$0x70] =	vst v17;
	s6 =	sor.u32 s1, s13  }
0x242: {  	v24 =	vor.u32 v1, v14;
	v19 =	vld.idx.msk [tilespmem:v15+s20+$0x0], $0xffff;
	[tilespmem:s6+$0x0] =	vst v23  }
0x243: {  	v17 =	vor.u32 v3, v9;
	v25 =	vld.idx.msk [tilespmem:v25+s20+$0x0], $0xffff;
	[tilespmem:s26+$0x50] =	vst v20  }
0x244: {  	v20 =	vor.u32 v6, v18;
	v22 =	vld.idx.msk [tilespmem:v22+s20+$0x0], $0xffff;
	[tilespmem:s29+$0x0] =	vst v26  }
0x245: {  	s9 =	simm.s32 $0xB;
	[tilespmem:s3+$0x50] =	vst v28;
	v26 =	vor.u32 v3, v11;
	v23 =	vld.idx.msk [tilespmem:v27+s20+$0x0], $0xffff  }
0x246: {  	v15 =	vmov s9;
	v28 =	vor.u32 v7, v16;
	[tilespmem:s17+$0x20] =	vst v21;
	v21 =	vld.idx.msk [tilespmem:v32+s20+$0x0], $0xffff  }
0x247: {  	v33 =	vor.u32 v2, v13;
	v15 =	vand.u32 $0x3F, v15;
	[tilespmem:s14+$0xFFFFFFD0] =	vst v30;
	v31 =	vld.idx.msk [tilespmem:v24+s20+$0x0], $0xffff  }
0x248: {  	v15 =	vbroadcast v15, $0x0;
	[tilespmem:s11+$0x10] =	vst v29;
	v27 =	vld.idx.msk [tilespmem:v17+s20+$0x0], $0xffff  }
0x249: {  	v16 =	vor.u32 v4, v11;
	v29 =	vor.u32 v2, v12;
	[tilespmem:s10+$0x20] =	vst v25;
	v25 =	vld.idx.msk [tilespmem:v20+s20+$0x0], $0xffff  }
0x24a: {  	v30 =	vor.u32 v0, v15;
	v20 =	vor.u32 v6, v8;
	v26 =	vld.idx.msk [tilespmem:v26+s20+$0x0], $0xffff;
	[tilespmem:s26+$0x60] =	vst v22  }
0x24b: {  	v17 =	vor.u32 v2, v14;
	v22 =	vor.u32 v7, v18;
	v24 =	vld.idx.msk [tilespmem:v28+s20+$0x0], $0xffff;
	[tilespmem:s29+$0x10] =	vst v23  }
0x24c: {  	s7 =	simm.s32 $0xC;
	s1 =	simm.s32 $0x580;
	v18 =	vor.u32 v4, v15;
	v23 =	vld.idx.msk [tilespmem:v33+s20+$0x0], $0xffff;
	v28 =	vor.u32 v4, v9;
	[tilespmem:s6+$0x10] =	vst v31  }
.LBB2_9:
0x24d: {  	s9 =	sadd.s32 $0x1, s7  }
0x24e: {  	v31 =	vmov s7;
	p1 =	slt.u32 s7, $0x3C;
	v29 =	vld.idx.msk [tilespmem:v29+s20+$0x0], $0xffff;
	v32 =	vor.u32 v6, v10;
	[tilespmem:s17+$0x30] =	vst v27;
	s8 =	smov.u32 s7;
	s7 =	sadd.s32 $0x4, s7  }
0x24f: {  	v33 =	vor.u32 v3, v13;
	v27 =	vand.u32 $0x3C, v31;
	v31 =	vmov s9;
	s9 =	sadd.s32 $0x2, s8;
	v20 =	vld.idx.msk [tilespmem:v20+s20+$0x0], $0xffff;
	[tilespmem:s3+$0x60] =	vst v25  }
0x250: {  	v25 =	vbroadcast v27, $0x0;
	v27 =	vand.u32 $0x3D, v31;
	v31 =	vmov s9;
	[tilespmem:s10+$0x30] =	vst v26;
	v22 =	vld.idx.msk [tilespmem:v22+s20+$0x0], $0xffff  }
0x251: {  	v26 =	vbroadcast v27, $0x0;
	v27 =	vand.u32 $0x3E, v31;
	v31 =	vor.u32 v3, v12;
	v30 =	vld.idx.msk [tilespmem:v30+s20+$0x0], $0xffff;
	[tilespmem:s26+$0x70] =	vst v24;
	s26 =	smov.u32 s17;
	s17 =	smov.u32 s6  }
0x252: {  	v24 =	vor.u32 v0, v25;
	v27 =	vbroadcast v27, $0x0;
	v28 =	vld.idx.msk [tilespmem:v28+s20+$0x0], $0xffff;
	[tilespmem:s0+$0x30] =	vst v19;
	s0 =	smov.u32 s29;
	s29 =	smov.u32 s14  }
0x253: {  	v19 =	vor.u32 v0, v26;
	[tilespmem:s11+$0x20] =	vst v23;
	v23 =	vld.idx.msk [tilespmem:v16+s20+$0x0], $0xffff;
	v16 =	vmov v18  }
0x254: {  	v34 =	vor.u32 v1, v15;
	v18 =	vor.u32 v0, v27;
	v33 =	vld.idx.msk [tilespmem:v33+s20+$0x0], $0xffff;
	[tilespmem:s22+$0x50] =	vst v21  }
0x255: {  	s6 =	sand.u32 $0x380, s1;
	[tilespmem:s14+$0xFFFFFFE0] =	vst v29;
	v21 =	vld.idx.msk [tilespmem:v32+s20+$0x0], $0xffff  }
0x256: {  	v29 =	vld.idx.msk [tilespmem:v31+s20+$0x0], $0xffff;
	v31 =	vor.u32 v4, v13;
	[tilespmem:s3+$0x70] =	vst v22;
	s3 =	smov.u32 s10;
	s10 =	sor.u32 s6, s13  }
0x257: {  	v22 =	vld.idx.msk [tilespmem:v24+s20+$0x0], $0xffff;
	[tilespmem:s10+$0x0] =	vst v30;
	v24 =	vor.u32 v7, v10;
	v10 =	vmov v13;
	v13 =	vmov v26  }
0x258: {  	v26 =	vor.u32 v5, v9;
	v19 =	vld.idx.msk [tilespmem:v19+s20+$0x0], $0xffff;
	[tilespmem:s26+$0x40] =	vst v28;
	v28 =	vor.u32 v5, v11  }
0x259: {  	s1 =	sadd.s32 $0x200, s1;
	v30 =	vor.u32 v1, v25;
	v32 =	vld.idx.msk [tilespmem:v34+s20+$0x0], $0xffff;
	[tilespmem:s3+$0x40] =	vst v23  }
0x25a: {  	s6 =	sadd.s32 $0xFFFFFE80, s1;
	v23 =	vor.u32 v1, v13;
	v34 =	vor.u32 v4, v12;
	v18 =	vld.idx.msk [tilespmem:v18+s20+$0x0], $0xffff;
	[tilespmem:s11+$0x30] =	vst v33  }
0x25b: {  	s9 =	sadd.s32 $0xFFFFFF00, s1;
	s14 =	sadd.s32 $0x200, s14;
	s6 =	sand.u32 $0x1C00, s6;
	v33 =	vor.u32 v1, v27;
	v31 =	vld.idx.msk [tilespmem:v31+s20+$0x0], $0xffff;
	[tilespmem:s22+$0x60] =	vst v21  }
0x25c: {  	s9 =	sand.u32 $0x280, s9;
	s13 =	sadd.s32 $0x1C400, s6;
	s6 =	sadd.s32 $0xFFFFFF80, s1;
	[tilespmem:s29+$0xFFFFFFF0] =	vst v29;
	v21 =	vld.idx.msk [tilespmem:v24+s20+$0x0], $0xffff  }
0x25d: {  	s9 =	sor.u32 s9, s13;
	s6 =	sand.u32 $0x300, s6;
	[tilespmem:s14+$0xFFFFFFC0] =	vst v22;
	v22 =	vld.idx.msk [tilespmem:v26+s20+$0x0], $0xffff  }
0x25e: {  	s6 =	sor.u32 s6, s13;
	[tilespmem:s9+$0x0] =	vst v19;
	v19 =	vor.u32 v2, v15;
	v24 =	vld.idx.msk [tilespmem:v28+s20+$0x0], $0xffff  }
0x25f: {  	v26 =	vld.idx.msk [tilespmem:v34+s20+$0x0], $0xffff;
	[tilespmem:s0+$0x20] =	vst v20;
	v20 =	vor.u32 v6, v9  }
0x260: {  	v29 =	vor.u32 v7, v8;
	v8 =	vmov v12;
	v12 =	vmov v25;
	v28 =	vld.idx.msk [tilespmem:v30+s20+$0x0], $0xffff;
	[tilespmem:s10+$0x10] =	vst v32  }
0x261: {  	v25 =	vor.u32 v5, v8;
	v32 =	vor.u32 v2, v13;
	[tilespmem:s11+$0x40] =	vst v31;
	v30 =	vld.idx.msk [tilespmem:v17+s20+$0x0], $0xffff  }
0x262: {  	v17 =	vor.u32 v2, v27;
	v23 =	vld.idx.msk [tilespmem:v23+s20+$0x0], $0xffff;
	[tilespmem:s22+$0x70] =	vst v21;
	s22 =	smov.u32 s11;
	s11 =	smov.u32 s9  }
0x263: {  	v34 =	vor.u32 v6, v11;
	v21 =	vor.u32 v3, v14;
	v31 =	vld.idx.msk [tilespmem:v19+s20+$0x0], $0xffff;
	[tilespmem:s26+$0x50] =	vst v22  }
0x264: {  	v35 =	vld.idx.msk [tilespmem:v20+s20+$0x0], $0xffff;
	[tilespmem:s3+$0x50] =	vst v24  }
0x265: {  	v24 =	vor.u32 v3, v15;
	[tilespmem:s29+$0x0] =	vst v26;
	v19 =	vld.idx.msk [tilespmem:v29+s20+$0x0], $0xffff  }
0x266: {  	[tilespmem:s6+$0x0] =	vst v18;
	v36 =	vld.idx.msk [tilespmem:v25+s20+$0x0], $0xffff;
	v18 =	vor.u32 v7, v9;
	v9 =	vmov v14;
	v14 =	vmov v27  }
0x267: {  	s8 =	sadd.s32 $0x3, s8;
	v37 =	vor.u32 v5, v10;
	v33 =	vld.idx.msk [tilespmem:v33+s20+$0x0], $0xffff;
	[tilespmem:s17+$0x20] =	vst v30  }
0x268: {  	v22 =	vor.u32 v7, v11;
	v11 =	vmov v15;
	v20 =	vmov s8;
	[tilespmem:s11+$0x10] =	vst v23;
	v27 =	vld.idx.msk [tilespmem:v21+s20+$0x0], $0xffff  }
.Ltmp3:
0x269: {  	v29 =	vor.u32 v2, v12;
	v15 =	vand.u32 $0x3F, v20;
	[tilespmem:s10+$0x20] =	vst v31;
	v25 =	vld.idx.msk [tilespmem:v34+s20+$0x0], $0xffff;
	(pc) =	sbr.rel @p1 .LBB2_9-.Ltmp3, $4  }
0x26a: {  	v20 =	vor.u32 v6, v8;
	v15 =	vbroadcast v15, $0x0;
	v26 =	vld.idx.msk [tilespmem:v24+s20+$0x0], $0xffff;
	[tilespmem:s26+$0x60] =	vst v35  }
0x26b: {  	[tilespmem:s14+$0xFFFFFFD0] =	vst v28;
	v24 =	vld.idx.msk [tilespmem:v18+s20+$0x0], $0xffff  }
0x26c: {  	v30 =	vor.u32 v0, v15;
	v18 =	vor.u32 v4, v15;
	[tilespmem:s29+$0x10] =	vst v36;
	v21 =	vld.idx.msk [tilespmem:v37+s20+$0x0], $0xffff  }
0x26d: {  	v28 =	vor.u32 v4, v9;
	v23 =	vld.idx.msk [tilespmem:v32+s20+$0x0], $0xffff;
	[tilespmem:s6+$0x10] =	vst v33  }
0x26e: {  	_ =	sdelay $0x3  }
0x26f: {  	v30 =	vld.idx.msk [tilespmem:v30+s20+$0x0], $0xffff  }
0x270: {  	v31 =	vor.u32 v1, v15;
	_ =	sdelay $0x1  }
0x271: {  	[tilespmem:s17+$0x30] =	vst v27;
	s1 =	sand.u32 $0x380, s1  }
0x272: {  	[tilespmem:s3+$0x60] =	vst v25;
	s1 =	sor.u32 s1, s13  }
0x273: {  	[tilespmem:s1+$0x0] =	vst v30  }
0x274: {  	[tilespmem:s10+$0x30] =	vst v26;
	v25 =	vld.idx.msk [tilespmem:v31+s20+$0x0], $0xffff  }
0x275: {  	v26 =	vld.idx.msk [tilespmem:v29+s20+$0x0], $0xffff;
	[tilespmem:s26+$0x70] =	vst v24;
	v24 =	vor.u32 v2, v15  }
0x276: {  	[tilespmem:s0+$0x30] =	vst v19;
	v19 =	vor.u32 v6, v10;
	v22 =	vld.idx.msk [tilespmem:v22+s20+$0x0], $0xffff  }
0x277: {  	v17 =	vld.idx.msk [tilespmem:v17+s20+$0x0], $0xffff;
	[tilespmem:s11+$0x20] =	vst v23;
	v23 =	vor.u32 v3, v12  }
0x278: {  	v27 =	vor.u32 v3, v13;
	v28 =	vld.idx.msk [tilespmem:v28+s20+$0x0], $0xffff;
	[tilespmem:s22+$0x50] =	vst v21  }
0x279: {  	v16 =	vld.idx.msk [tilespmem:v16+s20+$0x0], $0xffff;
	v21 =	vor.u32 v3, v14;
	[tilespmem:s1+$0x10] =	vst v25  }
0x27a: {  	[tilespmem:s14+$0xFFFFFFE0] =	vst v26;
	v24 =	vld.idx.msk [tilespmem:v24+s20+$0x0], $0xffff  }
0x27b: {  	v19 =	vld.idx.msk [tilespmem:v19+s20+$0x0], $0xffff;
	[tilespmem:s3+$0x70] =	vst v22;
	v22 =	vor.u32 v3, v15  }
0x27c: {  	v10 =	vor.u32 v7, v10;
	[tilespmem:s6+$0x20] =	vst v17;
	v23 =	vld.idx.msk [tilespmem:v23+s20+$0x0], $0xffff  }
0x27d: {  	[tilespmem:s17+$0x40] =	vst v28;
	v25 =	vld.idx.msk [tilespmem:v27+s20+$0x0], $0xffff;
	v27 =	vor.u32 v5, v9  }
0x27e: {  	v26 =	vor.u32 v4, v13;
	[tilespmem:s10+$0x40] =	vst v16;
	v16 =	vld.idx.msk [tilespmem:v21+s20+$0x0], $0xffff  }
0x27f: {  	v17 =	vld.idx.msk [tilespmem:v20+s20+$0x0], $0xffff;
	v20 =	vor.u32 v4, v14;
	[tilespmem:s1+$0x20] =	vst v24  }
0x280: {  	v21 =	vor.u32 v4, v12;
	[tilespmem:s22+$0x60] =	vst v19;
	v22 =	vld.idx.msk [tilespmem:v22+s20+$0x0], $0xffff  }
0x281: {  	v10 =	vld.idx.msk [tilespmem:v10+s20+$0x0], $0xffff;
	[tilespmem:s14+$0xFFFFFFF0] =	vst v23  }
0x282: {  	v19 =	vor.u32 v5, v11;
	[tilespmem:s11+$0x30] =	vst v25;
	v23 =	vld.idx.msk [tilespmem:v27+s20+$0x0], $0xffff  }
0x283: {  	[tilespmem:s6+$0x30] =	vst v16;
	v25 =	vor.u32 v6, v9;
	v24 =	vld.idx.msk [tilespmem:v26+s20+$0x0], $0xffff  }
0x284: {  	[tilespmem:s29+$0x20] =	vst v17;
	v16 =	vor.u32 v5, v13;
	v17 =	vld.idx.msk [tilespmem:v20+s20+$0x0], $0xffff  }
0x285: {  	v20 =	vld.idx.msk [tilespmem:v21+s20+$0x0], $0xffff;
	v21 =	vor.u32 v5, v14;
	[tilespmem:s1+$0x30] =	vst v22  }
0x286: {  	[tilespmem:s22+$0x70] =	vst v10;
	v22 =	vor.u32 v5, v12;
	v18 =	vld.idx.msk [tilespmem:v18+s20+$0x0], $0xffff  }
0x287: {  	v19 =	vld.idx.msk [tilespmem:v19+s20+$0x0], $0xffff;
	[tilespmem:s17+$0x50] =	vst v23;
	v23 =	vor.u32 v5, v15  }
0x288: {  	v10 =	vor.u32 v6, v11;
	[tilespmem:s11+$0x40] =	vst v24;
	v24 =	vld.idx.msk [tilespmem:v25+s20+$0x0], $0xffff  }
0x289: {  	v9 =	vor.u32 v7, v9;
	[tilespmem:s6+$0x40] =	vst v17;
	v16 =	vld.idx.msk [tilespmem:v16+s20+$0x0], $0xffff  }
0x28a: {  	v17 =	vor.u32 v6, v13;
	[tilespmem:s14+$0x0] =	vst v20;
	v20 =	vld.idx.msk [tilespmem:v21+s20+$0x0], $0xffff  }
0x28b: {  	v21 =	vld.idx.msk [tilespmem:v22+s20+$0x0], $0xffff;
	[tilespmem:s1+$0x40] =	vst v18;
	v18 =	vor.u32 v6, v14  }
0x28c: {  	[tilespmem:s10+$0x50] =	vst v19;
	v19 =	vor.u32 v6, v12;
	v22 =	vld.idx.msk [tilespmem:v23+s20+$0x0], $0xffff  }
0x28d: {  	v10 =	vld.idx.msk [tilespmem:v10+s20+$0x0], $0xffff;
	[tilespmem:s17+$0x60] =	vst v24;
	v23 =	vor.u32 v6, v15  }
0x28e: {  	v8 =	vor.u32 v7, v8;
	v9 =	vld.idx.msk [tilespmem:v9+s20+$0x0], $0xffff;
	[tilespmem:s11+$0x50] =	vst v16  }
0x28f: {  	v11 =	vor.u32 v7, v11;
	[tilespmem:s6+$0x50] =	vst v20;
	v16 =	vld.idx.msk [tilespmem:v17+s20+$0x0], $0xffff  }
0x290: {  	v13 =	vor.u32 v7, v13;
	[tilespmem:s14+$0x10] =	vst v21;
	v17 =	vld.idx.msk [tilespmem:v18+s20+$0x0], $0xffff  }
0x291: {  	v14 =	vor.u32 v7, v14;
	v18 =	vld.idx.msk [tilespmem:v19+s20+$0x0], $0xffff;
	[tilespmem:s1+$0x50] =	vst v22  }
0x292: {  	[tilespmem:s10+$0x60] =	vst v10;
	v10 =	vor.u32 v7, v12;
	v12 =	vld.idx.msk [tilespmem:v23+s20+$0x0], $0xffff  }
0x293: {  	v8 =	vld.idx.msk [tilespmem:v8+s20+$0x0], $0xffff;
	[tilespmem:s17+$0x70] =	vst v9;
	v9 =	vor.u32 v7, v15  }
0x294: {  	v11 =	vld.idx.msk [tilespmem:v11+s20+$0x0], $0xffff;
	[tilespmem:s11+$0x60] =	vst v16  }
0x295: {  	v13 =	vld.idx.msk [tilespmem:v13+s20+$0x0], $0xffff;
	[tilespmem:s6+$0x60] =	vst v17  }
0x296: {  	[tilespmem:s14+$0x20] =	vst v18;
	v14 =	vld.idx.msk [tilespmem:v14+s20+$0x0], $0xffff  }
0x297: {  	v10 =	vld.idx.msk [tilespmem:v10+s20+$0x0], $0xffff;
	[tilespmem:s1+$0x60] =	vst v12  }
0x298: {  	[tilespmem:s29+$0x30] =	vst v8;
	v8 =	vld.idx.msk [tilespmem:v9+s20+$0x0], $0xffff  }
0x299: {  	[tilespmem:s10+$0x70] =	vst v11  }
0x29a: {  	[tilespmem:s11+$0x70] =	vst v13  }
0x29b: {  	[tilespmem:s6+$0x70] =	vst v14  }
0x29c: {  	[tilespmem:s14+$0x30] =	vst v10  }
0x29d: {  	s0 =	sadd.s32 @!p0 $0x580, s19;
	s3 =	simm.s32 @!p0 $0xC400;
	[tilespmem:s1+$0x70] =	vst v8;
	s1 =	simm.s32 @!p0 $0x80  }
0x29e: {  	[tilespmem:s3], [sflag:$0x4] =	stream.indirect.gather @!p0 [hbm4b:s4+s1], $0x40, s0, s1, $0xb8;
	[tilespmem:$0x1E400] =	vst v63  }
0x29f: {  	s22 =	rddreg [dreg:$0x6]  }
0x2a0: {  	s26 =	simm.s32 $0x0;
	s0 =	sor.u32 s22, s24  }
0x2a1: {  	v8 =	vmov s26;
	s3 =	simm.s32 $0x1;
	s0 =	sshrl.u32 s0, $0x3  }
0x2a2: {  	s7 =	simm.s32 $0x5;
	s6 =	simm.s32 $0x1C400;
	v8 =	vand.u32 $0x3C, v8;
	v9 =	vmov s3;
	s0 =	sadd.s32 s2, s0  }
0x2a3: {  	v15 =	vbroadcast v8, $0x0;
	v8 =	vand.u32 $0x3D, v9;
	[hbm4b:s0+s30] =	stream.strided.scatter [tilespmem:s6], [sflag:$0xC], $0x2000, s31, s30, $0x38;
	[tilespmem:$0x1E400] =	vst v63  }
0x2a4: {  	v17 =	vbroadcast v8, $0x0;
	_ =	swait.ge [sflag:s7], $0x2000  }
0x2a5: {  	v8 =	vor.u32 v0, v15;
	[sflag:s7] =	ssyncset.done $0x0  }
0x2a6: {  	s8 =	simm.s32 $0x9;
	v9 =	vor.u32 v0, v17;
	[sflag:s7] =	ssyncadd.s32 $0xFFFFE000  }
0x2a7: {  	_ =	swait.ge [sflag:s8], $0x2000  }
0x2a8: {  	[sflag:s8] =	ssyncset.done $0x0  }
0x2a9: {  	[sflag:s8] =	ssyncadd.s32 $0xFFFFE000  }
0x2aa: {  	v8 =	vld.idx.msk [tilespmem:v8+s21+$0x0], $0xffff  }
0x2ab: {  	s9 =	simm.s32 $0x2;
	v10 =	vor.u32 v1, v15;
	v9 =	vld.idx.msk [tilespmem:v9+s21+$0x0], $0xffff  }
0x2ac: {  	v11 =	vmov s9;
	s10 =	simm.s32 $0x0;
	v12 =	vor.u32 v1, v17  }
0x2ad: {  	s13 =	simm.s32 $0x80;
	v11 =	vand.u32 $0x3E, v11;
	s11 =	sand.u32 $0x1C00, s10  }
0x2ae: {  	v16 =	vbroadcast v11, $0x0;
	s1 =	sadd.s32 $0x16400, s11;
	s3 =	sand.u32 $0x280, s13;
	s0 =	simm.s32 $0x16440  }
0x2af: {  	s14 =	simm.s32 $0x3;
	s6 =	sor.u32 s3, s1;
	[tilespmem:s0+$0xFFFFFFC0] =	vst v8  }
0x2b0: {  	v8 =	vor.u32 v0, v16;
	[tilespmem:s6+$0x0] =	vst v9;
	v9 =	vld.idx.msk [tilespmem:v10+s21+$0x0], $0xffff;
	v10 =	vmov s14  }
0x2b1: {  	v11 =	vld.idx.msk [tilespmem:v12+s21+$0x0], $0xffff;
	v12 =	vor.u32 v2, v15;
	v10 =	vand.u32 $0x3F, v10  }
0x2b2: {  	v13 =	vor.u32 v2, v17;
	v18 =	vbroadcast v10, $0x0;
	_ =	sdelay $0x1  }
0x2b3: {  	s17 =	simm.s32 $0x4;
	v14 =	vor.u32 v0, v18  }
0x2b4: {  	v19 =	vld.idx.msk [tilespmem:v8+s21+$0x0], $0xffff;
	v8 =	vmov s17;
	[tilespmem:s0+$0xFFFFFFD0] =	vst v9  }
0x2b5: {  	v20 =	vor.u32 v1, v16;
	s22 =	simm.s32 $0x5;
	[tilespmem:s6+$0x10] =	vst v11;
	v8 =	vand.u32 $0x3C, v8;
	v11 =	vld.idx.msk [tilespmem:v12+s21+$0x0], $0xffff  }
0x2b6: {  	s26 =	simm.s32 $0x6;
	s7 =	simm.s32 $0x100;
	v9 =	vmov s22;
	v12 =	vld.idx.msk [tilespmem:v13+s21+$0x0], $0xffff;
	v8 =	vbroadcast v8, $0x0;
	v13 =	vor.u32 v3, v15  }
0x2b7: {  	v22 =	vmov s26;
	v21 =	vor.u32 v3, v17;
	s7 =	sand.u32 $0x300, s7;
	v9 =	vand.u32 $0x3D, v9  }
0x2b8: {  	s26 =	sor.u32 s7, s1;
	v10 =	vbroadcast v9, $0x0;
	v9 =	vand.u32 $0x3E, v22;
	v22 =	vor.u32 v0, v8;
	v14 =	vld.idx.msk [tilespmem:v14+s21+$0x0], $0xffff  }
0x2b9: {  	v9 =	vbroadcast v9, $0x0;
	[tilespmem:s26+$0x0] =	vst v19;
	v19 =	vor.u32 v1, v18  }
0x2ba: {  	s8 =	simm.s32 $0x180;
	v23 =	vor.u32 v0, v10;
	v20 =	vld.idx.msk [tilespmem:v20+s21+$0x0], $0xffff;
	[tilespmem:s0+$0xFFFFFFE0] =	vst v11  }
0x2bb: {  	s3 =	sand.u32 $0x380, s8;
	[tilespmem:s6+$0x20] =	vst v12;
	v11 =	vor.u32 v0, v9;
	v12 =	vld.idx.msk [tilespmem:v13+s21+$0x0], $0xffff  }
0x2bc: {  	s3 =	sor.u32 s3, s1;
	v13 =	vld.idx.msk [tilespmem:v21+s21+$0x0], $0xffff;
	v21 =	vor.u32 v4, v15  }
0x2bd: {  	v24 =	vor.u32 v4, v17;
	v22 =	vld.idx.msk [tilespmem:v22+s21+$0x0], $0xffff;
	[tilespmem:s3+$0x0] =	vst v14  }
0x2be: {  	v14 =	vor.u32 v2, v16;
	v19 =	vld.idx.msk [tilespmem:v19+s21+$0x0], $0xffff  }
0x2bf: {  	v25 =	vor.u32 v2, v18;
	v23 =	vld.idx.msk [tilespmem:v23+s21+$0x0], $0xffff;
	[tilespmem:s26+$0x10] =	vst v20  }
0x2c0: {  	s9 =	simm.s32 $0x200;
	v26 =	vor.u32 v1, v8;
	v11 =	vld.idx.msk [tilespmem:v11+s21+$0x0], $0xffff;
	[tilespmem:s0+$0xFFFFFFF0] =	vst v12  }
0x2c1: {  	s29 =	simm.s32 $0x16640;
	s10 =	simm.s32 $0x280;
	s1 =	sand.u32 $0x1C00, s9;
	v12 =	vor.u32 v1, v10;
	[tilespmem:s6+$0x30] =	vst v13;
	v13 =	vld.idx.msk [tilespmem:v21+s21+$0x0], $0xffff  }
0x2c2: {  	s7 =	sand.u32 $0x280, s10;
	s8 =	simm.s32 $0x300;
	s1 =	sadd.s32 $0x16400, s1;
	v20 =	vld.idx.msk [tilespmem:v24+s21+$0x0], $0xffff;
	v24 =	vor.u32 v1, v9;
	[tilespmem:s29+$0xFFFFFFC0] =	vst v22  }
0x2c3: {  	s11 =	sand.u32 $0x300, s8;
	s22 =	sor.u32 s7, s1;
	v21 =	vor.u32 v5, v15;
	v14 =	vld.idx.msk [tilespmem:v14+s21+$0x0], $0xffff;
	[tilespmem:s3+$0x10] =	vst v19  }
0x2c4: {  	s17 =	sor.u32 s11, s1;
	[tilespmem:s22+$0x0] =	vst v23;
	v19 =	vor.u32 v3, v16;
	v22 =	vld.idx.msk [tilespmem:v25+s21+$0x0], $0xffff  }
0x2c5: {  	v23 =	vld.idx.msk [tilespmem:v26+s21+$0x0], $0xffff;
	v25 =	vor.u32 v3, v18;
	[tilespmem:s17+$0x0] =	vst v11  }
0x2c6: {  	s13 =	simm.s32 $0x7;
	v12 =	vld.idx.msk [tilespmem:v12+s21+$0x0], $0xffff;
	[tilespmem:s0+$0x0] =	vst v13;
	v13 =	vor.u32 v5, v17  }
0x2c7: {  	v27 =	vor.u32 v2, v10;
	v26 =	vmov s13;
	v24 =	vld.idx.msk [tilespmem:v24+s21+$0x0], $0xffff  }
0x2c8: {  	v11 =	vand.u32 $0x3F, v26;
	v21 =	vld.idx.msk [tilespmem:v21+s21+$0x0], $0xffff;
	[tilespmem:s26+$0x20] =	vst v14;
	v14 =	vor.u32 v2, v8  }
0x2c9: {  	v11 =	vbroadcast v11, $0x0;
	v19 =	vld.idx.msk [tilespmem:v19+s21+$0x0], $0xffff;
	[tilespmem:s3+$0x20] =	vst v22;
	v22 =	vor.u32 v6, v15  }
0x2ca: {  	v28 =	vor.u32 v4, v16;
	[tilespmem:s6+$0x40] =	vst v20;
	v20 =	vld.idx.msk [tilespmem:v25+s21+$0x0], $0xffff  }
0x2cb: {  	s14 =	simm.s32 $0x8;
	v25 =	vor.u32 v0, v11;
	[tilespmem:s22+$0x10] =	vst v12;
	v26 =	vld.idx.msk [tilespmem:v13+s21+$0x0], $0xffff  }
0x2cc: {  	s8 =	simm.s32 $0x9;
	v29 =	vor.u32 v4, v18;
	[tilespmem:s29+$0xFFFFFFD0] =	vst v23;
	v12 =	vmov s14;
	v23 =	vld.idx.msk [tilespmem:v27+s21+$0x0], $0xffff  }
0x2cd: {  	v12 =	vand.u32 $0x3C, v12;
	v13 =	vmov s8;
	v27 =	vor.u32 v3, v10;
	[tilespmem:s0+$0x10] =	vst v21;
	v21 =	vld.idx.msk [tilespmem:v14+s21+$0x0], $0xffff  }
0x2ce: {  	v30 =	vor.u32 v6, v17;
	s9 =	simm.s32 $0xA;
	v12 =	vbroadcast v12, $0x0;
	v13 =	vand.u32 $0x3D, v13;
	[tilespmem:s26+$0x30] =	vst v19;
	v22 =	vld.idx.msk [tilespmem:v22+s21+$0x0], $0xffff  }
0x2cf: {  	v14 =	vmov s9;
	v13 =	vbroadcast v13, $0x0;
	v19 =	vor.u32 v3, v8;
	v28 =	vld.idx.msk [tilespmem:v28+s21+$0x0], $0xffff  }
0x2d0: {  	v14 =	vand.u32 $0x3E, v14;
	v25 =	vld.idx.msk [tilespmem:v25+s21+$0x0], $0xffff;
	[tilespmem:s3+$0x30] =	vst v20;
	v20 =	vor.u32 v0, v12  }
0x2d1: {  	v14 =	vbroadcast v14, $0x0;
	v31 =	vor.u32 v0, v13;
	[tilespmem:s22+$0x20] =	vst v23;
	v23 =	vld.idx.msk [tilespmem:v29+s21+$0x0], $0xffff  }
0x2d2: {  	v29 =	vor.u32 v1, v11;
	[tilespmem:s6+$0x50] =	vst v26;
	v27 =	vld.idx.msk [tilespmem:v27+s21+$0x0], $0xffff  }
0x2d3: {  	s10 =	simm.s32 $0x380;
	v26 =	vor.u32 v0, v14;
	[tilespmem:s29+$0xFFFFFFE0] =	vst v21;
	v21 =	vld.idx.msk [tilespmem:v30+s21+$0x0], $0xffff  }
0x2d4: {  	s7 =	sand.u32 $0x380, s10;
	[tilespmem:s17+$0x10] =	vst v24;
	v24 =	vor.u32 v4, v10;
	v19 =	vld.idx.msk [tilespmem:v19+s21+$0x0], $0xffff  }
0x2d5: {  	s10 =	sor.u32 s7, s1;
	v17 =	vor.u32 v7, v17;
	[tilespmem:s26+$0x40] =	vst v28;
	v20 =	vld.idx.msk [tilespmem:v20+s21+$0x0], $0xffff  }
0x2d6: {  	v28 =	vor.u32 v5, v16;
	[tilespmem:s10+$0x0] =	vst v25;
	v25 =	vld.idx.msk [tilespmem:v31+s21+$0x0], $0xffff  }
0x2d7: {  	v30 =	vor.u32 v5, v18;
	v29 =	vld.idx.msk [tilespmem:v29+s21+$0x0], $0xffff;
	[tilespmem:s3+$0x40] =	vst v23  }
0x2d8: {  	v23 =	vld.idx.msk [tilespmem:v26+s21+$0x0], $0xffff;
	v26 =	vor.u32 v4, v8;
	[tilespmem:s22+$0x30] =	vst v27  }
0x2d9: {  	s11 =	simm.s32 $0x400;
	v27 =	vor.u32 v1, v12;
	[tilespmem:s6+$0x60] =	vst v21;
	v24 =	vld.idx.msk [tilespmem:v24+s21+$0x0], $0xffff  }
0x2da: {  	s1 =	sand.u32 $0x1C00, s11;
	s13 =	simm.s32 $0x480;
	s14 =	simm.s32 $0x16840;
	v21 =	vor.u32 v2, v9;
	[tilespmem:s29+$0xFFFFFFF0] =	vst v19;
	v17 =	vld.idx.msk [tilespmem:v17+s21+$0x0], $0xffff  }
0x2db: {  	s7 =	sand.u32 $0x280, s13;
	s13 =	sadd.s32 $0x16400, s1;
	v19 =	vor.u32 v1, v13;
	[tilespmem:s14+$0xFFFFFFC0] =	vst v20;
	v20 =	vld.idx.msk [tilespmem:v28+s21+$0x0], $0xffff  }
0x2dc: {  	s11 =	sor.u32 s7, s13;
	v15 =	vor.u32 v7, v15;
	[tilespmem:s0+$0x20] =	vst v22;
	v28 =	vld.idx.msk [tilespmem:v30+s21+$0x0], $0xffff  }
0x2dd: {  	[tilespmem:s11+$0x0] =	vst v25;
	v25 =	vor.u32 v2, v11;
	v26 =	vld.idx.msk [tilespmem:v26+s21+$0x0], $0xffff  }
0x2de: {  	s8 =	simm.s32 $0x500;
	v22 =	vor.u32 v6, v16;
	[tilespmem:s10+$0x10] =	vst v29;
	v30 =	vld.idx.msk [tilespmem:v27+s21+$0x0], $0xffff  }
0x2df: {  	s1 =	sand.u32 $0x300, s8;
	v27 =	vor.u32 v5, v8;
	v21 =	vld.idx.msk [tilespmem:v21+s21+$0x0], $0xffff;
	[tilespmem:s22+$0x40] =	vst v24  }
0x2e0: {  	v32 =	vor.u32 v5, v10;
	v29 =	vld.idx.msk [tilespmem:v19+s21+$0x0], $0xffff;
	[tilespmem:s6+$0x70] =	vst v17;
	s6 =	sor.u32 s1, s13  }
0x2e1: {  	v24 =	vor.u32 v1, v14;
	v19 =	vld.idx.msk [tilespmem:v15+s21+$0x0], $0xffff;
	[tilespmem:s6+$0x0] =	vst v23  }
0x2e2: {  	v17 =	vor.u32 v3, v9;
	v25 =	vld.idx.msk [tilespmem:v25+s21+$0x0], $0xffff;
	[tilespmem:s26+$0x50] =	vst v20  }
0x2e3: {  	v20 =	vor.u32 v6, v18;
	v22 =	vld.idx.msk [tilespmem:v22+s21+$0x0], $0xffff;
	[tilespmem:s29+$0x0] =	vst v26  }
0x2e4: {  	s9 =	simm.s32 $0xB;
	[tilespmem:s3+$0x50] =	vst v28;
	v26 =	vor.u32 v3, v11;
	v23 =	vld.idx.msk [tilespmem:v27+s21+$0x0], $0xffff  }
0x2e5: {  	v15 =	vmov s9;
	v28 =	vor.u32 v7, v16;
	[tilespmem:s17+$0x20] =	vst v21;
	v21 =	vld.idx.msk [tilespmem:v32+s21+$0x0], $0xffff  }
0x2e6: {  	v33 =	vor.u32 v2, v13;
	v15 =	vand.u32 $0x3F, v15;
	[tilespmem:s14+$0xFFFFFFD0] =	vst v30;
	v31 =	vld.idx.msk [tilespmem:v24+s21+$0x0], $0xffff  }
0x2e7: {  	v15 =	vbroadcast v15, $0x0;
	[tilespmem:s11+$0x10] =	vst v29;
	v27 =	vld.idx.msk [tilespmem:v17+s21+$0x0], $0xffff  }
0x2e8: {  	v16 =	vor.u32 v4, v11;
	v29 =	vor.u32 v2, v12;
	[tilespmem:s10+$0x20] =	vst v25;
	v25 =	vld.idx.msk [tilespmem:v20+s21+$0x0], $0xffff  }
0x2e9: {  	v30 =	vor.u32 v0, v15;
	v20 =	vor.u32 v6, v8;
	v26 =	vld.idx.msk [tilespmem:v26+s21+$0x0], $0xffff;
	[tilespmem:s26+$0x60] =	vst v22  }
0x2ea: {  	v17 =	vor.u32 v2, v14;
	v22 =	vor.u32 v7, v18;
	v24 =	vld.idx.msk [tilespmem:v28+s21+$0x0], $0xffff;
	[tilespmem:s29+$0x10] =	vst v23  }
0x2eb: {  	s7 =	simm.s32 $0xC;
	s1 =	simm.s32 $0x580;
	v18 =	vor.u32 v4, v15;
	v23 =	vld.idx.msk [tilespmem:v33+s21+$0x0], $0xffff;
	v28 =	vor.u32 v4, v9;
	[tilespmem:s6+$0x10] =	vst v31  }
.LBB2_11:
0x2ec: {  	s9 =	sadd.s32 $0x1, s7  }
0x2ed: {  	v31 =	vmov s7;
	p1 =	slt.u32 s7, $0x3C;
	v29 =	vld.idx.msk [tilespmem:v29+s21+$0x0], $0xffff;
	v32 =	vor.u32 v6, v10;
	[tilespmem:s17+$0x30] =	vst v27;
	s8 =	smov.u32 s7;
	s7 =	sadd.s32 $0x4, s7  }
0x2ee: {  	v33 =	vor.u32 v3, v13;
	v27 =	vand.u32 $0x3C, v31;
	v31 =	vmov s9;
	s9 =	sadd.s32 $0x2, s8;
	v20 =	vld.idx.msk [tilespmem:v20+s21+$0x0], $0xffff;
	[tilespmem:s3+$0x60] =	vst v25  }
0x2ef: {  	v25 =	vbroadcast v27, $0x0;
	v27 =	vand.u32 $0x3D, v31;
	v31 =	vmov s9;
	[tilespmem:s10+$0x30] =	vst v26;
	v22 =	vld.idx.msk [tilespmem:v22+s21+$0x0], $0xffff  }
0x2f0: {  	v26 =	vbroadcast v27, $0x0;
	v27 =	vand.u32 $0x3E, v31;
	v31 =	vor.u32 v3, v12;
	v30 =	vld.idx.msk [tilespmem:v30+s21+$0x0], $0xffff;
	[tilespmem:s26+$0x70] =	vst v24;
	s26 =	smov.u32 s17;
	s17 =	smov.u32 s6  }
0x2f1: {  	v24 =	vor.u32 v0, v25;
	v27 =	vbroadcast v27, $0x0;
	v28 =	vld.idx.msk [tilespmem:v28+s21+$0x0], $0xffff;
	[tilespmem:s0+$0x30] =	vst v19;
	s0 =	smov.u32 s29;
	s29 =	smov.u32 s14  }
0x2f2: {  	v19 =	vor.u32 v0, v26;
	[tilespmem:s11+$0x20] =	vst v23;
	v23 =	vld.idx.msk [tilespmem:v16+s21+$0x0], $0xffff;
	v16 =	vmov v18  }
0x2f3: {  	v34 =	vor.u32 v1, v15;
	v18 =	vor.u32 v0, v27;
	v33 =	vld.idx.msk [tilespmem:v33+s21+$0x0], $0xffff;
	[tilespmem:s22+$0x50] =	vst v21  }
0x2f4: {  	s6 =	sand.u32 $0x380, s1;
	[tilespmem:s14+$0xFFFFFFE0] =	vst v29;
	v21 =	vld.idx.msk [tilespmem:v32+s21+$0x0], $0xffff  }
0x2f5: {  	v29 =	vld.idx.msk [tilespmem:v31+s21+$0x0], $0xffff;
	v31 =	vor.u32 v4, v13;
	[tilespmem:s3+$0x70] =	vst v22;
	s3 =	smov.u32 s10;
	s10 =	sor.u32 s6, s13  }
0x2f6: {  	v22 =	vld.idx.msk [tilespmem:v24+s21+$0x0], $0xffff;
	[tilespmem:s10+$0x0] =	vst v30;
	v24 =	vor.u32 v7, v10;
	v10 =	vmov v13;
	v13 =	vmov v26  }
0x2f7: {  	v26 =	vor.u32 v5, v9;
	v19 =	vld.idx.msk [tilespmem:v19+s21+$0x0], $0xffff;
	[tilespmem:s26+$0x40] =	vst v28;
	v28 =	vor.u32 v5, v11  }
0x2f8: {  	s1 =	sadd.s32 $0x200, s1;
	v30 =	vor.u32 v1, v25;
	v32 =	vld.idx.msk [tilespmem:v34+s21+$0x0], $0xffff;
	[tilespmem:s3+$0x40] =	vst v23  }
0x2f9: {  	s6 =	sadd.s32 $0xFFFFFE80, s1;
	v23 =	vor.u32 v1, v13;
	v34 =	vor.u32 v4, v12;
	v18 =	vld.idx.msk [tilespmem:v18+s21+$0x0], $0xffff;
	[tilespmem:s11+$0x30] =	vst v33  }
0x2fa: {  	s9 =	sadd.s32 $0xFFFFFF00, s1;
	s14 =	sadd.s32 $0x200, s14;
	s6 =	sand.u32 $0x1C00, s6;
	v33 =	vor.u32 v1, v27;
	v31 =	vld.idx.msk [tilespmem:v31+s21+$0x0], $0xffff;
	[tilespmem:s22+$0x60] =	vst v21  }
0x2fb: {  	s9 =	sand.u32 $0x280, s9;
	s13 =	sadd.s32 $0x16400, s6;
	s6 =	sadd.s32 $0xFFFFFF80, s1;
	[tilespmem:s29+$0xFFFFFFF0] =	vst v29;
	v21 =	vld.idx.msk [tilespmem:v24+s21+$0x0], $0xffff  }
0x2fc: {  	s9 =	sor.u32 s9, s13;
	s6 =	sand.u32 $0x300, s6;
	[tilespmem:s14+$0xFFFFFFC0] =	vst v22;
	v22 =	vld.idx.msk [tilespmem:v26+s21+$0x0], $0xffff  }
0x2fd: {  	s6 =	sor.u32 s6, s13;
	[tilespmem:s9+$0x0] =	vst v19;
	v19 =	vor.u32 v2, v15;
	v24 =	vld.idx.msk [tilespmem:v28+s21+$0x0], $0xffff  }
0x2fe: {  	v26 =	vld.idx.msk [tilespmem:v34+s21+$0x0], $0xffff;
	[tilespmem:s0+$0x20] =	vst v20;
	v20 =	vor.u32 v6, v9  }
0x2ff: {  	v29 =	vor.u32 v7, v8;
	v8 =	vmov v12;
	v12 =	vmov v25;
	v28 =	vld.idx.msk [tilespmem:v30+s21+$0x0], $0xffff;
	[tilespmem:s10+$0x10] =	vst v32  }
0x300: {  	v25 =	vor.u32 v5, v8;
	v32 =	vor.u32 v2, v13;
	[tilespmem:s11+$0x40] =	vst v31;
	v30 =	vld.idx.msk [tilespmem:v17+s21+$0x0], $0xffff  }
0x301: {  	v17 =	vor.u32 v2, v27;
	v23 =	vld.idx.msk [tilespmem:v23+s21+$0x0], $0xffff;
	[tilespmem:s22+$0x70] =	vst v21;
	s22 =	smov.u32 s11;
	s11 =	smov.u32 s9  }
0x302: {  	v34 =	vor.u32 v6, v11;
	v21 =	vor.u32 v3, v14;
	v31 =	vld.idx.msk [tilespmem:v19+s21+$0x0], $0xffff;
	[tilespmem:s26+$0x50] =	vst v22  }
0x303: {  	v35 =	vld.idx.msk [tilespmem:v20+s21+$0x0], $0xffff;
	[tilespmem:s3+$0x50] =	vst v24  }
0x304: {  	v24 =	vor.u32 v3, v15;
	[tilespmem:s29+$0x0] =	vst v26;
	v19 =	vld.idx.msk [tilespmem:v29+s21+$0x0], $0xffff  }
0x305: {  	[tilespmem:s6+$0x0] =	vst v18;
	v36 =	vld.idx.msk [tilespmem:v25+s21+$0x0], $0xffff;
	v18 =	vor.u32 v7, v9;
	v9 =	vmov v14;
	v14 =	vmov v27  }
0x306: {  	s8 =	sadd.s32 $0x3, s8;
	v37 =	vor.u32 v5, v10;
	v33 =	vld.idx.msk [tilespmem:v33+s21+$0x0], $0xffff;
	[tilespmem:s17+$0x20] =	vst v30  }
0x307: {  	v22 =	vor.u32 v7, v11;
	v11 =	vmov v15;
	v20 =	vmov s8;
	[tilespmem:s11+$0x10] =	vst v23;
	v27 =	vld.idx.msk [tilespmem:v21+s21+$0x0], $0xffff  }
.Ltmp4:
0x308: {  	v29 =	vor.u32 v2, v12;
	v15 =	vand.u32 $0x3F, v20;
	[tilespmem:s10+$0x20] =	vst v31;
	v25 =	vld.idx.msk [tilespmem:v34+s21+$0x0], $0xffff;
	(pc) =	sbr.rel @p1 .LBB2_11-.Ltmp4, $4  }
0x309: {  	v20 =	vor.u32 v6, v8;
	v15 =	vbroadcast v15, $0x0;
	v26 =	vld.idx.msk [tilespmem:v24+s21+$0x0], $0xffff;
	[tilespmem:s26+$0x60] =	vst v35  }
0x30a: {  	[tilespmem:s14+$0xFFFFFFD0] =	vst v28;
	v24 =	vld.idx.msk [tilespmem:v18+s21+$0x0], $0xffff  }
0x30b: {  	v30 =	vor.u32 v0, v15;
	v18 =	vor.u32 v4, v15;
	[tilespmem:s29+$0x10] =	vst v36;
	v21 =	vld.idx.msk [tilespmem:v37+s21+$0x0], $0xffff  }
0x30c: {  	v28 =	vor.u32 v4, v9;
	v23 =	vld.idx.msk [tilespmem:v32+s21+$0x0], $0xffff;
	[tilespmem:s6+$0x10] =	vst v33  }
0x30d: {  	_ =	sdelay $0x3  }
0x30e: {  	v30 =	vld.idx.msk [tilespmem:v30+s21+$0x0], $0xffff  }
0x30f: {  	v31 =	vor.u32 v1, v15;
	_ =	sdelay $0x1  }
0x310: {  	[tilespmem:s17+$0x30] =	vst v27;
	s1 =	sand.u32 $0x380, s1  }
0x311: {  	[tilespmem:s3+$0x60] =	vst v25;
	s1 =	sor.u32 s1, s13  }
0x312: {  	[tilespmem:s1+$0x0] =	vst v30  }
0x313: {  	[tilespmem:s10+$0x30] =	vst v26;
	v25 =	vld.idx.msk [tilespmem:v31+s21+$0x0], $0xffff  }
0x314: {  	v26 =	vld.idx.msk [tilespmem:v29+s21+$0x0], $0xffff;
	[tilespmem:s26+$0x70] =	vst v24;
	v24 =	vor.u32 v2, v15  }
0x315: {  	[tilespmem:s0+$0x30] =	vst v19;
	v19 =	vor.u32 v6, v10;
	v22 =	vld.idx.msk [tilespmem:v22+s21+$0x0], $0xffff  }
0x316: {  	v17 =	vld.idx.msk [tilespmem:v17+s21+$0x0], $0xffff;
	[tilespmem:s11+$0x20] =	vst v23;
	v23 =	vor.u32 v3, v12  }
0x317: {  	v27 =	vor.u32 v3, v13;
	v28 =	vld.idx.msk [tilespmem:v28+s21+$0x0], $0xffff;
	[tilespmem:s22+$0x50] =	vst v21  }
0x318: {  	v16 =	vld.idx.msk [tilespmem:v16+s21+$0x0], $0xffff;
	v21 =	vor.u32 v3, v14;
	[tilespmem:s1+$0x10] =	vst v25  }
0x319: {  	[tilespmem:s14+$0xFFFFFFE0] =	vst v26;
	v24 =	vld.idx.msk [tilespmem:v24+s21+$0x0], $0xffff  }
0x31a: {  	v19 =	vld.idx.msk [tilespmem:v19+s21+$0x0], $0xffff;
	[tilespmem:s3+$0x70] =	vst v22;
	v22 =	vor.u32 v3, v15  }
0x31b: {  	v10 =	vor.u32 v7, v10;
	[tilespmem:s6+$0x20] =	vst v17;
	v23 =	vld.idx.msk [tilespmem:v23+s21+$0x0], $0xffff  }
0x31c: {  	[tilespmem:s17+$0x40] =	vst v28;
	v25 =	vld.idx.msk [tilespmem:v27+s21+$0x0], $0xffff;
	v27 =	vor.u32 v5, v9  }
0x31d: {  	v26 =	vor.u32 v4, v13;
	[tilespmem:s10+$0x40] =	vst v16;
	v16 =	vld.idx.msk [tilespmem:v21+s21+$0x0], $0xffff  }
0x31e: {  	v17 =	vld.idx.msk [tilespmem:v20+s21+$0x0], $0xffff;
	v20 =	vor.u32 v4, v14;
	[tilespmem:s1+$0x20] =	vst v24  }
0x31f: {  	v21 =	vor.u32 v4, v12;
	[tilespmem:s22+$0x60] =	vst v19;
	v22 =	vld.idx.msk [tilespmem:v22+s21+$0x0], $0xffff  }
0x320: {  	v10 =	vld.idx.msk [tilespmem:v10+s21+$0x0], $0xffff;
	[tilespmem:s14+$0xFFFFFFF0] =	vst v23  }
0x321: {  	v19 =	vor.u32 v5, v11;
	[tilespmem:s11+$0x30] =	vst v25;
	v23 =	vld.idx.msk [tilespmem:v27+s21+$0x0], $0xffff  }
0x322: {  	[tilespmem:s6+$0x30] =	vst v16;
	v25 =	vor.u32 v6, v9;
	v24 =	vld.idx.msk [tilespmem:v26+s21+$0x0], $0xffff  }
0x323: {  	[tilespmem:s29+$0x20] =	vst v17;
	v16 =	vor.u32 v5, v13;
	v17 =	vld.idx.msk [tilespmem:v20+s21+$0x0], $0xffff  }
0x324: {  	v20 =	vld.idx.msk [tilespmem:v21+s21+$0x0], $0xffff;
	v21 =	vor.u32 v5, v14;
	[tilespmem:s1+$0x30] =	vst v22  }
0x325: {  	[tilespmem:s22+$0x70] =	vst v10;
	v22 =	vor.u32 v5, v12;
	v18 =	vld.idx.msk [tilespmem:v18+s21+$0x0], $0xffff  }
0x326: {  	v19 =	vld.idx.msk [tilespmem:v19+s21+$0x0], $0xffff;
	[tilespmem:s17+$0x50] =	vst v23;
	v23 =	vor.u32 v5, v15  }
0x327: {  	v10 =	vor.u32 v6, v11;
	[tilespmem:s11+$0x40] =	vst v24;
	v24 =	vld.idx.msk [tilespmem:v25+s21+$0x0], $0xffff  }
0x328: {  	v9 =	vor.u32 v7, v9;
	[tilespmem:s6+$0x40] =	vst v17;
	v16 =	vld.idx.msk [tilespmem:v16+s21+$0x0], $0xffff  }
0x329: {  	v17 =	vor.u32 v6, v13;
	[tilespmem:s14+$0x0] =	vst v20;
	v20 =	vld.idx.msk [tilespmem:v21+s21+$0x0], $0xffff  }
0x32a: {  	v21 =	vld.idx.msk [tilespmem:v22+s21+$0x0], $0xffff;
	[tilespmem:s1+$0x40] =	vst v18;
	v18 =	vor.u32 v6, v14  }
0x32b: {  	[tilespmem:s10+$0x50] =	vst v19;
	v19 =	vor.u32 v6, v12;
	v22 =	vld.idx.msk [tilespmem:v23+s21+$0x0], $0xffff  }
0x32c: {  	v10 =	vld.idx.msk [tilespmem:v10+s21+$0x0], $0xffff;
	[tilespmem:s17+$0x60] =	vst v24;
	v23 =	vor.u32 v6, v15  }
0x32d: {  	v8 =	vor.u32 v7, v8;
	v9 =	vld.idx.msk [tilespmem:v9+s21+$0x0], $0xffff;
	[tilespmem:s11+$0x50] =	vst v16  }
0x32e: {  	v11 =	vor.u32 v7, v11;
	[tilespmem:s6+$0x50] =	vst v20;
	v16 =	vld.idx.msk [tilespmem:v17+s21+$0x0], $0xffff  }
0x32f: {  	v13 =	vor.u32 v7, v13;
	[tilespmem:s14+$0x10] =	vst v21;
	v17 =	vld.idx.msk [tilespmem:v18+s21+$0x0], $0xffff  }
0x330: {  	v14 =	vor.u32 v7, v14;
	v18 =	vld.idx.msk [tilespmem:v19+s21+$0x0], $0xffff;
	[tilespmem:s1+$0x50] =	vst v22  }
0x331: {  	[tilespmem:s10+$0x60] =	vst v10;
	v10 =	vor.u32 v7, v12;
	v12 =	vld.idx.msk [tilespmem:v23+s21+$0x0], $0xffff  }
0x332: {  	v8 =	vld.idx.msk [tilespmem:v8+s21+$0x0], $0xffff;
	[tilespmem:s17+$0x70] =	vst v9;
	v9 =	vor.u32 v7, v15  }
0x333: {  	v11 =	vld.idx.msk [tilespmem:v11+s21+$0x0], $0xffff;
	[tilespmem:s11+$0x60] =	vst v16  }
0x334: {  	v13 =	vld.idx.msk [tilespmem:v13+s21+$0x0], $0xffff;
	[tilespmem:s6+$0x60] =	vst v17  }
0x335: {  	[tilespmem:s14+$0x20] =	vst v18;
	v14 =	vld.idx.msk [tilespmem:v14+s21+$0x0], $0xffff  }
0x336: {  	v10 =	vld.idx.msk [tilespmem:v10+s21+$0x0], $0xffff;
	[tilespmem:s1+$0x60] =	vst v12  }
0x337: {  	[tilespmem:s29+$0x30] =	vst v8;
	v8 =	vld.idx.msk [tilespmem:v9+s21+$0x0], $0xffff  }
0x338: {  	[tilespmem:s10+$0x70] =	vst v11  }
0x339: {  	[tilespmem:s11+$0x70] =	vst v13  }
0x33a: {  	[tilespmem:s6+$0x70] =	vst v14  }
0x33b: {  	s24 =	sor.u32 $0x100000, s24;
	s0 =	sadd.s32 @!p0 $0x600, s19;
	s26 =	simm.s32 $0x0;
	[tilespmem:s14+$0x30] =	vst v10  }
0x33c: {  	s3 =	simm.s32 @!p0 $0xE400;
	s22 =	sor.u32 s5, s24;
	[tilespmem:s1+$0x70] =	vst v8;
	s1 =	simm.s32 @!p0 $0x80  }
0x33d: {  	[tilespmem:s3], [sflag:$0x5] =	stream.indirect.gather @!p0 [hbm4b:s4+s1], $0x40, s0, s1, $0xb8;
	[tilespmem:$0x1E400] =	vst v63  }
0x33e: {  	v8 =	vmov s26;
	s0 =	sshrl.u32 s22, $0x3;
	s3 =	simm.s32 $0x1  }
0x33f: {  	s7 =	simm.s32 $0x6;
	s6 =	simm.s32 $0x16400;
	v8 =	vand.u32 $0x3C, v8;
	s0 =	sadd.s32 s2, s0;
	v9 =	vmov s3  }
0x340: {  	v15 =	vbroadcast v8, $0x0;
	[hbm4b:s0+s30] =	stream.strided.scatter [tilespmem:s6], [sflag:$0x9], $0x2000, s31, s30, $0x38;
	v8 =	vand.u32 $0x3D, v9;
	[tilespmem:$0x1E400] =	vst v63  }
0x341: {  	_ =	swait.ge [sflag:s7], $0x2000;
	v17 =	vbroadcast v8, $0x0  }
0x342: {  	v8 =	vor.u32 v0, v15;
	[sflag:s7] =	ssyncset.done $0x0  }
0x343: {  	s8 =	simm.s32 $0xA;
	[sflag:s7] =	ssyncadd.s32 $0xFFFFE000;
	v9 =	vor.u32 v0, v17  }
0x344: {  	_ =	swait.ge [sflag:s8], $0x2000  }
0x345: {  	[sflag:s8] =	ssyncset.done $0x0  }
0x346: {  	[sflag:s8] =	ssyncadd.s32 $0xFFFFE000  }
0x347: {  	v8 =	vld.idx.msk [tilespmem:v8+s23+$0x0], $0xffff  }
0x348: {  	s9 =	simm.s32 $0x2;
	v10 =	vor.u32 v1, v15;
	v9 =	vld.idx.msk [tilespmem:v9+s23+$0x0], $0xffff  }
0x349: {  	v11 =	vmov s9;
	s10 =	simm.s32 $0x0;
	v12 =	vor.u32 v1, v17  }
0x34a: {  	s13 =	simm.s32 $0x80;
	v11 =	vand.u32 $0x3E, v11;
	s11 =	sand.u32 $0x1C00, s10  }
0x34b: {  	v16 =	vbroadcast v11, $0x0;
	s1 =	sadd.s32 $0x18400, s11;
	s3 =	sand.u32 $0x280, s13;
	s0 =	simm.s32 $0x18440  }
0x34c: {  	s14 =	simm.s32 $0x3;
	s6 =	sor.u32 s3, s1;
	[tilespmem:s0+$0xFFFFFFC0] =	vst v8  }
0x34d: {  	v8 =	vor.u32 v0, v16;
	[tilespmem:s6+$0x0] =	vst v9;
	v9 =	vld.idx.msk [tilespmem:v10+s23+$0x0], $0xffff;
	v10 =	vmov s14  }
0x34e: {  	v11 =	vld.idx.msk [tilespmem:v12+s23+$0x0], $0xffff;
	v12 =	vor.u32 v2, v15;
	v10 =	vand.u32 $0x3F, v10  }
0x34f: {  	v13 =	vor.u32 v2, v17;
	v18 =	vbroadcast v10, $0x0;
	_ =	sdelay $0x1  }
0x350: {  	s17 =	simm.s32 $0x4;
	v14 =	vor.u32 v0, v18  }
0x351: {  	v19 =	vld.idx.msk [tilespmem:v8+s23+$0x0], $0xffff;
	v8 =	vmov s17;
	[tilespmem:s0+$0xFFFFFFD0] =	vst v9  }
0x352: {  	v20 =	vor.u32 v1, v16;
	s22 =	simm.s32 $0x5;
	v8 =	vand.u32 $0x3C, v8;
	[tilespmem:s6+$0x10] =	vst v11;
	v11 =	vld.idx.msk [tilespmem:v12+s23+$0x0], $0xffff  }
0x353: {  	s26 =	simm.s32 $0x6;
	s7 =	simm.s32 $0x100;
	v9 =	vmov s22;
	v8 =	vbroadcast v8, $0x0;
	v12 =	vld.idx.msk [tilespmem:v13+s23+$0x0], $0xffff;
	v13 =	vor.u32 v3, v15  }
0x354: {  	v22 =	vmov s26;
	v21 =	vor.u32 v3, v17;
	s7 =	sand.u32 $0x300, s7;
	v9 =	vand.u32 $0x3D, v9  }
0x355: {  	s26 =	sor.u32 s7, s1;
	v10 =	vbroadcast v9, $0x0;
	v9 =	vand.u32 $0x3E, v22;
	v22 =	vor.u32 v0, v8;
	v14 =	vld.idx.msk [tilespmem:v14+s23+$0x0], $0xffff  }
0x356: {  	v9 =	vbroadcast v9, $0x0;
	[tilespmem:s26+$0x0] =	vst v19;
	v19 =	vor.u32 v1, v18  }
0x357: {  	s8 =	simm.s32 $0x180;
	v23 =	vor.u32 v0, v10;
	v20 =	vld.idx.msk [tilespmem:v20+s23+$0x0], $0xffff;
	[tilespmem:s0+$0xFFFFFFE0] =	vst v11  }
0x358: {  	s3 =	sand.u32 $0x380, s8;
	v11 =	vor.u32 v0, v9;
	[tilespmem:s6+$0x20] =	vst v12;
	v12 =	vld.idx.msk [tilespmem:v13+s23+$0x0], $0xffff  }
0x359: {  	s3 =	sor.u32 s3, s1;
	v13 =	vld.idx.msk [tilespmem:v21+s23+$0x0], $0xffff;
	v21 =	vor.u32 v4, v15  }
0x35a: {  	v24 =	vor.u32 v4, v17;
	v22 =	vld.idx.msk [tilespmem:v22+s23+$0x0], $0xffff;
	[tilespmem:s3+$0x0] =	vst v14  }
0x35b: {  	v14 =	vor.u32 v2, v16;
	v19 =	vld.idx.msk [tilespmem:v19+s23+$0x0], $0xffff  }
0x35c: {  	v25 =	vor.u32 v2, v18;
	v23 =	vld.idx.msk [tilespmem:v23+s23+$0x0], $0xffff  }
0x35d: {  	v26 =	vor.u32 v1, v8;
	v11 =	vld.idx.msk [tilespmem:v11+s23+$0x0], $0xffff;
	[tilespmem:s0+$0xFFFFFFF0] =	vst v12  }
0x35e: {  	s9 =	simm.s32 $0x200;
	v12 =	vor.u32 v1, v10;
	[tilespmem:s6+$0x30] =	vst v13;
	v13 =	vld.idx.msk [tilespmem:v21+s23+$0x0], $0xffff  }
0x35f: {  	s10 =	simm.s32 $0x280;
	s1 =	sand.u32 $0x1C00, s9;
	[tilespmem:s26+$0x10] =	vst v20;
	v21 =	vor.u32 v5, v15;
	v20 =	vld.idx.msk [tilespmem:v24+s23+$0x0], $0xffff  }
0x360: {  	s29 =	simm.s32 $0x18640;
	s7 =	sand.u32 $0x280, s10;
	s1 =	sadd.s32 $0x18400, s1;
	v24 =	vor.u32 v1, v9;
	v14 =	vld.idx.msk [tilespmem:v14+s23+$0x0], $0xffff;
	[tilespmem:s3+$0x10] =	vst v19  }
0x361: {  	s8 =	simm.s32 $0x300;
	s22 =	sor.u32 s7, s1;
	[tilespmem:s29+$0xFFFFFFC0] =	vst v22;
	v19 =	vor.u32 v3, v16;
	v22 =	vld.idx.msk [tilespmem:v25+s23+$0x0], $0xffff  }
0x362: {  	s11 =	sand.u32 $0x300, s8;
	[tilespmem:s22+$0x0] =	vst v23;
	v23 =	vld.idx.msk [tilespmem:v26+s23+$0x0], $0xffff;
	v25 =	vor.u32 v3, v18  }
0x363: {  	s13 =	simm.s32 $0x7;
	s17 =	sor.u32 s11, s1;
	v12 =	vld.idx.msk [tilespmem:v12+s23+$0x0], $0xffff;
	[tilespmem:s0+$0x0] =	vst v13;
	v13 =	vor.u32 v5, v17  }
0x364: {  	v27 =	vor.u32 v2, v10;
	v26 =	vmov s13;
	[tilespmem:s17+$0x0] =	vst v11;
	v21 =	vld.idx.msk [tilespmem:v21+s23+$0x0], $0xffff  }
0x365: {  	v11 =	vand.u32 $0x3F, v26;
	v24 =	vld.idx.msk [tilespmem:v24+s23+$0x0], $0xffff;
	[tilespmem:s26+$0x20] =	vst v14;
	v14 =	vor.u32 v2, v8  }
0x366: {  	v11 =	vbroadcast v11, $0x0;
	v19 =	vld.idx.msk [tilespmem:v19+s23+$0x0], $0xffff;
	[tilespmem:s3+$0x20] =	vst v22;
	v22 =	vor.u32 v6, v15  }
0x367: {  	v28 =	vor.u32 v4, v16;
	[tilespmem:s6+$0x40] =	vst v20;
	v20 =	vld.idx.msk [tilespmem:v25+s23+$0x0], $0xffff  }
0x368: {  	s14 =	simm.s32 $0x8;
	v25 =	vor.u32 v0, v11;
	[tilespmem:s22+$0x10] =	vst v12;
	v26 =	vld.idx.msk [tilespmem:v13+s23+$0x0], $0xffff  }
0x369: {  	s8 =	simm.s32 $0x9;
	v29 =	vor.u32 v4, v18;
	[tilespmem:s29+$0xFFFFFFD0] =	vst v23;
	v12 =	vmov s14;
	v23 =	vld.idx.msk [tilespmem:v27+s23+$0x0], $0xffff  }
0x36a: {  	v12 =	vand.u32 $0x3C, v12;
	v13 =	vmov s8;
	v27 =	vor.u32 v3, v10;
	[tilespmem:s0+$0x10] =	vst v21;
	v21 =	vld.idx.msk [tilespmem:v14+s23+$0x0], $0xffff  }
0x36b: {  	v30 =	vor.u32 v6, v17;
	s9 =	simm.s32 $0xA;
	v12 =	vbroadcast v12, $0x0;
	v13 =	vand.u32 $0x3D, v13;
	[tilespmem:s26+$0x30] =	vst v19;
	v22 =	vld.idx.msk [tilespmem:v22+s23+$0x0], $0xffff  }
0x36c: {  	v14 =	vmov s9;
	v13 =	vbroadcast v13, $0x0;
	v19 =	vor.u32 v3, v8;
	v28 =	vld.idx.msk [tilespmem:v28+s23+$0x0], $0xffff  }
0x36d: {  	v14 =	vand.u32 $0x3E, v14;
	v25 =	vld.idx.msk [tilespmem:v25+s23+$0x0], $0xffff;
	[tilespmem:s3+$0x30] =	vst v20;
	v20 =	vor.u32 v0, v12  }
0x36e: {  	v14 =	vbroadcast v14, $0x0;
	v31 =	vor.u32 v0, v13;
	[tilespmem:s22+$0x20] =	vst v23;
	v23 =	vld.idx.msk [tilespmem:v29+s23+$0x0], $0xffff  }
0x36f: {  	v29 =	vor.u32 v1, v11;
	[tilespmem:s6+$0x50] =	vst v26;
	v27 =	vld.idx.msk [tilespmem:v27+s23+$0x0], $0xffff  }
0x370: {  	s10 =	simm.s32 $0x380;
	v26 =	vor.u32 v0, v14;
	[tilespmem:s29+$0xFFFFFFE0] =	vst v21;
	v21 =	vld.idx.msk [tilespmem:v30+s23+$0x0], $0xffff  }
0x371: {  	s7 =	sand.u32 $0x380, s10;
	[tilespmem:s17+$0x10] =	vst v24;
	v24 =	vor.u32 v4, v10;
	v19 =	vld.idx.msk [tilespmem:v19+s23+$0x0], $0xffff  }
0x372: {  	s10 =	sor.u32 s7, s1;
	v17 =	vor.u32 v7, v17;
	[tilespmem:s26+$0x40] =	vst v28;
	v20 =	vld.idx.msk [tilespmem:v20+s23+$0x0], $0xffff  }
0x373: {  	v28 =	vor.u32 v5, v16;
	[tilespmem:s10+$0x0] =	vst v25;
	v25 =	vld.idx.msk [tilespmem:v31+s23+$0x0], $0xffff  }
0x374: {  	v30 =	vor.u32 v5, v18;
	v29 =	vld.idx.msk [tilespmem:v29+s23+$0x0], $0xffff;
	[tilespmem:s3+$0x40] =	vst v23  }
0x375: {  	v23 =	vld.idx.msk [tilespmem:v26+s23+$0x0], $0xffff;
	v26 =	vor.u32 v4, v8;
	[tilespmem:s22+$0x30] =	vst v27  }
0x376: {  	s11 =	simm.s32 $0x400;
	v27 =	vor.u32 v1, v12;
	[tilespmem:s6+$0x60] =	vst v21;
	v24 =	vld.idx.msk [tilespmem:v24+s23+$0x0], $0xffff  }
0x377: {  	s1 =	sand.u32 $0x1C00, s11;
	s13 =	simm.s32 $0x480;
	s14 =	simm.s32 $0x18840;
	v21 =	vor.u32 v2, v9;
	[tilespmem:s29+$0xFFFFFFF0] =	vst v19;
	v17 =	vld.idx.msk [tilespmem:v17+s23+$0x0], $0xffff  }
0x378: {  	s7 =	sand.u32 $0x280, s13;
	s13 =	sadd.s32 $0x18400, s1;
	v19 =	vor.u32 v1, v13;
	[tilespmem:s14+$0xFFFFFFC0] =	vst v20;
	v20 =	vld.idx.msk [tilespmem:v28+s23+$0x0], $0xffff  }
0x379: {  	s11 =	sor.u32 s7, s13;
	v15 =	vor.u32 v7, v15;
	[tilespmem:s0+$0x20] =	vst v22;
	v28 =	vld.idx.msk [tilespmem:v30+s23+$0x0], $0xffff  }
0x37a: {  	[tilespmem:s11+$0x0] =	vst v25;
	v25 =	vor.u32 v2, v11;
	v26 =	vld.idx.msk [tilespmem:v26+s23+$0x0], $0xffff  }
0x37b: {  	s8 =	simm.s32 $0x500;
	v22 =	vor.u32 v6, v16;
	[tilespmem:s10+$0x10] =	vst v29;
	v30 =	vld.idx.msk [tilespmem:v27+s23+$0x0], $0xffff  }
0x37c: {  	s1 =	sand.u32 $0x300, s8;
	v27 =	vor.u32 v5, v8;
	v21 =	vld.idx.msk [tilespmem:v21+s23+$0x0], $0xffff;
	[tilespmem:s22+$0x40] =	vst v24  }
0x37d: {  	v32 =	vor.u32 v5, v10;
	v29 =	vld.idx.msk [tilespmem:v19+s23+$0x0], $0xffff;
	[tilespmem:s6+$0x70] =	vst v17;
	s6 =	sor.u32 s1, s13  }
0x37e: {  	v24 =	vor.u32 v1, v14;
	v19 =	vld.idx.msk [tilespmem:v15+s23+$0x0], $0xffff;
	[tilespmem:s6+$0x0] =	vst v23  }
0x37f: {  	v17 =	vor.u32 v3, v9;
	v25 =	vld.idx.msk [tilespmem:v25+s23+$0x0], $0xffff;
	[tilespmem:s26+$0x50] =	vst v20  }
0x380: {  	v20 =	vor.u32 v6, v18;
	v22 =	vld.idx.msk [tilespmem:v22+s23+$0x0], $0xffff;
	[tilespmem:s29+$0x0] =	vst v26  }
0x381: {  	s9 =	simm.s32 $0xB;
	[tilespmem:s3+$0x50] =	vst v28;
	v26 =	vor.u32 v3, v11;
	v23 =	vld.idx.msk [tilespmem:v27+s23+$0x0], $0xffff  }
0x382: {  	v15 =	vmov s9;
	v28 =	vor.u32 v7, v16;
	[tilespmem:s17+$0x20] =	vst v21;
	v21 =	vld.idx.msk [tilespmem:v32+s23+$0x0], $0xffff  }
0x383: {  	v33 =	vor.u32 v2, v13;
	v15 =	vand.u32 $0x3F, v15;
	[tilespmem:s14+$0xFFFFFFD0] =	vst v30;
	v31 =	vld.idx.msk [tilespmem:v24+s23+$0x0], $0xffff  }
0x384: {  	v15 =	vbroadcast v15, $0x0;
	[tilespmem:s11+$0x10] =	vst v29;
	v27 =	vld.idx.msk [tilespmem:v17+s23+$0x0], $0xffff  }
0x385: {  	v16 =	vor.u32 v4, v11;
	v29 =	vor.u32 v2, v12;
	[tilespmem:s10+$0x20] =	vst v25;
	v25 =	vld.idx.msk [tilespmem:v20+s23+$0x0], $0xffff  }
0x386: {  	v30 =	vor.u32 v0, v15;
	v20 =	vor.u32 v6, v8;
	v26 =	vld.idx.msk [tilespmem:v26+s23+$0x0], $0xffff;
	[tilespmem:s26+$0x60] =	vst v22  }
0x387: {  	v17 =	vor.u32 v2, v14;
	v22 =	vor.u32 v7, v18;
	v24 =	vld.idx.msk [tilespmem:v28+s23+$0x0], $0xffff;
	[tilespmem:s29+$0x10] =	vst v23  }
0x388: {  	s7 =	simm.s32 $0xC;
	s1 =	simm.s32 $0x580;
	v18 =	vor.u32 v4, v15;
	v23 =	vld.idx.msk [tilespmem:v33+s23+$0x0], $0xffff;
	v28 =	vor.u32 v4, v9;
	[tilespmem:s6+$0x10] =	vst v31  }
.LBB2_13:
0x389: {  	s9 =	sadd.s32 $0x1, s7  }
0x38a: {  	v31 =	vmov s7;
	p1 =	slt.u32 s7, $0x3C;
	v29 =	vld.idx.msk [tilespmem:v29+s23+$0x0], $0xffff;
	v32 =	vor.u32 v6, v10;
	[tilespmem:s17+$0x30] =	vst v27;
	s8 =	smov.u32 s7;
	s7 =	sadd.s32 $0x4, s7  }
0x38b: {  	v33 =	vor.u32 v3, v13;
	v27 =	vand.u32 $0x3C, v31;
	v31 =	vmov s9;
	s9 =	sadd.s32 $0x2, s8;
	v20 =	vld.idx.msk [tilespmem:v20+s23+$0x0], $0xffff;
	[tilespmem:s3+$0x60] =	vst v25  }
0x38c: {  	v25 =	vbroadcast v27, $0x0;
	v27 =	vand.u32 $0x3D, v31;
	v31 =	vmov s9;
	[tilespmem:s10+$0x30] =	vst v26;
	v22 =	vld.idx.msk [tilespmem:v22+s23+$0x0], $0xffff  }
0x38d: {  	v26 =	vbroadcast v27, $0x0;
	v27 =	vand.u32 $0x3E, v31;
	v31 =	vor.u32 v3, v12;
	v30 =	vld.idx.msk [tilespmem:v30+s23+$0x0], $0xffff;
	[tilespmem:s26+$0x70] =	vst v24;
	s26 =	smov.u32 s17;
	s17 =	smov.u32 s6  }
0x38e: {  	v24 =	vor.u32 v0, v25;
	v27 =	vbroadcast v27, $0x0;
	v28 =	vld.idx.msk [tilespmem:v28+s23+$0x0], $0xffff;
	[tilespmem:s0+$0x30] =	vst v19;
	s0 =	smov.u32 s29;
	s29 =	smov.u32 s14  }
0x38f: {  	v19 =	vor.u32 v0, v26;
	[tilespmem:s11+$0x20] =	vst v23;
	v23 =	vld.idx.msk [tilespmem:v16+s23+$0x0], $0xffff;
	v16 =	vmov v18  }
0x390: {  	v34 =	vor.u32 v1, v15;
	v18 =	vor.u32 v0, v27;
	v33 =	vld.idx.msk [tilespmem:v33+s23+$0x0], $0xffff;
	[tilespmem:s22+$0x50] =	vst v21  }
0x391: {  	s6 =	sand.u32 $0x380, s1;
	[tilespmem:s14+$0xFFFFFFE0] =	vst v29;
	v21 =	vld.idx.msk [tilespmem:v32+s23+$0x0], $0xffff  }
0x392: {  	v29 =	vld.idx.msk [tilespmem:v31+s23+$0x0], $0xffff;
	v31 =	vor.u32 v4, v13;
	[tilespmem:s3+$0x70] =	vst v22;
	s3 =	smov.u32 s10;
	s10 =	sor.u32 s6, s13  }
0x393: {  	v22 =	vld.idx.msk [tilespmem:v24+s23+$0x0], $0xffff;
	[tilespmem:s10+$0x0] =	vst v30;
	v24 =	vor.u32 v7, v10;
	v10 =	vmov v13;
	v13 =	vmov v26  }
0x394: {  	v26 =	vor.u32 v5, v9;
	v19 =	vld.idx.msk [tilespmem:v19+s23+$0x0], $0xffff;
	[tilespmem:s26+$0x40] =	vst v28;
	v28 =	vor.u32 v5, v11  }
0x395: {  	s1 =	sadd.s32 $0x200, s1;
	v30 =	vor.u32 v1, v25;
	v32 =	vld.idx.msk [tilespmem:v34+s23+$0x0], $0xffff;
	[tilespmem:s3+$0x40] =	vst v23  }
0x396: {  	s6 =	sadd.s32 $0xFFFFFE80, s1;
	v23 =	vor.u32 v1, v13;
	v34 =	vor.u32 v4, v12;
	v18 =	vld.idx.msk [tilespmem:v18+s23+$0x0], $0xffff;
	[tilespmem:s11+$0x30] =	vst v33  }
0x397: {  	s9 =	sadd.s32 $0xFFFFFF00, s1;
	s14 =	sadd.s32 $0x200, s14;
	s6 =	sand.u32 $0x1C00, s6;
	v33 =	vor.u32 v1, v27;
	v31 =	vld.idx.msk [tilespmem:v31+s23+$0x0], $0xffff;
	[tilespmem:s22+$0x60] =	vst v21  }
0x398: {  	s9 =	sand.u32 $0x280, s9;
	s13 =	sadd.s32 $0x18400, s6;
	s6 =	sadd.s32 $0xFFFFFF80, s1;
	[tilespmem:s29+$0xFFFFFFF0] =	vst v29;
	v21 =	vld.idx.msk [tilespmem:v24+s23+$0x0], $0xffff  }
0x399: {  	s9 =	sor.u32 s9, s13;
	s6 =	sand.u32 $0x300, s6;
	[tilespmem:s14+$0xFFFFFFC0] =	vst v22;
	v22 =	vld.idx.msk [tilespmem:v26+s23+$0x0], $0xffff  }
0x39a: {  	s6 =	sor.u32 s6, s13;
	[tilespmem:s9+$0x0] =	vst v19;
	v19 =	vor.u32 v2, v15;
	v24 =	vld.idx.msk [tilespmem:v28+s23+$0x0], $0xffff  }
0x39b: {  	v26 =	vld.idx.msk [tilespmem:v34+s23+$0x0], $0xffff;
	[tilespmem:s0+$0x20] =	vst v20;
	v20 =	vor.u32 v6, v9  }
0x39c: {  	v29 =	vor.u32 v7, v8;
	v8 =	vmov v12;
	v12 =	vmov v25;
	v28 =	vld.idx.msk [tilespmem:v30+s23+$0x0], $0xffff;
	[tilespmem:s10+$0x10] =	vst v32  }
0x39d: {  	v25 =	vor.u32 v5, v8;
	v32 =	vor.u32 v2, v13;
	[tilespmem:s11+$0x40] =	vst v31;
	v30 =	vld.idx.msk [tilespmem:v17+s23+$0x0], $0xffff  }
0x39e: {  	v17 =	vor.u32 v2, v27;
	v23 =	vld.idx.msk [tilespmem:v23+s23+$0x0], $0xffff;
	[tilespmem:s22+$0x70] =	vst v21;
	s22 =	smov.u32 s11;
	s11 =	smov.u32 s9  }
0x39f: {  	v34 =	vor.u32 v6, v11;
	v21 =	vor.u32 v3, v14;
	v31 =	vld.idx.msk [tilespmem:v19+s23+$0x0], $0xffff;
	[tilespmem:s26+$0x50] =	vst v22  }
0x3a0: {  	v35 =	vld.idx.msk [tilespmem:v20+s23+$0x0], $0xffff;
	[tilespmem:s3+$0x50] =	vst v24  }
0x3a1: {  	v24 =	vor.u32 v3, v15;
	[tilespmem:s29+$0x0] =	vst v26;
	v19 =	vld.idx.msk [tilespmem:v29+s23+$0x0], $0xffff  }
0x3a2: {  	[tilespmem:s6+$0x0] =	vst v18;
	v36 =	vld.idx.msk [tilespmem:v25+s23+$0x0], $0xffff;
	v18 =	vor.u32 v7, v9;
	v9 =	vmov v14;
	v14 =	vmov v27  }
0x3a3: {  	s8 =	sadd.s32 $0x3, s8;
	v37 =	vor.u32 v5, v10;
	v33 =	vld.idx.msk [tilespmem:v33+s23+$0x0], $0xffff;
	[tilespmem:s17+$0x20] =	vst v30  }
0x3a4: {  	v22 =	vor.u32 v7, v11;
	v11 =	vmov v15;
	v20 =	vmov s8;
	[tilespmem:s11+$0x10] =	vst v23;
	v27 =	vld.idx.msk [tilespmem:v21+s23+$0x0], $0xffff  }
.Ltmp5:
0x3a5: {  	v29 =	vor.u32 v2, v12;
	v15 =	vand.u32 $0x3F, v20;
	[tilespmem:s10+$0x20] =	vst v31;
	v25 =	vld.idx.msk [tilespmem:v34+s23+$0x0], $0xffff;
	(pc) =	sbr.rel @p1 .LBB2_13-.Ltmp5, $4  }
0x3a6: {  	v20 =	vor.u32 v6, v8;
	v15 =	vbroadcast v15, $0x0;
	v26 =	vld.idx.msk [tilespmem:v24+s23+$0x0], $0xffff;
	[tilespmem:s26+$0x60] =	vst v35  }
0x3a7: {  	[tilespmem:s14+$0xFFFFFFD0] =	vst v28;
	v24 =	vld.idx.msk [tilespmem:v18+s23+$0x0], $0xffff  }
0x3a8: {  	v30 =	vor.u32 v0, v15;
	v18 =	vor.u32 v4, v15;
	[tilespmem:s29+$0x10] =	vst v36;
	v21 =	vld.idx.msk [tilespmem:v37+s23+$0x0], $0xffff  }
0x3a9: {  	v28 =	vor.u32 v4, v9;
	v23 =	vld.idx.msk [tilespmem:v32+s23+$0x0], $0xffff;
	[tilespmem:s6+$0x10] =	vst v33  }
0x3aa: {  	_ =	sdelay $0x3  }
0x3ab: {  	v30 =	vld.idx.msk [tilespmem:v30+s23+$0x0], $0xffff  }
0x3ac: {  	v31 =	vor.u32 v1, v15;
	_ =	sdelay $0x1  }
0x3ad: {  	[tilespmem:s17+$0x30] =	vst v27;
	s1 =	sand.u32 $0x380, s1  }
0x3ae: {  	[tilespmem:s3+$0x60] =	vst v25;
	s1 =	sor.u32 s1, s13  }
0x3af: {  	[tilespmem:s1+$0x0] =	vst v30  }
0x3b0: {  	[tilespmem:s10+$0x30] =	vst v26;
	v25 =	vld.idx.msk [tilespmem:v31+s23+$0x0], $0xffff  }
0x3b1: {  	v26 =	vld.idx.msk [tilespmem:v29+s23+$0x0], $0xffff;
	[tilespmem:s26+$0x70] =	vst v24;
	v24 =	vor.u32 v2, v15  }
0x3b2: {  	[tilespmem:s0+$0x30] =	vst v19;
	v19 =	vor.u32 v6, v10;
	v22 =	vld.idx.msk [tilespmem:v22+s23+$0x0], $0xffff  }
0x3b3: {  	v17 =	vld.idx.msk [tilespmem:v17+s23+$0x0], $0xffff;
	[tilespmem:s11+$0x20] =	vst v23;
	v23 =	vor.u32 v3, v12  }
0x3b4: {  	v27 =	vor.u32 v3, v13;
	v28 =	vld.idx.msk [tilespmem:v28+s23+$0x0], $0xffff;
	[tilespmem:s22+$0x50] =	vst v21  }
0x3b5: {  	v16 =	vld.idx.msk [tilespmem:v16+s23+$0x0], $0xffff;
	v21 =	vor.u32 v3, v14;
	[tilespmem:s1+$0x10] =	vst v25  }
0x3b6: {  	[tilespmem:s14+$0xFFFFFFE0] =	vst v26;
	v24 =	vld.idx.msk [tilespmem:v24+s23+$0x0], $0xffff  }
0x3b7: {  	v19 =	vld.idx.msk [tilespmem:v19+s23+$0x0], $0xffff;
	[tilespmem:s3+$0x70] =	vst v22;
	v22 =	vor.u32 v3, v15  }
0x3b8: {  	v10 =	vor.u32 v7, v10;
	[tilespmem:s6+$0x20] =	vst v17;
	v23 =	vld.idx.msk [tilespmem:v23+s23+$0x0], $0xffff  }
0x3b9: {  	[tilespmem:s17+$0x40] =	vst v28;
	v25 =	vld.idx.msk [tilespmem:v27+s23+$0x0], $0xffff;
	v27 =	vor.u32 v5, v9  }
0x3ba: {  	v26 =	vor.u32 v4, v13;
	[tilespmem:s10+$0x40] =	vst v16;
	v16 =	vld.idx.msk [tilespmem:v21+s23+$0x0], $0xffff  }
0x3bb: {  	v17 =	vld.idx.msk [tilespmem:v20+s23+$0x0], $0xffff;
	v20 =	vor.u32 v4, v14;
	[tilespmem:s1+$0x20] =	vst v24  }
0x3bc: {  	v21 =	vor.u32 v4, v12;
	[tilespmem:s22+$0x60] =	vst v19;
	v22 =	vld.idx.msk [tilespmem:v22+s23+$0x0], $0xffff  }
0x3bd: {  	v10 =	vld.idx.msk [tilespmem:v10+s23+$0x0], $0xffff;
	[tilespmem:s14+$0xFFFFFFF0] =	vst v23  }
0x3be: {  	v19 =	vor.u32 v5, v11;
	[tilespmem:s11+$0x30] =	vst v25;
	v23 =	vld.idx.msk [tilespmem:v27+s23+$0x0], $0xffff  }
0x3bf: {  	[tilespmem:s6+$0x30] =	vst v16;
	v25 =	vor.u32 v6, v9;
	v24 =	vld.idx.msk [tilespmem:v26+s23+$0x0], $0xffff  }
0x3c0: {  	[tilespmem:s29+$0x20] =	vst v17;
	v16 =	vor.u32 v5, v13;
	v17 =	vld.idx.msk [tilespmem:v20+s23+$0x0], $0xffff  }
0x3c1: {  	v20 =	vld.idx.msk [tilespmem:v21+s23+$0x0], $0xffff;
	v21 =	vor.u32 v5, v14;
	[tilespmem:s1+$0x30] =	vst v22  }
0x3c2: {  	[tilespmem:s22+$0x70] =	vst v10;
	v22 =	vor.u32 v5, v12;
	v18 =	vld.idx.msk [tilespmem:v18+s23+$0x0], $0xffff  }
0x3c3: {  	v19 =	vld.idx.msk [tilespmem:v19+s23+$0x0], $0xffff;
	[tilespmem:s17+$0x50] =	vst v23;
	v23 =	vor.u32 v5, v15  }
0x3c4: {  	v10 =	vor.u32 v6, v11;
	[tilespmem:s11+$0x40] =	vst v24;
	v24 =	vld.idx.msk [tilespmem:v25+s23+$0x0], $0xffff  }
0x3c5: {  	v9 =	vor.u32 v7, v9;
	[tilespmem:s6+$0x40] =	vst v17;
	v16 =	vld.idx.msk [tilespmem:v16+s23+$0x0], $0xffff  }
0x3c6: {  	v17 =	vor.u32 v6, v13;
	[tilespmem:s14+$0x0] =	vst v20;
	v20 =	vld.idx.msk [tilespmem:v21+s23+$0x0], $0xffff  }
0x3c7: {  	v21 =	vld.idx.msk [tilespmem:v22+s23+$0x0], $0xffff;
	[tilespmem:s1+$0x40] =	vst v18;
	v18 =	vor.u32 v6, v14  }
0x3c8: {  	[tilespmem:s10+$0x50] =	vst v19;
	v19 =	vor.u32 v6, v12;
	v22 =	vld.idx.msk [tilespmem:v23+s23+$0x0], $0xffff  }
0x3c9: {  	v10 =	vld.idx.msk [tilespmem:v10+s23+$0x0], $0xffff;
	[tilespmem:s17+$0x60] =	vst v24;
	v23 =	vor.u32 v6, v15  }
0x3ca: {  	v8 =	vor.u32 v7, v8;
	v9 =	vld.idx.msk [tilespmem:v9+s23+$0x0], $0xffff;
	[tilespmem:s11+$0x50] =	vst v16  }
0x3cb: {  	v11 =	vor.u32 v7, v11;
	[tilespmem:s6+$0x50] =	vst v20;
	v16 =	vld.idx.msk [tilespmem:v17+s23+$0x0], $0xffff  }
0x3cc: {  	v13 =	vor.u32 v7, v13;
	[tilespmem:s14+$0x10] =	vst v21;
	v17 =	vld.idx.msk [tilespmem:v18+s23+$0x0], $0xffff  }
0x3cd: {  	v14 =	vor.u32 v7, v14;
	v18 =	vld.idx.msk [tilespmem:v19+s23+$0x0], $0xffff;
	[tilespmem:s1+$0x50] =	vst v22  }
0x3ce: {  	[tilespmem:s10+$0x60] =	vst v10;
	v10 =	vor.u32 v7, v12;
	v12 =	vld.idx.msk [tilespmem:v23+s23+$0x0], $0xffff  }
0x3cf: {  	v8 =	vld.idx.msk [tilespmem:v8+s23+$0x0], $0xffff;
	[tilespmem:s17+$0x70] =	vst v9;
	v9 =	vor.u32 v7, v15  }
0x3d0: {  	v11 =	vld.idx.msk [tilespmem:v11+s23+$0x0], $0xffff;
	[tilespmem:s11+$0x60] =	vst v16  }
0x3d1: {  	v13 =	vld.idx.msk [tilespmem:v13+s23+$0x0], $0xffff;
	[tilespmem:s6+$0x60] =	vst v17  }
0x3d2: {  	[tilespmem:s14+$0x20] =	vst v18;
	v14 =	vld.idx.msk [tilespmem:v14+s23+$0x0], $0xffff  }
0x3d3: {  	v10 =	vld.idx.msk [tilespmem:v10+s23+$0x0], $0xffff;
	[tilespmem:s1+$0x60] =	vst v12  }
0x3d4: {  	[tilespmem:s29+$0x30] =	vst v8;
	v8 =	vld.idx.msk [tilespmem:v9+s23+$0x0], $0xffff  }
0x3d5: {  	[tilespmem:s10+$0x70] =	vst v11  }
0x3d6: {  	[tilespmem:s11+$0x70] =	vst v13  }
0x3d7: {  	[tilespmem:s6+$0x70] =	vst v14  }
0x3d8: {  	[tilespmem:s14+$0x30] =	vst v10  }
0x3d9: {  	s0 =	sadd.s32 @!p0 $0x680, s19;
	s3 =	simm.s32 @!p0 $0x10400;
	[tilespmem:s1+$0x70] =	vst v8;
	s1 =	simm.s32 @!p0 $0x80  }
0x3da: {  	[tilespmem:s3], [sflag:$0x6] =	stream.indirect.gather @!p0 [hbm4b:s4+s1], $0x40, s0, s1, $0xb8;
	[tilespmem:$0x1E400] =	vst v63  }
0x3db: {  	s22 =	rddreg [dreg:$0x4]  }
0x3dc: {  	s26 =	simm.s32 $0x0;
	s0 =	sor.u32 s22, s24  }
0x3dd: {  	v8 =	vmov s26;
	s3 =	simm.s32 $0x1;
	s0 =	sshrl.u32 s0, $0x3  }
0x3de: {  	s7 =	simm.s32 $0x7;
	s6 =	simm.s32 $0x18400;
	v8 =	vand.u32 $0x3C, v8;
	v9 =	vmov s3;
	s0 =	sadd.s32 s2, s0  }
0x3df: {  	v15 =	vbroadcast v8, $0x0;
	v8 =	vand.u32 $0x3D, v9;
	[hbm4b:s0+s30] =	stream.strided.scatter [tilespmem:s6], [sflag:$0xA], $0x2000, s31, s30, $0x38;
	[tilespmem:$0x1E400] =	vst v63  }
0x3e0: {  	v17 =	vbroadcast v8, $0x0;
	_ =	swait.ge [sflag:s7], $0x2000  }
0x3e1: {  	v8 =	vor.u32 v0, v15;
	[sflag:s7] =	ssyncset.done $0x0  }
0x3e2: {  	s8 =	simm.s32 $0xB;
	v9 =	vor.u32 v0, v17;
	[sflag:s7] =	ssyncadd.s32 $0xFFFFE000  }
0x3e3: {  	_ =	swait.ge [sflag:s8], $0x2000  }
0x3e4: {  	[sflag:s8] =	ssyncset.done $0x0  }
0x3e5: {  	[sflag:s8] =	ssyncadd.s32 $0xFFFFE000  }
0x3e6: {  	v8 =	vld.idx.msk [tilespmem:v8+s25+$0x0], $0xffff  }
0x3e7: {  	s9 =	simm.s32 $0x2;
	v10 =	vor.u32 v1, v15;
	v9 =	vld.idx.msk [tilespmem:v9+s25+$0x0], $0xffff  }
0x3e8: {  	v11 =	vmov s9;
	s10 =	simm.s32 $0x0;
	v12 =	vor.u32 v1, v17  }
0x3e9: {  	s13 =	simm.s32 $0x80;
	v11 =	vand.u32 $0x3E, v11;
	s11 =	sand.u32 $0x1C00, s10  }
0x3ea: {  	v16 =	vbroadcast v11, $0x0;
	s1 =	sadd.s32 $0x1A400, s11;
	s3 =	sand.u32 $0x280, s13;
	s0 =	simm.s32 $0x1A440  }
0x3eb: {  	s14 =	simm.s32 $0x3;
	s6 =	sor.u32 s3, s1;
	[tilespmem:s0+$0xFFFFFFC0] =	vst v8  }
0x3ec: {  	v8 =	vor.u32 v0, v16;
	[tilespmem:s6+$0x0] =	vst v9;
	v9 =	vld.idx.msk [tilespmem:v10+s25+$0x0], $0xffff;
	v10 =	vmov s14  }
0x3ed: {  	v11 =	vld.idx.msk [tilespmem:v12+s25+$0x0], $0xffff;
	v12 =	vor.u32 v2, v15;
	v10 =	vand.u32 $0x3F, v10  }
0x3ee: {  	v13 =	vor.u32 v2, v17;
	v18 =	vbroadcast v10, $0x0;
	_ =	sdelay $0x1  }
0x3ef: {  	s17 =	simm.s32 $0x4;
	v14 =	vor.u32 v0, v18  }
0x3f0: {  	v19 =	vld.idx.msk [tilespmem:v8+s25+$0x0], $0xffff;
	v8 =	vmov s17;
	[tilespmem:s0+$0xFFFFFFD0] =	vst v9  }
0x3f1: {  	v20 =	vor.u32 v1, v16;
	s22 =	simm.s32 $0x5;
	[tilespmem:s6+$0x10] =	vst v11;
	v8 =	vand.u32 $0x3C, v8;
	v11 =	vld.idx.msk [tilespmem:v12+s25+$0x0], $0xffff  }
0x3f2: {  	s26 =	simm.s32 $0x6;
	s7 =	simm.s32 $0x100;
	v9 =	vmov s22;
	v12 =	vld.idx.msk [tilespmem:v13+s25+$0x0], $0xffff;
	v8 =	vbroadcast v8, $0x0;
	v13 =	vor.u32 v3, v15  }
0x3f3: {  	v22 =	vmov s26;
	v21 =	vor.u32 v3, v17;
	s7 =	sand.u32 $0x300, s7;
	v9 =	vand.u32 $0x3D, v9  }
0x3f4: {  	s26 =	sor.u32 s7, s1;
	v10 =	vbroadcast v9, $0x0;
	v9 =	vand.u32 $0x3E, v22;
	v22 =	vor.u32 v0, v8;
	v14 =	vld.idx.msk [tilespmem:v14+s25+$0x0], $0xffff  }
0x3f5: {  	v9 =	vbroadcast v9, $0x0;
	[tilespmem:s26+$0x0] =	vst v19;
	v19 =	vor.u32 v1, v18  }
0x3f6: {  	s8 =	simm.s32 $0x180;
	v23 =	vor.u32 v0, v10;
	v20 =	vld.idx.msk [tilespmem:v20+s25+$0x0], $0xffff;
	[tilespmem:s0+$0xFFFFFFE0] =	vst v11  }
0x3f7: {  	s3 =	sand.u32 $0x380, s8;
	[tilespmem:s6+$0x20] =	vst v12;
	v11 =	vor.u32 v0, v9;
	v12 =	vld.idx.msk [tilespmem:v13+s25+$0x0], $0xffff  }
0x3f8: {  	s3 =	sor.u32 s3, s1;
	v13 =	vld.idx.msk [tilespmem:v21+s25+$0x0], $0xffff;
	v21 =	vor.u32 v4, v15  }
0x3f9: {  	v24 =	vor.u32 v4, v17;
	v22 =	vld.idx.msk [tilespmem:v22+s25+$0x0], $0xffff;
	[tilespmem:s3+$0x0] =	vst v14  }
0x3fa: {  	v14 =	vor.u32 v2, v16;
	v19 =	vld.idx.msk [tilespmem:v19+s25+$0x0], $0xffff  }
0x3fb: {  	v25 =	vor.u32 v2, v18;
	v23 =	vld.idx.msk [tilespmem:v23+s25+$0x0], $0xffff;
	[tilespmem:s26+$0x10] =	vst v20  }
0x3fc: {  	s9 =	simm.s32 $0x200;
	v26 =	vor.u32 v1, v8;
	v11 =	vld.idx.msk [tilespmem:v11+s25+$0x0], $0xffff;
	[tilespmem:s0+$0xFFFFFFF0] =	vst v12  }
0x3fd: {  	s29 =	simm.s32 $0x1A640;
	s10 =	simm.s32 $0x280;
	s1 =	sand.u32 $0x1C00, s9;
	v12 =	vor.u32 v1, v10;
	[tilespmem:s6+$0x30] =	vst v13;
	v13 =	vld.idx.msk [tilespmem:v21+s25+$0x0], $0xffff  }
0x3fe: {  	s7 =	sand.u32 $0x280, s10;
	s8 =	simm.s32 $0x300;
	s1 =	sadd.s32 $0x1A400, s1;
	v20 =	vld.idx.msk [tilespmem:v24+s25+$0x0], $0xffff;
	v24 =	vor.u32 v1, v9;
	[tilespmem:s29+$0xFFFFFFC0] =	vst v22  }
0x3ff: {  	s11 =	sand.u32 $0x300, s8;
	s22 =	sor.u32 s7, s1;
	v21 =	vor.u32 v5, v15;
	v14 =	vld.idx.msk [tilespmem:v14+s25+$0x0], $0xffff;
	[tilespmem:s3+$0x10] =	vst v19  }
0x400: {  	s17 =	sor.u32 s11, s1;
	[tilespmem:s22+$0x0] =	vst v23;
	v19 =	vor.u32 v3, v16;
	v22 =	vld.idx.msk [tilespmem:v25+s25+$0x0], $0xffff  }
0x401: {  	v23 =	vld.idx.msk [tilespmem:v26+s25+$0x0], $0xffff;
	v25 =	vor.u32 v3, v18;
	[tilespmem:s17+$0x0] =	vst v11  }
0x402: {  	s13 =	simm.s32 $0x7;
	v12 =	vld.idx.msk [tilespmem:v12+s25+$0x0], $0xffff;
	[tilespmem:s0+$0x0] =	vst v13;
	v13 =	vor.u32 v5, v17  }
0x403: {  	v27 =	vor.u32 v2, v10;
	v26 =	vmov s13;
	v24 =	vld.idx.msk [tilespmem:v24+s25+$0x0], $0xffff  }
0x404: {  	v11 =	vand.u32 $0x3F, v26;
	v21 =	vld.idx.msk [tilespmem:v21+s25+$0x0], $0xffff;
	[tilespmem:s26+$0x20] =	vst v14;
	v14 =	vor.u32 v2, v8  }
0x405: {  	v11 =	vbroadcast v11, $0x0;
	v19 =	vld.idx.msk [tilespmem:v19+s25+$0x0], $0xffff;
	[tilespmem:s3+$0x20] =	vst v22;
	v22 =	vor.u32 v6, v15  }
0x406: {  	v28 =	vor.u32 v4, v16;
	[tilespmem:s6+$0x40] =	vst v20;
	v20 =	vld.idx.msk [tilespmem:v25+s25+$0x0], $0xffff  }
0x407: {  	s14 =	simm.s32 $0x8;
	v25 =	vor.u32 v0, v11;
	[tilespmem:s22+$0x10] =	vst v12;
	v26 =	vld.idx.msk [tilespmem:v13+s25+$0x0], $0xffff  }
0x408: {  	s8 =	simm.s32 $0x9;
	v29 =	vor.u32 v4, v18;
	[tilespmem:s29+$0xFFFFFFD0] =	vst v23;
	v12 =	vmov s14;
	v23 =	vld.idx.msk [tilespmem:v27+s25+$0x0], $0xffff  }
0x409: {  	v12 =	vand.u32 $0x3C, v12;
	v13 =	vmov s8;
	v27 =	vor.u32 v3, v10;
	[tilespmem:s0+$0x10] =	vst v21;
	v21 =	vld.idx.msk [tilespmem:v14+s25+$0x0], $0xffff  }
0x40a: {  	v30 =	vor.u32 v6, v17;
	s9 =	simm.s32 $0xA;
	v12 =	vbroadcast v12, $0x0;
	v13 =	vand.u32 $0x3D, v13;
	[tilespmem:s26+$0x30] =	vst v19;
	v22 =	vld.idx.msk [tilespmem:v22+s25+$0x0], $0xffff  }
0x40b: {  	v14 =	vmov s9;
	v13 =	vbroadcast v13, $0x0;
	v19 =	vor.u32 v3, v8;
	v28 =	vld.idx.msk [tilespmem:v28+s25+$0x0], $0xffff  }
0x40c: {  	v14 =	vand.u32 $0x3E, v14;
	v25 =	vld.idx.msk [tilespmem:v25+s25+$0x0], $0xffff;
	[tilespmem:s3+$0x30] =	vst v20;
	v20 =	vor.u32 v0, v12  }
0x40d: {  	v14 =	vbroadcast v14, $0x0;
	v31 =	vor.u32 v0, v13;
	[tilespmem:s22+$0x20] =	vst v23;
	v23 =	vld.idx.msk [tilespmem:v29+s25+$0x0], $0xffff  }
0x40e: {  	v29 =	vor.u32 v1, v11;
	[tilespmem:s6+$0x50] =	vst v26;
	v27 =	vld.idx.msk [tilespmem:v27+s25+$0x0], $0xffff  }
0x40f: {  	s10 =	simm.s32 $0x380;
	v26 =	vor.u32 v0, v14;
	[tilespmem:s29+$0xFFFFFFE0] =	vst v21;
	v21 =	vld.idx.msk [tilespmem:v30+s25+$0x0], $0xffff  }
0x410: {  	s7 =	sand.u32 $0x380, s10;
	[tilespmem:s17+$0x10] =	vst v24;
	v24 =	vor.u32 v4, v10;
	v19 =	vld.idx.msk [tilespmem:v19+s25+$0x0], $0xffff  }
0x411: {  	s10 =	sor.u32 s7, s1;
	v17 =	vor.u32 v7, v17;
	[tilespmem:s26+$0x40] =	vst v28;
	v20 =	vld.idx.msk [tilespmem:v20+s25+$0x0], $0xffff  }
0x412: {  	v28 =	vor.u32 v5, v16;
	[tilespmem:s10+$0x0] =	vst v25;
	v25 =	vld.idx.msk [tilespmem:v31+s25+$0x0], $0xffff  }
0x413: {  	v30 =	vor.u32 v5, v18;
	v29 =	vld.idx.msk [tilespmem:v29+s25+$0x0], $0xffff;
	[tilespmem:s3+$0x40] =	vst v23  }
0x414: {  	v23 =	vld.idx.msk [tilespmem:v26+s25+$0x0], $0xffff;
	v26 =	vor.u32 v4, v8;
	[tilespmem:s22+$0x30] =	vst v27  }
0x415: {  	s11 =	simm.s32 $0x400;
	v27 =	vor.u32 v1, v12;
	[tilespmem:s6+$0x60] =	vst v21;
	v24 =	vld.idx.msk [tilespmem:v24+s25+$0x0], $0xffff  }
0x416: {  	s1 =	sand.u32 $0x1C00, s11;
	s13 =	simm.s32 $0x480;
	s14 =	simm.s32 $0x1A840;
	v21 =	vor.u32 v2, v9;
	[tilespmem:s29+$0xFFFFFFF0] =	vst v19;
	v17 =	vld.idx.msk [tilespmem:v17+s25+$0x0], $0xffff  }
0x417: {  	s7 =	sand.u32 $0x280, s13;
	s13 =	sadd.s32 $0x1A400, s1;
	v19 =	vor.u32 v1, v13;
	[tilespmem:s14+$0xFFFFFFC0] =	vst v20;
	v20 =	vld.idx.msk [tilespmem:v28+s25+$0x0], $0xffff  }
0x418: {  	s11 =	sor.u32 s7, s13;
	v15 =	vor.u32 v7, v15;
	[tilespmem:s0+$0x20] =	vst v22;
	v28 =	vld.idx.msk [tilespmem:v30+s25+$0x0], $0xffff  }
0x419: {  	[tilespmem:s11+$0x0] =	vst v25;
	v25 =	vor.u32 v2, v11;
	v26 =	vld.idx.msk [tilespmem:v26+s25+$0x0], $0xffff  }
0x41a: {  	s8 =	simm.s32 $0x500;
	v22 =	vor.u32 v6, v16;
	[tilespmem:s10+$0x10] =	vst v29;
	v30 =	vld.idx.msk [tilespmem:v27+s25+$0x0], $0xffff  }
0x41b: {  	s1 =	sand.u32 $0x300, s8;
	v27 =	vor.u32 v5, v8;
	v21 =	vld.idx.msk [tilespmem:v21+s25+$0x0], $0xffff;
	[tilespmem:s22+$0x40] =	vst v24  }
0x41c: {  	v32 =	vor.u32 v5, v10;
	v29 =	vld.idx.msk [tilespmem:v19+s25+$0x0], $0xffff;
	[tilespmem:s6+$0x70] =	vst v17;
	s6 =	sor.u32 s1, s13  }
0x41d: {  	v24 =	vor.u32 v1, v14;
	v19 =	vld.idx.msk [tilespmem:v15+s25+$0x0], $0xffff;
	[tilespmem:s6+$0x0] =	vst v23  }
0x41e: {  	v17 =	vor.u32 v3, v9;
	v25 =	vld.idx.msk [tilespmem:v25+s25+$0x0], $0xffff;
	[tilespmem:s26+$0x50] =	vst v20  }
0x41f: {  	v20 =	vor.u32 v6, v18;
	v22 =	vld.idx.msk [tilespmem:v22+s25+$0x0], $0xffff;
	[tilespmem:s29+$0x0] =	vst v26  }
0x420: {  	s9 =	simm.s32 $0xB;
	[tilespmem:s3+$0x50] =	vst v28;
	v26 =	vor.u32 v3, v11;
	v23 =	vld.idx.msk [tilespmem:v27+s25+$0x0], $0xffff  }
0x421: {  	v15 =	vmov s9;
	v28 =	vor.u32 v7, v16;
	[tilespmem:s17+$0x20] =	vst v21;
	v21 =	vld.idx.msk [tilespmem:v32+s25+$0x0], $0xffff  }
0x422: {  	v33 =	vor.u32 v2, v13;
	v15 =	vand.u32 $0x3F, v15;
	[tilespmem:s14+$0xFFFFFFD0] =	vst v30;
	v31 =	vld.idx.msk [tilespmem:v24+s25+$0x0], $0xffff  }
0x423: {  	v15 =	vbroadcast v15, $0x0;
	[tilespmem:s11+$0x10] =	vst v29;
	v27 =	vld.idx.msk [tilespmem:v17+s25+$0x0], $0xffff  }
0x424: {  	v16 =	vor.u32 v4, v11;
	v29 =	vor.u32 v2, v12;
	[tilespmem:s10+$0x20] =	vst v25;
	v25 =	vld.idx.msk [tilespmem:v20+s25+$0x0], $0xffff  }
0x425: {  	v30 =	vor.u32 v0, v15;
	v20 =	vor.u32 v6, v8;
	v26 =	vld.idx.msk [tilespmem:v26+s25+$0x0], $0xffff;
	[tilespmem:s26+$0x60] =	vst v22  }
0x426: {  	v17 =	vor.u32 v2, v14;
	v22 =	vor.u32 v7, v18;
	v24 =	vld.idx.msk [tilespmem:v28+s25+$0x0], $0xffff;
	[tilespmem:s29+$0x10] =	vst v23  }
0x427: {  	s7 =	simm.s32 $0xC;
	s1 =	simm.s32 $0x580;
	v18 =	vor.u32 v4, v15;
	v23 =	vld.idx.msk [tilespmem:v33+s25+$0x0], $0xffff;
	v28 =	vor.u32 v4, v9;
	[tilespmem:s6+$0x10] =	vst v31  }
.LBB2_15:
0x428: {  	s9 =	sadd.s32 $0x1, s7  }
0x429: {  	v31 =	vmov s7;
	p1 =	slt.u32 s7, $0x3C;
	v29 =	vld.idx.msk [tilespmem:v29+s25+$0x0], $0xffff;
	v32 =	vor.u32 v6, v10;
	[tilespmem:s17+$0x30] =	vst v27;
	s8 =	smov.u32 s7;
	s7 =	sadd.s32 $0x4, s7  }
0x42a: {  	v33 =	vor.u32 v3, v13;
	v27 =	vand.u32 $0x3C, v31;
	v31 =	vmov s9;
	s9 =	sadd.s32 $0x2, s8;
	v20 =	vld.idx.msk [tilespmem:v20+s25+$0x0], $0xffff;
	[tilespmem:s3+$0x60] =	vst v25  }
0x42b: {  	v25 =	vbroadcast v27, $0x0;
	v27 =	vand.u32 $0x3D, v31;
	v31 =	vmov s9;
	[tilespmem:s10+$0x30] =	vst v26;
	v22 =	vld.idx.msk [tilespmem:v22+s25+$0x0], $0xffff  }
0x42c: {  	v26 =	vbroadcast v27, $0x0;
	v27 =	vand.u32 $0x3E, v31;
	v31 =	vor.u32 v3, v12;
	v30 =	vld.idx.msk [tilespmem:v30+s25+$0x0], $0xffff;
	[tilespmem:s26+$0x70] =	vst v24;
	s26 =	smov.u32 s17;
	s17 =	smov.u32 s6  }
0x42d: {  	v24 =	vor.u32 v0, v25;
	v27 =	vbroadcast v27, $0x0;
	v28 =	vld.idx.msk [tilespmem:v28+s25+$0x0], $0xffff;
	[tilespmem:s0+$0x30] =	vst v19;
	s0 =	smov.u32 s29;
	s29 =	smov.u32 s14  }
0x42e: {  	v19 =	vor.u32 v0, v26;
	[tilespmem:s11+$0x20] =	vst v23;
	v23 =	vld.idx.msk [tilespmem:v16+s25+$0x0], $0xffff;
	v16 =	vmov v18  }
0x42f: {  	v34 =	vor.u32 v1, v15;
	v18 =	vor.u32 v0, v27;
	v33 =	vld.idx.msk [tilespmem:v33+s25+$0x0], $0xffff;
	[tilespmem:s22+$0x50] =	vst v21  }
0x430: {  	s6 =	sand.u32 $0x380, s1;
	[tilespmem:s14+$0xFFFFFFE0] =	vst v29;
	v21 =	vld.idx.msk [tilespmem:v32+s25+$0x0], $0xffff  }
0x431: {  	v29 =	vld.idx.msk [tilespmem:v31+s25+$0x0], $0xffff;
	v31 =	vor.u32 v4, v13;
	[tilespmem:s3+$0x70] =	vst v22;
	s3 =	smov.u32 s10;
	s10 =	sor.u32 s6, s13  }
0x432: {  	v22 =	vld.idx.msk [tilespmem:v24+s25+$0x0], $0xffff;
	[tilespmem:s10+$0x0] =	vst v30;
	v24 =	vor.u32 v7, v10;
	v10 =	vmov v13;
	v13 =	vmov v26  }
0x433: {  	v26 =	vor.u32 v5, v9;
	v19 =	vld.idx.msk [tilespmem:v19+s25+$0x0], $0xffff;
	[tilespmem:s26+$0x40] =	vst v28;
	v28 =	vor.u32 v5, v11  }
0x434: {  	s1 =	sadd.s32 $0x200, s1;
	v30 =	vor.u32 v1, v25;
	v32 =	vld.idx.msk [tilespmem:v34+s25+$0x0], $0xffff;
	[tilespmem:s3+$0x40] =	vst v23  }
0x435: {  	s6 =	sadd.s32 $0xFFFFFE80, s1;
	v23 =	vor.u32 v1, v13;
	v34 =	vor.u32 v4, v12;
	v18 =	vld.idx.msk [tilespmem:v18+s25+$0x0], $0xffff;
	[tilespmem:s11+$0x30] =	vst v33  }
0x436: {  	s9 =	sadd.s32 $0xFFFFFF00, s1;
	s14 =	sadd.s32 $0x200, s14;
	s6 =	sand.u32 $0x1C00, s6;
	v33 =	vor.u32 v1, v27;
	v31 =	vld.idx.msk [tilespmem:v31+s25+$0x0], $0xffff;
	[tilespmem:s22+$0x60] =	vst v21  }
0x437: {  	s9 =	sand.u32 $0x280, s9;
	s13 =	sadd.s32 $0x1A400, s6;
	s6 =	sadd.s32 $0xFFFFFF80, s1;
	[tilespmem:s29+$0xFFFFFFF0] =	vst v29;
	v21 =	vld.idx.msk [tilespmem:v24+s25+$0x0], $0xffff  }
0x438: {  	s9 =	sor.u32 s9, s13;
	s6 =	sand.u32 $0x300, s6;
	[tilespmem:s14+$0xFFFFFFC0] =	vst v22;
	v22 =	vld.idx.msk [tilespmem:v26+s25+$0x0], $0xffff  }
0x439: {  	s6 =	sor.u32 s6, s13;
	[tilespmem:s9+$0x0] =	vst v19;
	v19 =	vor.u32 v2, v15;
	v24 =	vld.idx.msk [tilespmem:v28+s25+$0x0], $0xffff  }
0x43a: {  	v26 =	vld.idx.msk [tilespmem:v34+s25+$0x0], $0xffff;
	[tilespmem:s0+$0x20] =	vst v20;
	v20 =	vor.u32 v6, v9  }
0x43b: {  	v29 =	vor.u32 v7, v8;
	v8 =	vmov v12;
	v12 =	vmov v25;
	v28 =	vld.idx.msk [tilespmem:v30+s25+$0x0], $0xffff;
	[tilespmem:s10+$0x10] =	vst v32  }
0x43c: {  	v25 =	vor.u32 v5, v8;
	v32 =	vor.u32 v2, v13;
	[tilespmem:s11+$0x40] =	vst v31;
	v30 =	vld.idx.msk [tilespmem:v17+s25+$0x0], $0xffff  }
0x43d: {  	v17 =	vor.u32 v2, v27;
	v23 =	vld.idx.msk [tilespmem:v23+s25+$0x0], $0xffff;
	[tilespmem:s22+$0x70] =	vst v21;
	s22 =	smov.u32 s11;
	s11 =	smov.u32 s9  }
0x43e: {  	v34 =	vor.u32 v6, v11;
	v21 =	vor.u32 v3, v14;
	v31 =	vld.idx.msk [tilespmem:v19+s25+$0x0], $0xffff;
	[tilespmem:s26+$0x50] =	vst v22  }
0x43f: {  	v35 =	vld.idx.msk [tilespmem:v20+s25+$0x0], $0xffff;
	[tilespmem:s3+$0x50] =	vst v24  }
0x440: {  	v24 =	vor.u32 v3, v15;
	[tilespmem:s29+$0x0] =	vst v26;
	v19 =	vld.idx.msk [tilespmem:v29+s25+$0x0], $0xffff  }
0x441: {  	[tilespmem:s6+$0x0] =	vst v18;
	v36 =	vld.idx.msk [tilespmem:v25+s25+$0x0], $0xffff;
	v18 =	vor.u32 v7, v9;
	v9 =	vmov v14;
	v14 =	vmov v27  }
0x442: {  	s8 =	sadd.s32 $0x3, s8;
	v37 =	vor.u32 v5, v10;
	v33 =	vld.idx.msk [tilespmem:v33+s25+$0x0], $0xffff;
	[tilespmem:s17+$0x20] =	vst v30  }
0x443: {  	v22 =	vor.u32 v7, v11;
	v11 =	vmov v15;
	v20 =	vmov s8;
	[tilespmem:s11+$0x10] =	vst v23;
	v27 =	vld.idx.msk [tilespmem:v21+s25+$0x0], $0xffff  }
.Ltmp6:
0x444: {  	v29 =	vor.u32 v2, v12;
	v15 =	vand.u32 $0x3F, v20;
	[tilespmem:s10+$0x20] =	vst v31;
	v25 =	vld.idx.msk [tilespmem:v34+s25+$0x0], $0xffff;
	(pc) =	sbr.rel @p1 .LBB2_15-.Ltmp6, $4  }
0x445: {  	v20 =	vor.u32 v6, v8;
	v15 =	vbroadcast v15, $0x0;
	v26 =	vld.idx.msk [tilespmem:v24+s25+$0x0], $0xffff;
	[tilespmem:s26+$0x60] =	vst v35  }
0x446: {  	[tilespmem:s14+$0xFFFFFFD0] =	vst v28;
	v24 =	vld.idx.msk [tilespmem:v18+s25+$0x0], $0xffff  }
0x447: {  	v30 =	vor.u32 v0, v15;
	v18 =	vor.u32 v4, v15;
	[tilespmem:s29+$0x10] =	vst v36;
	v21 =	vld.idx.msk [tilespmem:v37+s25+$0x0], $0xffff  }
0x448: {  	v28 =	vor.u32 v4, v9;
	v23 =	vld.idx.msk [tilespmem:v32+s25+$0x0], $0xffff;
	[tilespmem:s6+$0x10] =	vst v33  }
0x449: {  	_ =	sdelay $0x3  }
0x44a: {  	v30 =	vld.idx.msk [tilespmem:v30+s25+$0x0], $0xffff  }
0x44b: {  	v31 =	vor.u32 v1, v15;
	_ =	sdelay $0x1  }
0x44c: {  	[tilespmem:s17+$0x30] =	vst v27;
	s1 =	sand.u32 $0x380, s1  }
0x44d: {  	[tilespmem:s3+$0x60] =	vst v25;
	s1 =	sor.u32 s1, s13  }
0x44e: {  	[tilespmem:s1+$0x0] =	vst v30  }
0x44f: {  	[tilespmem:s10+$0x30] =	vst v26;
	v25 =	vld.idx.msk [tilespmem:v31+s25+$0x0], $0xffff  }
0x450: {  	v26 =	vld.idx.msk [tilespmem:v29+s25+$0x0], $0xffff;
	[tilespmem:s26+$0x70] =	vst v24;
	v24 =	vor.u32 v2, v15  }
0x451: {  	[tilespmem:s0+$0x30] =	vst v19;
	v19 =	vor.u32 v6, v10;
	v22 =	vld.idx.msk [tilespmem:v22+s25+$0x0], $0xffff  }
0x452: {  	v17 =	vld.idx.msk [tilespmem:v17+s25+$0x0], $0xffff;
	[tilespmem:s11+$0x20] =	vst v23;
	v23 =	vor.u32 v3, v12  }
0x453: {  	v27 =	vor.u32 v3, v13;
	v28 =	vld.idx.msk [tilespmem:v28+s25+$0x0], $0xffff;
	[tilespmem:s22+$0x50] =	vst v21  }
0x454: {  	v16 =	vld.idx.msk [tilespmem:v16+s25+$0x0], $0xffff;
	v21 =	vor.u32 v3, v14;
	[tilespmem:s1+$0x10] =	vst v25  }
0x455: {  	[tilespmem:s14+$0xFFFFFFE0] =	vst v26;
	v24 =	vld.idx.msk [tilespmem:v24+s25+$0x0], $0xffff  }
0x456: {  	v19 =	vld.idx.msk [tilespmem:v19+s25+$0x0], $0xffff;
	[tilespmem:s3+$0x70] =	vst v22;
	v22 =	vor.u32 v3, v15  }
0x457: {  	v10 =	vor.u32 v7, v10;
	[tilespmem:s6+$0x20] =	vst v17;
	v23 =	vld.idx.msk [tilespmem:v23+s25+$0x0], $0xffff  }
0x458: {  	[tilespmem:s17+$0x40] =	vst v28;
	v25 =	vld.idx.msk [tilespmem:v27+s25+$0x0], $0xffff;
	v27 =	vor.u32 v5, v9  }
0x459: {  	v26 =	vor.u32 v4, v13;
	[tilespmem:s10+$0x40] =	vst v16;
	v16 =	vld.idx.msk [tilespmem:v21+s25+$0x0], $0xffff  }
0x45a: {  	v17 =	vld.idx.msk [tilespmem:v20+s25+$0x0], $0xffff;
	v20 =	vor.u32 v4, v14;
	[tilespmem:s1+$0x20] =	vst v24  }
0x45b: {  	v21 =	vor.u32 v4, v12;
	[tilespmem:s22+$0x60] =	vst v19;
	v22 =	vld.idx.msk [tilespmem:v22+s25+$0x0], $0xffff  }
0x45c: {  	v10 =	vld.idx.msk [tilespmem:v10+s25+$0x0], $0xffff;
	[tilespmem:s14+$0xFFFFFFF0] =	vst v23  }
0x45d: {  	v19 =	vor.u32 v5, v11;
	[tilespmem:s11+$0x30] =	vst v25;
	v23 =	vld.idx.msk [tilespmem:v27+s25+$0x0], $0xffff  }
0x45e: {  	[tilespmem:s6+$0x30] =	vst v16;
	v25 =	vor.u32 v6, v9;
	v24 =	vld.idx.msk [tilespmem:v26+s25+$0x0], $0xffff  }
0x45f: {  	[tilespmem:s29+$0x20] =	vst v17;
	v16 =	vor.u32 v5, v13;
	v17 =	vld.idx.msk [tilespmem:v20+s25+$0x0], $0xffff  }
0x460: {  	v20 =	vld.idx.msk [tilespmem:v21+s25+$0x0], $0xffff;
	v21 =	vor.u32 v5, v14;
	[tilespmem:s1+$0x30] =	vst v22  }
0x461: {  	[tilespmem:s22+$0x70] =	vst v10;
	v22 =	vor.u32 v5, v12;
	v18 =	vld.idx.msk [tilespmem:v18+s25+$0x0], $0xffff  }
0x462: {  	v19 =	vld.idx.msk [tilespmem:v19+s25+$0x0], $0xffff;
	[tilespmem:s17+$0x50] =	vst v23;
	v23 =	vor.u32 v5, v15  }
0x463: {  	v10 =	vor.u32 v6, v11;
	[tilespmem:s11+$0x40] =	vst v24;
	v24 =	vld.idx.msk [tilespmem:v25+s25+$0x0], $0xffff  }
0x464: {  	v9 =	vor.u32 v7, v9;
	[tilespmem:s6+$0x40] =	vst v17;
	v16 =	vld.idx.msk [tilespmem:v16+s25+$0x0], $0xffff  }
0x465: {  	v17 =	vor.u32 v6, v13;
	[tilespmem:s14+$0x0] =	vst v20;
	v20 =	vld.idx.msk [tilespmem:v21+s25+$0x0], $0xffff  }
0x466: {  	v21 =	vld.idx.msk [tilespmem:v22+s25+$0x0], $0xffff;
	[tilespmem:s1+$0x40] =	vst v18;
	v18 =	vor.u32 v6, v14  }
0x467: {  	[tilespmem:s10+$0x50] =	vst v19;
	v19 =	vor.u32 v6, v12;
	v22 =	vld.idx.msk [tilespmem:v23+s25+$0x0], $0xffff  }
0x468: {  	v10 =	vld.idx.msk [tilespmem:v10+s25+$0x0], $0xffff;
	[tilespmem:s17+$0x60] =	vst v24;
	v23 =	vor.u32 v6, v15  }
0x469: {  	v8 =	vor.u32 v7, v8;
	v9 =	vld.idx.msk [tilespmem:v9+s25+$0x0], $0xffff;
	[tilespmem:s11+$0x50] =	vst v16  }
0x46a: {  	v11 =	vor.u32 v7, v11;
	[tilespmem:s6+$0x50] =	vst v20;
	v16 =	vld.idx.msk [tilespmem:v17+s25+$0x0], $0xffff  }
0x46b: {  	v13 =	vor.u32 v7, v13;
	[tilespmem:s14+$0x10] =	vst v21;
	v17 =	vld.idx.msk [tilespmem:v18+s25+$0x0], $0xffff  }
0x46c: {  	v14 =	vor.u32 v7, v14;
	v18 =	vld.idx.msk [tilespmem:v19+s25+$0x0], $0xffff;
	[tilespmem:s1+$0x50] =	vst v22  }
0x46d: {  	[tilespmem:s10+$0x60] =	vst v10;
	v10 =	vor.u32 v7, v12;
	v12 =	vld.idx.msk [tilespmem:v23+s25+$0x0], $0xffff  }
0x46e: {  	v8 =	vld.idx.msk [tilespmem:v8+s25+$0x0], $0xffff;
	[tilespmem:s17+$0x70] =	vst v9;
	v9 =	vor.u32 v7, v15  }
0x46f: {  	v11 =	vld.idx.msk [tilespmem:v11+s25+$0x0], $0xffff;
	[tilespmem:s11+$0x60] =	vst v16  }
0x470: {  	v13 =	vld.idx.msk [tilespmem:v13+s25+$0x0], $0xffff;
	[tilespmem:s6+$0x60] =	vst v17  }
0x471: {  	[tilespmem:s14+$0x20] =	vst v18;
	v14 =	vld.idx.msk [tilespmem:v14+s25+$0x0], $0xffff  }
0x472: {  	v10 =	vld.idx.msk [tilespmem:v10+s25+$0x0], $0xffff;
	[tilespmem:s1+$0x60] =	vst v12  }
0x473: {  	[tilespmem:s29+$0x30] =	vst v8;
	v8 =	vld.idx.msk [tilespmem:v9+s25+$0x0], $0xffff  }
0x474: {  	[tilespmem:s10+$0x70] =	vst v11  }
0x475: {  	[tilespmem:s11+$0x70] =	vst v13  }
0x476: {  	[tilespmem:s6+$0x70] =	vst v14  }
0x477: {  	[tilespmem:s14+$0x30] =	vst v10  }
0x478: {  	s0 =	sadd.s32 @!p0 $0x700, s19;
	s3 =	simm.s32 @!p0 $0x12400;
	[tilespmem:s1+$0x70] =	vst v8;
	s1 =	simm.s32 @!p0 $0x80  }
0x479: {  	[tilespmem:s3], [sflag:$0x7] =	stream.indirect.gather @!p0 [hbm4b:s4+s1], $0x40, s0, s1, $0xb8;
	[tilespmem:$0x1E400] =	vst v63  }
0x47a: {  	s22 =	rddreg [dreg:$0x5]  }
0x47b: {  	s26 =	simm.s32 $0x0;
	s0 =	sor.u32 s22, s24  }
0x47c: {  	v8 =	vmov s26;
	s3 =	simm.s32 $0x1;
	s0 =	sshrl.u32 s0, $0x3  }
0x47d: {  	s7 =	simm.s32 $0x8;
	s6 =	simm.s32 $0x1A400;
	v8 =	vand.u32 $0x3C, v8;
	v9 =	vmov s3;
	s0 =	sadd.s32 s2, s0  }
0x47e: {  	v15 =	vbroadcast v8, $0x0;
	v8 =	vand.u32 $0x3D, v9;
	[hbm4b:s0+s30] =	stream.strided.scatter [tilespmem:s6], [sflag:$0xB], $0x2000, s31, s30, $0x38;
	[tilespmem:$0x1E400] =	vst v63  }
0x47f: {  	v17 =	vbroadcast v8, $0x0;
	_ =	swait.ge [sflag:s7], $0x2000  }
0x480: {  	v8 =	vor.u32 v0, v15;
	[sflag:s7] =	ssyncset.done $0x0  }
0x481: {  	s8 =	simm.s32 $0xC;
	v9 =	vor.u32 v0, v17;
	[sflag:s7] =	ssyncadd.s32 $0xFFFFE000  }
0x482: {  	_ =	swait.ge [sflag:s8], $0x2000  }
0x483: {  	[sflag:s8] =	ssyncset.done $0x0  }
0x484: {  	[sflag:s8] =	ssyncadd.s32 $0xFFFFE000  }
0x485: {  	v8 =	vld.idx.msk [tilespmem:v8+s28+$0x0], $0xffff  }
0x486: {  	s9 =	simm.s32 $0x2;
	v10 =	vor.u32 v1, v15;
	v9 =	vld.idx.msk [tilespmem:v9+s28+$0x0], $0xffff  }
0x487: {  	v11 =	vmov s9;
	s10 =	simm.s32 $0x0;
	v12 =	vor.u32 v1, v17  }
0x488: {  	s13 =	simm.s32 $0x80;
	v11 =	vand.u32 $0x3E, v11;
	s11 =	sand.u32 $0x1C00, s10  }
0x489: {  	v16 =	vbroadcast v11, $0x0;
	s1 =	sadd.s32 $0x1C400, s11;
	s3 =	sand.u32 $0x280, s13;
	s0 =	simm.s32 $0x1C440  }
0x48a: {  	s14 =	simm.s32 $0x3;
	s6 =	sor.u32 s3, s1;
	[tilespmem:s0+$0xFFFFFFC0] =	vst v8  }
0x48b: {  	v8 =	vor.u32 v0, v16;
	[tilespmem:s6+$0x0] =	vst v9;
	v9 =	vld.idx.msk [tilespmem:v10+s28+$0x0], $0xffff;
	v10 =	vmov s14  }
0x48c: {  	v11 =	vld.idx.msk [tilespmem:v12+s28+$0x0], $0xffff;
	v12 =	vor.u32 v2, v15;
	v10 =	vand.u32 $0x3F, v10  }
0x48d: {  	v13 =	vor.u32 v2, v17;
	v18 =	vbroadcast v10, $0x0;
	_ =	sdelay $0x1  }
0x48e: {  	s17 =	simm.s32 $0x4;
	v14 =	vor.u32 v0, v18  }
0x48f: {  	v19 =	vld.idx.msk [tilespmem:v8+s28+$0x0], $0xffff;
	v8 =	vmov s17;
	[tilespmem:s0+$0xFFFFFFD0] =	vst v9  }
0x490: {  	v20 =	vor.u32 v1, v16;
	s22 =	simm.s32 $0x5;
	[tilespmem:s6+$0x10] =	vst v11;
	v8 =	vand.u32 $0x3C, v8;
	v11 =	vld.idx.msk [tilespmem:v12+s28+$0x0], $0xffff  }
0x491: {  	s26 =	simm.s32 $0x6;
	s7 =	simm.s32 $0x100;
	v9 =	vmov s22;
	v12 =	vld.idx.msk [tilespmem:v13+s28+$0x0], $0xffff;
	v8 =	vbroadcast v8, $0x0;
	v13 =	vor.u32 v3, v15  }
0x492: {  	v22 =	vmov s26;
	v21 =	vor.u32 v3, v17;
	s7 =	sand.u32 $0x300, s7;
	v9 =	vand.u32 $0x3D, v9  }
0x493: {  	s26 =	sor.u32 s7, s1;
	v10 =	vbroadcast v9, $0x0;
	v9 =	vand.u32 $0x3E, v22;
	v22 =	vor.u32 v0, v8;
	v14 =	vld.idx.msk [tilespmem:v14+s28+$0x0], $0xffff  }
0x494: {  	v9 =	vbroadcast v9, $0x0;
	[tilespmem:s26+$0x0] =	vst v19;
	v19 =	vor.u32 v1, v18  }
0x495: {  	s8 =	simm.s32 $0x180;
	v23 =	vor.u32 v0, v10;
	v20 =	vld.idx.msk [tilespmem:v20+s28+$0x0], $0xffff;
	[tilespmem:s0+$0xFFFFFFE0] =	vst v11  }
0x496: {  	s3 =	sand.u32 $0x380, s8;
	[tilespmem:s6+$0x20] =	vst v12;
	v11 =	vor.u32 v0, v9;
	v12 =	vld.idx.msk [tilespmem:v13+s28+$0x0], $0xffff  }
0x497: {  	s3 =	sor.u32 s3, s1;
	v13 =	vld.idx.msk [tilespmem:v21+s28+$0x0], $0xffff;
	v21 =	vor.u32 v4, v15  }
0x498: {  	v24 =	vor.u32 v4, v17;
	v22 =	vld.idx.msk [tilespmem:v22+s28+$0x0], $0xffff;
	[tilespmem:s3+$0x0] =	vst v14  }
0x499: {  	v14 =	vor.u32 v2, v16;
	v19 =	vld.idx.msk [tilespmem:v19+s28+$0x0], $0xffff  }
0x49a: {  	v25 =	vor.u32 v2, v18;
	v23 =	vld.idx.msk [tilespmem:v23+s28+$0x0], $0xffff;
	[tilespmem:s26+$0x10] =	vst v20  }
0x49b: {  	s9 =	simm.s32 $0x200;
	v26 =	vor.u32 v1, v8;
	v11 =	vld.idx.msk [tilespmem:v11+s28+$0x0], $0xffff;
	[tilespmem:s0+$0xFFFFFFF0] =	vst v12  }
0x49c: {  	s29 =	simm.s32 $0x1C640;
	s10 =	simm.s32 $0x280;
	s1 =	sand.u32 $0x1C00, s9;
	v12 =	vor.u32 v1, v10;
	[tilespmem:s6+$0x30] =	vst v13;
	v13 =	vld.idx.msk [tilespmem:v21+s28+$0x0], $0xffff  }
0x49d: {  	s7 =	sand.u32 $0x280, s10;
	s8 =	simm.s32 $0x300;
	s1 =	sadd.s32 $0x1C400, s1;
	v20 =	vld.idx.msk [tilespmem:v24+s28+$0x0], $0xffff;
	v24 =	vor.u32 v1, v9;
	[tilespmem:s29+$0xFFFFFFC0] =	vst v22  }
0x49e: {  	s11 =	sand.u32 $0x300, s8;
	s22 =	sor.u32 s7, s1;
	v21 =	vor.u32 v5, v15;
	v14 =	vld.idx.msk [tilespmem:v14+s28+$0x0], $0xffff;
	[tilespmem:s3+$0x10] =	vst v19  }
0x49f: {  	s17 =	sor.u32 s11, s1;
	[tilespmem:s22+$0x0] =	vst v23;
	v19 =	vor.u32 v3, v16;
	v22 =	vld.idx.msk [tilespmem:v25+s28+$0x0], $0xffff  }
0x4a0: {  	v23 =	vld.idx.msk [tilespmem:v26+s28+$0x0], $0xffff;
	v25 =	vor.u32 v3, v18;
	[tilespmem:s17+$0x0] =	vst v11  }
0x4a1: {  	s13 =	simm.s32 $0x7;
	v12 =	vld.idx.msk [tilespmem:v12+s28+$0x0], $0xffff;
	[tilespmem:s0+$0x0] =	vst v13;
	v13 =	vor.u32 v5, v17  }
0x4a2: {  	v27 =	vor.u32 v2, v10;
	v26 =	vmov s13;
	v24 =	vld.idx.msk [tilespmem:v24+s28+$0x0], $0xffff  }
0x4a3: {  	v11 =	vand.u32 $0x3F, v26;
	v21 =	vld.idx.msk [tilespmem:v21+s28+$0x0], $0xffff;
	[tilespmem:s26+$0x20] =	vst v14;
	v14 =	vor.u32 v2, v8  }
0x4a4: {  	v11 =	vbroadcast v11, $0x0;
	v19 =	vld.idx.msk [tilespmem:v19+s28+$0x0], $0xffff;
	[tilespmem:s3+$0x20] =	vst v22;
	v22 =	vor.u32 v6, v15  }
0x4a5: {  	v28 =	vor.u32 v4, v16;
	[tilespmem:s6+$0x40] =	vst v20;
	v20 =	vld.idx.msk [tilespmem:v25+s28+$0x0], $0xffff  }
0x4a6: {  	s14 =	simm.s32 $0x8;
	v25 =	vor.u32 v0, v11;
	[tilespmem:s22+$0x10] =	vst v12;
	v26 =	vld.idx.msk [tilespmem:v13+s28+$0x0], $0xffff  }
0x4a7: {  	s8 =	simm.s32 $0x9;
	v29 =	vor.u32 v4, v18;
	[tilespmem:s29+$0xFFFFFFD0] =	vst v23;
	v12 =	vmov s14;
	v23 =	vld.idx.msk [tilespmem:v27+s28+$0x0], $0xffff  }
0x4a8: {  	v12 =	vand.u32 $0x3C, v12;
	v13 =	vmov s8;
	v27 =	vor.u32 v3, v10;
	[tilespmem:s0+$0x10] =	vst v21;
	v21 =	vld.idx.msk [tilespmem:v14+s28+$0x0], $0xffff  }
0x4a9: {  	v30 =	vor.u32 v6, v17;
	s9 =	simm.s32 $0xA;
	v12 =	vbroadcast v12, $0x0;
	v13 =	vand.u32 $0x3D, v13;
	[tilespmem:s26+$0x30] =	vst v19;
	v22 =	vld.idx.msk [tilespmem:v22+s28+$0x0], $0xffff  }
0x4aa: {  	v14 =	vmov s9;
	v13 =	vbroadcast v13, $0x0;
	v19 =	vor.u32 v3, v8;
	v28 =	vld.idx.msk [tilespmem:v28+s28+$0x0], $0xffff  }
0x4ab: {  	v14 =	vand.u32 $0x3E, v14;
	v25 =	vld.idx.msk [tilespmem:v25+s28+$0x0], $0xffff;
	[tilespmem:s3+$0x30] =	vst v20;
	v20 =	vor.u32 v0, v12  }
0x4ac: {  	v14 =	vbroadcast v14, $0x0;
	v31 =	vor.u32 v0, v13;
	[tilespmem:s22+$0x20] =	vst v23;
	v23 =	vld.idx.msk [tilespmem:v29+s28+$0x0], $0xffff  }
0x4ad: {  	v29 =	vor.u32 v1, v11;
	[tilespmem:s6+$0x50] =	vst v26;
	v27 =	vld.idx.msk [tilespmem:v27+s28+$0x0], $0xffff  }
0x4ae: {  	s10 =	simm.s32 $0x380;
	v26 =	vor.u32 v0, v14;
	[tilespmem:s29+$0xFFFFFFE0] =	vst v21;
	v21 =	vld.idx.msk [tilespmem:v30+s28+$0x0], $0xffff  }
0x4af: {  	s7 =	sand.u32 $0x380, s10;
	[tilespmem:s17+$0x10] =	vst v24;
	v24 =	vor.u32 v4, v10;
	v19 =	vld.idx.msk [tilespmem:v19+s28+$0x0], $0xffff  }
0x4b0: {  	s10 =	sor.u32 s7, s1;
	v17 =	vor.u32 v7, v17;
	[tilespmem:s26+$0x40] =	vst v28;
	v20 =	vld.idx.msk [tilespmem:v20+s28+$0x0], $0xffff  }
0x4b1: {  	v28 =	vor.u32 v5, v16;
	[tilespmem:s10+$0x0] =	vst v25;
	v25 =	vld.idx.msk [tilespmem:v31+s28+$0x0], $0xffff  }
0x4b2: {  	v30 =	vor.u32 v5, v18;
	v29 =	vld.idx.msk [tilespmem:v29+s28+$0x0], $0xffff;
	[tilespmem:s3+$0x40] =	vst v23  }
0x4b3: {  	v23 =	vld.idx.msk [tilespmem:v26+s28+$0x0], $0xffff;
	v26 =	vor.u32 v4, v8;
	[tilespmem:s22+$0x30] =	vst v27  }
0x4b4: {  	s11 =	simm.s32 $0x400;
	v27 =	vor.u32 v1, v12;
	[tilespmem:s6+$0x60] =	vst v21;
	v24 =	vld.idx.msk [tilespmem:v24+s28+$0x0], $0xffff  }
0x4b5: {  	s1 =	sand.u32 $0x1C00, s11;
	s13 =	simm.s32 $0x480;
	s14 =	simm.s32 $0x1C840;
	v21 =	vor.u32 v2, v9;
	[tilespmem:s29+$0xFFFFFFF0] =	vst v19;
	v17 =	vld.idx.msk [tilespmem:v17+s28+$0x0], $0xffff  }
0x4b6: {  	s7 =	sand.u32 $0x280, s13;
	s13 =	sadd.s32 $0x1C400, s1;
	v19 =	vor.u32 v1, v13;
	[tilespmem:s14+$0xFFFFFFC0] =	vst v20;
	v20 =	vld.idx.msk [tilespmem:v28+s28+$0x0], $0xffff  }
0x4b7: {  	s11 =	sor.u32 s7, s13;
	v15 =	vor.u32 v7, v15;
	[tilespmem:s0+$0x20] =	vst v22;
	v28 =	vld.idx.msk [tilespmem:v30+s28+$0x0], $0xffff  }
0x4b8: {  	[tilespmem:s11+$0x0] =	vst v25;
	v25 =	vor.u32 v2, v11;
	v26 =	vld.idx.msk [tilespmem:v26+s28+$0x0], $0xffff  }
0x4b9: {  	s8 =	simm.s32 $0x500;
	v22 =	vor.u32 v6, v16;
	[tilespmem:s10+$0x10] =	vst v29;
	v30 =	vld.idx.msk [tilespmem:v27+s28+$0x0], $0xffff  }
0x4ba: {  	s1 =	sand.u32 $0x300, s8;
	v27 =	vor.u32 v5, v8;
	v21 =	vld.idx.msk [tilespmem:v21+s28+$0x0], $0xffff;
	[tilespmem:s22+$0x40] =	vst v24  }
0x4bb: {  	v32 =	vor.u32 v5, v10;
	v29 =	vld.idx.msk [tilespmem:v19+s28+$0x0], $0xffff;
	[tilespmem:s6+$0x70] =	vst v17;
	s6 =	sor.u32 s1, s13  }
0x4bc: {  	v24 =	vor.u32 v1, v14;
	v19 =	vld.idx.msk [tilespmem:v15+s28+$0x0], $0xffff;
	[tilespmem:s6+$0x0] =	vst v23  }
0x4bd: {  	v17 =	vor.u32 v3, v9;
	v25 =	vld.idx.msk [tilespmem:v25+s28+$0x0], $0xffff;
	[tilespmem:s26+$0x50] =	vst v20  }
0x4be: {  	v20 =	vor.u32 v6, v18;
	v22 =	vld.idx.msk [tilespmem:v22+s28+$0x0], $0xffff;
	[tilespmem:s29+$0x0] =	vst v26  }
0x4bf: {  	s9 =	simm.s32 $0xB;
	[tilespmem:s3+$0x50] =	vst v28;
	v26 =	vor.u32 v3, v11;
	v23 =	vld.idx.msk [tilespmem:v27+s28+$0x0], $0xffff  }
0x4c0: {  	v15 =	vmov s9;
	v28 =	vor.u32 v7, v16;
	[tilespmem:s17+$0x20] =	vst v21;
	v21 =	vld.idx.msk [tilespmem:v32+s28+$0x0], $0xffff  }
0x4c1: {  	v33 =	vor.u32 v2, v13;
	v15 =	vand.u32 $0x3F, v15;
	[tilespmem:s14+$0xFFFFFFD0] =	vst v30;
	v31 =	vld.idx.msk [tilespmem:v24+s28+$0x0], $0xffff  }
0x4c2: {  	v15 =	vbroadcast v15, $0x0;
	[tilespmem:s11+$0x10] =	vst v29;
	v27 =	vld.idx.msk [tilespmem:v17+s28+$0x0], $0xffff  }
0x4c3: {  	v16 =	vor.u32 v4, v11;
	v29 =	vor.u32 v2, v12;
	[tilespmem:s10+$0x20] =	vst v25;
	v25 =	vld.idx.msk [tilespmem:v20+s28+$0x0], $0xffff  }
0x4c4: {  	v30 =	vor.u32 v0, v15;
	v20 =	vor.u32 v6, v8;
	v26 =	vld.idx.msk [tilespmem:v26+s28+$0x0], $0xffff;
	[tilespmem:s26+$0x60] =	vst v22  }
0x4c5: {  	v17 =	vor.u32 v2, v14;
	v22 =	vor.u32 v7, v18;
	v24 =	vld.idx.msk [tilespmem:v28+s28+$0x0], $0xffff;
	[tilespmem:s29+$0x10] =	vst v23  }
0x4c6: {  	s7 =	simm.s32 $0xC;
	s1 =	simm.s32 $0x580;
	v18 =	vor.u32 v4, v15;
	v23 =	vld.idx.msk [tilespmem:v33+s28+$0x0], $0xffff;
	v28 =	vor.u32 v4, v9;
	[tilespmem:s6+$0x10] =	vst v31  }
.LBB2_17:
0x4c7: {  	s9 =	sadd.s32 $0x1, s7  }
0x4c8: {  	v31 =	vmov s7;
	p1 =	slt.u32 s7, $0x3C;
	v29 =	vld.idx.msk [tilespmem:v29+s28+$0x0], $0xffff;
	v32 =	vor.u32 v6, v10;
	[tilespmem:s17+$0x30] =	vst v27;
	s8 =	smov.u32 s7;
	s7 =	sadd.s32 $0x4, s7  }
0x4c9: {  	v33 =	vor.u32 v3, v13;
	v27 =	vand.u32 $0x3C, v31;
	v31 =	vmov s9;
	s9 =	sadd.s32 $0x2, s8;
	v20 =	vld.idx.msk [tilespmem:v20+s28+$0x0], $0xffff;
	[tilespmem:s3+$0x60] =	vst v25  }
0x4ca: {  	v25 =	vbroadcast v27, $0x0;
	v27 =	vand.u32 $0x3D, v31;
	v31 =	vmov s9;
	[tilespmem:s10+$0x30] =	vst v26;
	v22 =	vld.idx.msk [tilespmem:v22+s28+$0x0], $0xffff  }
0x4cb: {  	v26 =	vbroadcast v27, $0x0;
	v27 =	vand.u32 $0x3E, v31;
	v31 =	vor.u32 v3, v12;
	v30 =	vld.idx.msk [tilespmem:v30+s28+$0x0], $0xffff;
	[tilespmem:s26+$0x70] =	vst v24;
	s26 =	smov.u32 s17;
	s17 =	smov.u32 s6  }
0x4cc: {  	v24 =	vor.u32 v0, v25;
	v27 =	vbroadcast v27, $0x0;
	v28 =	vld.idx.msk [tilespmem:v28+s28+$0x0], $0xffff;
	[tilespmem:s0+$0x30] =	vst v19;
	s0 =	smov.u32 s29;
	s29 =	smov.u32 s14  }
0x4cd: {  	v19 =	vor.u32 v0, v26;
	[tilespmem:s11+$0x20] =	vst v23;
	v23 =	vld.idx.msk [tilespmem:v16+s28+$0x0], $0xffff;
	v16 =	vmov v18  }
0x4ce: {  	v34 =	vor.u32 v1, v15;
	v18 =	vor.u32 v0, v27;
	v33 =	vld.idx.msk [tilespmem:v33+s28+$0x0], $0xffff;
	[tilespmem:s22+$0x50] =	vst v21  }
0x4cf: {  	s6 =	sand.u32 $0x380, s1;
	[tilespmem:s14+$0xFFFFFFE0] =	vst v29;
	v21 =	vld.idx.msk [tilespmem:v32+s28+$0x0], $0xffff  }
0x4d0: {  	v29 =	vld.idx.msk [tilespmem:v31+s28+$0x0], $0xffff;
	v31 =	vor.u32 v4, v13;
	[tilespmem:s3+$0x70] =	vst v22;
	s3 =	smov.u32 s10;
	s10 =	sor.u32 s6, s13  }
0x4d1: {  	v22 =	vld.idx.msk [tilespmem:v24+s28+$0x0], $0xffff;
	[tilespmem:s10+$0x0] =	vst v30;
	v24 =	vor.u32 v7, v10;
	v10 =	vmov v13;
	v13 =	vmov v26  }
0x4d2: {  	v26 =	vor.u32 v5, v9;
	v19 =	vld.idx.msk [tilespmem:v19+s28+$0x0], $0xffff;
	[tilespmem:s26+$0x40] =	vst v28;
	v28 =	vor.u32 v5, v11  }
0x4d3: {  	s1 =	sadd.s32 $0x200, s1;
	v30 =	vor.u32 v1, v25;
	v32 =	vld.idx.msk [tilespmem:v34+s28+$0x0], $0xffff;
	[tilespmem:s3+$0x40] =	vst v23  }
0x4d4: {  	s6 =	sadd.s32 $0xFFFFFE80, s1;
	v23 =	vor.u32 v1, v13;
	v34 =	vor.u32 v4, v12;
	v18 =	vld.idx.msk [tilespmem:v18+s28+$0x0], $0xffff;
	[tilespmem:s11+$0x30] =	vst v33  }
0x4d5: {  	s9 =	sadd.s32 $0xFFFFFF00, s1;
	s14 =	sadd.s32 $0x200, s14;
	s6 =	sand.u32 $0x1C00, s6;
	v33 =	vor.u32 v1, v27;
	v31 =	vld.idx.msk [tilespmem:v31+s28+$0x0], $0xffff;
	[tilespmem:s22+$0x60] =	vst v21  }
0x4d6: {  	s9 =	sand.u32 $0x280, s9;
	s13 =	sadd.s32 $0x1C400, s6;
	s6 =	sadd.s32 $0xFFFFFF80, s1;
	[tilespmem:s29+$0xFFFFFFF0] =	vst v29;
	v21 =	vld.idx.msk [tilespmem:v24+s28+$0x0], $0xffff  }
0x4d7: {  	s9 =	sor.u32 s9, s13;
	s6 =	sand.u32 $0x300, s6;
	[tilespmem:s14+$0xFFFFFFC0] =	vst v22;
	v22 =	vld.idx.msk [tilespmem:v26+s28+$0x0], $0xffff  }
0x4d8: {  	s6 =	sor.u32 s6, s13;
	[tilespmem:s9+$0x0] =	vst v19;
	v19 =	vor.u32 v2, v15;
	v24 =	vld.idx.msk [tilespmem:v28+s28+$0x0], $0xffff  }
0x4d9: {  	v26 =	vld.idx.msk [tilespmem:v34+s28+$0x0], $0xffff;
	[tilespmem:s0+$0x20] =	vst v20;
	v20 =	vor.u32 v6, v9  }
0x4da: {  	v29 =	vor.u32 v7, v8;
	v8 =	vmov v12;
	v12 =	vmov v25;
	v28 =	vld.idx.msk [tilespmem:v30+s28+$0x0], $0xffff;
	[tilespmem:s10+$0x10] =	vst v32  }
0x4db: {  	v25 =	vor.u32 v5, v8;
	v32 =	vor.u32 v2, v13;
	[tilespmem:s11+$0x40] =	vst v31;
	v30 =	vld.idx.msk [tilespmem:v17+s28+$0x0], $0xffff  }
0x4dc: {  	v17 =	vor.u32 v2, v27;
	v23 =	vld.idx.msk [tilespmem:v23+s28+$0x0], $0xffff;
	[tilespmem:s22+$0x70] =	vst v21;
	s22 =	smov.u32 s11;
	s11 =	smov.u32 s9  }
0x4dd: {  	v34 =	vor.u32 v6, v11;
	v21 =	vor.u32 v3, v14;
	v31 =	vld.idx.msk [tilespmem:v19+s28+$0x0], $0xffff;
	[tilespmem:s26+$0x50] =	vst v22  }
0x4de: {  	v35 =	vld.idx.msk [tilespmem:v20+s28+$0x0], $0xffff;
	[tilespmem:s3+$0x50] =	vst v24  }
0x4df: {  	v24 =	vor.u32 v3, v15;
	[tilespmem:s29+$0x0] =	vst v26;
	v19 =	vld.idx.msk [tilespmem:v29+s28+$0x0], $0xffff  }
0x4e0: {  	[tilespmem:s6+$0x0] =	vst v18;
	v36 =	vld.idx.msk [tilespmem:v25+s28+$0x0], $0xffff;
	v18 =	vor.u32 v7, v9;
	v9 =	vmov v14;
	v14 =	vmov v27  }
0x4e1: {  	s8 =	sadd.s32 $0x3, s8;
	v37 =	vor.u32 v5, v10;
	v33 =	vld.idx.msk [tilespmem:v33+s28+$0x0], $0xffff;
	[tilespmem:s17+$0x20] =	vst v30  }
0x4e2: {  	v22 =	vor.u32 v7, v11;
	v11 =	vmov v15;
	v20 =	vmov s8;
	[tilespmem:s11+$0x10] =	vst v23;
	v27 =	vld.idx.msk [tilespmem:v21+s28+$0x0], $0xffff  }
.Ltmp7:
0x4e3: {  	v29 =	vor.u32 v2, v12;
	v15 =	vand.u32 $0x3F, v20;
	[tilespmem:s10+$0x20] =	vst v31;
	v25 =	vld.idx.msk [tilespmem:v34+s28+$0x0], $0xffff;
	(pc) =	sbr.rel @p1 .LBB2_17-.Ltmp7, $4  }
0x4e4: {  	v20 =	vor.u32 v6, v8;
	v15 =	vbroadcast v15, $0x0;
	v26 =	vld.idx.msk [tilespmem:v24+s28+$0x0], $0xffff;
	[tilespmem:s26+$0x60] =	vst v35  }
0x4e5: {  	[tilespmem:s14+$0xFFFFFFD0] =	vst v28;
	v24 =	vld.idx.msk [tilespmem:v18+s28+$0x0], $0xffff  }
0x4e6: {  	v30 =	vor.u32 v0, v15;
	v18 =	vor.u32 v4, v15;
	[tilespmem:s29+$0x10] =	vst v36;
	v21 =	vld.idx.msk [tilespmem:v37+s28+$0x0], $0xffff  }
0x4e7: {  	v28 =	vor.u32 v4, v9;
	v23 =	vld.idx.msk [tilespmem:v32+s28+$0x0], $0xffff;
	[tilespmem:s6+$0x10] =	vst v33  }
0x4e8: {  	_ =	sdelay $0x3  }
0x4e9: {  	v30 =	vld.idx.msk [tilespmem:v30+s28+$0x0], $0xffff  }
0x4ea: {  	v31 =	vor.u32 v1, v15;
	_ =	sdelay $0x1  }
0x4eb: {  	[tilespmem:s17+$0x30] =	vst v27;
	s1 =	sand.u32 $0x380, s1  }
0x4ec: {  	[tilespmem:s3+$0x60] =	vst v25;
	s1 =	sor.u32 s1, s13  }
0x4ed: {  	[tilespmem:s1+$0x0] =	vst v30  }
0x4ee: {  	[tilespmem:s0+$0x30] =	vst v19;
	v54 =	vld.idx.msk [tilespmem:v31+s28+$0x0], $0xffff  }
0x4ef: {  	v55 =	vld.idx.msk [tilespmem:v29+s28+$0x0], $0xffff;
	v56 =	vor.u32 v2, v15;
	[tilespmem:s10+$0x30] =	vst v26  }
0x4f0: {  	v17 =	vld.idx.msk [tilespmem:v17+s28+$0x0], $0xffff;
	[tilespmem:s26+$0x70] =	vst v24  }
0x4f1: {  	v57 =	vor.u32 v3, v13;
	v33 =	vld.idx.msk [tilespmem:v20+s28+$0x0], $0xffff;
	[tilespmem:s22+$0x50] =	vst v21  }
0x4f2: {  	v58 =	vor.u32 v6, v10;
	v22 =	vld.idx.msk [tilespmem:v22+s28+$0x0], $0xffff;
	[tilespmem:s11+$0x20] =	vst v23  }
0x4f3: {  	v60 =	vor.u32 v3, v14;
	v28 =	vld.idx.msk [tilespmem:v28+s28+$0x0], $0xffff;
	[tilespmem:s1+$0x10] =	vst v54  }
0x4f4: {  	v59 =	vor.u32 v3, v12;
	[tilespmem:s14+$0xFFFFFFE0] =	vst v55;
	v24 =	vld.idx.msk [tilespmem:v56+s28+$0x0], $0xffff  }
0x4f5: {  	v62 =	vor.u32 v3, v15;
	v16 =	vld.idx.msk [tilespmem:v16+s28+$0x0], $0xffff;
	[tilespmem:s6+$0x20] =	vst v17  }
0x4f6: {  	v8 =	vor.u32 v7, v8;
	v61 =	vld.idx.msk [tilespmem:v57+s28+$0x0], $0xffff;
	[tilespmem:s29+$0x20] =	vst v33  }
0x4f7: {  	v19 =	vld.idx.msk [tilespmem:v58+s28+$0x0], $0xffff;
	v30 =	vor.u32 v5, v9;
	[tilespmem:s3+$0x70] =	vst v22  }
0x4f8: {  	v63 =	vor.u32 v4, v13;
	[tilespmem:s17+$0x40] =	vst v28;
	v32 =	vld.idx.msk [tilespmem:v60+s28+$0x0], $0xffff  }
0x4f9: {  	v34 =	vor.u32 v4, v14;
	v23 =	vld.idx.msk [tilespmem:v59+s28+$0x0], $0xffff;
	[tilespmem:s1+$0x20] =	vst v24  }
0x4fa: {  	v35 =	vor.u32 v4, v12;
	[tilespmem:s10+$0x40] =	vst v16;
	v22 =	vld.idx.msk [tilespmem:v62+s28+$0x0], $0xffff  }
0x4fb: {  	v8 =	vld.idx.msk [tilespmem:v8+s28+$0x0], $0xffff;
	[tilespmem:s11+$0x30] =	vst v61  }
0x4fc: {  	v37 =	vor.u32 v5, v11;
	[tilespmem:s22+$0x60] =	vst v19;
	v38 =	vld.idx.msk [tilespmem:v30+s28+$0x0], $0xffff  }
0x4fd: {  	v31 =	vor.u32 v7, v10;
	v36 =	vld.idx.msk [tilespmem:v63+s28+$0x0], $0xffff;
	[tilespmem:s6+$0x30] =	vst v32  }
0x4fe: {  	v40 =	vor.u32 v5, v13;
	[tilespmem:s14+$0xFFFFFFF0] =	vst v23;
	v41 =	vld.idx.msk [tilespmem:v34+s28+$0x0], $0xffff  }
0x4ff: {  	v43 =	vor.u32 v5, v14;
	v42 =	vld.idx.msk [tilespmem:v35+s28+$0x0], $0xffff;
	[tilespmem:s1+$0x30] =	vst v22  }
0x500: {  	v44 =	vor.u32 v5, v12;
	[tilespmem:s29+$0x30] =	vst v8;
	v18 =	vld.idx.msk [tilespmem:v18+s28+$0x0], $0xffff  }
0x501: {  	v45 =	vor.u32 v5, v15;
	v19 =	vld.idx.msk [tilespmem:v37+s28+$0x0], $0xffff;
	[tilespmem:s17+$0x50] =	vst v38  }
0x502: {  	v39 =	vor.u32 v6, v9;
	v10 =	vld.idx.msk [tilespmem:v31+s28+$0x0], $0xffff;
	[tilespmem:s11+$0x40] =	vst v36  }
0x503: {  	v46 =	vor.u32 v6, v11;
	v16 =	vld.idx.msk [tilespmem:v40+s28+$0x0], $0xffff;
	[tilespmem:s6+$0x40] =	vst v41  }
0x504: {  	v49 =	vor.u32 v6, v13;
	[tilespmem:s14+$0x0] =	vst v42;
	v50 =	vld.idx.msk [tilespmem:v43+s28+$0x0], $0xffff  }
0x505: {  	v52 =	vor.u32 v6, v14;
	v51 =	vld.idx.msk [tilespmem:v44+s28+$0x0], $0xffff;
	[tilespmem:s1+$0x40] =	vst v18  }
0x506: {  	v53 =	vor.u32 v6, v12;
	[tilespmem:s10+$0x50] =	vst v19;
	v54 =	vld.idx.msk [tilespmem:v45+s28+$0x0], $0xffff  }
0x507: {  	v55 =	vor.u32 v6, v15;
	[tilespmem:s22+$0x70] =	vst v10;
	v47 =	vld.idx.msk [tilespmem:v39+s28+$0x0], $0xffff  }
0x508: {  	v48 =	vor.u32 v7, v9;
	v10 =	vld.idx.msk [tilespmem:v46+s28+$0x0], $0xffff;
	[tilespmem:s11+$0x50] =	vst v16  }
0x509: {  	v56 =	vor.u32 v7, v11;
	v16 =	vld.idx.msk [tilespmem:v49+s28+$0x0], $0xffff;
	[tilespmem:s6+$0x50] =	vst v50  }
0x50a: {  	v57 =	vor.u32 v7, v13;
	[tilespmem:s14+$0x10] =	vst v51;
	v58 =	vld.idx.msk [tilespmem:v52+s28+$0x0], $0xffff  }
0x50b: {  	v60 =	vor.u32 v7, v14;
	v59 =	vld.idx.msk [tilespmem:v53+s28+$0x0], $0xffff;
	[tilespmem:s1+$0x50] =	vst v54  }
0x50c: {  	v61 =	vor.u32 v7, v12;
	[tilespmem:s17+$0x60] =	vst v47;
	v62 =	vld.idx.msk [tilespmem:v55+s28+$0x0], $0xffff  }
0x50d: {  	v63 =	vor.u32 v7, v15;
	[tilespmem:s10+$0x60] =	vst v10;
	v9 =	vld.idx.msk [tilespmem:v48+s28+$0x0], $0xffff  }
0x50e: {  	v11 =	vld.idx.msk [tilespmem:v56+s28+$0x0], $0xffff;
	[tilespmem:s11+$0x60] =	vst v16  }
0x50f: {  	v13 =	vld.idx.msk [tilespmem:v57+s28+$0x0], $0xffff;
	[tilespmem:s6+$0x60] =	vst v58  }
0x510: {  	[tilespmem:s14+$0x20] =	vst v59;
	v14 =	vld.idx.msk [tilespmem:v60+s28+$0x0], $0xffff  }
0x511: {  	v10 =	vld.idx.msk [tilespmem:v61+s28+$0x0], $0xffff;
	[tilespmem:s1+$0x60] =	vst v62  }
0x512: {  	[tilespmem:s17+$0x70] =	vst v9;
	v8 =	vld.idx.msk [tilespmem:v63+s28+$0x0], $0xffff  }
0x513: {  	[tilespmem:s10+$0x70] =	vst v11  }
0x514: {  	[tilespmem:s11+$0x70] =	vst v13  }
0x515: {  	[tilespmem:s6+$0x70] =	vst v14  }
0x516: {  	s0 =	sadd.s32 @!p0 $0x780, s19;
	[tilespmem:s14+$0x30] =	vst v10  }
0x517: {  	s12 =	sadd.s32 $0x1, s12;
	s3 =	simm.s32 @!p0 $0x14400;
	[tilespmem:s1+$0x70] =	vst v8;
	s1 =	simm.s32 @!p0 $0x80  }
0x518: {  	[tilespmem:s3], [sflag:$0x8] =	stream.indirect.gather @!p0 [hbm4b:s4+s1], $0x40, s0, s1, $0xb8;
	[tilespmem:$0x1E400] =	vst v63  }
0x519: {  	p0 =	sne.s32 s12, $0x19  }
.Ltmp8:
0x51a: {  	s26 =	rddreg [dreg:$0x6];
	(pc) =	sbr.rel @p0 .LBB2_2-.Ltmp8, $4  }
0x51b: {  	s0 =	sor.u32 s26, s24  }
0x51c: {  	s0 =	sshrl.u32 s0, $0x3  }
0x51d: {  	s29 =	simm.s32 $0x1C400;
	s0 =	sadd.s32 s2, s0  }
0x51e: {  	[hbm4b:s0+s30] =	stream.strided.scatter [tilespmem:s29], [sflag:$0xC], $0x2000, s31, s30, $0x38;
	[tilespmem:$0x1E400] =	vst v63  }
0x51f: {  	s0 =	simm.s32 $0x9  }
0x520: {  	_ =	swait.ge [sflag:s0], $0x2000  }
0x521: {  	[sflag:s0] =	ssyncset.done $0x0  }
0x522: {  	s24 =	simm.s32 $0xA;
	[sflag:s0] =	ssyncadd.s32 $0xFFFFE000  }
0x523: {  	_ =	swait.ge [sflag:s24], $0x2000  }
0x524: {  	[sflag:s24] =	ssyncset.done $0x0  }
0x525: {  	s26 =	simm.s32 $0xB;
	[sflag:s24] =	ssyncadd.s32 $0xFFFFE000  }
0x526: {  	_ =	swait.ge [sflag:s26], $0x2000  }
0x527: {  	[sflag:s26] =	ssyncset.done $0x0  }
0x528: {  	s1 =	simm.s32 $0xC;
	[sflag:s26] =	ssyncadd.s32 $0xFFFFE000  }
0x529: {  	_ =	swait.ge [sflag:s1], $0x2000  }
0x52a: {  	s3 =	rddreg [dreg:$0x8]  }
0x52b: {  	s29 =	rddreg [dreg:$0x7];
	s3 =	sadd.s32 $0x1, s3  }
0x52c: {  	p0 =	sne.s32 s3, s29  }
.Ltmp9:
0x52d: {  	_ = 	snop;
	(pc) =	sbr.rel @p0 .LBB2_1-.Ltmp9, $3  }
0x52e: {  	_ =	sdelay $0x1  }
0x52f: {  	[sflag:s1] =	ssyncset.done $0x0  }
0x530: {  	[sflag:s1] =	ssyncadd.s32 $0xFFFFE000  }
0x531: {  	_ =	sfence.sel $0x180000  }
0x532: {  	[bflag:$0x0] =	sbarrier.arrive $0xFFFF  }
0x533: {  	_ =	strace $0x90000047  }
0x534: {  	s0 =	stileid.u32;
	[bflag:$0x2] =	sbarrier.arrive $0xFFFF  }
0x535: {  	p0 =	sne.s32 s0, $0x0;
	s0 =	rddreg [dreg:$0x2]  }
0x536: {  	s0 =	sadd.s32 @!p0 $0x100000, s0  }
0x537: {  	[sflag:s0] =	ssyncadd.tile.s32 @!p0 $0x1;
	_ =	shalt  }
.Lfunc_end2:
_tile_overlayer_lowered:
.L_overlay_start_2:
0x538: {  	(tag) =	ssettag $0x2  }
0x539: {  	s0 =	rddreg [dreg:$0x0];
	s2 =	stileid.u32  }
0x53a: {  	s1 =	rddreg [dreg:$0x1];
	p0 =	sne.s32 s2, $0x0  }
0x53b: {  	s3 =	rddreg [dreg:$0x2];
	[bflag:$0x3] =	sbarrier.arrive $0xFFFF;
	s2 =	simm.s32 @!p0 $0x1C0D  }
0x53c: {  	[timem:s3], [sflag:s2] =	dma.local @!p0 [hbm:s0], s1  }
0x53d: {  	s0 =	simm.s32 @!p0 $0xD  }
0x53e: {  	_ =	swait.ge @!p0 [sflag:s0], s1  }
0x53f: {  	s1 =	ssub.s32 @!p0 $0x0, s1;
	[sflag:s0] =	ssyncset.done @!p0 $0x0  }
0x540: {  	[sflag:s0] =	ssyncadd.s32 @!p0 s1  }
0x541: {  	[bflag:$0x3] =	sbarrier.arrive $0xFFFF  }
0x542: {  	_ =	shalt  }

</sc_bundles>
